<compile_context>
chip_gen: v7x
topology: tpu7x:2x2x1
jax: 0.10.2.dev20260603
libtpu: 0.0.44.dev20260713+nightly
codegen_flags: <defaults>
</compile_context>

<pallas_src>
import functools

import jax
import jax.numpy as jnp
from jax import lax
from jax.experimental import pallas as pl
from jax.experimental.pallas import tpu as pltpu

N = 10000
E = 320000
HID = 128
H = 8
D = 16
CLAMP = 5.0

BN = 1000
BE = 1280


def _ln_rows(x, g, b):
    m = jnp.mean(x, axis=-1, keepdims=True)
    v = jnp.mean((x - m) ** 2, axis=-1, keepdims=True)
    return (x - m) * lax.rsqrt(v + 1e-05) * g + b


def _qkv_body(x_ref, wq_ref, wk_ref, wv_ref, q_ref, k_ref, v_ref):
    x = x_ref[...]
    q_ref[...] = jnp.dot(x, wq_ref[...], preferred_element_type=jnp.float32)
    k_ref[...] = jnp.dot(x, wk_ref[...], preferred_element_type=jnp.float32)
    v_ref[...] = jnp.dot(x, wv_ref[...], preferred_element_type=jnp.float32)


def _qkv(x, wq, wk, wv):
    full = pl.BlockSpec((HID, HID), lambda i: (0, 0))
    row = pl.BlockSpec((BN, HID), lambda i: (i, 0))
    return pl.pallas_call(
        _qkv_body,
        grid=(N // BN,),
        in_specs=[row, full, full, full],
        out_specs=[row, row, row],
        out_shape=[jax.ShapeDtypeStruct((N, HID), jnp.float32)] * 3,
    )(x, wq, wk, wv)


def _edge_body(pc_ref, qd_ref, ks_ref, vs_ref,
               wew_ref, web_ref, beb_ref, weo_ref, beo_ref,
               s128_ref, woe_ref, boe_ref, g_ref, b_ref,
               e_ref, valv_ref, valc_ref, p128_ref):
    pc = pc_ref[...]
    msg = qd_ref[...] + ks_ref[...]
    ew = jnp.dot(pc, wew_ref[...], preferred_element_type=jnp.float32)
    eb = jnp.dot(pc, web_ref[...], preferred_element_type=jnp.float32) + beb_ref[...]
    c1 = msg * ew
    c2 = jnp.sqrt(jnp.maximum(c1, 0.0)) - jnp.sqrt(jnp.maximum(-c1, 0.0))
    conn = jnp.maximum(c2 + eb, 0.0)
    C = jnp.dot(conn, weo_ref[...], preferred_element_type=jnp.float32) + beo_ref[...]
    score = jnp.clip(jnp.dot(C, s128_ref[...], preferred_element_type=jnp.float32),
                     -CLAMP, CLAMP)
    p128 = jnp.exp(score)
    valv_ref[...] = p128 * vs_ref[...]
    valc_ref[...] = p128 * C
    p128_ref[...] = p128
    e0 = pc + jnp.dot(C, woe_ref[...], preferred_element_type=jnp.float32) + boe_ref[...]
    e_ref[...] = _ln_rows(e0, g_ref[...], b_ref[...])


def _edge_pipeline(pc, qd, ks, vs, wew, web, beb, weo, beo, s128,
                   woe, boe, g, b):
    row = pl.BlockSpec((BE, HID), lambda i: (i, 0))
    full = pl.BlockSpec((HID, HID), lambda i: (0, 0))
    vec = pl.BlockSpec((1, HID), lambda i: (0, 0))
    return pl.pallas_call(
        _edge_body,
        grid=(E // BE,),
        in_specs=[row, row, row, row, full, full, vec, full, vec,
                  full, full, vec, vec, vec],
        out_specs=[row, row, row, row],
        out_shape=[jax.ShapeDtypeStruct((E, HID), jnp.float32)] * 4,
    )(pc, qd, ks, vs, wew, web, beb, weo, beo, s128, woe, boe, g, b)


def _node_body(x_ref, aggv_ref, rowv_ref, ss0_ref, ss1_ref, bd_ref,
               woh_ref, boh_ref, g1_ref, b1_ref, w1_ref, bb1_ref,
               w2_ref, bb2_ref, g2_ref, b2_ref, h_ref):
    inv = 1.0 / (ss0_ref[...] + ss1_ref[...] + 1e-16)
    on = aggv_ref[...] * inv + jnp.dot(
        rowv_ref[...] * inv, bd_ref[...], preferred_element_type=jnp.float32)
    h1 = x_ref[...] + jnp.dot(on, woh_ref[...],
                              preferred_element_type=jnp.float32) + boh_ref[...]
    h1 = _ln_rows(h1, g1_ref[...], b1_ref[...])
    t = jnp.maximum(jnp.dot(h1, w1_ref[...],
                            preferred_element_type=jnp.float32) + bb1_ref[...], 0.0)
    h2 = jnp.dot(t, w2_ref[...], preferred_element_type=jnp.float32) + bb2_ref[...]
    h_ref[...] = _ln_rows(h1 + h2, g2_ref[...], b2_ref[...])


def _node_epilogue(x, aggv, rowv, ssum0, ssum1, bd, woh, boh, g1, b1,
                   w1, bb1, w2, bb2, g2, b2):
    row = pl.BlockSpec((BN, HID), lambda i: (i, 0))
    full = pl.BlockSpec((HID, HID), lambda i: (0, 0))
    vec = pl.BlockSpec((1, HID), lambda i: (0, 0))
    return pl.pallas_call(
        _node_body,
        grid=(N // BN,),
        in_specs=[row, row, row, row, row, full, full, vec, vec, vec,
                  pl.BlockSpec((HID, 2 * HID), lambda i: (0, 0)),
                  pl.BlockSpec((1, 2 * HID), lambda i: (0, 0)),
                  pl.BlockSpec((2 * HID, HID), lambda i: (0, 0)),
                  vec, vec, vec],
        out_specs=row,
        out_shape=jax.ShapeDtypeStruct((N, HID), jnp.float32),
    )(x, aggv, rowv, ssum0, ssum1, bd, woh, boh, g1, b1, w1, bb1, w2, bb2, g2, b2)


from jax.experimental.pallas import tpu_sc as plsc

_NC, _NS = 2, 16
_NW = _NC * _NS
_CH = 80


def _gather_body(qh, kh, vh, dst3, src3, qd, ks, vs,
                 dstv, srcv, q0, k0, v0, q1, k1, v1, semA, semB):
    epw = E // _NW
    nch = epw // _CH
    wid = lax.axis_index("s") * _NC + lax.axis_index("c")
    base = wid * epw

    pltpu.sync_copy(dst3.at[wid], dstv)
    pltpu.sync_copy(src3.at[wid], srcv)

    def issue(i, qb, kb, vb, sem):
        pltpu.async_copy(qh.at[dstv.at[i]], qb, sem)
        pltpu.async_copy(kh.at[srcv.at[i]], kb, sem)
        pltpu.async_copy(vh.at[srcv.at[i]], vb, sem)

    def wait(i, qb, kb, vb, sem):
        pltpu.make_async_copy(qh.at[dstv.at[i]], qb, sem).wait()
        pltpu.make_async_copy(kh.at[srcv.at[i]], kb, sem).wait()
        pltpu.make_async_copy(vh.at[srcv.at[i]], vb, sem).wait()

    def writeback(i, qb, kb, vb):
        off = base + i * _CH
        pltpu.sync_copy(qb, qd.at[pl.ds(off, _CH)])
        pltpu.sync_copy(kb, ks.at[pl.ds(off, _CH)])
        pltpu.sync_copy(vb, vs.at[pl.ds(off, _CH)])

    issue(0, q0, k0, v0, semA)
    issue(1, q1, k1, v1, semB)

    def pair(j, carry):
        i0 = 2 * j
        i1 = i0 + 1
        wait(i0, q0, k0, v0, semA)
        writeback(i0, q0, k0, v0)
        issue(jnp.minimum(i0 + 2, nch - 1), q0, k0, v0, semA)
        wait(i1, q1, k1, v1, semB)
        writeback(i1, q1, k1, v1)
        issue(jnp.minimum(i1 + 2, nch - 1), q1, k1, v1, semB)
        return carry

    lax.fori_loop(0, nch // 2, pair, 0)
    wait(nch - 1, q0, k0, v0, semA)
    writeback(nch - 1, q0, k0, v0)
    wait(nch - 1, q1, k1, v1, semB)


def _gather_qkv(qh, kh, vh, dst, src):
    mesh = plsc.VectorSubcoreMesh(core_axis_name="c", subcore_axis_name="s",
                                  num_cores=_NC, num_subcores=_NS)
    fn = pl.kernel(
        _gather_body,
        out_type=[jax.ShapeDtypeStruct((E, HID), jnp.float32)] * 3,
        mesh=mesh,
        scratch_types=[
            pltpu.VMEM((E // _NW // _CH, _CH), jnp.int32),
            pltpu.VMEM((E // _NW // _CH, _CH), jnp.int32),
            pltpu.VMEM((_CH, HID), jnp.float32),
            pltpu.VMEM((_CH, HID), jnp.float32),
            pltpu.VMEM((_CH, HID), jnp.float32),
            pltpu.VMEM((_CH, HID), jnp.float32),
            pltpu.VMEM((_CH, HID), jnp.float32),
            pltpu.VMEM((_CH, HID), jnp.float32),
            pltpu.SemaphoreType.DMA,
            pltpu.SemaphoreType.DMA,
        ],
    )
    dst3 = dst.reshape(_NW, E // _NW // _CH, _CH)
    src3 = src.reshape(_NW, E // _NW // _CH, _CH)
    return fn(qh, kh, vh, dst3, src3)


def _scatter_body(valv, valc, p128, dst3b, zrow128, aggv_out, rowv_out,
                  ss0_out, ss1_out, accum, dstv, vbuf0, vbuf1, sem0, sem1):
    c = lax.axis_index("c")
    s = lax.axis_index("s")
    row0 = s * 624
    tail = (s == _NS - 1)

    def zero_own_rows():
        pltpu.sync_copy(zrow128, vbuf0)

        def zstripe(j, carry):
            pltpu.sync_copy(vbuf0.at[pl.ds(0, 48)],
                            accum.at[pl.ds(row0 + j * 48, 48)])
            return carry

        lax.fori_loop(0, 13, zstripe, 0)

        @pl.when(tail)
        def _():
            pltpu.sync_copy(vbuf0.at[pl.ds(0, 16)], accum.at[pl.ds(9984, 16)])

    def write_own_rows(out):
        def wstripe(j, carry):
            r = row0 + j * 48
            pltpu.sync_copy(accum.at[pl.ds(r, 48)], vbuf0.at[pl.ds(0, 48)])
            pltpu.sync_copy(vbuf0.at[pl.ds(0, 48)], out.at[pl.ds(r, 48)])
            return carry

        lax.fori_loop(0, 13, wstripe, 0)

        @pl.when(tail)
        def _():
            pltpu.sync_copy(accum.at[pl.ds(9984, 16)], vbuf0.at[pl.ds(0, 16)])
            pltpu.sync_copy(vbuf0.at[pl.ds(0, 16)], out.at[pl.ds(9984, 16)])

    def scatter_range(val, idxrows, edge0, nstep):
        pltpu.sync_copy(idxrows, dstv.at[pl.ds(0, nstep)])

        def pair(j, carry):
            i0 = 2 * j
            i1 = i0 + 1

            @pl.when(j > 0)
            def _():
                pltpu.make_async_copy(
                    vbuf0, accum.at[dstv.at[i0 - 2]], sem0).wait()

            pltpu.sync_copy(val.at[pl.ds(edge0 + i0 * _CH, _CH)], vbuf0)
            pltpu.async_copy(vbuf0, accum.at[dstv.at[i0]], sem0, add=True)

            @pl.when(j > 0)
            def _():
                pltpu.make_async_copy(
                    vbuf1, accum.at[dstv.at[i1 - 2]], sem1).wait()

            pltpu.sync_copy(val.at[pl.ds(edge0 + i1 * _CH, _CH)], vbuf1)
            pltpu.async_copy(vbuf1, accum.at[dstv.at[i1]], sem1, add=True)
            return carry

        npair = nstep // 2
        lax.fori_loop(0, npair, pair, 0)
        pltpu.make_async_copy(
            vbuf0, accum.at[dstv.at[2 * npair - 2]], sem0).wait()
        pltpu.make_async_copy(
            vbuf1, accum.at[dstv.at[2 * npair - 1]], sem1).wait()
        if nstep % 2:
            i = nstep - 1
            pltpu.sync_copy(val.at[pl.ds(edge0 + i * _CH, _CH)], vbuf0)
            pltpu.sync_copy(vbuf0, accum.at[dstv.at[i]], add=True)

    zero_own_rows()
    plsc.subcore_barrier()
    cpw = (E // _NW) // _CH

    @pl.when(c == 0)
    def _():
        scatter_range(valv, dst3b.at[2 * s], 2 * s * cpw * _CH, cpw)
        scatter_range(valv, dst3b.at[2 * s + 1], (2 * s + 1) * cpw * _CH, cpw)

    @pl.when(c == 1)
    def _():
        scatter_range(valc, dst3b.at[2 * s], 2 * s * cpw * _CH, cpw)
        scatter_range(valc, dst3b.at[2 * s + 1], (2 * s + 1) * cpw * _CH, cpw)

    plsc.subcore_barrier()

    @pl.when(c == 0)
    def _():
        write_own_rows(aggv_out)

    @pl.when(c == 1)
    def _():
        write_own_rows(rowv_out)

    zero_own_rows()
    plsc.subcore_barrier()
    w = c * _NS + s
    scatter_range(p128, dst3b.at[w], w * cpw * _CH, cpw)
    plsc.subcore_barrier()

    @pl.when(c == 0)
    def _():
        write_own_rows(ss0_out)

    @pl.when(c == 1)
    def _():
        write_own_rows(ss1_out)


def _scatter_segments(valv, valc, p128, dst):
    mesh = plsc.VectorSubcoreMesh(core_axis_name="c", subcore_axis_name="s",
                                  num_cores=_NC, num_subcores=_NS)
    fn = pl.kernel(
        _scatter_body,
        out_type=[jax.ShapeDtypeStruct((N, HID), jnp.float32)] * 4,
        mesh=mesh,
        scratch_types=[
            pltpu.VMEM_SHARED((N, HID), jnp.float32),
            pltpu.VMEM((E // _NW // _CH, _CH), jnp.int32),
            pltpu.VMEM((_CH, HID), jnp.float32),
            pltpu.VMEM((_CH, HID), jnp.float32),
            pltpu.SemaphoreType.DMA,
            pltpu.SemaphoreType.DMA,
        ],
    )
    zrow128 = jnp.zeros((_CH, HID), jnp.float32)
    dst3b = dst.reshape(_NW, E // _NW // _CH, _CH)
    return fn(valv, valc, p128, dst3b, zrow128)


def kernel(x, poly_index, poly_conn, params):
    p = params
    dst = poly_index[0]
    src = poly_index[1]

    aw = p['Aw'][:, :, 0]
    lane = jnp.arange(HID)
    head = lane // D
    s128 = jax.scipy.linalg.block_diag(
        *[jnp.outer(aw[:, h], jnp.ones((D,), jnp.float32)) for h in range(H)])
    bd = jax.scipy.linalg.block_diag(*[p['BW'][:, h, :] for h in range(H)])

    def v(a):
        return a.reshape(1, -1)

    qh, kh, vh = _qkv(x, p['WQ'], p['WK'], p['WV'])
    qd, ks, vs = _gather_qkv(qh, kh, vh, dst, src)
    e, valv, valc, p128 = _edge_pipeline(
        poly_conn, qd, ks, vs, p['WEw'], p['WEb'], v(p['bEb']), p['WEo'],
        v(p['bEo']), s128, p['WOe'], v(p['bOe']),
        v(p['ln1e_g']), v(p['ln1e_b']))
    aggv, rowv, ss0, ss1 = _scatter_segments(valv, valc, p128, dst)
    h = _node_epilogue(
        x, aggv, rowv, ss0, ss1, bd, p['WOh'], v(p['bOh']),
        v(p['ln1h_g']), v(p['ln1h_b']), p['W1'], v(p['b1']),
        p['W2'], v(p['b2']), v(p['ln2h_g']), v(p['ln2h_b']))
    return (h, e)

# --- scband reference (transcript-rebuilt; emitter-appended) ---
"""Pipeline reference for scband-grit-message-passing-layer-24824910970956 (READ-ONLY COPY).

The authoritative reference and input builder live on the scoring server;
editing this copy changes nothing except your own understanding.
"""

import jax, jax.numpy as jnp
import numpy as np

N = 10000
E = 320000
HID = 128
H = 8
D = 16
CLAMP = 5.0


def _ln(x, g, b):
    m = jnp.mean(x, axis=-1, keepdims=True)
    v = jnp.var(x, axis=-1, keepdims=True)
    return (x - m) / jnp.sqrt(v + 1e-05) * g + b


def _xav(k, shape):
    fan_in, fan_out = shape[0], shape[-1]
    std = float(np.sqrt(2.0 / (fan_in + fan_out)))
    return jax.random.normal(k, shape, jnp.float32) * std


def setup_inputs(seed: int = 0):
    key = jax.random.key(seed)
    ks = jax.random.split(key, 30)
    x = jax.random.normal(ks[0], (N, HID), jnp.float32)
    poly_index = jax.random.randint(ks[1], (2, E), 0, N, dtype=jnp.int32)
    poly_conn = jax.random.normal(ks[2], (E, HID), jnp.float32)
    params = {
        'WQ': _xav(ks[3], (HID, HID)),
        'WK': _xav(ks[4], (HID, HID)),
        'WV': _xav(ks[5], (HID, HID)),
        'WEw': _xav(ks[6], (HID, HID)),
        'WEb': _xav(ks[7], (HID, HID)),
        'bEb': jnp.zeros((HID,), jnp.float32),
        'WEo': _xav(ks[8], (HID, HID)),
        'bEo': jnp.zeros((HID,), jnp.float32),
        'Aw': _xav(ks[9], (D, H, 1)),
        'BW': _xav(ks[10], (D, H, D)),
        'WOh': _xav(ks[11], (HID, HID)),
        'bOh': jnp.zeros((HID,), jnp.float32),
        'WOe': _xav(ks[12], (HID, HID)),
        'bOe': jnp.zeros((HID,), jnp.float32),
        'ln1h_g': jnp.ones((HID,), jnp.float32),
        'ln1h_b': jnp.zeros((HID,), jnp.float32),
        'ln1e_g': jnp.ones((HID,), jnp.float32),
        'ln1e_b': jnp.zeros((HID,), jnp.float32),
        'W1': _xav(ks[13], (HID, 2 * HID)),
        'b1': jnp.zeros((2 * HID,), jnp.float32),
        'W2': _xav(ks[14], (2 * HID, HID)),
        'b2': jnp.zeros((HID,), jnp.float32),
        'ln2h_g': jnp.ones((HID,), jnp.float32),
        'ln2h_b': jnp.zeros((HID,), jnp.float32),
    }
    return {'x': x, 'poly_index': poly_index, 'poly_conn': poly_conn, 'params': params}


def _forward(x, poly_conn, params, poly_index):
    p = params
    dst = poly_index[0]
    src = poly_index[1]
    Qh = x @ p['WQ']
    Kh = x @ p['WK']
    Vh = x @ p['WV']
    Ew = poly_conn @ p['WEw']
    Eb = poly_conn @ p['WEb'] + p['bEb']
    # message passing (GritMessagePassing.propagate_attention)
    msg1 = Qh[dst] + Kh[src]
    conn1 = msg1 * Ew
    conn2 = jnp.sqrt(jax.nn.relu(conn1)) - jnp.sqrt(jax.nn.relu(-conn1))
    conn = jax.nn.relu(conn2 + Eb)
    conn = conn @ p['WEo'] + p['bEo']
    Oe = conn
    connr = conn.reshape(-1, H, D)
    score = jnp.einsum('ehd,dhc->ehc', connr, p['Aw'])
    score = jnp.clip(score, -CLAMP, CLAMP)
    # pyg_softmax over dst groups
    smax = jax.ops.segment_max(score, dst, num_segments=N)
    smax = jnp.where(jnp.isfinite(smax), smax, 0.0)
    score = jnp.exp(score - smax[dst])
    ssum = jax.ops.segment_sum(score, dst, num_segments=N)
    score = score / (ssum[dst] + 1e-16)
    Vr = Vh[src].reshape(-1, H, D)
    aggv = jax.ops.segment_sum(Vr * score, dst, num_segments=N)
    rowV = jax.ops.segment_sum(connr * score, dst, num_segments=N)
    rowV = jnp.einsum('nhd,dhc->nhc', rowV, p['BW'])
    On = (aggv + rowV).reshape(-1, HID)
    # layer epilogue (dropout p=0 -> identity; deg_scaler off; rezero off)
    h = On @ p['WOh'] + p['bOh']
    e = Oe @ p['WOe'] + p['bOe']
    h = x + h
    e = poly_conn + e
    h = _ln(h, p['ln1h_g'], p['ln1h_b'])
    e = _ln(e, p['ln1e_g'], p['ln1e_b'])
    h2 = jax.nn.relu(h @ p['W1'] + p['b1']) @ p['W2'] + p['b2']
    h = h + h2
    h = _ln(h, p['ln2h_g'], p['ln2h_b'])
    return (h, e)


def reference(x, poly_index, poly_conn, params):
    return _forward(x, poly_conn, params, poly_index)

if __name__ == "__main__":
    import jax
    _d = setup_inputs()
    print(jax.jit(kernel)(*tuple(_d.values())))

</pallas_src>

<mosaic_0001>
#map = affine_map<(d0, d1) -> (0, 0)>
#map1 = affine_map<(d0, d1) -> (0, 0, 0)>
module attributes {stable_mosaic.version = 14 : i64} {
  func.func @_gather_body(%arg0: i32, %arg1: i32, %arg2: memref<10000x128xf32, #tpu.memory_space<hbm>>, %arg3: memref<10000x128xf32, #tpu.memory_space<hbm>>, %arg4: memref<10000x128xf32, #tpu.memory_space<hbm>>, %arg5: memref<32x125x80xi32, #tpu.memory_space<hbm>>, %arg6: memref<32x125x80xi32, #tpu.memory_space<hbm>>, %arg7: memref<320000x128xf32, #tpu.memory_space<hbm>>, %arg8: memref<320000x128xf32, #tpu.memory_space<hbm>>, %arg9: memref<320000x128xf32, #tpu.memory_space<hbm>>, %arg10: memref<125x80xi32, #tpu.memory_space<vmem>>, %arg11: memref<125x80xi32, #tpu.memory_space<vmem>>, %arg12: memref<80x128xf32, #tpu.memory_space<vmem>>, %arg13: memref<80x128xf32, #tpu.memory_space<vmem>>, %arg14: memref<80x128xf32, #tpu.memory_space<vmem>>, %arg15: memref<80x128xf32, #tpu.memory_space<vmem>>, %arg16: memref<80x128xf32, #tpu.memory_space<vmem>>, %arg17: memref<80x128xf32, #tpu.memory_space<vmem>>, %arg18: memref<!tpu.dma_semaphore, #tpu.memory_space<semaphore_mem>>, %arg19: memref<!tpu.dma_semaphore, #tpu.memory_space<semaphore_mem>>) attributes {dimension_semantics = [#tpu.dimension_semantics<core_parallel>, #tpu.dimension_semantics<subcore_parallel>], iteration_bounds = array<i64: 2, 16>, scalar_prefetch = 0 : i64, scratch_operands = 10 : i64, tpu.core_type = #tpu.core_type<sc_vector_subcore>, window_params = [{transform_indices = #map}, {transform_indices = #map}, {transform_indices = #map}, {transform_indices = #map1}, {transform_indices = #map1}, {transform_indices = #map}, {transform_indices = #map}, {transform_indices = #map}]} {
    %mul3A = arith.constant 2 : i32
    %mul3A_0 = arith.muli %arg1, %mul3A : i32
    %add3A = arith.addi %mul3A_0, %arg0 : i32
    %mul3A_1 = arith.constant 10000 : i32
    %mul3A_2 = arith.muli %add3A, %mul3A_1 : i32
    "tpu.region"() ({
      %run_scoped3A = tpu.sem_alloc : memref<!tpu.dma_semaphore, #tpu.memory_space<semaphore_mem>>
      %dma_start3A_92 = arith.constant 0 : i32
      %dma_start3A_93 = arith.constant 0 : i32
      %dma_start3A_94 = tpu.memref_slice %arg5[%add3A, %dma_start3A_92, %dma_start3A_93] : memref<32x125x80xi32, #tpu.memory_space<hbm>> -> memref<1x125x80xi32, #tpu.memory_space<hbm>>
      %dma_start3A_95 = tpu.memref_squeeze %dma_start3A_94 : memref<1x125x80xi32, #tpu.memory_space<hbm>> -> memref<125x80xi32, #tpu.memory_space<hbm>>
      %dma_start3A_96 = arith.constant 0 : i32
      %dma_start3A_97 = arith.constant 0 : i32
      %dma_start3A_98 = tpu.memref_slice %arg5[%add3A, %dma_start3A_96, %dma_start3A_97] : memref<32x125x80xi32, #tpu.memory_space<hbm>> -> memref<1x125x80xi32, #tpu.memory_space<hbm>>
      %dma_start3A_99 = tpu.memref_squeeze %dma_start3A_98 : memref<1x125x80xi32, #tpu.memory_space<hbm>> -> memref<125x80xi32, #tpu.memory_space<hbm>>
      tpu.enqueue_dma source(%dma_start3A_99 : memref<125x80xi32, #tpu.memory_space<hbm>>) target(%arg10 : memref<125x80xi32, #tpu.memory_space<vmem>>) target_semaphore(%run_scoped3A : memref<!tpu.dma_semaphore, #tpu.memory_space<semaphore_mem>>)
      %dma_wait3A_100 = arith.constant 0 : i32
      %dma_wait3A_101 = arith.constant 0 : i32
      %dma_wait3A_102 = tpu.memref_slice %arg5[%add3A, %dma_wait3A_100, %dma_wait3A_101] : memref<32x125x80xi32, #tpu.memory_space<hbm>> -> memref<1x125x80xi32, #tpu.memory_space<hbm>>
      %dma_wait3A_103 = tpu.memref_squeeze %dma_wait3A_102 : memref<1x125x80xi32, #tpu.memory_space<hbm>> -> memref<125x80xi32, #tpu.memory_space<hbm>>
      %dma_wait3A_104 = arith.constant 0 : i32
      %dma_wait3A_105 = arith.constant 0 : i32
      %dma_wait3A_106 = tpu.memref_slice %arg5[%add3A, %dma_wait3A_104, %dma_wait3A_105] : memref<32x125x80xi32, #tpu.memory_space<hbm>> -> memref<1x125x80xi32, #tpu.memory_space<hbm>>
      %dma_wait3A_107 = tpu.memref_squeeze %dma_wait3A_106 : memref<1x125x80xi32, #tpu.memory_space<hbm>> -> memref<125x80xi32, #tpu.memory_space<hbm>>
      tpu.wait_dma2 semaphore(%run_scoped3A : memref<!tpu.dma_semaphore, #tpu.memory_space<semaphore_mem>>) src(%dma_wait3A_107 : memref<125x80xi32, #tpu.memory_space<hbm>>) dst(%arg10 : memref<125x80xi32, #tpu.memory_space<vmem>>)
      tpu.yield
    }) : () -> ()
    "tpu.region"() ({
      %run_scoped3A = tpu.sem_alloc : memref<!tpu.dma_semaphore, #tpu.memory_space<semaphore_mem>>
      %dma_start3A_92 = arith.constant 0 : i32
      %dma_start3A_93 = arith.constant 0 : i32
      %dma_start3A_94 = tpu.memref_slice %arg6[%add3A, %dma_start3A_92, %dma_start3A_93] : memref<32x125x80xi32, #tpu.memory_space<hbm>> -> memref<1x125x80xi32, #tpu.memory_space<hbm>>
      %dma_start3A_95 = tpu.memref_squeeze %dma_start3A_94 : memref<1x125x80xi32, #tpu.memory_space<hbm>> -> memref<125x80xi32, #tpu.memory_space<hbm>>
      %dma_start3A_96 = arith.constant 0 : i32
      %dma_start3A_97 = arith.constant 0 : i32
      %dma_start3A_98 = tpu.memref_slice %arg6[%add3A, %dma_start3A_96, %dma_start3A_97] : memref<32x125x80xi32, #tpu.memory_space<hbm>> -> memref<1x125x80xi32, #tpu.memory_space<hbm>>
      %dma_start3A_99 = tpu.memref_squeeze %dma_start3A_98 : memref<1x125x80xi32, #tpu.memory_space<hbm>> -> memref<125x80xi32, #tpu.memory_space<hbm>>
      tpu.enqueue_dma source(%dma_start3A_99 : memref<125x80xi32, #tpu.memory_space<hbm>>) target(%arg11 : memref<125x80xi32, #tpu.memory_space<vmem>>) target_semaphore(%run_scoped3A : memref<!tpu.dma_semaphore, #tpu.memory_space<semaphore_mem>>)
      %dma_wait3A_100 = arith.constant 0 : i32
      %dma_wait3A_101 = arith.constant 0 : i32
      %dma_wait3A_102 = tpu.memref_slice %arg6[%add3A, %dma_wait3A_100, %dma_wait3A_101] : memref<32x125x80xi32, #tpu.memory_space<hbm>> -> memref<1x125x80xi32, #tpu.memory_space<hbm>>
      %dma_wait3A_103 = tpu.memref_squeeze %dma_wait3A_102 : memref<1x125x80xi32, #tpu.memory_space<hbm>> -> memref<125x80xi32, #tpu.memory_space<hbm>>
      %dma_wait3A_104 = arith.constant 0 : i32
      %dma_wait3A_105 = arith.constant 0 : i32
      %dma_wait3A_106 = tpu.memref_slice %arg6[%add3A, %dma_wait3A_104, %dma_wait3A_105] : memref<32x125x80xi32, #tpu.memory_space<hbm>> -> memref<1x125x80xi32, #tpu.memory_space<hbm>>
      %dma_wait3A_107 = tpu.memref_squeeze %dma_wait3A_106 : memref<1x125x80xi32, #tpu.memory_space<hbm>> -> memref<125x80xi32, #tpu.memory_space<hbm>>
      tpu.wait_dma2 semaphore(%run_scoped3A : memref<!tpu.dma_semaphore, #tpu.memory_space<semaphore_mem>>) src(%dma_wait3A_107 : memref<125x80xi32, #tpu.memory_space<hbm>>) dst(%arg11 : memref<125x80xi32, #tpu.memory_space<vmem>>)
      tpu.yield
    }) : () -> ()
    %dma_start3A = arith.constant 0 : i32
    %dma_start3A_3 = arith.constant 0 : i32
    %dma_start3A_4 = tpu.memref_slice %arg10[%dma_start3A, %dma_start3A_3] : memref<125x80xi32, #tpu.memory_space<vmem>> -> memref<1x80xi32, #tpu.memory_space<vmem>>
    %dma_start3A_5 = tpu.memref_squeeze %dma_start3A_4 : memref<1x80xi32, #tpu.memory_space<vmem>> -> memref<80xi32, #tpu.memory_space<vmem>>
    %dma_start3A_6 = arith.constant 0 : i32
    %dma_start3A_7 = arith.constant 0 : i32
    %dma_start3A_8 = tpu.memref_slice %arg2[%dma_start3A_6, %dma_start3A_7] : memref<10000x128xf32, #tpu.memory_space<hbm>> -> memref<10000x128xf32, #tpu.memory_space<hbm>>
    tpu.enqueue_indirect_dma source(%dma_start3A_8 : memref<10000x128xf32, #tpu.memory_space<hbm>>) target(%arg12 : memref<80x128xf32, #tpu.memory_space<vmem>>) offsets(%dma_start3A_5 : memref<80xi32, #tpu.memory_space<vmem>>) semaphore(%arg18 : memref<!tpu.dma_semaphore, #tpu.memory_space<semaphore_mem>>)
    %dma_start3A_9 = arith.constant 0 : i32
    %dma_start3A_10 = arith.constant 0 : i32
    %dma_start3A_11 = tpu.memref_slice %arg11[%dma_start3A_9, %dma_start3A_10] : memref<125x80xi32, #tpu.memory_space<vmem>> -> memref<1x80xi32, #tpu.memory_space<vmem>>
    %dma_start3A_12 = tpu.memref_squeeze %dma_start3A_11 : memref<1x80xi32, #tpu.memory_space<vmem>> -> memref<80xi32, #tpu.memory_space<vmem>>
    %dma_start3A_13 = arith.constant 0 : i32
    %dma_start3A_14 = arith.constant 0 : i32
    %dma_start3A_15 = tpu.memref_slice %arg3[%dma_start3A_13, %dma_start3A_14] : memref<10000x128xf32, #tpu.memory_space<hbm>> -> memref<10000x128xf32, #tpu.memory_space<hbm>>
    tpu.enqueue_indirect_dma source(%dma_start3A_15 : memref<10000x128xf32, #tpu.memory_space<hbm>>) target(%arg13 : memref<80x128xf32, #tpu.memory_space<vmem>>) offsets(%dma_start3A_12 : memref<80xi32, #tpu.memory_space<vmem>>) semaphore(%arg18 : memref<!tpu.dma_semaphore, #tpu.memory_space<semaphore_mem>>)
    %dma_start3A_16 = arith.constant 0 : i32
    %dma_start3A_17 = arith.constant 0 : i32
    %dma_start3A_18 = tpu.memref_slice %arg11[%dma_start3A_16, %dma_start3A_17] : memref<125x80xi32, #tpu.memory_space<vmem>> -> memref<1x80xi32, #tpu.memory_space<vmem>>
    %dma_start3A_19 = tpu.memref_squeeze %dma_start3A_18 : memref<1x80xi32, #tpu.memory_space<vmem>> -> memref<80xi32, #tpu.memory_space<vmem>>
    %dma_start3A_20 = arith.constant 0 : i32
    %dma_start3A_21 = arith.constant 0 : i32
    %dma_start3A_22 = tpu.memref_slice %arg4[%dma_start3A_20, %dma_start3A_21] : memref<10000x128xf32, #tpu.memory_space<hbm>> -> memref<10000x128xf32, #tpu.memory_space<hbm>>
    tpu.enqueue_indirect_dma source(%dma_start3A_22 : memref<10000x128xf32, #tpu.memory_space<hbm>>) target(%arg14 : memref<80x128xf32, #tpu.memory_space<vmem>>) offsets(%dma_start3A_19 : memref<80xi32, #tpu.memory_space<vmem>>) semaphore(%arg18 : memref<!tpu.dma_semaphore, #tpu.memory_space<semaphore_mem>>)
    %dma_start3A_23 = arith.constant 1 : i32
    %dma_start3A_24 = arith.constant 0 : i32
    %dma_start3A_25 = tpu.memref_slice %arg10[%dma_start3A_23, %dma_start3A_24] : memref<125x80xi32, #tpu.memory_space<vmem>> -> memref<1x80xi32, #tpu.memory_space<vmem>>
    %dma_start3A_26 = tpu.memref_squeeze %dma_start3A_25 : memref<1x80xi32, #tpu.memory_space<vmem>> -> memref<80xi32, #tpu.memory_space<vmem>>
    %dma_start3A_27 = arith.constant 0 : i32
    %dma_start3A_28 = arith.constant 0 : i32
    %dma_start3A_29 = tpu.memref_slice %arg2[%dma_start3A_27, %dma_start3A_28] : memref<10000x128xf32, #tpu.memory_space<hbm>> -> memref<10000x128xf32, #tpu.memory_space<hbm>>
    tpu.enqueue_indirect_dma source(%dma_start3A_29 : memref<10000x128xf32, #tpu.memory_space<hbm>>) target(%arg15 : memref<80x128xf32, #tpu.memory_space<vmem>>) offsets(%dma_start3A_26 : memref<80xi32, #tpu.memory_space<vmem>>) semaphore(%arg19 : memref<!tpu.dma_semaphore, #tpu.memory_space<semaphore_mem>>)
    %dma_start3A_30 = arith.constant 1 : i32
    %dma_start3A_31 = arith.constant 0 : i32
    %dma_start3A_32 = tpu.memref_slice %arg11[%dma_start3A_30, %dma_start3A_31] : memref<125x80xi32, #tpu.memory_space<vmem>> -> memref<1x80xi32, #tpu.memory_space<vmem>>
    %dma_start3A_33 = tpu.memref_squeeze %dma_start3A_32 : memref<1x80xi32, #tpu.memory_space<vmem>> -> memref<80xi32, #tpu.memory_space<vmem>>
    %dma_start3A_34 = arith.constant 0 : i32
    %dma_start3A_35 = arith.constant 0 : i32
    %dma_start3A_36 = tpu.memref_slice %arg3[%dma_start3A_34, %dma_start3A_35] : memref<10000x128xf32, #tpu.memory_space<hbm>> -> memref<10000x128xf32, #tpu.memory_space<hbm>>
    tpu.enqueue_indirect_dma source(%dma_start3A_36 : memref<10000x128xf32, #tpu.memory_space<hbm>>) target(%arg16 : memref<80x128xf32, #tpu.memory_space<vmem>>) offsets(%dma_start3A_33 : memref<80xi32, #tpu.memory_space<vmem>>) semaphore(%arg19 : memref<!tpu.dma_semaphore, #tpu.memory_space<semaphore_mem>>)
    %dma_start3A_37 = arith.constant 1 : i32
    %dma_start3A_38 = arith.constant 0 : i32
    %dma_start3A_39 = tpu.memref_slice %arg11[%dma_start3A_37, %dma_start3A_38] : memref<125x80xi32, #tpu.memory_space<vmem>> -> memref<1x80xi32, #tpu.memory_space<vmem>>
    %dma_start3A_40 = tpu.memref_squeeze %dma_start3A_39 : memref<1x80xi32, #tpu.memory_space<vmem>> -> memref<80xi32, #tpu.memory_space<vmem>>
    %dma_start3A_41 = arith.constant 0 : i32
    %dma_start3A_42 = arith.constant 0 : i32
    %dma_start3A_43 = tpu.memref_slice %arg4[%dma_start3A_41, %dma_start3A_42] : memref<10000x128xf32, #tpu.memory_space<hbm>> -> memref<10000x128xf32, #tpu.memory_space<hbm>>
    tpu.enqueue_indirect_dma source(%dma_start3A_43 : memref<10000x128xf32, #tpu.memory_space<hbm>>) target(%arg17 : memref<80x128xf32, #tpu.memory_space<vmem>>) offsets(%dma_start3A_40 : memref<80xi32, #tpu.memory_space<vmem>>) semaphore(%arg19 : memref<!tpu.dma_semaphore, #tpu.memory_space<semaphore_mem>>)
    %scan3A = arith.constant 0 : i32
    %scan3A_44 = arith.constant 0 : i32
    %scan3A_45 = arith.constant 62 : i32
    %scan3A_46 = arith.addi %scan3A_44, %scan3A_45 : i32
    %scan3A_47 = arith.constant 1 : i32
    scf.for %scan3A_92 = %scan3A_44 to %scan3A_46 step %scan3A_47  : i32 {
      %mul3A_93 = arith.constant 2 : i32
      %mul3A_94 = arith.muli %mul3A_93, %scan3A_92 : i32
      %add3A_95 = arith.constant 1 : i32
      %add3A_96 = arith.addi %mul3A_94, %add3A_95 : i32
      %dma_wait3A_97 = arith.constant 0 : i32
      %dma_wait3A_98 = tpu.memref_slice %arg10[%mul3A_94, %dma_wait3A_97] : memref<125x80xi32, #tpu.memory_space<vmem>> -> memref<1x80xi32, #tpu.memory_space<vmem>>
      %dma_wait3A_99 = tpu.memref_squeeze %dma_wait3A_98 : memref<1x80xi32, #tpu.memory_space<vmem>> -> memref<80xi32, #tpu.memory_space<vmem>>
      %dma_wait3A_100 = arith.constant 0 : i32
      %dma_wait3A_101 = arith.constant 0 : i32
      %dma_wait3A_102 = tpu.memref_slice %arg2[%dma_wait3A_100, %dma_wait3A_101] : memref<10000x128xf32, #tpu.memory_space<hbm>> -> memref<10000x128xf32, #tpu.memory_space<hbm>>
      tpu.wait_indirect_dma semaphore(%arg18 : memref<!tpu.dma_semaphore, #tpu.memory_space<semaphore_mem>>) src(%dma_wait3A_102 : memref<10000x128xf32, #tpu.memory_space<hbm>>) dst(%arg12 : memref<80x128xf32, #tpu.memory_space<vmem>>)
      %dma_wait3A_103 = arith.constant 0 : i32
      %dma_wait3A_104 = tpu.memref_slice %arg11[%mul3A_94, %dma_wait3A_103] : memref<125x80xi32, #tpu.memory_space<vmem>> -> memref<1x80xi32, #tpu.memory_space<vmem>>
      %dma_wait3A_105 = tpu.memref_squeeze %dma_wait3A_104 : memref<1x80xi32, #tpu.memory_space<vmem>> -> memref<80xi32, #tpu.memory_space<vmem>>
      %dma_wait3A_106 = arith.constant 0 : i32
      %dma_wait3A_107 = arith.constant 0 : i32
      %dma_wait3A_108 = tpu.memref_slice %arg3[%dma_wait3A_106, %dma_wait3A_107] : memref<10000x128xf32, #tpu.memory_space<hbm>> -> memref<10000x128xf32, #tpu.memory_space<hbm>>
      tpu.wait_indirect_dma semaphore(%arg18 : memref<!tpu.dma_semaphore, #tpu.memory_space<semaphore_mem>>) src(%dma_wait3A_108 : memref<10000x128xf32, #tpu.memory_space<hbm>>) dst(%arg13 : memref<80x128xf32, #tpu.memory_space<vmem>>)
      %dma_wait3A_109 = arith.constant 0 : i32
      %dma_wait3A_110 = tpu.memref_slice %arg11[%mul3A_94, %dma_wait3A_109] : memref<125x80xi32, #tpu.memory_space<vmem>> -> memref<1x80xi32, #tpu.memory_space<vmem>>
      %dma_wait3A_111 = tpu.memref_squeeze %dma_wait3A_110 : memref<1x80xi32, #tpu.memory_space<vmem>> -> memref<80xi32, #tpu.memory_space<vmem>>
      %dma_wait3A_112 = arith.constant 0 : i32
      %dma_wait3A_113 = arith.constant 0 : i32
      %dma_wait3A_114 = tpu.memref_slice %arg4[%dma_wait3A_112, %dma_wait3A_113] : memref<10000x128xf32, #tpu.memory_space<hbm>> -> memref<10000x128xf32, #tpu.memory_space<hbm>>
      tpu.wait_indirect_dma semaphore(%arg18 : memref<!tpu.dma_semaphore, #tpu.memory_space<semaphore_mem>>) src(%dma_wait3A_114 : memref<10000x128xf32, #tpu.memory_space<hbm>>) dst(%arg14 : memref<80x128xf32, #tpu.memory_space<vmem>>)
      %mul3A_115 = arith.constant 80 : i32
      %mul3A_116 = arith.muli %mul3A_94, %mul3A_115 : i32
      %add3A_117 = arith.addi %mul3A_2, %mul3A_116 : i32
      "tpu.region"() ({
        %run_scoped3A = tpu.sem_alloc : memref<!tpu.dma_semaphore, #tpu.memory_space<semaphore_mem>>
        %dma_start3A_182 = arith.constant 0 : i32
        %dma_start3A_183 = tpu.memref_slice %arg7[%add3A_117, %dma_start3A_182] : memref<320000x128xf32, #tpu.memory_space<hbm>> -> memref<80x128xf32, #tpu.memory_space<hbm>>
        %dma_start3A_184 = arith.constant 0 : i32
        %dma_start3A_185 = tpu.memref_slice %arg7[%add3A_117, %dma_start3A_184] : memref<320000x128xf32, #tpu.memory_space<hbm>> -> memref<80x128xf32, #tpu.memory_space<hbm>>
        tpu.enqueue_dma source(%arg12 : memref<80x128xf32, #tpu.memory_space<vmem>>) target(%dma_start3A_185 : memref<80x128xf32, #tpu.memory_space<hbm>>) target_semaphore(%run_scoped3A : memref<!tpu.dma_semaphore, #tpu.memory_space<semaphore_mem>>)
        %dma_wait3A_186 = arith.constant 0 : i32
        %dma_wait3A_187 = tpu.memref_slice %arg7[%add3A_117, %dma_wait3A_186] : memref<320000x128xf32, #tpu.memory_space<hbm>> -> memref<80x128xf32, #tpu.memory_space<hbm>>
        %dma_wait3A_188 = arith.constant 0 : i32
        %dma_wait3A_189 = tpu.memref_slice %arg7[%add3A_117, %dma_wait3A_188] : memref<320000x128xf32, #tpu.memory_space<hbm>> -> memref<80x128xf32, #tpu.memory_space<hbm>>
        tpu.wait_dma2 semaphore(%run_scoped3A : memref<!tpu.dma_semaphore, #tpu.memory_space<semaphore_mem>>) src(%arg12 : memref<80x128xf32, #tpu.memory_space<vmem>>) dst(%dma_wait3A_189 : memref<80x128xf32, #tpu.memory_space<hbm>>)
        tpu.yield
      }) : () -> ()
      "tpu.region"() ({
        %run_scoped3A = tpu.sem_alloc : memref<!tpu.dma_semaphore, #tpu.memory_space<semaphore_mem>>
        %dma_start3A_182 = arith.constant 0 : i32
        %dma_start3A_183 = tpu.memref_slice %arg8[%add3A_117, %dma_start3A_182] : memref<320000x128xf32, #tpu.memory_space<hbm>> -> memref<80x128xf32, #tpu.memory_space<hbm>>
        %dma_start3A_184 = arith.constant 0 : i32
        %dma_start3A_185 = tpu.memref_slice %arg8[%add3A_117, %dma_start3A_184] : memref<320000x128xf32, #tpu.memory_space<hbm>> -> memref<80x128xf32, #tpu.memory_space<hbm>>
        tpu.enqueue_dma source(%arg13 : memref<80x128xf32, #tpu.memory_space<vmem>>) target(%dma_start3A_185 : memref<80x128xf32, #tpu.memory_space<hbm>>) target_semaphore(%run_scoped3A : memref<!tpu.dma_semaphore, #tpu.memory_space<semaphore_mem>>)
        %dma_wait3A_186 = arith.constant 0 : i32
        %dma_wait3A_187 = tpu.memref_slice %arg8[%add3A_117, %dma_wait3A_186] : memref<320000x128xf32, #tpu.memory_space<hbm>> -> memref<80x128xf32, #tpu.memory_space<hbm>>
        %dma_wait3A_188 = arith.constant 0 : i32
        %dma_wait3A_189 = tpu.memref_slice %arg8[%add3A_117, %dma_wait3A_188] : memref<320000x128xf32, #tpu.memory_space<hbm>> -> memref<80x128xf32, #tpu.memory_space<hbm>>
        tpu.wait_dma2 semaphore(%run_scoped3A : memref<!tpu.dma_semaphore, #tpu.memory_space<semaphore_mem>>) src(%arg13 : memref<80x128xf32, #tpu.memory_space<vmem>>) dst(%dma_wait3A_189 : memref<80x128xf32, #tpu.memory_space<hbm>>)
        tpu.yield
      }) : () -> ()
      "tpu.region"() ({
        %run_scoped3A = tpu.sem_alloc : memref<!tpu.dma_semaphore, #tpu.memory_space<semaphore_mem>>
        %dma_start3A_182 = arith.constant 0 : i32
        %dma_start3A_183 = tpu.memref_slice %arg9[%add3A_117, %dma_start3A_182] : memref<320000x128xf32, #tpu.memory_space<hbm>> -> memref<80x128xf32, #tpu.memory_space<hbm>>
        %dma_start3A_184 = arith.constant 0 : i32
        %dma_start3A_185 = tpu.memref_slice %arg9[%add3A_117, %dma_start3A_184] : memref<320000x128xf32, #tpu.memory_space<hbm>> -> memref<80x128xf32, #tpu.memory_space<hbm>>
        tpu.enqueue_dma source(%arg14 : memref<80x128xf32, #tpu.memory_space<vmem>>) target(%dma_start3A_185 : memref<80x128xf32, #tpu.memory_space<hbm>>) target_semaphore(%run_scoped3A : memref<!tpu.dma_semaphore, #tpu.memory_space<semaphore_mem>>)
        %dma_wait3A_186 = arith.constant 0 : i32
        %dma_wait3A_187 = tpu.memref_slice %arg9[%add3A_117, %dma_wait3A_186] : memref<320000x128xf32, #tpu.memory_space<hbm>> -> memref<80x128xf32, #tpu.memory_space<hbm>>
        %dma_wait3A_188 = arith.constant 0 : i32
        %dma_wait3A_189 = tpu.memref_slice %arg9[%add3A_117, %dma_wait3A_188] : memref<320000x128xf32, #tpu.memory_space<hbm>> -> memref<80x128xf32, #tpu.memory_space<hbm>>
        tpu.wait_dma2 semaphore(%run_scoped3A : memref<!tpu.dma_semaphore, #tpu.memory_space<semaphore_mem>>) src(%arg14 : memref<80x128xf32, #tpu.memory_space<vmem>>) dst(%dma_wait3A_189 : memref<80x128xf32, #tpu.memory_space<hbm>>)
        tpu.yield
      }) : () -> ()
      %add3A_118 = arith.constant 2 : i32
      %add3A_119 = arith.addi %mul3A_94, %add3A_118 : i32
      %min3A = arith.constant 124 : i32
      %min3A_120 = arith.minsi %add3A_119, %min3A : i32
      %dma_start3A_121 = arith.constant 0 : i32
      %dma_start3A_122 = tpu.memref_slice %arg10[%min3A_120, %dma_start3A_121] : memref<125x80xi32, #tpu.memory_space<vmem>> -> memref<1x80xi32, #tpu.memory_space<vmem>>
      %dma_start3A_123 = tpu.memref_squeeze %dma_start3A_122 : memref<1x80xi32, #tpu.memory_space<vmem>> -> memref<80xi32, #tpu.memory_space<vmem>>
      %dma_start3A_124 = arith.constant 0 : i32
      %dma_start3A_125 = arith.constant 0 : i32
      %dma_start3A_126 = tpu.memref_slice %arg2[%dma_start3A_124, %dma_start3A_125] : memref<10000x128xf32, #tpu.memory_space<hbm>> -> memref<10000x128xf32, #tpu.memory_space<hbm>>
      tpu.enqueue_indirect_dma source(%dma_start3A_126 : memref<10000x128xf32, #tpu.memory_space<hbm>>) target(%arg12 : memref<80x128xf32, #tpu.memory_space<vmem>>) offsets(%dma_start3A_123 : memref<80xi32, #tpu.memory_space<vmem>>) semaphore(%arg18 : memref<!tpu.dma_semaphore, #tpu.memory_space<semaphore_mem>>)
      %dma_start3A_127 = arith.constant 0 : i32
      %dma_start3A_128 = tpu.memref_slice %arg11[%min3A_120, %dma_start3A_127] : memref<125x80xi32, #tpu.memory_space<vmem>> -> memref<1x80xi32, #tpu.memory_space<vmem>>
      %dma_start3A_129 = tpu.memref_squeeze %dma_start3A_128 : memref<1x80xi32, #tpu.memory_space<vmem>> -> memref<80xi32, #tpu.memory_space<vmem>>
      %dma_start3A_130 = arith.constant 0 : i32
      %dma_start3A_131 = arith.constant 0 : i32
      %dma_start3A_132 = tpu.memref_slice %arg3[%dma_start3A_130, %dma_start3A_131] : memref<10000x128xf32, #tpu.memory_space<hbm>> -> memref<10000x128xf32, #tpu.memory_space<hbm>>
      tpu.enqueue_indirect_dma source(%dma_start3A_132 : memref<10000x128xf32, #tpu.memory_space<hbm>>) target(%arg13 : memref<80x128xf32, #tpu.memory_space<vmem>>) offsets(%dma_start3A_129 : memref<80xi32, #tpu.memory_space<vmem>>) semaphore(%arg18 : memref<!tpu.dma_semaphore, #tpu.memory_space<semaphore_mem>>)
      %dma_start3A_133 = arith.constant 0 : i32
      %dma_start3A_134 = tpu.memref_slice %arg11[%min3A_120, %dma_start3A_133] : memref<125x80xi32, #tpu.memory_space<vmem>> -> memref<1x80xi32, #tpu.memory_space<vmem>>
      %dma_start3A_135 = tpu.memref_squeeze %dma_start3A_134 : memref<1x80xi32, #tpu.memory_space<vmem>> -> memref<80xi32, #tpu.memory_space<vmem>>
      %dma_start3A_136 = arith.constant 0 : i32
      %dma_start3A_137 = arith.constant 0 : i32
      %dma_start3A_138 = tpu.memref_slice %arg4[%dma_start3A_136, %dma_start3A_137] : memref<10000x128xf32, #tpu.memory_space<hbm>> -> memref<10000x128xf32, #tpu.memory_space<hbm>>
      tpu.enqueue_indirect_dma source(%dma_start3A_138 : memref<10000x128xf32, #tpu.memory_space<hbm>>) target(%arg14 : memref<80x128xf32, #tpu.memory_space<vmem>>) offsets(%dma_start3A_135 : memref<80xi32, #tpu.memory_space<vmem>>) semaphore(%arg18 : memref<!tpu.dma_semaphore, #tpu.memory_space<semaphore_mem>>)
      %dma_wait3A_139 = arith.constant 0 : i32
      %dma_wait3A_140 = tpu.memref_slice %arg10[%add3A_96, %dma_wait3A_139] : memref<125x80xi32, #tpu.memory_space<vmem>> -> memref<1x80xi32, #tpu.memory_space<vmem>>
      %dma_wait3A_141 = tpu.memref_squeeze %dma_wait3A_140 : memref<1x80xi32, #tpu.memory_space<vmem>> -> memref<80xi32, #tpu.memory_space<vmem>>
      %dma_wait3A_142 = arith.constant 0 : i32
      %dma_wait3A_143 = arith.constant 0 : i32
      %dma_wait3A_144 = tpu.memref_slice %arg2[%dma_wait3A_142, %dma_wait3A_143] : memref<10000x128xf32, #tpu.memory_space<hbm>> -> memref<10000x128xf32, #tpu.memory_space<hbm>>
      tpu.wait_indirect_dma semaphore(%arg19 : memref<!tpu.dma_semaphore, #tpu.memory_space<semaphore_mem>>) src(%dma_wait3A_144 : memref<10000x128xf32, #tpu.memory_space<hbm>>) dst(%arg15 : memref<80x128xf32, #tpu.memory_space<vmem>>)
      %dma_wait3A_145 = arith.constant 0 : i32
      %dma_wait3A_146 = tpu.memref_slice %arg11[%add3A_96, %dma_wait3A_145] : memref<125x80xi32, #tpu.memory_space<vmem>> -> memref<1x80xi32, #tpu.memory_space<vmem>>
      %dma_wait3A_147 = tpu.memref_squeeze %dma_wait3A_146 : memref<1x80xi32, #tpu.memory_space<vmem>> -> memref<80xi32, #tpu.memory_space<vmem>>
      %dma_wait3A_148 = arith.constant 0 : i32
      %dma_wait3A_149 = arith.constant 0 : i32
      %dma_wait3A_150 = tpu.memref_slice %arg3[%dma_wait3A_148, %dma_wait3A_149] : memref<10000x128xf32, #tpu.memory_space<hbm>> -> memref<10000x128xf32, #tpu.memory_space<hbm>>
      tpu.wait_indirect_dma semaphore(%arg19 : memref<!tpu.dma_semaphore, #tpu.memory_space<semaphore_mem>>) src(%dma_wait3A_150 : memref<10000x128xf32, #tpu.memory_space<hbm>>) dst(%arg16 : memref<80x128xf32, #tpu.memory_space<vmem>>)
      %dma_wait3A_151 = arith.constant 0 : i32
      %dma_wait3A_152 = tpu.memref_slice %arg11[%add3A_96, %dma_wait3A_151] : memref<125x80xi32, #tpu.memory_space<vmem>> -> memref<1x80xi32, #tpu.memory_space<vmem>>
      %dma_wait3A_153 = tpu.memref_squeeze %dma_wait3A_152 : memref<1x80xi32, #tpu.memory_space<vmem>> -> memref<80xi32, #tpu.memory_space<vmem>>
      %dma_wait3A_154 = arith.constant 0 : i32
      %dma_wait3A_155 = arith.constant 0 : i32
      %dma_wait3A_156 = tpu.memref_slice %arg4[%dma_wait3A_154, %dma_wait3A_155] : memref<10000x128xf32, #tpu.memory_space<hbm>> -> memref<10000x128xf32, #tpu.memory_space<hbm>>
      tpu.wait_indirect_dma semaphore(%arg19 : memref<!tpu.dma_semaphore, #tpu.memory_space<semaphore_mem>>) src(%dma_wait3A_156 : memref<10000x128xf32, #tpu.memory_space<hbm>>) dst(%arg17 : memref<80x128xf32, #tpu.memory_space<vmem>>)
      %mul3A_157 = arith.constant 80 : i32
      %mul3A_158 = arith.muli %add3A_96, %mul3A_157 : i32
      %add3A_159 = arith.addi %mul3A_2, %mul3A_158 : i32
      "tpu.region"() ({
        %run_scoped3A = tpu.sem_alloc : memref<!tpu.dma_semaphore, #tpu.memory_space<semaphore_mem>>
        %dma_start3A_182 = arith.constant 0 : i32
        %dma_start3A_183 = tpu.memref_slice %arg7[%add3A_159, %dma_start3A_182] : memref<320000x128xf32, #tpu.memory_space<hbm>> -> memref<80x128xf32, #tpu.memory_space<hbm>>
        %dma_start3A_184 = arith.constant 0 : i32
        %dma_start3A_185 = tpu.memref_slice %arg7[%add3A_159, %dma_start3A_184] : memref<320000x128xf32, #tpu.memory_space<hbm>> -> memref<80x128xf32, #tpu.memory_space<hbm>>
        tpu.enqueue_dma source(%arg15 : memref<80x128xf32, #tpu.memory_space<vmem>>) target(%dma_start3A_185 : memref<80x128xf32, #tpu.memory_space<hbm>>) target_semaphore(%run_scoped3A : memref<!tpu.dma_semaphore, #tpu.memory_space<semaphore_mem>>)
        %dma_wait3A_186 = arith.constant 0 : i32
        %dma_wait3A_187 = tpu.memref_slice %arg7[%add3A_159, %dma_wait3A_186] : memref<320000x128xf32, #tpu.memory_space<hbm>> -> memref<80x128xf32, #tpu.memory_space<hbm>>
        %dma_wait3A_188 = arith.constant 0 : i32
        %dma_wait3A_189 = tpu.memref_slice %arg7[%add3A_159, %dma_wait3A_188] : memref<320000x128xf32, #tpu.memory_space<hbm>> -> memref<80x128xf32, #tpu.memory_space<hbm>>
        tpu.wait_dma2 semaphore(%run_scoped3A : memref<!tpu.dma_semaphore, #tpu.memory_space<semaphore_mem>>) src(%arg15 : memref<80x128xf32, #tpu.memory_space<vmem>>) dst(%dma_wait3A_189 : memref<80x128xf32, #tpu.memory_space<hbm>>)
        tpu.yield
      }) : () -> ()
      "tpu.region"() ({
        %run_scoped3A = tpu.sem_alloc : memref<!tpu.dma_semaphore, #tpu.memory_space<semaphore_mem>>
        %dma_start3A_182 = arith.constant 0 : i32
        %dma_start3A_183 = tpu.memref_slice %arg8[%add3A_159, %dma_start3A_182] : memref<320000x128xf32, #tpu.memory_space<hbm>> -> memref<80x128xf32, #tpu.memory_space<hbm>>
        %dma_start3A_184 = arith.constant 0 : i32
        %dma_start3A_185 = tpu.memref_slice %arg8[%add3A_159, %dma_start3A_184] : memref<320000x128xf32, #tpu.memory_space<hbm>> -> memref<80x128xf32, #tpu.memory_space<hbm>>
        tpu.enqueue_dma source(%arg16 : memref<80x128xf32, #tpu.memory_space<vmem>>) target(%dma_start3A_185 : memref<80x128xf32, #tpu.memory_space<hbm>>) target_semaphore(%run_scoped3A : memref<!tpu.dma_semaphore, #tpu.memory_space<semaphore_mem>>)
        %dma_wait3A_186 = arith.constant 0 : i32
        %dma_wait3A_187 = tpu.memref_slice %arg8[%add3A_159, %dma_wait3A_186] : memref<320000x128xf32, #tpu.memory_space<hbm>> -> memref<80x128xf32, #tpu.memory_space<hbm>>
        %dma_wait3A_188 = arith.constant 0 : i32
        %dma_wait3A_189 = tpu.memref_slice %arg8[%add3A_159, %dma_wait3A_188] : memref<320000x128xf32, #tpu.memory_space<hbm>> -> memref<80x128xf32, #tpu.memory_space<hbm>>
        tpu.wait_dma2 semaphore(%run_scoped3A : memref<!tpu.dma_semaphore, #tpu.memory_space<semaphore_mem>>) src(%arg16 : memref<80x128xf32, #tpu.memory_space<vmem>>) dst(%dma_wait3A_189 : memref<80x128xf32, #tpu.memory_space<hbm>>)
        tpu.yield
      }) : () -> ()
      "tpu.region"() ({
        %run_scoped3A = tpu.sem_alloc : memref<!tpu.dma_semaphore, #tpu.memory_space<semaphore_mem>>
        %dma_start3A_182 = arith.constant 0 : i32
        %dma_start3A_183 = tpu.memref_slice %arg9[%add3A_159, %dma_start3A_182] : memref<320000x128xf32, #tpu.memory_space<hbm>> -> memref<80x128xf32, #tpu.memory_space<hbm>>
        %dma_start3A_184 = arith.constant 0 : i32
        %dma_start3A_185 = tpu.memref_slice %arg9[%add3A_159, %dma_start3A_184] : memref<320000x128xf32, #tpu.memory_space<hbm>> -> memref<80x128xf32, #tpu.memory_space<hbm>>
        tpu.enqueue_dma source(%arg17 : memref<80x128xf32, #tpu.memory_space<vmem>>) target(%dma_start3A_185 : memref<80x128xf32, #tpu.memory_space<hbm>>) target_semaphore(%run_scoped3A : memref<!tpu.dma_semaphore, #tpu.memory_space<semaphore_mem>>)
        %dma_wait3A_186 = arith.constant 0 : i32
        %dma_wait3A_187 = tpu.memref_slice %arg9[%add3A_159, %dma_wait3A_186] : memref<320000x128xf32, #tpu.memory_space<hbm>> -> memref<80x128xf32, #tpu.memory_space<hbm>>
        %dma_wait3A_188 = arith.constant 0 : i32
        %dma_wait3A_189 = tpu.memref_slice %arg9[%add3A_159, %dma_wait3A_188] : memref<320000x128xf32, #tpu.memory_space<hbm>> -> memref<80x128xf32, #tpu.memory_space<hbm>>
        tpu.wait_dma2 semaphore(%run_scoped3A : memref<!tpu.dma_semaphore, #tpu.memory_space<semaphore_mem>>) src(%arg17 : memref<80x128xf32, #tpu.memory_space<vmem>>) dst(%dma_wait3A_189 : memref<80x128xf32, #tpu.memory_space<hbm>>)
        tpu.yield
      }) : () -> ()
      %add3A_160 = arith.constant 2 : i32
      %add3A_161 = arith.addi %add3A_96, %add3A_160 : i32
      %min3A_162 = arith.constant 124 : i32
      %min3A_163 = arith.minsi %add3A_161, %min3A_162 : i32
      %dma_start3A_164 = arith.constant 0 : i32
      %dma_start3A_165 = tpu.memref_slice %arg10[%min3A_163, %dma_start3A_164] : memref<125x80xi32, #tpu.memory_space<vmem>> -> memref<1x80xi32, #tpu.memory_space<vmem>>
      %dma_start3A_166 = tpu.memref_squeeze %dma_start3A_165 : memref<1x80xi32, #tpu.memory_space<vmem>> -> memref<80xi32, #tpu.memory_space<vmem>>
      %dma_start3A_167 = arith.constant 0 : i32
      %dma_start3A_168 = arith.constant 0 : i32
      %dma_start3A_169 = tpu.memref_slice %arg2[%dma_start3A_167, %dma_start3A_168] : memref<10000x128xf32, #tpu.memory_space<hbm>> -> memref<10000x128xf32, #tpu.memory_space<hbm>>
      tpu.enqueue_indirect_dma source(%dma_start3A_169 : memref<10000x128xf32, #tpu.memory_space<hbm>>) target(%arg15 : memref<80x128xf32, #tpu.memory_space<vmem>>) offsets(%dma_start3A_166 : memref<80xi32, #tpu.memory_space<vmem>>) semaphore(%arg19 : memref<!tpu.dma_semaphore, #tpu.memory_space<semaphore_mem>>)
      %dma_start3A_170 = arith.constant 0 : i32
      %dma_start3A_171 = tpu.memref_slice %arg11[%min3A_163, %dma_start3A_170] : memref<125x80xi32, #tpu.memory_space<vmem>> -> memref<1x80xi32, #tpu.memory_space<vmem>>
      %dma_start3A_172 = tpu.memref_squeeze %dma_start3A_171 : memref<1x80xi32, #tpu.memory_space<vmem>> -> memref<80xi32, #tpu.memory_space<vmem>>
      %dma_start3A_173 = arith.constant 0 : i32
      %dma_start3A_174 = arith.constant 0 : i32
      %dma_start3A_175 = tpu.memref_slice %arg3[%dma_start3A_173, %dma_start3A_174] : memref<10000x128xf32, #tpu.memory_space<hbm>> -> memref<10000x128xf32, #tpu.memory_space<hbm>>
      tpu.enqueue_indirect_dma source(%dma_start3A_175 : memref<10000x128xf32, #tpu.memory_space<hbm>>) target(%arg16 : memref<80x128xf32, #tpu.memory_space<vmem>>) offsets(%dma_start3A_172 : memref<80xi32, #tpu.memory_space<vmem>>) semaphore(%arg19 : memref<!tpu.dma_semaphore, #tpu.memory_space<semaphore_mem>>)
      %dma_start3A_176 = arith.constant 0 : i32
      %dma_start3A_177 = tpu.memref_slice %arg11[%min3A_163, %dma_start3A_176] : memref<125x80xi32, #tpu.memory_space<vmem>> -> memref<1x80xi32, #tpu.memory_space<vmem>>
      %dma_start3A_178 = tpu.memref_squeeze %dma_start3A_177 : memref<1x80xi32, #tpu.memory_space<vmem>> -> memref<80xi32, #tpu.memory_space<vmem>>
      %dma_start3A_179 = arith.constant 0 : i32
      %dma_start3A_180 = arith.constant 0 : i32
      %dma_start3A_181 = tpu.memref_slice %arg4[%dma_start3A_179, %dma_start3A_180] : memref<10000x128xf32, #tpu.memory_space<hbm>> -> memref<10000x128xf32, #tpu.memory_space<hbm>>
      tpu.enqueue_indirect_dma source(%dma_start3A_181 : memref<10000x128xf32, #tpu.memory_space<hbm>>) target(%arg17 : memref<80x128xf32, #tpu.memory_space<vmem>>) offsets(%dma_start3A_178 : memref<80xi32, #tpu.memory_space<vmem>>) semaphore(%arg19 : memref<!tpu.dma_semaphore, #tpu.memory_space<semaphore_mem>>)
    }
    %scan3A_48 = arith.constant 62 : i32
    %dma_wait3A = arith.constant 124 : i32
    %dma_wait3A_49 = arith.constant 0 : i32
    %dma_wait3A_50 = tpu.memref_slice %arg10[%dma_wait3A, %dma_wait3A_49] : memref<125x80xi32, #tpu.memory_space<vmem>> -> memref<1x80xi32, #tpu.memory_space<vmem>>
    %dma_wait3A_51 = tpu.memref_squeeze %dma_wait3A_50 : memref<1x80xi32, #tpu.memory_space<vmem>> -> memref<80xi32, #tpu.memory_space<vmem>>
    %dma_wait3A_52 = arith.constant 0 : i32
    %dma_wait3A_53 = arith.constant 0 : i32
    %dma_wait3A_54 = tpu.memref_slice %arg2[%dma_wait3A_52, %dma_wait3A_53] : memref<10000x128xf32, #tpu.memory_space<hbm>> -> memref<10000x128xf32, #tpu.memory_space<hbm>>
    tpu.wait_indirect_dma semaphore(%arg18 : memref<!tpu.dma_semaphore, #tpu.memory_space<semaphore_mem>>) src(%dma_wait3A_54 : memref<10000x128xf32, #tpu.memory_space<hbm>>) dst(%arg12 : memref<80x128xf32, #tpu.memory_space<vmem>>)
    %dma_wait3A_55 = arith.constant 124 : i32
    %dma_wait3A_56 = arith.constant 0 : i32
    %dma_wait3A_57 = tpu.memref_slice %arg11[%dma_wait3A_55, %dma_wait3A_56] : memref<125x80xi32, #tpu.memory_space<vmem>> -> memref<1x80xi32, #tpu.memory_space<vmem>>
    %dma_wait3A_58 = tpu.memref_squeeze %dma_wait3A_57 : memref<1x80xi32, #tpu.memory_space<vmem>> -> memref<80xi32, #tpu.memory_space<vmem>>
    %dma_wait3A_59 = arith.constant 0 : i32
    %dma_wait3A_60 = arith.constant 0 : i32
    %dma_wait3A_61 = tpu.memref_slice %arg3[%dma_wait3A_59, %dma_wait3A_60] : memref<10000x128xf32, #tpu.memory_space<hbm>> -> memref<10000x128xf32, #tpu.memory_space<hbm>>
    tpu.wait_indirect_dma semaphore(%arg18 : memref<!tpu.dma_semaphore, #tpu.memory_space<semaphore_mem>>) src(%dma_wait3A_61 : memref<10000x128xf32, #tpu.memory_space<hbm>>) dst(%arg13 : memref<80x128xf32, #tpu.memory_space<vmem>>)
    %dma_wait3A_62 = arith.constant 124 : i32
    %dma_wait3A_63 = arith.constant 0 : i32
    %dma_wait3A_64 = tpu.memref_slice %arg11[%dma_wait3A_62, %dma_wait3A_63] : memref<125x80xi32, #tpu.memory_space<vmem>> -> memref<1x80xi32, #tpu.memory_space<vmem>>
    %dma_wait3A_65 = tpu.memref_squeeze %dma_wait3A_64 : memref<1x80xi32, #tpu.memory_space<vmem>> -> memref<80xi32, #tpu.memory_space<vmem>>
    %dma_wait3A_66 = arith.constant 0 : i32
    %dma_wait3A_67 = arith.constant 0 : i32
    %dma_wait3A_68 = tpu.memref_slice %arg4[%dma_wait3A_66, %dma_wait3A_67] : memref<10000x128xf32, #tpu.memory_space<hbm>> -> memref<10000x128xf32, #tpu.memory_space<hbm>>
    tpu.wait_indirect_dma semaphore(%arg18 : memref<!tpu.dma_semaphore, #tpu.memory_space<semaphore_mem>>) src(%dma_wait3A_68 : memref<10000x128xf32, #tpu.memory_space<hbm>>) dst(%arg14 : memref<80x128xf32, #tpu.memory_space<vmem>>)
    %add3A_69 = arith.constant 9920 : i32
    %add3A_70 = arith.addi %mul3A_2, %add3A_69 : i32
    "tpu.region"() ({
      %run_scoped3A = tpu.sem_alloc : memref<!tpu.dma_semaphore, #tpu.memory_space<semaphore_mem>>
      %dma_start3A_92 = arith.constant 0 : i32
      %dma_start3A_93 = tpu.memref_slice %arg7[%add3A_70, %dma_start3A_92] : memref<320000x128xf32, #tpu.memory_space<hbm>> -> memref<80x128xf32, #tpu.memory_space<hbm>>
      %dma_start3A_94 = arith.constant 0 : i32
      %dma_start3A_95 = tpu.memref_slice %arg7[%add3A_70, %dma_start3A_94] : memref<320000x128xf32, #tpu.memory_space<hbm>> -> memref<80x128xf32, #tpu.memory_space<hbm>>
      tpu.enqueue_dma source(%arg12 : memref<80x128xf32, #tpu.memory_space<vmem>>) target(%dma_start3A_95 : memref<80x128xf32, #tpu.memory_space<hbm>>) target_semaphore(%run_scoped3A : memref<!tpu.dma_semaphore, #tpu.memory_space<semaphore_mem>>)
      %dma_wait3A_96 = arith.constant 0 : i32
      %dma_wait3A_97 = tpu.memref_slice %arg7[%add3A_70, %dma_wait3A_96] : memref<320000x128xf32, #tpu.memory_space<hbm>> -> memref<80x128xf32, #tpu.memory_space<hbm>>
      %dma_wait3A_98 = arith.constant 0 : i32
      %dma_wait3A_99 = tpu.memref_slice %arg7[%add3A_70, %dma_wait3A_98] : memref<320000x128xf32, #tpu.memory_space<hbm>> -> memref<80x128xf32, #tpu.memory_space<hbm>>
      tpu.wait_dma2 semaphore(%run_scoped3A : memref<!tpu.dma_semaphore, #tpu.memory_space<semaphore_mem>>) src(%arg12 : memref<80x128xf32, #tpu.memory_space<vmem>>) dst(%dma_wait3A_99 : memref<80x128xf32, #tpu.memory_space<hbm>>)
      tpu.yield
    }) : () -> ()
    "tpu.region"() ({
      %run_scoped3A = tpu.sem_alloc : memref<!tpu.dma_semaphore, #tpu.memory_space<semaphore_mem>>
      %dma_start3A_92 = arith.constant 0 : i32
      %dma_start3A_93 = tpu.memref_slice %arg8[%add3A_70, %dma_start3A_92] : memref<320000x128xf32, #tpu.memory_space<hbm>> -> memref<80x128xf32, #tpu.memory_space<hbm>>
      %dma_start3A_94 = arith.constant 0 : i32
      %dma_start3A_95 = tpu.memref_slice %arg8[%add3A_70, %dma_start3A_94] : memref<320000x128xf32, #tpu.memory_space<hbm>> -> memref<80x128xf32, #tpu.memory_space<hbm>>
      tpu.enqueue_dma source(%arg13 : memref<80x128xf32, #tpu.memory_space<vmem>>) target(%dma_start3A_95 : memref<80x128xf32, #tpu.memory_space<hbm>>) target_semaphore(%run_scoped3A : memref<!tpu.dma_semaphore, #tpu.memory_space<semaphore_mem>>)
      %dma_wait3A_96 = arith.constant 0 : i32
      %dma_wait3A_97 = tpu.memref_slice %arg8[%add3A_70, %dma_wait3A_96] : memref<320000x128xf32, #tpu.memory_space<hbm>> -> memref<80x128xf32, #tpu.memory_space<hbm>>
      %dma_wait3A_98 = arith.constant 0 : i32
      %dma_wait3A_99 = tpu.memref_slice %arg8[%add3A_70, %dma_wait3A_98] : memref<320000x128xf32, #tpu.memory_space<hbm>> -> memref<80x128xf32, #tpu.memory_space<hbm>>
      tpu.wait_dma2 semaphore(%run_scoped3A : memref<!tpu.dma_semaphore, #tpu.memory_space<semaphore_mem>>) src(%arg13 : memref<80x128xf32, #tpu.memory_space<vmem>>) dst(%dma_wait3A_99 : memref<80x128xf32, #tpu.memory_space<hbm>>)
      tpu.yield
    }) : () -> ()
    "tpu.region"() ({
      %run_scoped3A = tpu.sem_alloc : memref<!tpu.dma_semaphore, #tpu.memory_space<semaphore_mem>>
      %dma_start3A_92 = arith.constant 0 : i32
      %dma_start3A_93 = tpu.memref_slice %arg9[%add3A_70, %dma_start3A_92] : memref<320000x128xf32, #tpu.memory_space<hbm>> -> memref<80x128xf32, #tpu.memory_space<hbm>>
      %dma_start3A_94 = arith.constant 0 : i32
      %dma_start3A_95 = tpu.memref_slice %arg9[%add3A_70, %dma_start3A_94] : memref<320000x128xf32, #tpu.memory_space<hbm>> -> memref<80x128xf32, #tpu.memory_space<hbm>>
      tpu.enqueue_dma source(%arg14 : memref<80x128xf32, #tpu.memory_space<vmem>>) target(%dma_start3A_95 : memref<80x128xf32, #tpu.memory_space<hbm>>) target_semaphore(%run_scoped3A : memref<!tpu.dma_semaphore, #tpu.memory_space<semaphore_mem>>)
      %dma_wait3A_96 = arith.constant 0 : i32
      %dma_wait3A_97 = tpu.memref_slice %arg9[%add3A_70, %dma_wait3A_96] : memref<320000x128xf32, #tpu.memory_space<hbm>> -> memref<80x128xf32, #tpu.memory_space<hbm>>
      %dma_wait3A_98 = arith.constant 0 : i32
      %dma_wait3A_99 = tpu.memref_slice %arg9[%add3A_70, %dma_wait3A_98] : memref<320000x128xf32, #tpu.memory_space<hbm>> -> memref<80x128xf32, #tpu.memory_space<hbm>>
      tpu.wait_dma2 semaphore(%run_scoped3A : memref<!tpu.dma_semaphore, #tpu.memory_space<semaphore_mem>>) src(%arg14 : memref<80x128xf32, #tpu.memory_space<vmem>>) dst(%dma_wait3A_99 : memref<80x128xf32, #tpu.memory_space<hbm>>)
      tpu.yield
    }) : () -> ()
    %dma_wait3A_71 = arith.constant 124 : i32
    %dma_wait3A_72 = arith.constant 0 : i32
    %dma_wait3A_73 = tpu.memref_slice %arg10[%dma_wait3A_71, %dma_wait3A_72] : memref<125x80xi32, #tpu.memory_space<vmem>> -> memref<1x80xi32, #tpu.memory_space<vmem>>
    %dma_wait3A_74 = tpu.memref_squeeze %dma_wait3A_73 : memref<1x80xi32, #tpu.memory_space<vmem>> -> memref<80xi32, #tpu.memory_space<vmem>>
    %dma_wait3A_75 = arith.constant 0 : i32
    %dma_wait3A_76 = arith.constant 0 : i32
    %dma_wait3A_77 = tpu.memref_slice %arg2[%dma_wait3A_75, %dma_wait3A_76] : memref<10000x128xf32, #tpu.memory_space<hbm>> -> memref<10000x128xf32, #tpu.memory_space<hbm>>
    tpu.wait_indirect_dma semaphore(%arg19 : memref<!tpu.dma_semaphore, #tpu.memory_space<semaphore_mem>>) src(%dma_wait3A_77 : memref<10000x128xf32, #tpu.memory_space<hbm>>) dst(%arg15 : memref<80x128xf32, #tpu.memory_space<vmem>>)
    %dma_wait3A_78 = arith.constant 124 : i32
    %dma_wait3A_79 = arith.constant 0 : i32
    %dma_wait3A_80 = tpu.memref_slice %arg11[%dma_wait3A_78, %dma_wait3A_79] : memref<125x80xi32, #tpu.memory_space<vmem>> -> memref<1x80xi32, #tpu.memory_space<vmem>>
    %dma_wait3A_81 = tpu.memref_squeeze %dma_wait3A_80 : memref<1x80xi32, #tpu.memory_space<vmem>> -> memref<80xi32, #tpu.memory_space<vmem>>
    %dma_wait3A_82 = arith.constant 0 : i32
    %dma_wait3A_83 = arith.constant 0 : i32
    %dma_wait3A_84 = tpu.memref_slice %arg3[%dma_wait3A_82, %dma_wait3A_83] : memref<10000x128xf32, #tpu.memory_space<hbm>> -> memref<10000x128xf32, #tpu.memory_space<hbm>>
    tpu.wait_indirect_dma semaphore(%arg19 : memref<!tpu.dma_semaphore, #tpu.memory_space<semaphore_mem>>) src(%dma_wait3A_84 : memref<10000x128xf32, #tpu.memory_space<hbm>>) dst(%arg16 : memref<80x128xf32, #tpu.memory_space<vmem>>)
    %dma_wait3A_85 = arith.constant 124 : i32
    %dma_wait3A_86 = arith.constant 0 : i32
    %dma_wait3A_87 = tpu.memref_slice %arg11[%dma_wait3A_85, %dma_wait3A_86] : memref<125x80xi32, #tpu.memory_space<vmem>> -> memref<1x80xi32, #tpu.memory_space<vmem>>
    %dma_wait3A_88 = tpu.memref_squeeze %dma_wait3A_87 : memref<1x80xi32, #tpu.memory_space<vmem>> -> memref<80xi32, #tpu.memory_space<vmem>>
    %dma_wait3A_89 = arith.constant 0 : i32
    %dma_wait3A_90 = arith.constant 0 : i32
    %dma_wait3A_91 = tpu.memref_slice %arg4[%dma_wait3A_89, %dma_wait3A_90] : memref<10000x128xf32, #tpu.memory_space<hbm>> -> memref<10000x128xf32, #tpu.memory_space<hbm>>
    tpu.wait_indirect_dma semaphore(%arg19 : memref<!tpu.dma_semaphore, #tpu.memory_space<semaphore_mem>>) src(%dma_wait3A_91 : memref<10000x128xf32, #tpu.memory_space<hbm>>) dst(%arg17 : memref<80x128xf32, #tpu.memory_space<vmem>>)
    return
  }
}

#map = affine_map<(d0, d1) -> (0, 0)>
#map1 = affine_map<(d0, d1) -> (0, 0, 0)>
module attributes {stable_mosaic.version = 14 : i64} {
  func.func @_scatter_body(%arg0: i32, %arg1: i32, %arg2: memref<320000x128xf32, #tpu.memory_space<hbm>>, %arg3: memref<320000x128xf32, #tpu.memory_space<hbm>>, %arg4: memref<320000x128xf32, #tpu.memory_space<hbm>>, %arg5: memref<32x125x80xi32, #tpu.memory_space<hbm>>, %arg6: memref<80x128xf32, #tpu.memory_space<hbm>>, %arg7: memref<10000x128xf32, #tpu.memory_space<hbm>>, %arg8: memref<10000x128xf32, #tpu.memory_space<hbm>>, %arg9: memref<10000x128xf32, #tpu.memory_space<hbm>>, %arg10: memref<10000x128xf32, #tpu.memory_space<hbm>>, %arg11: memref<10000x128xf32, #tpu.memory_space<vmem_shared>>, %arg12: memref<125x80xi32, #tpu.memory_space<vmem>>, %arg13: memref<80x128xf32, #tpu.memory_space<vmem>>, %arg14: memref<80x128xf32, #tpu.memory_space<vmem>>, %arg15: memref<!tpu.dma_semaphore, #tpu.memory_space<semaphore_mem>>, %arg16: memref<!tpu.dma_semaphore, #tpu.memory_space<semaphore_mem>>) attributes {dimension_semantics = [#tpu.dimension_semantics<core_parallel>, #tpu.dimension_semantics<subcore_parallel>], iteration_bounds = array<i64: 2, 16>, scalar_prefetch = 0 : i64, scratch_operands = 6 : i64, tpu.core_type = #tpu.core_type<sc_vector_subcore>, window_params = [{transform_indices = #map}, {transform_indices = #map}, {transform_indices = #map}, {transform_indices = #map1}, {transform_indices = #map}, {transform_indices = #map}, {transform_indices = #map}, {transform_indices = #map}, {transform_indices = #map}]} {
    %mul3A = arith.constant 624 : i32
    %mul3A_0 = arith.muli %arg1, %mul3A : i32
    %eq3A = arith.constant 15 : i32
    %eq3A_1 = arith.cmpi eq, %arg1, %eq3A : i32
    "tpu.region"() ({
      %run_scoped3A_77 = tpu.sem_alloc : memref<!tpu.dma_semaphore, #tpu.memory_space<semaphore_mem>>
      tpu.enqueue_dma source(%arg6 : memref<80x128xf32, #tpu.memory_space<hbm>>) target(%arg13 : memref<80x128xf32, #tpu.memory_space<vmem>>) target_semaphore(%run_scoped3A_77 : memref<!tpu.dma_semaphore, #tpu.memory_space<semaphore_mem>>)
      tpu.wait_dma2 semaphore(%run_scoped3A_77 : memref<!tpu.dma_semaphore, #tpu.memory_space<semaphore_mem>>) src(%arg6 : memref<80x128xf32, #tpu.memory_space<hbm>>) dst(%arg13 : memref<80x128xf32, #tpu.memory_space<vmem>>)
      tpu.yield
    }) : () -> ()
    %scan3A = arith.constant 0 : i32
    %scan3A_2 = arith.constant 0 : i32
    %scan3A_3 = arith.constant 13 : i32
    %scan3A_4 = arith.addi %scan3A_2, %scan3A_3 : i32
    %scan3A_5 = arith.constant 1 : i32
    scf.for %scan3A_77 = %scan3A_2 to %scan3A_4 step %scan3A_5  : i32 {
      %mul3A_78 = arith.constant 48 : i32
      %mul3A_79 = arith.muli %scan3A_77, %mul3A_78 : i32
      %add3A_80 = arith.addi %mul3A_0, %mul3A_79 : i32
      "tpu.region"() ({
        %run_scoped3A_81 = tpu.sem_alloc : memref<!tpu.dma_semaphore, #tpu.memory_space<semaphore_mem>>
        %dma_start3A = arith.constant 0 : i32
        %dma_start3A_82 = arith.constant 0 : i32
        %dma_start3A_83 = tpu.memref_slice %arg13[%dma_start3A, %dma_start3A_82] : memref<80x128xf32, #tpu.memory_space<vmem>> -> memref<48x128xf32, #tpu.memory_space<vmem>>
        %dma_start3A_84 = arith.constant 0 : i32
        %dma_start3A_85 = tpu.memref_slice %arg11[%add3A_80, %dma_start3A_84] : memref<10000x128xf32, #tpu.memory_space<vmem_shared>> -> memref<48x128xf32, #tpu.memory_space<vmem_shared>>
        %dma_start3A_86 = arith.constant 0 : i32
        %dma_start3A_87 = tpu.memref_slice %arg11[%add3A_80, %dma_start3A_86] : memref<10000x128xf32, #tpu.memory_space<vmem_shared>> -> memref<48x128xf32, #tpu.memory_space<vmem_shared>>
        %dma_start3A_88 = arith.constant 0 : i32
        %dma_start3A_89 = arith.constant 0 : i32
        %dma_start3A_90 = tpu.memref_slice %arg13[%dma_start3A_88, %dma_start3A_89] : memref<80x128xf32, #tpu.memory_space<vmem>> -> memref<48x128xf32, #tpu.memory_space<vmem>>
        tpu.enqueue_dma source(%dma_start3A_90 : memref<48x128xf32, #tpu.memory_space<vmem>>) target(%dma_start3A_87 : memref<48x128xf32, #tpu.memory_space<vmem_shared>>) target_semaphore(%run_scoped3A_81 : memref<!tpu.dma_semaphore, #tpu.memory_space<semaphore_mem>>)
        %dma_wait3A_91 = arith.constant 0 : i32
        %dma_wait3A_92 = arith.constant 0 : i32
        %dma_wait3A_93 = tpu.memref_slice %arg13[%dma_wait3A_91, %dma_wait3A_92] : memref<80x128xf32, #tpu.memory_space<vmem>> -> memref<48x128xf32, #tpu.memory_space<vmem>>
        %dma_wait3A_94 = arith.constant 0 : i32
        %dma_wait3A_95 = tpu.memref_slice %arg11[%add3A_80, %dma_wait3A_94] : memref<10000x128xf32, #tpu.memory_space<vmem_shared>> -> memref<48x128xf32, #tpu.memory_space<vmem_shared>>
        %dma_wait3A_96 = arith.constant 0 : i32
        %dma_wait3A_97 = tpu.memref_slice %arg11[%add3A_80, %dma_wait3A_96] : memref<10000x128xf32, #tpu.memory_space<vmem_shared>> -> memref<48x128xf32, #tpu.memory_space<vmem_shared>>
        %dma_wait3A_98 = arith.constant 0 : i32
        %dma_wait3A_99 = arith.constant 0 : i32
        %dma_wait3A_100 = tpu.memref_slice %arg13[%dma_wait3A_98, %dma_wait3A_99] : memref<80x128xf32, #tpu.memory_space<vmem>> -> memref<48x128xf32, #tpu.memory_space<vmem>>
        tpu.wait_dma2 semaphore(%run_scoped3A_81 : memref<!tpu.dma_semaphore, #tpu.memory_space<semaphore_mem>>) src(%dma_wait3A_100 : memref<48x128xf32, #tpu.memory_space<vmem>>) dst(%dma_wait3A_97 : memref<48x128xf32, #tpu.memory_space<vmem_shared>>)
        tpu.yield
      }) : () -> ()
    }
    %scan3A_6 = arith.constant 13 : i32
    %convert_element_type3A = arith.extui %eq3A_1 : i1 to i32
    %cond3A = arith.constant 0 : i32
    %cond3A_7 = arith.cmpi ne, %convert_element_type3A, %cond3A : i32
    scf.if %cond3A_7 {
      "tpu.region"() ({
        %run_scoped3A_77 = tpu.sem_alloc : memref<!tpu.dma_semaphore, #tpu.memory_space<semaphore_mem>>
        %dma_start3A = arith.constant 0 : i32
        %dma_start3A_78 = arith.constant 0 : i32
        %dma_start3A_79 = tpu.memref_slice %arg13[%dma_start3A, %dma_start3A_78] : memref<80x128xf32, #tpu.memory_space<vmem>> -> memref<16x128xf32, #tpu.memory_space<vmem>>
        %dma_start3A_80 = arith.constant 9984 : i32
        %dma_start3A_81 = arith.constant 0 : i32
        %dma_start3A_82 = tpu.memref_slice %arg11[%dma_start3A_80, %dma_start3A_81] : memref<10000x128xf32, #tpu.memory_space<vmem_shared>> -> memref<16x128xf32, #tpu.memory_space<vmem_shared>>
        %dma_start3A_83 = arith.constant 9984 : i32
        %dma_start3A_84 = arith.constant 0 : i32
        %dma_start3A_85 = tpu.memref_slice %arg11[%dma_start3A_83, %dma_start3A_84] : memref<10000x128xf32, #tpu.memory_space<vmem_shared>> -> memref<16x128xf32, #tpu.memory_space<vmem_shared>>
        %dma_start3A_86 = arith.constant 0 : i32
        %dma_start3A_87 = arith.constant 0 : i32
        %dma_start3A_88 = tpu.memref_slice %arg13[%dma_start3A_86, %dma_start3A_87] : memref<80x128xf32, #tpu.memory_space<vmem>> -> memref<16x128xf32, #tpu.memory_space<vmem>>
        tpu.enqueue_dma source(%dma_start3A_88 : memref<16x128xf32, #tpu.memory_space<vmem>>) target(%dma_start3A_85 : memref<16x128xf32, #tpu.memory_space<vmem_shared>>) target_semaphore(%run_scoped3A_77 : memref<!tpu.dma_semaphore, #tpu.memory_space<semaphore_mem>>)
        %dma_wait3A_89 = arith.constant 0 : i32
        %dma_wait3A_90 = arith.constant 0 : i32
        %dma_wait3A_91 = tpu.memref_slice %arg13[%dma_wait3A_89, %dma_wait3A_90] : memref<80x128xf32, #tpu.memory_space<vmem>> -> memref<16x128xf32, #tpu.memory_space<vmem>>
        %dma_wait3A_92 = arith.constant 9984 : i32
        %dma_wait3A_93 = arith.constant 0 : i32
        %dma_wait3A_94 = tpu.memref_slice %arg11[%dma_wait3A_92, %dma_wait3A_93] : memref<10000x128xf32, #tpu.memory_space<vmem_shared>> -> memref<16x128xf32, #tpu.memory_space<vmem_shared>>
        %dma_wait3A_95 = arith.constant 9984 : i32
        %dma_wait3A_96 = arith.constant 0 : i32
        %dma_wait3A_97 = tpu.memref_slice %arg11[%dma_wait3A_95, %dma_wait3A_96] : memref<10000x128xf32, #tpu.memory_space<vmem_shared>> -> memref<16x128xf32, #tpu.memory_space<vmem_shared>>
        %dma_wait3A_98 = arith.constant 0 : i32
        %dma_wait3A_99 = arith.constant 0 : i32
        %dma_wait3A_100 = tpu.memref_slice %arg13[%dma_wait3A_98, %dma_wait3A_99] : memref<80x128xf32, #tpu.memory_space<vmem>> -> memref<16x128xf32, #tpu.memory_space<vmem>>
        tpu.wait_dma2 semaphore(%run_scoped3A_77 : memref<!tpu.dma_semaphore, #tpu.memory_space<semaphore_mem>>) src(%dma_wait3A_100 : memref<16x128xf32, #tpu.memory_space<vmem>>) dst(%dma_wait3A_97 : memref<16x128xf32, #tpu.memory_space<vmem_shared>>)
        tpu.yield
      }) : () -> ()
    } else {
    }
    %barrier3A = arith.constant 0 : index
    tpu.barrier barrier_id(%barrier3A)
    %eq3A_8 = arith.constant 0 : i32
    %eq3A_9 = arith.cmpi eq, %arg0, %eq3A_8 : i32
    %convert_element_type3A_10 = arith.extui %eq3A_9 : i1 to i32
    %cond3A_11 = arith.constant 0 : i32
    %cond3A_12 = arith.cmpi ne, %convert_element_type3A_10, %cond3A_11 : i32
    scf.if %cond3A_12 {
      %mul3A_77 = arith.constant 2 : i32
      %mul3A_78 = arith.muli %mul3A_77, %arg1 : i32
      %mul3A_79 = arith.constant 2 : i32
      %mul3A_80 = arith.muli %mul3A_79, %arg1 : i32
      %mul3A_81 = arith.constant 125 : i32
      %mul3A_82 = arith.muli %mul3A_80, %mul3A_81 : i32
      %mul3A_83 = arith.constant 80 : i32
      %mul3A_84 = arith.muli %mul3A_82, %mul3A_83 : i32
      "tpu.region"() ({
        %run_scoped3A_143 = tpu.sem_alloc : memref<!tpu.dma_semaphore, #tpu.memory_space<semaphore_mem>>
        %dma_start3A = arith.constant 0 : i32
        %dma_start3A_144 = arith.constant 0 : i32
        %dma_start3A_145 = tpu.memref_slice %arg12[%dma_start3A, %dma_start3A_144] : memref<125x80xi32, #tpu.memory_space<vmem>> -> memref<125x80xi32, #tpu.memory_space<vmem>>
        %dma_start3A_146 = arith.constant 0 : i32
        %dma_start3A_147 = arith.constant 0 : i32
        %dma_start3A_148 = tpu.memref_slice %arg5[%mul3A_78, %dma_start3A_146, %dma_start3A_147] : memref<32x125x80xi32, #tpu.memory_space<hbm>> -> memref<1x125x80xi32, #tpu.memory_space<hbm>>
        %dma_start3A_149 = tpu.memref_squeeze %dma_start3A_148 : memref<1x125x80xi32, #tpu.memory_space<hbm>> -> memref<125x80xi32, #tpu.memory_space<hbm>>
        %dma_start3A_150 = arith.constant 0 : i32
        %dma_start3A_151 = arith.constant 0 : i32
        %dma_start3A_152 = tpu.memref_slice %arg12[%dma_start3A_150, %dma_start3A_151] : memref<125x80xi32, #tpu.memory_space<vmem>> -> memref<125x80xi32, #tpu.memory_space<vmem>>
        %dma_start3A_153 = arith.constant 0 : i32
        %dma_start3A_154 = arith.constant 0 : i32
        %dma_start3A_155 = tpu.memref_slice %arg5[%mul3A_78, %dma_start3A_153, %dma_start3A_154] : memref<32x125x80xi32, #tpu.memory_space<hbm>> -> memref<1x125x80xi32, #tpu.memory_space<hbm>>
        %dma_start3A_156 = tpu.memref_squeeze %dma_start3A_155 : memref<1x125x80xi32, #tpu.memory_space<hbm>> -> memref<125x80xi32, #tpu.memory_space<hbm>>
        tpu.enqueue_dma source(%dma_start3A_156 : memref<125x80xi32, #tpu.memory_space<hbm>>) target(%dma_start3A_152 : memref<125x80xi32, #tpu.memory_space<vmem>>) target_semaphore(%run_scoped3A_143 : memref<!tpu.dma_semaphore, #tpu.memory_space<semaphore_mem>>)
        %dma_wait3A_157 = arith.constant 0 : i32
        %dma_wait3A_158 = arith.constant 0 : i32
        %dma_wait3A_159 = tpu.memref_slice %arg12[%dma_wait3A_157, %dma_wait3A_158] : memref<125x80xi32, #tpu.memory_space<vmem>> -> memref<125x80xi32, #tpu.memory_space<vmem>>
        %dma_wait3A_160 = arith.constant 0 : i32
        %dma_wait3A_161 = arith.constant 0 : i32
        %dma_wait3A_162 = tpu.memref_slice %arg5[%mul3A_78, %dma_wait3A_160, %dma_wait3A_161] : memref<32x125x80xi32, #tpu.memory_space<hbm>> -> memref<1x125x80xi32, #tpu.memory_space<hbm>>
        %dma_wait3A_163 = tpu.memref_squeeze %dma_wait3A_162 : memref<1x125x80xi32, #tpu.memory_space<hbm>> -> memref<125x80xi32, #tpu.memory_space<hbm>>
        %dma_wait3A_164 = arith.constant 0 : i32
        %dma_wait3A_165 = arith.constant 0 : i32
        %dma_wait3A_166 = tpu.memref_slice %arg12[%dma_wait3A_164, %dma_wait3A_165] : memref<125x80xi32, #tpu.memory_space<vmem>> -> memref<125x80xi32, #tpu.memory_space<vmem>>
        %dma_wait3A_167 = arith.constant 0 : i32
        %dma_wait3A_168 = arith.constant 0 : i32
        %dma_wait3A_169 = tpu.memref_slice %arg5[%mul3A_78, %dma_wait3A_167, %dma_wait3A_168] : memref<32x125x80xi32, #tpu.memory_space<hbm>> -> memref<1x125x80xi32, #tpu.memory_space<hbm>>
        %dma_wait3A_170 = tpu.memref_squeeze %dma_wait3A_169 : memref<1x125x80xi32, #tpu.memory_space<hbm>> -> memref<125x80xi32, #tpu.memory_space<hbm>>
        tpu.wait_dma2 semaphore(%run_scoped3A_143 : memref<!tpu.dma_semaphore, #tpu.memory_space<semaphore_mem>>) src(%dma_wait3A_170 : memref<125x80xi32, #tpu.memory_space<hbm>>) dst(%dma_wait3A_166 : memref<125x80xi32, #tpu.memory_space<vmem>>)
        tpu.yield
      }) : () -> ()
      %scan3A_85 = arith.constant 0 : i32
      %scan3A_86 = arith.constant 0 : i32
      %scan3A_87 = arith.constant 62 : i32
      %scan3A_88 = arith.addi %scan3A_86, %scan3A_87 : i32
      %scan3A_89 = arith.constant 1 : i32
      scf.for %scan3A_143 = %scan3A_86 to %scan3A_88 step %scan3A_89  : i32 {
        %mul3A_144 = arith.constant 2 : i32
        %mul3A_145 = arith.muli %mul3A_144, %scan3A_143 : i32
        %add3A_146 = arith.constant 1 : i32
        %add3A_147 = arith.addi %mul3A_145, %add3A_146 : i32
        %gt3A = arith.constant 0 : i32
        %gt3A_148 = arith.cmpi sgt, %scan3A_143, %gt3A : i32
        %convert_element_type3A_149 = arith.extui %gt3A_148 : i1 to i32
        %cond3A_150 = arith.constant 0 : i32
        %cond3A_151 = arith.cmpi ne, %convert_element_type3A_149, %cond3A_150 : i32
        scf.if %cond3A_151 {
          %sub3A = arith.constant 2 : i32
          %sub3A_174 = arith.subi %mul3A_145, %sub3A : i32
          %dma_wait3A_175 = arith.constant 0 : i32
          %dma_wait3A_176 = tpu.memref_slice %arg12[%sub3A_174, %dma_wait3A_175] : memref<125x80xi32, #tpu.memory_space<vmem>> -> memref<1x80xi32, #tpu.memory_space<vmem>>
          %dma_wait3A_177 = tpu.memref_squeeze %dma_wait3A_176 : memref<1x80xi32, #tpu.memory_space<vmem>> -> memref<80xi32, #tpu.memory_space<vmem>>
          %dma_wait3A_178 = arith.constant 0 : i32
          %dma_wait3A_179 = arith.constant 0 : i32
          %dma_wait3A_180 = tpu.memref_slice %arg11[%dma_wait3A_178, %dma_wait3A_179] : memref<10000x128xf32, #tpu.memory_space<vmem_shared>> -> memref<10000x128xf32, #tpu.memory_space<vmem_shared>>
          tpu.wait_indirect_dma semaphore(%arg15 : memref<!tpu.dma_semaphore, #tpu.memory_space<semaphore_mem>>) src(%arg13 : memref<80x128xf32, #tpu.memory_space<vmem>>) dst(%dma_wait3A_180 : memref<10000x128xf32, #tpu.memory_space<vmem_shared>>)
        } else {
        }
        %mul3A_152 = arith.constant 80 : i32
        %mul3A_153 = arith.muli %mul3A_145, %mul3A_152 : i32
        %add3A_154 = arith.addi %mul3A_84, %mul3A_153 : i32
        "tpu.region"() ({
          %run_scoped3A_174 = tpu.sem_alloc : memref<!tpu.dma_semaphore, #tpu.memory_space<semaphore_mem>>
          %dma_start3A_175 = arith.constant 0 : i32
          %dma_start3A_176 = tpu.memref_slice %arg2[%add3A_154, %dma_start3A_175] : memref<320000x128xf32, #tpu.memory_space<hbm>> -> memref<80x128xf32, #tpu.memory_space<hbm>>
          %dma_start3A_177 = arith.constant 0 : i32
          %dma_start3A_178 = tpu.memref_slice %arg2[%add3A_154, %dma_start3A_177] : memref<320000x128xf32, #tpu.memory_space<hbm>> -> memref<80x128xf32, #tpu.memory_space<hbm>>
          tpu.enqueue_dma source(%dma_start3A_178 : memref<80x128xf32, #tpu.memory_space<hbm>>) target(%arg13 : memref<80x128xf32, #tpu.memory_space<vmem>>) target_semaphore(%run_scoped3A_174 : memref<!tpu.dma_semaphore, #tpu.memory_space<semaphore_mem>>)
          %dma_wait3A_179 = arith.constant 0 : i32
          %dma_wait3A_180 = tpu.memref_slice %arg2[%add3A_154, %dma_wait3A_179] : memref<320000x128xf32, #tpu.memory_space<hbm>> -> memref<80x128xf32, #tpu.memory_space<hbm>>
          %dma_wait3A_181 = arith.constant 0 : i32
          %dma_wait3A_182 = tpu.memref_slice %arg2[%add3A_154, %dma_wait3A_181] : memref<320000x128xf32, #tpu.memory_space<hbm>> -> memref<80x128xf32, #tpu.memory_space<hbm>>
          tpu.wait_dma2 semaphore(%run_scoped3A_174 : memref<!tpu.dma_semaphore, #tpu.memory_space<semaphore_mem>>) src(%dma_wait3A_182 : memref<80x128xf32, #tpu.memory_space<hbm>>) dst(%arg13 : memref<80x128xf32, #tpu.memory_space<vmem>>)
          tpu.yield
        }) : () -> ()
        %dma_start3A = arith.constant 0 : i32
        %dma_start3A_155 = tpu.memref_slice %arg12[%mul3A_145, %dma_start3A] : memref<125x80xi32, #tpu.memory_space<vmem>> -> memref<1x80xi32, #tpu.memory_space<vmem>>
        %dma_start3A_156 = tpu.memref_squeeze %dma_start3A_155 : memref<1x80xi32, #tpu.memory_space<vmem>> -> memref<80xi32, #tpu.memory_space<vmem>>
        %dma_start3A_157 = arith.constant 0 : i32
        %dma_start3A_158 = arith.constant 0 : i32
        %dma_start3A_159 = tpu.memref_slice %arg11[%dma_start3A_157, %dma_start3A_158] : memref<10000x128xf32, #tpu.memory_space<vmem_shared>> -> memref<10000x128xf32, #tpu.memory_space<vmem_shared>>
        tpu.enqueue_indirect_dma source(%arg13 : memref<80x128xf32, #tpu.memory_space<vmem>>) target(%dma_start3A_159 : memref<10000x128xf32, #tpu.memory_space<vmem_shared>>) offsets(%dma_start3A_156 : memref<80xi32, #tpu.memory_space<vmem>>) semaphore(%arg15 : memref<!tpu.dma_semaphore, #tpu.memory_space<semaphore_mem>>) {add = true}
        %gt3A_160 = arith.constant 0 : i32
        %gt3A_161 = arith.cmpi sgt, %scan3A_143, %gt3A_160 : i32
        %convert_element_type3A_162 = arith.extui %gt3A_161 : i1 to i32
        %cond3A_163 = arith.constant 0 : i32
        %cond3A_164 = arith.cmpi ne, %convert_element_type3A_162, %cond3A_163 : i32
        scf.if %cond3A_164 {
          %sub3A = arith.constant 2 : i32
          %sub3A_174 = arith.subi %add3A_147, %sub3A : i32
          %dma_wait3A_175 = arith.constant 0 : i32
          %dma_wait3A_176 = tpu.memref_slice %arg12[%sub3A_174, %dma_wait3A_175] : memref<125x80xi32, #tpu.memory_space<vmem>> -> memref<1x80xi32, #tpu.memory_space<vmem>>
          %dma_wait3A_177 = tpu.memref_squeeze %dma_wait3A_176 : memref<1x80xi32, #tpu.memory_space<vmem>> -> memref<80xi32, #tpu.memory_space<vmem>>
          %dma_wait3A_178 = arith.constant 0 : i32
          %dma_wait3A_179 = arith.constant 0 : i32
          %dma_wait3A_180 = tpu.memref_slice %arg11[%dma_wait3A_178, %dma_wait3A_179] : memref<10000x128xf32, #tpu.memory_space<vmem_shared>> -> memref<10000x128xf32, #tpu.memory_space<vmem_shared>>
          tpu.wait_indirect_dma semaphore(%arg16 : memref<!tpu.dma_semaphore, #tpu.memory_space<semaphore_mem>>) src(%arg14 : memref<80x128xf32, #tpu.memory_space<vmem>>) dst(%dma_wait3A_180 : memref<10000x128xf32, #tpu.memory_space<vmem_shared>>)
        } else {
        }
        %mul3A_165 = arith.constant 80 : i32
        %mul3A_166 = arith.muli %add3A_147, %mul3A_165 : i32
        %add3A_167 = arith.addi %mul3A_84, %mul3A_166 : i32
        "tpu.region"() ({
          %run_scoped3A_174 = tpu.sem_alloc : memref<!tpu.dma_semaphore, #tpu.memory_space<semaphore_mem>>
          %dma_start3A_175 = arith.constant 0 : i32
          %dma_start3A_176 = tpu.memref_slice %arg2[%add3A_167, %dma_start3A_175] : memref<320000x128xf32, #tpu.memory_space<hbm>> -> memref<80x128xf32, #tpu.memory_space<hbm>>
          %dma_start3A_177 = arith.constant 0 : i32
          %dma_start3A_178 = tpu.memref_slice %arg2[%add3A_167, %dma_start3A_177] : memref<320000x128xf32, #tpu.memory_space<hbm>> -> memref<80x128xf32, #tpu.memory_space<hbm>>
          tpu.enqueue_dma source(%dma_start3A_178 : memref<80x128xf32, #tpu.memory_space<hbm>>) target(%arg14 : memref<80x128xf32, #tpu.memory_space<vmem>>) target_semaphore(%run_scoped3A_174 : memref<!tpu.dma_semaphore, #tpu.memory_space<semaphore_mem>>)
          %dma_wait3A_179 = arith.constant 0 : i32
          %dma_wait3A_180 = tpu.memref_slice %arg2[%add3A_167, %dma_wait3A_179] : memref<320000x128xf32, #tpu.memory_space<hbm>> -> memref<80x128xf32, #tpu.memory_space<hbm>>
          %dma_wait3A_181 = arith.constant 0 : i32
          %dma_wait3A_182 = tpu.memref_slice %arg2[%add3A_167, %dma_wait3A_181] : memref<320000x128xf32, #tpu.memory_space<hbm>> -> memref<80x128xf32, #tpu.memory_space<hbm>>
          tpu.wait_dma2 semaphore(%run_scoped3A_174 : memref<!tpu.dma_semaphore, #tpu.memory_space<semaphore_mem>>) src(%dma_wait3A_182 : memref<80x128xf32, #tpu.memory_space<hbm>>) dst(%arg14 : memref<80x128xf32, #tpu.memory_space<vmem>>)
          tpu.yield
        }) : () -> ()
        %dma_start3A_168 = arith.constant 0 : i32
        %dma_start3A_169 = tpu.memref_slice %arg12[%add3A_147, %dma_start3A_168] : memref<125x80xi32, #tpu.memory_space<vmem>> -> memref<1x80xi32, #tpu.memory_space<vmem>>
        %dma_start3A_170 = tpu.memref_squeeze %dma_start3A_169 : memref<1x80xi32, #tpu.memory_space<vmem>> -> memref<80xi32, #tpu.memory_space<vmem>>
        %dma_start3A_171 = arith.constant 0 : i32
        %dma_start3A_172 = arith.constant 0 : i32
        %dma_start3A_173 = tpu.memref_slice %arg11[%dma_start3A_171, %dma_start3A_172] : memref<10000x128xf32, #tpu.memory_space<vmem_shared>> -> memref<10000x128xf32, #tpu.memory_space<vmem_shared>>
        tpu.enqueue_indirect_dma source(%arg14 : memref<80x128xf32, #tpu.memory_space<vmem>>) target(%dma_start3A_173 : memref<10000x128xf32, #tpu.memory_space<vmem_shared>>) offsets(%dma_start3A_170 : memref<80xi32, #tpu.memory_space<vmem>>) semaphore(%arg16 : memref<!tpu.dma_semaphore, #tpu.memory_space<semaphore_mem>>) {add = true}
      }
      %scan3A_90 = arith.constant 62 : i32
      %dma_wait3A_91 = arith.constant 122 : i32
      %dma_wait3A_92 = arith.constant 0 : i32
      %dma_wait3A_93 = tpu.memref_slice %arg12[%dma_wait3A_91, %dma_wait3A_92] : memref<125x80xi32, #tpu.memory_space<vmem>> -> memref<1x80xi32, #tpu.memory_space<vmem>>
      %dma_wait3A_94 = tpu.memref_squeeze %dma_wait3A_93 : memref<1x80xi32, #tpu.memory_space<vmem>> -> memref<80xi32, #tpu.memory_space<vmem>>
      %dma_wait3A_95 = arith.constant 0 : i32
      %dma_wait3A_96 = arith.constant 0 : i32
      %dma_wait3A_97 = tpu.memref_slice %arg11[%dma_wait3A_95, %dma_wait3A_96] : memref<10000x128xf32, #tpu.memory_space<vmem_shared>> -> memref<10000x128xf32, #tpu.memory_space<vmem_shared>>
      tpu.wait_indirect_dma semaphore(%arg15 : memref<!tpu.dma_semaphore, #tpu.memory_space<semaphore_mem>>) src(%arg13 : memref<80x128xf32, #tpu.memory_space<vmem>>) dst(%dma_wait3A_97 : memref<10000x128xf32, #tpu.memory_space<vmem_shared>>)
      %dma_wait3A_98 = arith.constant 123 : i32
      %dma_wait3A_99 = arith.constant 0 : i32
      %dma_wait3A_100 = tpu.memref_slice %arg12[%dma_wait3A_98, %dma_wait3A_99] : memref<125x80xi32, #tpu.memory_space<vmem>> -> memref<1x80xi32, #tpu.memory_space<vmem>>
      %dma_wait3A_101 = tpu.memref_squeeze %dma_wait3A_100 : memref<1x80xi32, #tpu.memory_space<vmem>> -> memref<80xi32, #tpu.memory_space<vmem>>
      %dma_wait3A_102 = arith.constant 0 : i32
      %dma_wait3A_103 = arith.constant 0 : i32
      %dma_wait3A_104 = tpu.memref_slice %arg11[%dma_wait3A_102, %dma_wait3A_103] : memref<10000x128xf32, #tpu.memory_space<vmem_shared>> -> memref<10000x128xf32, #tpu.memory_space<vmem_shared>>
      tpu.wait_indirect_dma semaphore(%arg16 : memref<!tpu.dma_semaphore, #tpu.memory_space<semaphore_mem>>) src(%arg14 : memref<80x128xf32, #tpu.memory_space<vmem>>) dst(%dma_wait3A_104 : memref<10000x128xf32, #tpu.memory_space<vmem_shared>>)
      %add3A_105 = arith.constant 9920 : i32
      %add3A_106 = arith.addi %mul3A_84, %add3A_105 : i32
      "tpu.region"() ({
        %run_scoped3A_143 = tpu.sem_alloc : memref<!tpu.dma_semaphore, #tpu.memory_space<semaphore_mem>>
        %dma_start3A = arith.constant 0 : i32
        %dma_start3A_144 = tpu.memref_slice %arg2[%add3A_106, %dma_start3A] : memref<320000x128xf32, #tpu.memory_space<hbm>> -> memref<80x128xf32, #tpu.memory_space<hbm>>
        %dma_start3A_145 = arith.constant 0 : i32
        %dma_start3A_146 = tpu.memref_slice %arg2[%add3A_106, %dma_start3A_145] : memref<320000x128xf32, #tpu.memory_space<hbm>> -> memref<80x128xf32, #tpu.memory_space<hbm>>
        tpu.enqueue_dma source(%dma_start3A_146 : memref<80x128xf32, #tpu.memory_space<hbm>>) target(%arg13 : memref<80x128xf32, #tpu.memory_space<vmem>>) target_semaphore(%run_scoped3A_143 : memref<!tpu.dma_semaphore, #tpu.memory_space<semaphore_mem>>)
        %dma_wait3A_147 = arith.constant 0 : i32
        %dma_wait3A_148 = tpu.memref_slice %arg2[%add3A_106, %dma_wait3A_147] : memref<320000x128xf32, #tpu.memory_space<hbm>> -> memref<80x128xf32, #tpu.memory_space<hbm>>
        %dma_wait3A_149 = arith.constant 0 : i32
        %dma_wait3A_150 = tpu.memref_slice %arg2[%add3A_106, %dma_wait3A_149] : memref<320000x128xf32, #tpu.memory_space<hbm>> -> memref<80x128xf32, #tpu.memory_space<hbm>>
        tpu.wait_dma2 semaphore(%run_scoped3A_143 : memref<!tpu.dma_semaphore, #tpu.memory_space<semaphore_mem>>) src(%dma_wait3A_150 : memref<80x128xf32, #tpu.memory_space<hbm>>) dst(%arg13 : memref<80x128xf32, #tpu.memory_space<vmem>>)
        tpu.yield
      }) : () -> ()
      %run_scoped3A_107 = arith.constant 124 : i32
      "tpu.region"() ({
        %run_scoped3A_143 = tpu.sem_alloc : memref<!tpu.dma_semaphore, #tpu.memory_space<semaphore_mem>>
        %dma_start3A = arith.constant 0 : i32
        %dma_start3A_144 = tpu.memref_slice %arg12[%run_scoped3A_107, %dma_start3A] : memref<125x80xi32, #tpu.memory_space<vmem>> -> memref<1x80xi32, #tpu.memory_space<vmem>>
        %dma_start3A_145 = tpu.memref_squeeze %dma_start3A_144 : memref<1x80xi32, #tpu.memory_space<vmem>> -> memref<80xi32, #tpu.memory_space<vmem>>
        %dma_start3A_146 = arith.constant 0 : i32
        %dma_start3A_147 = arith.constant 0 : i32
        %dma_start3A_148 = tpu.memref_slice %arg11[%dma_start3A_146, %dma_start3A_147] : memref<10000x128xf32, #tpu.memory_space<vmem_shared>> -> memref<10000x128xf32, #tpu.memory_space<vmem_shared>>
        tpu.enqueue_indirect_dma source(%arg13 : memref<80x128xf32, #tpu.memory_space<vmem>>) target(%dma_start3A_148 : memref<10000x128xf32, #tpu.memory_space<vmem_shared>>) offsets(%dma_start3A_145 : memref<80xi32, #tpu.memory_space<vmem>>) semaphore(%run_scoped3A_143 : memref<!tpu.dma_semaphore, #tpu.memory_space<semaphore_mem>>) {add = true}
        %dma_wait3A_149 = arith.constant 0 : i32
        %dma_wait3A_150 = tpu.memref_slice %arg12[%run_scoped3A_107, %dma_wait3A_149] : memref<125x80xi32, #tpu.memory_space<vmem>> -> memref<1x80xi32, #tpu.memory_space<vmem>>
        %dma_wait3A_151 = tpu.memref_squeeze %dma_wait3A_150 : memref<1x80xi32, #tpu.memory_space<vmem>> -> memref<80xi32, #tpu.memory_space<vmem>>
        %dma_wait3A_152 = arith.constant 0 : i32
        %dma_wait3A_153 = arith.constant 0 : i32
        %dma_wait3A_154 = tpu.memref_slice %arg11[%dma_wait3A_152, %dma_wait3A_153] : memref<10000x128xf32, #tpu.memory_space<vmem_shared>> -> memref<10000x128xf32, #tpu.memory_space<vmem_shared>>
        tpu.wait_indirect_dma semaphore(%run_scoped3A_143 : memref<!tpu.dma_semaphore, #tpu.memory_space<semaphore_mem>>) src(%arg13 : memref<80x128xf32, #tpu.memory_space<vmem>>) dst(%dma_wait3A_154 : memref<10000x128xf32, #tpu.memory_space<vmem_shared>>)
        tpu.yield
      }) : () -> ()
      %mul3A_108 = arith.constant 2 : i32
      %mul3A_109 = arith.muli %mul3A_108, %arg1 : i32
      %add3A_110 = arith.constant 1 : i32
      %add3A_111 = arith.addi %mul3A_109, %add3A_110 : i32
      %mul3A_112 = arith.constant 2 : i32
      %mul3A_113 = arith.muli %mul3A_112, %arg1 : i32
      %add3A_114 = arith.constant 1 : i32
      %add3A_115 = arith.addi %mul3A_113, %add3A_114 : i32
      %mul3A_116 = arith.constant 125 : i32
      %mul3A_117 = arith.muli %add3A_115, %mul3A_116 : i32
      %mul3A_118 = arith.constant 80 : i32
      %mul3A_119 = arith.muli %mul3A_117, %mul3A_118 : i32
      "tpu.region"() ({
        %run_scoped3A_143 = tpu.sem_alloc : memref<!tpu.dma_semaphore, #tpu.memory_space<semaphore_mem>>
        %dma_start3A = arith.constant 0 : i32
        %dma_start3A_144 = arith.constant 0 : i32
        %dma_start3A_145 = tpu.memref_slice %arg12[%dma_start3A, %dma_start3A_144] : memref<125x80xi32, #tpu.memory_space<vmem>> -> memref<125x80xi32, #tpu.memory_space<vmem>>
        %dma_start3A_146 = arith.constant 0 : i32
        %dma_start3A_147 = arith.constant 0 : i32
        %dma_start3A_148 = tpu.memref_slice %arg5[%add3A_111, %dma_start3A_146, %dma_start3A_147] : memref<32x125x80xi32, #tpu.memory_space<hbm>> -> memref<1x125x80xi32, #tpu.memory_space<hbm>>
        %dma_start3A_149 = tpu.memref_squeeze %dma_start3A_148 : memref<1x125x80xi32, #tpu.memory_space<hbm>> -> memref<125x80xi32, #tpu.memory_space<hbm>>
        %dma_start3A_150 = arith.constant 0 : i32
        %dma_start3A_151 = arith.constant 0 : i32
        %dma_start3A_152 = tpu.memref_slice %arg12[%dma_start3A_150, %dma_start3A_151] : memref<125x80xi32, #tpu.memory_space<vmem>> -> memref<125x80xi32, #tpu.memory_space<vmem>>
        %dma_start3A_153 = arith.constant 0 : i32
        %dma_start3A_154 = arith.constant 0 : i32
        %dma_start3A_155 = tpu.memref_slice %arg5[%add3A_111, %dma_start3A_153, %dma_start3A_154] : memref<32x125x80xi32, #tpu.memory_space<hbm>> -> memref<1x125x80xi32, #tpu.memory_space<hbm>>
        %dma_start3A_156 = tpu.memref_squeeze %dma_start3A_155 : memref<1x125x80xi32, #tpu.memory_space<hbm>> -> memref<125x80xi32, #tpu.memory_space<hbm>>
        tpu.enqueue_dma source(%dma_start3A_156 : memref<125x80xi32, #tpu.memory_space<hbm>>) target(%dma_start3A_152 : memref<125x80xi32, #tpu.memory_space<vmem>>) target_semaphore(%run_scoped3A_143 : memref<!tpu.dma_semaphore, #tpu.memory_space<semaphore_mem>>)
        %dma_wait3A_157 = arith.constant 0 : i32
        %dma_wait3A_158 = arith.constant 0 : i32
        %dma_wait3A_159 = tpu.memref_slice %arg12[%dma_wait3A_157, %dma_wait3A_158] : memref<125x80xi32, #tpu.memory_space<vmem>> -> memref<125x80xi32, #tpu.memory_space<vmem>>
        %dma_wait3A_160 = arith.constant 0 : i32
        %dma_wait3A_161 = arith.constant 0 : i32
        %dma_wait3A_162 = tpu.memref_slice %arg5[%add3A_111, %dma_wait3A_160, %dma_wait3A_161] : memref<32x125x80xi32, #tpu.memory_space<hbm>> -> memref<1x125x80xi32, #tpu.memory_space<hbm>>
        %dma_wait3A_163 = tpu.memref_squeeze %dma_wait3A_162 : memref<1x125x80xi32, #tpu.memory_space<hbm>> -> memref<125x80xi32, #tpu.memory_space<hbm>>
        %dma_wait3A_164 = arith.constant 0 : i32
        %dma_wait3A_165 = arith.constant 0 : i32
        %dma_wait3A_166 = tpu.memref_slice %arg12[%dma_wait3A_164, %dma_wait3A_165] : memref<125x80xi32, #tpu.memory_space<vmem>> -> memref<125x80xi32, #tpu.memory_space<vmem>>
        %dma_wait3A_167 = arith.constant 0 : i32
        %dma_wait3A_168 = arith.constant 0 : i32
        %dma_wait3A_169 = tpu.memref_slice %arg5[%add3A_111, %dma_wait3A_167, %dma_wait3A_168] : memref<32x125x80xi32, #tpu.memory_space<hbm>> -> memref<1x125x80xi32, #tpu.memory_space<hbm>>
        %dma_wait3A_170 = tpu.memref_squeeze %dma_wait3A_169 : memref<1x125x80xi32, #tpu.memory_space<hbm>> -> memref<125x80xi32, #tpu.memory_space<hbm>>
        tpu.wait_dma2 semaphore(%run_scoped3A_143 : memref<!tpu.dma_semaphore, #tpu.memory_space<semaphore_mem>>) src(%dma_wait3A_170 : memref<125x80xi32, #tpu.memory_space<hbm>>) dst(%dma_wait3A_166 : memref<125x80xi32, #tpu.memory_space<vmem>>)
        tpu.yield
      }) : () -> ()
      %scan3A_120 = arith.constant 0 : i32
      %scan3A_121 = arith.constant 0 : i32
      %scan3A_122 = arith.constant 62 : i32
      %scan3A_123 = arith.addi %scan3A_121, %scan3A_122 : i32
      %scan3A_124 = arith.constant 1 : i32
      scf.for %scan3A_143 = %scan3A_121 to %scan3A_123 step %scan3A_124  : i32 {
        %mul3A_144 = arith.constant 2 : i32
        %mul3A_145 = arith.muli %mul3A_144, %scan3A_143 : i32
        %add3A_146 = arith.constant 1 : i32
        %add3A_147 = arith.addi %mul3A_145, %add3A_146 : i32
        %gt3A = arith.constant 0 : i32
        %gt3A_148 = arith.cmpi sgt, %scan3A_143, %gt3A : i32
        %convert_element_type3A_149 = arith.extui %gt3A_148 : i1 to i32
        %cond3A_150 = arith.constant 0 : i32
        %cond3A_151 = arith.cmpi ne, %convert_element_type3A_149, %cond3A_150 : i32
        scf.if %cond3A_151 {
          %sub3A = arith.constant 2 : i32
          %sub3A_174 = arith.subi %mul3A_145, %sub3A : i32
          %dma_wait3A_175 = arith.constant 0 : i32
          %dma_wait3A_176 = tpu.memref_slice %arg12[%sub3A_174, %dma_wait3A_175] : memref<125x80xi32, #tpu.memory_space<vmem>> -> memref<1x80xi32, #tpu.memory_space<vmem>>
          %dma_wait3A_177 = tpu.memref_squeeze %dma_wait3A_176 : memref<1x80xi32, #tpu.memory_space<vmem>> -> memref<80xi32, #tpu.memory_space<vmem>>
          %dma_wait3A_178 = arith.constant 0 : i32
          %dma_wait3A_179 = arith.constant 0 : i32
          %dma_wait3A_180 = tpu.memref_slice %arg11[%dma_wait3A_178, %dma_wait3A_179] : memref<10000x128xf32, #tpu.memory_space<vmem_shared>> -> memref<10000x128xf32, #tpu.memory_space<vmem_shared>>
          tpu.wait_indirect_dma semaphore(%arg15 : memref<!tpu.dma_semaphore, #tpu.memory_space<semaphore_mem>>) src(%arg13 : memref<80x128xf32, #tpu.memory_space<vmem>>) dst(%dma_wait3A_180 : memref<10000x128xf32, #tpu.memory_space<vmem_shared>>)
        } else {
        }
        %mul3A_152 = arith.constant 80 : i32
        %mul3A_153 = arith.muli %mul3A_145, %mul3A_152 : i32
        %add3A_154 = arith.addi %mul3A_119, %mul3A_153 : i32
        "tpu.region"() ({
          %run_scoped3A_174 = tpu.sem_alloc : memref<!tpu.dma_semaphore, #tpu.memory_space<semaphore_mem>>
          %dma_start3A_175 = arith.constant 0 : i32
          %dma_start3A_176 = tpu.memref_slice %arg2[%add3A_154, %dma_start3A_175] : memref<320000x128xf32, #tpu.memory_space<hbm>> -> memref<80x128xf32, #tpu.memory_space<hbm>>
          %dma_start3A_177 = arith.constant 0 : i32
          %dma_start3A_178 = tpu.memref_slice %arg2[%add3A_154, %dma_start3A_177] : memref<320000x128xf32, #tpu.memory_space<hbm>> -> memref<80x128xf32, #tpu.memory_space<hbm>>
          tpu.enqueue_dma source(%dma_start3A_178 : memref<80x128xf32, #tpu.memory_space<hbm>>) target(%arg13 : memref<80x128xf32, #tpu.memory_space<vmem>>) target_semaphore(%run_scoped3A_174 : memref<!tpu.dma_semaphore, #tpu.memory_space<semaphore_mem>>)
          %dma_wait3A_179 = arith.constant 0 : i32
          %dma_wait3A_180 = tpu.memref_slice %arg2[%add3A_154, %dma_wait3A_179] : memref<320000x128xf32, #tpu.memory_space<hbm>> -> memref<80x128xf32, #tpu.memory_space<hbm>>
          %dma_wait3A_181 = arith.constant 0 : i32
          %dma_wait3A_182 = tpu.memref_slice %arg2[%add3A_154, %dma_wait3A_181] : memref<320000x128xf32, #tpu.memory_space<hbm>> -> memref<80x128xf32, #tpu.memory_space<hbm>>
          tpu.wait_dma2 semaphore(%run_scoped3A_174 : memref<!tpu.dma_semaphore, #tpu.memory_space<semaphore_mem>>) src(%dma_wait3A_182 : memref<80x128xf32, #tpu.memory_space<hbm>>) dst(%arg13 : memref<80x128xf32, #tpu.memory_space<vmem>>)
          tpu.yield
        }) : () -> ()
        %dma_start3A = arith.constant 0 : i32
        %dma_start3A_155 = tpu.memref_slice %arg12[%mul3A_145, %dma_start3A] : memref<125x80xi32, #tpu.memory_space<vmem>> -> memref<1x80xi32, #tpu.memory_space<vmem>>
        %dma_start3A_156 = tpu.memref_squeeze %dma_start3A_155 : memref<1x80xi32, #tpu.memory_space<vmem>> -> memref<80xi32, #tpu.memory_space<vmem>>
        %dma_start3A_157 = arith.constant 0 : i32
        %dma_start3A_158 = arith.constant 0 : i32
        %dma_start3A_159 = tpu.memref_slice %arg11[%dma_start3A_157, %dma_start3A_158] : memref<10000x128xf32, #tpu.memory_space<vmem_shared>> -> memref<10000x128xf32, #tpu.memory_space<vmem_shared>>
        tpu.enqueue_indirect_dma source(%arg13 : memref<80x128xf32, #tpu.memory_space<vmem>>) target(%dma_start3A_159 : memref<10000x128xf32, #tpu.memory_space<vmem_shared>>) offsets(%dma_start3A_156 : memref<80xi32, #tpu.memory_space<vmem>>) semaphore(%arg15 : memref<!tpu.dma_semaphore, #tpu.memory_space<semaphore_mem>>) {add = true}
        %gt3A_160 = arith.constant 0 : i32
        %gt3A_161 = arith.cmpi sgt, %scan3A_143, %gt3A_160 : i32
        %convert_element_type3A_162 = arith.extui %gt3A_161 : i1 to i32
        %cond3A_163 = arith.constant 0 : i32
        %cond3A_164 = arith.cmpi ne, %convert_element_type3A_162, %cond3A_163 : i32
        scf.if %cond3A_164 {
          %sub3A = arith.constant 2 : i32
          %sub3A_174 = arith.subi %add3A_147, %sub3A : i32
          %dma_wait3A_175 = arith.constant 0 : i32
          %dma_wait3A_176 = tpu.memref_slice %arg12[%sub3A_174, %dma_wait3A_175] : memref<125x80xi32, #tpu.memory_space<vmem>> -> memref<1x80xi32, #tpu.memory_space<vmem>>
          %dma_wait3A_177 = tpu.memref_squeeze %dma_wait3A_176 : memref<1x80xi32, #tpu.memory_space<vmem>> -> memref<80xi32, #tpu.memory_space<vmem>>
          %dma_wait3A_178 = arith.constant 0 : i32
          %dma_wait3A_179 = arith.constant 0 : i32
          %dma_wait3A_180 = tpu.memref_slice %arg11[%dma_wait3A_178, %dma_wait3A_179] : memref<10000x128xf32, #tpu.memory_space<vmem_shared>> -> memref<10000x128xf32, #tpu.memory_space<vmem_shared>>
          tpu.wait_indirect_dma semaphore(%arg16 : memref<!tpu.dma_semaphore, #tpu.memory_space<semaphore_mem>>) src(%arg14 : memref<80x128xf32, #tpu.memory_space<vmem>>) dst(%dma_wait3A_180 : memref<10000x128xf32, #tpu.memory_space<vmem_shared>>)
        } else {
        }
        %mul3A_165 = arith.constant 80 : i32
        %mul3A_166 = arith.muli %add3A_147, %mul3A_165 : i32
        %add3A_167 = arith.addi %mul3A_119, %mul3A_166 : i32
        "tpu.region"() ({
          %run_scoped3A_174 = tpu.sem_alloc : memref<!tpu.dma_semaphore, #tpu.memory_space<semaphore_mem>>
          %dma_start3A_175 = arith.constant 0 : i32
          %dma_start3A_176 = tpu.memref_slice %arg2[%add3A_167, %dma_start3A_175] : memref<320000x128xf32, #tpu.memory_space<hbm>> -> memref<80x128xf32, #tpu.memory_space<hbm>>
          %dma_start3A_177 = arith.constant 0 : i32
          %dma_start3A_178 = tpu.memref_slice %arg2[%add3A_167, %dma_start3A_177] : memref<320000x128xf32, #tpu.memory_space<hbm>> -> memref<80x128xf32, #tpu.memory_space<hbm>>
          tpu.enqueue_dma source(%dma_start3A_178 : memref<80x128xf32, #tpu.memory_space<hbm>>) target(%arg14 : memref<80x128xf32, #tpu.memory_space<vmem>>) target_semaphore(%run_scoped3A_174 : memref<!tpu.dma_semaphore, #tpu.memory_space<semaphore_mem>>)
          %dma_wait3A_179 = arith.constant 0 : i32
          %dma_wait3A_180 = tpu.memref_slice %arg2[%add3A_167, %dma_wait3A_179] : memref<320000x128xf32, #tpu.memory_space<hbm>> -> memref<80x128xf32, #tpu.memory_space<hbm>>
          %dma_wait3A_181 = arith.constant 0 : i32
          %dma_wait3A_182 = tpu.memref_slice %arg2[%add3A_167, %dma_wait3A_181] : memref<320000x128xf32, #tpu.memory_space<hbm>> -> memref<80x128xf32, #tpu.memory_space<hbm>>
          tpu.wait_dma2 semaphore(%run_scoped3A_174 : memref<!tpu.dma_semaphore, #tpu.memory_space<semaphore_mem>>) src(%dma_wait3A_182 : memref<80x128xf32, #tpu.memory_space<hbm>>) dst(%arg14 : memref<80x128xf32, #tpu.memory_space<vmem>>)
          tpu.yield
        }) : () -> ()
        %dma_start3A_168 = arith.constant 0 : i32
        %dma_start3A_169 = tpu.memref_slice %arg12[%add3A_147, %dma_start3A_168] : memref<125x80xi32, #tpu.memory_space<vmem>> -> memref<1x80xi32, #tpu.memory_space<vmem>>
        %dma_start3A_170 = tpu.memref_squeeze %dma_start3A_169 : memref<1x80xi32, #tpu.memory_space<vmem>> -> memref<80xi32, #tpu.memory_space<vmem>>
        %dma_start3A_171 = arith.constant 0 : i32
        %dma_start3A_172 = arith.constant 0 : i32
        %dma_start3A_173 = tpu.memref_slice %arg11[%dma_start3A_171, %dma_start3A_172] : memref<10000x128xf32, #tpu.memory_space<vmem_shared>> -> memref<10000x128xf32, #tpu.memory_space<vmem_shared>>
        tpu.enqueue_indirect_dma source(%arg14 : memref<80x128xf32, #tpu.memory_space<vmem>>) target(%dma_start3A_173 : memref<10000x128xf32, #tpu.memory_space<vmem_shared>>) offsets(%dma_start3A_170 : memref<80xi32, #tpu.memory_space<vmem>>) semaphore(%arg16 : memref<!tpu.dma_semaphore, #tpu.memory_space<semaphore_mem>>) {add = true}
      }
      %scan3A_125 = arith.constant 62 : i32
      %dma_wait3A_126 = arith.constant 122 : i32
      %dma_wait3A_127 = arith.constant 0 : i32
      %dma_wait3A_128 = tpu.memref_slice %arg12[%dma_wait3A_126, %dma_wait3A_127] : memref<125x80xi32, #tpu.memory_space<vmem>> -> memref<1x80xi32, #tpu.memory_space<vmem>>
      %dma_wait3A_129 = tpu.memref_squeeze %dma_wait3A_128 : memref<1x80xi32, #tpu.memory_space<vmem>> -> memref<80xi32, #tpu.memory_space<vmem>>
      %dma_wait3A_130 = arith.constant 0 : i32
      %dma_wait3A_131 = arith.constant 0 : i32
      %dma_wait3A_132 = tpu.memref_slice %arg11[%dma_wait3A_130, %dma_wait3A_131] : memref<10000x128xf32, #tpu.memory_space<vmem_shared>> -> memref<10000x128xf32, #tpu.memory_space<vmem_shared>>
      tpu.wait_indirect_dma semaphore(%arg15 : memref<!tpu.dma_semaphore, #tpu.memory_space<semaphore_mem>>) src(%arg13 : memref<80x128xf32, #tpu.memory_space<vmem>>) dst(%dma_wait3A_132 : memref<10000x128xf32, #tpu.memory_space<vmem_shared>>)
      %dma_wait3A_133 = arith.constant 123 : i32
      %dma_wait3A_134 = arith.constant 0 : i32
      %dma_wait3A_135 = tpu.memref_slice %arg12[%dma_wait3A_133, %dma_wait3A_134] : memref<125x80xi32, #tpu.memory_space<vmem>> -> memref<1x80xi32, #tpu.memory_space<vmem>>
      %dma_wait3A_136 = tpu.memref_squeeze %dma_wait3A_135 : memref<1x80xi32, #tpu.memory_space<vmem>> -> memref<80xi32, #tpu.memory_space<vmem>>
      %dma_wait3A_137 = arith.constant 0 : i32
      %dma_wait3A_138 = arith.constant 0 : i32
      %dma_wait3A_139 = tpu.memref_slice %arg11[%dma_wait3A_137, %dma_wait3A_138] : memref<10000x128xf32, #tpu.memory_space<vmem_shared>> -> memref<10000x128xf32, #tpu.memory_space<vmem_shared>>
      tpu.wait_indirect_dma semaphore(%arg16 : memref<!tpu.dma_semaphore, #tpu.memory_space<semaphore_mem>>) src(%arg14 : memref<80x128xf32, #tpu.memory_space<vmem>>) dst(%dma_wait3A_139 : memref<10000x128xf32, #tpu.memory_space<vmem_shared>>)
      %add3A_140 = arith.constant 9920 : i32
      %add3A_141 = arith.addi %mul3A_119, %add3A_140 : i32
      "tpu.region"() ({
        %run_scoped3A_143 = tpu.sem_alloc : memref<!tpu.dma_semaphore, #tpu.memory_space<semaphore_mem>>
        %dma_start3A = arith.constant 0 : i32
        %dma_start3A_144 = tpu.memref_slice %arg2[%add3A_141, %dma_start3A] : memref<320000x128xf32, #tpu.memory_space<hbm>> -> memref<80x128xf32, #tpu.memory_space<hbm>>
        %dma_start3A_145 = arith.constant 0 : i32
        %dma_start3A_146 = tpu.memref_slice %arg2[%add3A_141, %dma_start3A_145] : memref<320000x128xf32, #tpu.memory_space<hbm>> -> memref<80x128xf32, #tpu.memory_space<hbm>>
        tpu.enqueue_dma source(%dma_start3A_146 : memref<80x128xf32, #tpu.memory_space<hbm>>) target(%arg13 : memref<80x128xf32, #tpu.memory_space<vmem>>) target_semaphore(%run_scoped3A_143 : memref<!tpu.dma_semaphore, #tpu.memory_space<semaphore_mem>>)
        %dma_wait3A_147 = arith.constant 0 : i32
        %dma_wait3A_148 = tpu.memref_slice %arg2[%add3A_141, %dma_wait3A_147] : memref<320000x128xf32, #tpu.memory_space<hbm>> -> memref<80x128xf32, #tpu.memory_space<hbm>>
        %dma_wait3A_149 = arith.constant 0 : i32
        %dma_wait3A_150 = tpu.memref_slice %arg2[%add3A_141, %dma_wait3A_149] : memref<320000x128xf32, #tpu.memory_space<hbm>> -> memref<80x128xf32, #tpu.memory_space<hbm>>
        tpu.wait_dma2 semaphore(%run_scoped3A_143 : memref<!tpu.dma_semaphore, #tpu.memory_space<semaphore_mem>>) src(%dma_wait3A_150 : memref<80x128xf32, #tpu.memory_space<hbm>>) dst(%arg13 : memref<80x128xf32, #tpu.memory_space<vmem>>)
        tpu.yield
      }) : () -> ()
      %run_scoped3A_142 = arith.constant 124 : i32
      "tpu.region"() ({
        %run_scoped3A_143 = tpu.sem_alloc : memref<!tpu.dma_semaphore, #tpu.memory_space<semaphore_mem>>
        %dma_start3A = arith.constant 0 : i32
        %dma_start3A_144 = tpu.memref_slice %arg12[%run_scoped3A_142, %dma_start3A] : memref<125x80xi32, #tpu.memory_space<vmem>> -> memref<1x80xi32, #tpu.memory_space<vmem>>
        %dma_start3A_145 = tpu.memref_squeeze %dma_start3A_144 : memref<1x80xi32, #tpu.memory_space<vmem>> -> memref<80xi32, #tpu.memory_space<vmem>>
        %dma_start3A_146 = arith.constant 0 : i32
        %dma_start3A_147 = arith.constant 0 : i32
        %dma_start3A_148 = tpu.memref_slice %arg11[%dma_start3A_146, %dma_start3A_147] : memref<10000x128xf32, #tpu.memory_space<vmem_shared>> -> memref<10000x128xf32, #tpu.memory_space<vmem_shared>>
        tpu.enqueue_indirect_dma source(%arg13 : memref<80x128xf32, #tpu.memory_space<vmem>>) target(%dma_start3A_148 : memref<10000x128xf32, #tpu.memory_space<vmem_shared>>) offsets(%dma_start3A_145 : memref<80xi32, #tpu.memory_space<vmem>>) semaphore(%run_scoped3A_143 : memref<!tpu.dma_semaphore, #tpu.memory_space<semaphore_mem>>) {add = true}
        %dma_wait3A_149 = arith.constant 0 : i32
        %dma_wait3A_150 = tpu.memref_slice %arg12[%run_scoped3A_142, %dma_wait3A_149] : memref<125x80xi32, #tpu.memory_space<vmem>> -> memref<1x80xi32, #tpu.memory_space<vmem>>
        %dma_wait3A_151 = tpu.memref_squeeze %dma_wait3A_150 : memref<1x80xi32, #tpu.memory_space<vmem>> -> memref<80xi32, #tpu.memory_space<vmem>>
        %dma_wait3A_152 = arith.constant 0 : i32
        %dma_wait3A_153 = arith.constant 0 : i32
        %dma_wait3A_154 = tpu.memref_slice %arg11[%dma_wait3A_152, %dma_wait3A_153] : memref<10000x128xf32, #tpu.memory_space<vmem_shared>> -> memref<10000x128xf32, #tpu.memory_space<vmem_shared>>
        tpu.wait_indirect_dma semaphore(%run_scoped3A_143 : memref<!tpu.dma_semaphore, #tpu.memory_space<semaphore_mem>>) src(%arg13 : memref<80x128xf32, #tpu.memory_space<vmem>>) dst(%dma_wait3A_154 : memref<10000x128xf32, #tpu.memory_space<vmem_shared>>)
        tpu.yield
      }) : () -> ()
    } else {
    }
    %eq3A_13 = arith.constant 1 : i32
    %eq3A_14 = arith.cmpi eq, %arg0, %eq3A_13 : i32
    %convert_element_type3A_15 = arith.extui %eq3A_14 : i1 to i32
    %cond3A_16 = arith.constant 0 : i32
    %cond3A_17 = arith.cmpi ne, %convert_element_type3A_15, %cond3A_16 : i32
    scf.if %cond3A_17 {
      %mul3A_77 = arith.constant 2 : i32
      %mul3A_78 = arith.muli %mul3A_77, %arg1 : i32
      %mul3A_79 = arith.constant 2 : i32
      %mul3A_80 = arith.muli %mul3A_79, %arg1 : i32
      %mul3A_81 = arith.constant 125 : i32
      %mul3A_82 = arith.muli %mul3A_80, %mul3A_81 : i32
      %mul3A_83 = arith.constant 80 : i32
      %mul3A_84 = arith.muli %mul3A_82, %mul3A_83 : i32
      "tpu.region"() ({
        %run_scoped3A_143 = tpu.sem_alloc : memref<!tpu.dma_semaphore, #tpu.memory_space<semaphore_mem>>
        %dma_start3A = arith.constant 0 : i32
        %dma_start3A_144 = arith.constant 0 : i32
        %dma_start3A_145 = tpu.memref_slice %arg12[%dma_start3A, %dma_start3A_144] : memref<125x80xi32, #tpu.memory_space<vmem>> -> memref<125x80xi32, #tpu.memory_space<vmem>>
        %dma_start3A_146 = arith.constant 0 : i32
        %dma_start3A_147 = arith.constant 0 : i32
        %dma_start3A_148 = tpu.memref_slice %arg5[%mul3A_78, %dma_start3A_146, %dma_start3A_147] : memref<32x125x80xi32, #tpu.memory_space<hbm>> -> memref<1x125x80xi32, #tpu.memory_space<hbm>>
        %dma_start3A_149 = tpu.memref_squeeze %dma_start3A_148 : memref<1x125x80xi32, #tpu.memory_space<hbm>> -> memref<125x80xi32, #tpu.memory_space<hbm>>
        %dma_start3A_150 = arith.constant 0 : i32
        %dma_start3A_151 = arith.constant 0 : i32
        %dma_start3A_152 = tpu.memref_slice %arg12[%dma_start3A_150, %dma_start3A_151] : memref<125x80xi32, #tpu.memory_space<vmem>> -> memref<125x80xi32, #tpu.memory_space<vmem>>
        %dma_start3A_153 = arith.constant 0 : i32
        %dma_start3A_154 = arith.constant 0 : i32
        %dma_start3A_155 = tpu.memref_slice %arg5[%mul3A_78, %dma_start3A_153, %dma_start3A_154] : memref<32x125x80xi32, #tpu.memory_space<hbm>> -> memref<1x125x80xi32, #tpu.memory_space<hbm>>
        %dma_start3A_156 = tpu.memref_squeeze %dma_start3A_155 : memref<1x125x80xi32, #tpu.memory_space<hbm>> -> memref<125x80xi32, #tpu.memory_space<hbm>>
        tpu.enqueue_dma source(%dma_start3A_156 : memref<125x80xi32, #tpu.memory_space<hbm>>) target(%dma_start3A_152 : memref<125x80xi32, #tpu.memory_space<vmem>>) target_semaphore(%run_scoped3A_143 : memref<!tpu.dma_semaphore, #tpu.memory_space<semaphore_mem>>)
        %dma_wait3A_157 = arith.constant 0 : i32
        %dma_wait3A_158 = arith.constant 0 : i32
        %dma_wait3A_159 = tpu.memref_slice %arg12[%dma_wait3A_157, %dma_wait3A_158] : memref<125x80xi32, #tpu.memory_space<vmem>> -> memref<125x80xi32, #tpu.memory_space<vmem>>
        %dma_wait3A_160 = arith.constant 0 : i32
        %dma_wait3A_161 = arith.constant 0 : i32
        %dma_wait3A_162 = tpu.memref_slice %arg5[%mul3A_78, %dma_wait3A_160, %dma_wait3A_161] : memref<32x125x80xi32, #tpu.memory_space<hbm>> -> memref<1x125x80xi32, #tpu.memory_space<hbm>>
        %dma_wait3A_163 = tpu.memref_squeeze %dma_wait3A_162 : memref<1x125x80xi32, #tpu.memory_space<hbm>> -> memref<125x80xi32, #tpu.memory_space<hbm>>
        %dma_wait3A_164 = arith.constant 0 : i32
        %dma_wait3A_165 = arith.constant 0 : i32
        %dma_wait3A_166 = tpu.memref_slice %arg12[%dma_wait3A_164, %dma_wait3A_165] : memref<125x80xi32, #tpu.memory_space<vmem>> -> memref<125x80xi32, #tpu.memory_space<vmem>>
        %dma_wait3A_167 = arith.constant 0 : i32
        %dma_wait3A_168 = arith.constant 0 : i32
        %dma_wait3A_169 = tpu.memref_slice %arg5[%mul3A_78, %dma_wait3A_167, %dma_wait3A_168] : memref<32x125x80xi32, #tpu.memory_space<hbm>> -> memref<1x125x80xi32, #tpu.memory_space<hbm>>
        %dma_wait3A_170 = tpu.memref_squeeze %dma_wait3A_169 : memref<1x125x80xi32, #tpu.memory_space<hbm>> -> memref<125x80xi32, #tpu.memory_space<hbm>>
        tpu.wait_dma2 semaphore(%run_scoped3A_143 : memref<!tpu.dma_semaphore, #tpu.memory_space<semaphore_mem>>) src(%dma_wait3A_170 : memref<125x80xi32, #tpu.memory_space<hbm>>) dst(%dma_wait3A_166 : memref<125x80xi32, #tpu.memory_space<vmem>>)
        tpu.yield
      }) : () -> ()
      %scan3A_85 = arith.constant 0 : i32
      %scan3A_86 = arith.constant 0 : i32
      %scan3A_87 = arith.constant 62 : i32
      %scan3A_88 = arith.addi %scan3A_86, %scan3A_87 : i32
      %scan3A_89 = arith.constant 1 : i32
      scf.for %scan3A_143 = %scan3A_86 to %scan3A_88 step %scan3A_89  : i32 {
        %mul3A_144 = arith.constant 2 : i32
        %mul3A_145 = arith.muli %mul3A_144, %scan3A_143 : i32
        %add3A_146 = arith.constant 1 : i32
        %add3A_147 = arith.addi %mul3A_145, %add3A_146 : i32
        %gt3A = arith.constant 0 : i32
        %gt3A_148 = arith.cmpi sgt, %scan3A_143, %gt3A : i32
        %convert_element_type3A_149 = arith.extui %gt3A_148 : i1 to i32
        %cond3A_150 = arith.constant 0 : i32
        %cond3A_151 = arith.cmpi ne, %convert_element_type3A_149, %cond3A_150 : i32
        scf.if %cond3A_151 {
          %sub3A = arith.constant 2 : i32
          %sub3A_174 = arith.subi %mul3A_145, %sub3A : i32
          %dma_wait3A_175 = arith.constant 0 : i32
          %dma_wait3A_176 = tpu.memref_slice %arg12[%sub3A_174, %dma_wait3A_175] : memref<125x80xi32, #tpu.memory_space<vmem>> -> memref<1x80xi32, #tpu.memory_space<vmem>>
          %dma_wait3A_177 = tpu.memref_squeeze %dma_wait3A_176 : memref<1x80xi32, #tpu.memory_space<vmem>> -> memref<80xi32, #tpu.memory_space<vmem>>
          %dma_wait3A_178 = arith.constant 0 : i32
          %dma_wait3A_179 = arith.constant 0 : i32
          %dma_wait3A_180 = tpu.memref_slice %arg11[%dma_wait3A_178, %dma_wait3A_179] : memref<10000x128xf32, #tpu.memory_space<vmem_shared>> -> memref<10000x128xf32, #tpu.memory_space<vmem_shared>>
          tpu.wait_indirect_dma semaphore(%arg15 : memref<!tpu.dma_semaphore, #tpu.memory_space<semaphore_mem>>) src(%arg13 : memref<80x128xf32, #tpu.memory_space<vmem>>) dst(%dma_wait3A_180 : memref<10000x128xf32, #tpu.memory_space<vmem_shared>>)
        } else {
        }
        %mul3A_152 = arith.constant 80 : i32
        %mul3A_153 = arith.muli %mul3A_145, %mul3A_152 : i32
        %add3A_154 = arith.addi %mul3A_84, %mul3A_153 : i32
        "tpu.region"() ({
          %run_scoped3A_174 = tpu.sem_alloc : memref<!tpu.dma_semaphore, #tpu.memory_space<semaphore_mem>>
          %dma_start3A_175 = arith.constant 0 : i32
          %dma_start3A_176 = tpu.memref_slice %arg3[%add3A_154, %dma_start3A_175] : memref<320000x128xf32, #tpu.memory_space<hbm>> -> memref<80x128xf32, #tpu.memory_space<hbm>>
          %dma_start3A_177 = arith.constant 0 : i32
          %dma_start3A_178 = tpu.memref_slice %arg3[%add3A_154, %dma_start3A_177] : memref<320000x128xf32, #tpu.memory_space<hbm>> -> memref<80x128xf32, #tpu.memory_space<hbm>>
          tpu.enqueue_dma source(%dma_start3A_178 : memref<80x128xf32, #tpu.memory_space<hbm>>) target(%arg13 : memref<80x128xf32, #tpu.memory_space<vmem>>) target_semaphore(%run_scoped3A_174 : memref<!tpu.dma_semaphore, #tpu.memory_space<semaphore_mem>>)
          %dma_wait3A_179 = arith.constant 0 : i32
          %dma_wait3A_180 = tpu.memref_slice %arg3[%add3A_154, %dma_wait3A_179] : memref<320000x128xf32, #tpu.memory_space<hbm>> -> memref<80x128xf32, #tpu.memory_space<hbm>>
          %dma_wait3A_181 = arith.constant 0 : i32
          %dma_wait3A_182 = tpu.memref_slice %arg3[%add3A_154, %dma_wait3A_181] : memref<320000x128xf32, #tpu.memory_space<hbm>> -> memref<80x128xf32, #tpu.memory_space<hbm>>
          tpu.wait_dma2 semaphore(%run_scoped3A_174 : memref<!tpu.dma_semaphore, #tpu.memory_space<semaphore_mem>>) src(%dma_wait3A_182 : memref<80x128xf32, #tpu.memory_space<hbm>>) dst(%arg13 : memref<80x128xf32, #tpu.memory_space<vmem>>)
          tpu.yield
        }) : () -> ()
        %dma_start3A = arith.constant 0 : i32
        %dma_start3A_155 = tpu.memref_slice %arg12[%mul3A_145, %dma_start3A] : memref<125x80xi32, #tpu.memory_space<vmem>> -> memref<1x80xi32, #tpu.memory_space<vmem>>
        %dma_start3A_156 = tpu.memref_squeeze %dma_start3A_155 : memref<1x80xi32, #tpu.memory_space<vmem>> -> memref<80xi32, #tpu.memory_space<vmem>>
        %dma_start3A_157 = arith.constant 0 : i32
        %dma_start3A_158 = arith.constant 0 : i32
        %dma_start3A_159 = tpu.memref_slice %arg11[%dma_start3A_157, %dma_start3A_158] : memref<10000x128xf32, #tpu.memory_space<vmem_shared>> -> memref<10000x128xf32, #tpu.memory_space<vmem_shared>>
        tpu.enqueue_indirect_dma source(%arg13 : memref<80x128xf32, #tpu.memory_space<vmem>>) target(%dma_start3A_159 : memref<10000x128xf32, #tpu.memory_space<vmem_shared>>) offsets(%dma_start3A_156 : memref<80xi32, #tpu.memory_space<vmem>>) semaphore(%arg15 : memref<!tpu.dma_semaphore, #tpu.memory_space<semaphore_mem>>) {add = true}
        %gt3A_160 = arith.constant 0 : i32
        %gt3A_161 = arith.cmpi sgt, %scan3A_143, %gt3A_160 : i32
        %convert_element_type3A_162 = arith.extui %gt3A_161 : i1 to i32
        %cond3A_163 = arith.constant 0 : i32
        %cond3A_164 = arith.cmpi ne, %convert_element_type3A_162, %cond3A_163 : i32
        scf.if %cond3A_164 {
          %sub3A = arith.constant 2 : i32
          %sub3A_174 = arith.subi %add3A_147, %sub3A : i32
          %dma_wait3A_175 = arith.constant 0 : i32
          %dma_wait3A_176 = tpu.memref_slice %arg12[%sub3A_174, %dma_wait3A_175] : memref<125x80xi32, #tpu.memory_space<vmem>> -> memref<1x80xi32, #tpu.memory_space<vmem>>
          %dma_wait3A_177 = tpu.memref_squeeze %dma_wait3A_176 : memref<1x80xi32, #tpu.memory_space<vmem>> -> memref<80xi32, #tpu.memory_space<vmem>>
          %dma_wait3A_178 = arith.constant 0 : i32
          %dma_wait3A_179 = arith.constant 0 : i32
          %dma_wait3A_180 = tpu.memref_slice %arg11[%dma_wait3A_178, %dma_wait3A_179] : memref<10000x128xf32, #tpu.memory_space<vmem_shared>> -> memref<10000x128xf32, #tpu.memory_space<vmem_shared>>
          tpu.wait_indirect_dma semaphore(%arg16 : memref<!tpu.dma_semaphore, #tpu.memory_space<semaphore_mem>>) src(%arg14 : memref<80x128xf32, #tpu.memory_space<vmem>>) dst(%dma_wait3A_180 : memref<10000x128xf32, #tpu.memory_space<vmem_shared>>)
        } else {
        }
        %mul3A_165 = arith.constant 80 : i32
        %mul3A_166 = arith.muli %add3A_147, %mul3A_165 : i32
        %add3A_167 = arith.addi %mul3A_84, %mul3A_166 : i32
        "tpu.region"() ({
          %run_scoped3A_174 = tpu.sem_alloc : memref<!tpu.dma_semaphore, #tpu.memory_space<semaphore_mem>>
          %dma_start3A_175 = arith.constant 0 : i32
          %dma_start3A_176 = tpu.memref_slice %arg3[%add3A_167, %dma_start3A_175] : memref<320000x128xf32, #tpu.memory_space<hbm>> -> memref<80x128xf32, #tpu.memory_space<hbm>>
          %dma_start3A_177 = arith.constant 0 : i32
          %dma_start3A_178 = tpu.memref_slice %arg3[%add3A_167, %dma_start3A_177] : memref<320000x128xf32, #tpu.memory_space<hbm>> -> memref<80x128xf32, #tpu.memory_space<hbm>>
          tpu.enqueue_dma source(%dma_start3A_178 : memref<80x128xf32, #tpu.memory_space<hbm>>) target(%arg14 : memref<80x128xf32, #tpu.memory_space<vmem>>) target_semaphore(%run_scoped3A_174 : memref<!tpu.dma_semaphore, #tpu.memory_space<semaphore_mem>>)
          %dma_wait3A_179 = arith.constant 0 : i32
          %dma_wait3A_180 = tpu.memref_slice %arg3[%add3A_167, %dma_wait3A_179] : memref<320000x128xf32, #tpu.memory_space<hbm>> -> memref<80x128xf32, #tpu.memory_space<hbm>>
          %dma_wait3A_181 = arith.constant 0 : i32
          %dma_wait3A_182 = tpu.memref_slice %arg3[%add3A_167, %dma_wait3A_181] : memref<320000x128xf32, #tpu.memory_space<hbm>> -> memref<80x128xf32, #tpu.memory_space<hbm>>
          tpu.wait_dma2 semaphore(%run_scoped3A_174 : memref<!tpu.dma_semaphore, #tpu.memory_space<semaphore_mem>>) src(%dma_wait3A_182 : memref<80x128xf32, #tpu.memory_space<hbm>>) dst(%arg14 : memref<80x128xf32, #tpu.memory_space<vmem>>)
          tpu.yield
        }) : () -> ()
        %dma_start3A_168 = arith.constant 0 : i32
        %dma_start3A_169 = tpu.memref_slice %arg12[%add3A_147, %dma_start3A_168] : memref<125x80xi32, #tpu.memory_space<vmem>> -> memref<1x80xi32, #tpu.memory_space<vmem>>
        %dma_start3A_170 = tpu.memref_squeeze %dma_start3A_169 : memref<1x80xi32, #tpu.memory_space<vmem>> -> memref<80xi32, #tpu.memory_space<vmem>>
        %dma_start3A_171 = arith.constant 0 : i32
        %dma_start3A_172 = arith.constant 0 : i32
        %dma_start3A_173 = tpu.memref_slice %arg11[%dma_start3A_171, %dma_start3A_172] : memref<10000x128xf32, #tpu.memory_space<vmem_shared>> -> memref<10000x128xf32, #tpu.memory_space<vmem_shared>>
        tpu.enqueue_indirect_dma source(%arg14 : memref<80x128xf32, #tpu.memory_space<vmem>>) target(%dma_start3A_173 : memref<10000x128xf32, #tpu.memory_space<vmem_shared>>) offsets(%dma_start3A_170 : memref<80xi32, #tpu.memory_space<vmem>>) semaphore(%arg16 : memref<!tpu.dma_semaphore, #tpu.memory_space<semaphore_mem>>) {add = true}
      }
      %scan3A_90 = arith.constant 62 : i32
      %dma_wait3A_91 = arith.constant 122 : i32
      %dma_wait3A_92 = arith.constant 0 : i32
      %dma_wait3A_93 = tpu.memref_slice %arg12[%dma_wait3A_91, %dma_wait3A_92] : memref<125x80xi32, #tpu.memory_space<vmem>> -> memref<1x80xi32, #tpu.memory_space<vmem>>
      %dma_wait3A_94 = tpu.memref_squeeze %dma_wait3A_93 : memref<1x80xi32, #tpu.memory_space<vmem>> -> memref<80xi32, #tpu.memory_space<vmem>>
      %dma_wait3A_95 = arith.constant 0 : i32
      %dma_wait3A_96 = arith.constant 0 : i32
      %dma_wait3A_97 = tpu.memref_slice %arg11[%dma_wait3A_95, %dma_wait3A_96] : memref<10000x128xf32, #tpu.memory_space<vmem_shared>> -> memref<10000x128xf32, #tpu.memory_space<vmem_shared>>
      tpu.wait_indirect_dma semaphore(%arg15 : memref<!tpu.dma_semaphore, #tpu.memory_space<semaphore_mem>>) src(%arg13 : memref<80x128xf32, #tpu.memory_space<vmem>>) dst(%dma_wait3A_97 : memref<10000x128xf32, #tpu.memory_space<vmem_shared>>)
      %dma_wait3A_98 = arith.constant 123 : i32
      %dma_wait3A_99 = arith.constant 0 : i32
      %dma_wait3A_100 = tpu.memref_slice %arg12[%dma_wait3A_98, %dma_wait3A_99] : memref<125x80xi32, #tpu.memory_space<vmem>> -> memref<1x80xi32, #tpu.memory_space<vmem>>
      %dma_wait3A_101 = tpu.memref_squeeze %dma_wait3A_100 : memref<1x80xi32, #tpu.memory_space<vmem>> -> memref<80xi32, #tpu.memory_space<vmem>>
      %dma_wait3A_102 = arith.constant 0 : i32
      %dma_wait3A_103 = arith.constant 0 : i32
      %dma_wait3A_104 = tpu.memref_slice %arg11[%dma_wait3A_102, %dma_wait3A_103] : memref<10000x128xf32, #tpu.memory_space<vmem_shared>> -> memref<10000x128xf32, #tpu.memory_space<vmem_shared>>
      tpu.wait_indirect_dma semaphore(%arg16 : memref<!tpu.dma_semaphore, #tpu.memory_space<semaphore_mem>>) src(%arg14 : memref<80x128xf32, #tpu.memory_space<vmem>>) dst(%dma_wait3A_104 : memref<10000x128xf32, #tpu.memory_space<vmem_shared>>)
      %add3A_105 = arith.constant 9920 : i32
      %add3A_106 = arith.addi %mul3A_84, %add3A_105 : i32
      "tpu.region"() ({
        %run_scoped3A_143 = tpu.sem_alloc : memref<!tpu.dma_semaphore, #tpu.memory_space<semaphore_mem>>
        %dma_start3A = arith.constant 0 : i32
        %dma_start3A_144 = tpu.memref_slice %arg3[%add3A_106, %dma_start3A] : memref<320000x128xf32, #tpu.memory_space<hbm>> -> memref<80x128xf32, #tpu.memory_space<hbm>>
        %dma_start3A_145 = arith.constant 0 : i32
        %dma_start3A_146 = tpu.memref_slice %arg3[%add3A_106, %dma_start3A_145] : memref<320000x128xf32, #tpu.memory_space<hbm>> -> memref<80x128xf32, #tpu.memory_space<hbm>>
        tpu.enqueue_dma source(%dma_start3A_146 : memref<80x128xf32, #tpu.memory_space<hbm>>) target(%arg13 : memref<80x128xf32, #tpu.memory_space<vmem>>) target_semaphore(%run_scoped3A_143 : memref<!tpu.dma_semaphore, #tpu.memory_space<semaphore_mem>>)
        %dma_wait3A_147 = arith.constant 0 : i32
        %dma_wait3A_148 = tpu.memref_slice %arg3[%add3A_106, %dma_wait3A_147] : memref<320000x128xf32, #tpu.memory_space<hbm>> -> memref<80x128xf32, #tpu.memory_space<hbm>>
        %dma_wait3A_149 = arith.constant 0 : i32
        %dma_wait3A_150 = tpu.memref_slice %arg3[%add3A_106, %dma_wait3A_149] : memref<320000x128xf32, #tpu.memory_space<hbm>> -> memref<80x128xf32, #tpu.memory_space<hbm>>
        tpu.wait_dma2 semaphore(%run_scoped3A_143 : memref<!tpu.dma_semaphore, #tpu.memory_space<semaphore_mem>>) src(%dma_wait3A_150 : memref<80x128xf32, #tpu.memory_space<hbm>>) dst(%arg13 : memref<80x128xf32, #tpu.memory_space<vmem>>)
        tpu.yield
      }) : () -> ()
      %run_scoped3A_107 = arith.constant 124 : i32
      "tpu.region"() ({
        %run_scoped3A_143 = tpu.sem_alloc : memref<!tpu.dma_semaphore, #tpu.memory_space<semaphore_mem>>
        %dma_start3A = arith.constant 0 : i32
        %dma_start3A_144 = tpu.memref_slice %arg12[%run_scoped3A_107, %dma_start3A] : memref<125x80xi32, #tpu.memory_space<vmem>> -> memref<1x80xi32, #tpu.memory_space<vmem>>
        %dma_start3A_145 = tpu.memref_squeeze %dma_start3A_144 : memref<1x80xi32, #tpu.memory_space<vmem>> -> memref<80xi32, #tpu.memory_space<vmem>>
        %dma_start3A_146 = arith.constant 0 : i32
        %dma_start3A_147 = arith.constant 0 : i32
        %dma_start3A_148 = tpu.memref_slice %arg11[%dma_start3A_146, %dma_start3A_147] : memref<10000x128xf32, #tpu.memory_space<vmem_shared>> -> memref<10000x128xf32, #tpu.memory_space<vmem_shared>>
        tpu.enqueue_indirect_dma source(%arg13 : memref<80x128xf32, #tpu.memory_space<vmem>>) target(%dma_start3A_148 : memref<10000x128xf32, #tpu.memory_space<vmem_shared>>) offsets(%dma_start3A_145 : memref<80xi32, #tpu.memory_space<vmem>>) semaphore(%run_scoped3A_143 : memref<!tpu.dma_semaphore, #tpu.memory_space<semaphore_mem>>) {add = true}
        %dma_wait3A_149 = arith.constant 0 : i32
        %dma_wait3A_150 = tpu.memref_slice %arg12[%run_scoped3A_107, %dma_wait3A_149] : memref<125x80xi32, #tpu.memory_space<vmem>> -> memref<1x80xi32, #tpu.memory_space<vmem>>
        %dma_wait3A_151 = tpu.memref_squeeze %dma_wait3A_150 : memref<1x80xi32, #tpu.memory_space<vmem>> -> memref<80xi32, #tpu.memory_space<vmem>>
        %dma_wait3A_152 = arith.constant 0 : i32
        %dma_wait3A_153 = arith.constant 0 : i32
        %dma_wait3A_154 = tpu.memref_slice %arg11[%dma_wait3A_152, %dma_wait3A_153] : memref<10000x128xf32, #tpu.memory_space<vmem_shared>> -> memref<10000x128xf32, #tpu.memory_space<vmem_shared>>
        tpu.wait_indirect_dma semaphore(%run_scoped3A_143 : memref<!tpu.dma_semaphore, #tpu.memory_space<semaphore_mem>>) src(%arg13 : memref<80x128xf32, #tpu.memory_space<vmem>>) dst(%dma_wait3A_154 : memref<10000x128xf32, #tpu.memory_space<vmem_shared>>)
        tpu.yield
      }) : () -> ()
      %mul3A_108 = arith.constant 2 : i32
      %mul3A_109 = arith.muli %mul3A_108, %arg1 : i32
      %add3A_110 = arith.constant 1 : i32
      %add3A_111 = arith.addi %mul3A_109, %add3A_110 : i32
      %mul3A_112 = arith.constant 2 : i32
      %mul3A_113 = arith.muli %mul3A_112, %arg1 : i32
      %add3A_114 = arith.constant 1 : i32
      %add3A_115 = arith.addi %mul3A_113, %add3A_114 : i32
      %mul3A_116 = arith.constant 125 : i32
      %mul3A_117 = arith.muli %add3A_115, %mul3A_116 : i32
      %mul3A_118 = arith.constant 80 : i32
      %mul3A_119 = arith.muli %mul3A_117, %mul3A_118 : i32
      "tpu.region"() ({
        %run_scoped3A_143 = tpu.sem_alloc : memref<!tpu.dma_semaphore, #tpu.memory_space<semaphore_mem>>
        %dma_start3A = arith.constant 0 : i32
        %dma_start3A_144 = arith.constant 0 : i32
        %dma_start3A_145 = tpu.memref_slice %arg12[%dma_start3A, %dma_start3A_144] : memref<125x80xi32, #tpu.memory_space<vmem>> -> memref<125x80xi32, #tpu.memory_space<vmem>>
        %dma_start3A_146 = arith.constant 0 : i32
        %dma_start3A_147 = arith.constant 0 : i32
        %dma_start3A_148 = tpu.memref_slice %arg5[%add3A_111, %dma_start3A_146, %dma_start3A_147] : memref<32x125x80xi32, #tpu.memory_space<hbm>> -> memref<1x125x80xi32, #tpu.memory_space<hbm>>
        %dma_start3A_149 = tpu.memref_squeeze %dma_start3A_148 : memref<1x125x80xi32, #tpu.memory_space<hbm>> -> memref<125x80xi32, #tpu.memory_space<hbm>>
        %dma_start3A_150 = arith.constant 0 : i32
        %dma_start3A_151 = arith.constant 0 : i32
        %dma_start3A_152 = tpu.memref_slice %arg12[%dma_start3A_150, %dma_start3A_151] : memref<125x80xi32, #tpu.memory_space<vmem>> -> memref<125x80xi32, #tpu.memory_space<vmem>>
        %dma_start3A_153 = arith.constant 0 : i32
        %dma_start3A_154 = arith.constant 0 : i32
        %dma_start3A_155 = tpu.memref_slice %arg5[%add3A_111, %dma_start3A_153, %dma_start3A_154] : memref<32x125x80xi32, #tpu.memory_space<hbm>> -> memref<1x125x80xi32, #tpu.memory_space<hbm>>
        %dma_start3A_156 = tpu.memref_squeeze %dma_start3A_155 : memref<1x125x80xi32, #tpu.memory_space<hbm>> -> memref<125x80xi32, #tpu.memory_space<hbm>>
        tpu.enqueue_dma source(%dma_start3A_156 : memref<125x80xi32, #tpu.memory_space<hbm>>) target(%dma_start3A_152 : memref<125x80xi32, #tpu.memory_space<vmem>>) target_semaphore(%run_scoped3A_143 : memref<!tpu.dma_semaphore, #tpu.memory_space<semaphore_mem>>)
        %dma_wait3A_157 = arith.constant 0 : i32
        %dma_wait3A_158 = arith.constant 0 : i32
        %dma_wait3A_159 = tpu.memref_slice %arg12[%dma_wait3A_157, %dma_wait3A_158] : memref<125x80xi32, #tpu.memory_space<vmem>> -> memref<125x80xi32, #tpu.memory_space<vmem>>
        %dma_wait3A_160 = arith.constant 0 : i32
        %dma_wait3A_161 = arith.constant 0 : i32
        %dma_wait3A_162 = tpu.memref_slice %arg5[%add3A_111, %dma_wait3A_160, %dma_wait3A_161] : memref<32x125x80xi32, #tpu.memory_space<hbm>> -> memref<1x125x80xi32, #tpu.memory_space<hbm>>
        %dma_wait3A_163 = tpu.memref_squeeze %dma_wait3A_162 : memref<1x125x80xi32, #tpu.memory_space<hbm>> -> memref<125x80xi32, #tpu.memory_space<hbm>>
        %dma_wait3A_164 = arith.constant 0 : i32
        %dma_wait3A_165 = arith.constant 0 : i32
        %dma_wait3A_166 = tpu.memref_slice %arg12[%dma_wait3A_164, %dma_wait3A_165] : memref<125x80xi32, #tpu.memory_space<vmem>> -> memref<125x80xi32, #tpu.memory_space<vmem>>
        %dma_wait3A_167 = arith.constant 0 : i32
        %dma_wait3A_168 = arith.constant 0 : i32
        %dma_wait3A_169 = tpu.memref_slice %arg5[%add3A_111, %dma_wait3A_167, %dma_wait3A_168] : memref<32x125x80xi32, #tpu.memory_space<hbm>> -> memref<1x125x80xi32, #tpu.memory_space<hbm>>
        %dma_wait3A_170 = tpu.memref_squeeze %dma_wait3A_169 : memref<1x125x80xi32, #tpu.memory_space<hbm>> -> memref<125x80xi32, #tpu.memory_space<hbm>>
        tpu.wait_dma2 semaphore(%run_scoped3A_143 : memref<!tpu.dma_semaphore, #tpu.memory_space<semaphore_mem>>) src(%dma_wait3A_170 : memref<125x80xi32, #tpu.memory_space<hbm>>) dst(%dma_wait3A_166 : memref<125x80xi32, #tpu.memory_space<vmem>>)
        tpu.yield
      }) : () -> ()
      %scan3A_120 = arith.constant 0 : i32
      %scan3A_121 = arith.constant 0 : i32
      %scan3A_122 = arith.constant 62 : i32
      %scan3A_123 = arith.addi %scan3A_121, %scan3A_122 : i32
      %scan3A_124 = arith.constant 1 : i32
      scf.for %scan3A_143 = %scan3A_121 to %scan3A_123 step %scan3A_124  : i32 {
        %mul3A_144 = arith.constant 2 : i32
        %mul3A_145 = arith.muli %mul3A_144, %scan3A_143 : i32
        %add3A_146 = arith.constant 1 : i32
        %add3A_147 = arith.addi %mul3A_145, %add3A_146 : i32
        %gt3A = arith.constant 0 : i32
        %gt3A_148 = arith.cmpi sgt, %scan3A_143, %gt3A : i32
        %convert_element_type3A_149 = arith.extui %gt3A_148 : i1 to i32
        %cond3A_150 = arith.constant 0 : i32
        %cond3A_151 = arith.cmpi ne, %convert_element_type3A_149, %cond3A_150 : i32
        scf.if %cond3A_151 {
          %sub3A = arith.constant 2 : i32
          %sub3A_174 = arith.subi %mul3A_145, %sub3A : i32
          %dma_wait3A_175 = arith.constant 0 : i32
          %dma_wait3A_176 = tpu.memref_slice %arg12[%sub3A_174, %dma_wait3A_175] : memref<125x80xi32, #tpu.memory_space<vmem>> -> memref<1x80xi32, #tpu.memory_space<vmem>>
          %dma_wait3A_177 = tpu.memref_squeeze %dma_wait3A_176 : memref<1x80xi32, #tpu.memory_space<vmem>> -> memref<80xi32, #tpu.memory_space<vmem>>
          %dma_wait3A_178 = arith.constant 0 : i32
          %dma_wait3A_179 = arith.constant 0 : i32
          %dma_wait3A_180 = tpu.memref_slice %arg11[%dma_wait3A_178, %dma_wait3A_179] : memref<10000x128xf32, #tpu.memory_space<vmem_shared>> -> memref<10000x128xf32, #tpu.memory_space<vmem_shared>>
          tpu.wait_indirect_dma semaphore(%arg15 : memref<!tpu.dma_semaphore, #tpu.memory_space<semaphore_mem>>) src(%arg13 : memref<80x128xf32, #tpu.memory_space<vmem>>) dst(%dma_wait3A_180 : memref<10000x128xf32, #tpu.memory_space<vmem_shared>>)
        } else {
        }
        %mul3A_152 = arith.constant 80 : i32
        %mul3A_153 = arith.muli %mul3A_145, %mul3A_152 : i32
        %add3A_154 = arith.addi %mul3A_119, %mul3A_153 : i32
        "tpu.region"() ({
          %run_scoped3A_174 = tpu.sem_alloc : memref<!tpu.dma_semaphore, #tpu.memory_space<semaphore_mem>>
          %dma_start3A_175 = arith.constant 0 : i32
          %dma_start3A_176 = tpu.memref_slice %arg3[%add3A_154, %dma_start3A_175] : memref<320000x128xf32, #tpu.memory_space<hbm>> -> memref<80x128xf32, #tpu.memory_space<hbm>>
          %dma_start3A_177 = arith.constant 0 : i32
          %dma_start3A_178 = tpu.memref_slice %arg3[%add3A_154, %dma_start3A_177] : memref<320000x128xf32, #tpu.memory_space<hbm>> -> memref<80x128xf32, #tpu.memory_space<hbm>>
          tpu.enqueue_dma source(%dma_start3A_178 : memref<80x128xf32, #tpu.memory_space<hbm>>) target(%arg13 : memref<80x128xf32, #tpu.memory_space<vmem>>) target_semaphore(%run_scoped3A_174 : memref<!tpu.dma_semaphore, #tpu.memory_space<semaphore_mem>>)
          %dma_wait3A_179 = arith.constant 0 : i32
          %dma_wait3A_180 = tpu.memref_slice %arg3[%add3A_154, %dma_wait3A_179] : memref<320000x128xf32, #tpu.memory_space<hbm>> -> memref<80x128xf32, #tpu.memory_space<hbm>>
          %dma_wait3A_181 = arith.constant 0 : i32
          %dma_wait3A_182 = tpu.memref_slice %arg3[%add3A_154, %dma_wait3A_181] : memref<320000x128xf32, #tpu.memory_space<hbm>> -> memref<80x128xf32, #tpu.memory_space<hbm>>
          tpu.wait_dma2 semaphore(%run_scoped3A_174 : memref<!tpu.dma_semaphore, #tpu.memory_space<semaphore_mem>>) src(%dma_wait3A_182 : memref<80x128xf32, #tpu.memory_space<hbm>>) dst(%arg13 : memref<80x128xf32, #tpu.memory_space<vmem>>)
          tpu.yield
        }) : () -> ()
        %dma_start3A = arith.constant 0 : i32
        %dma_start3A_155 = tpu.memref_slice %arg12[%mul3A_145, %dma_start3A] : memref<125x80xi32, #tpu.memory_space<vmem>> -> memref<1x80xi32, #tpu.memory_space<vmem>>
        %dma_start3A_156 = tpu.memref_squeeze %dma_start3A_155 : memref<1x80xi32, #tpu.memory_space<vmem>> -> memref<80xi32, #tpu.memory_space<vmem>>
        %dma_start3A_157 = arith.constant 0 : i32
        %dma_start3A_158 = arith.constant 0 : i32
        %dma_start3A_159 = tpu.memref_slice %arg11[%dma_start3A_157, %dma_start3A_158] : memref<10000x128xf32, #tpu.memory_space<vmem_shared>> -> memref<10000x128xf32, #tpu.memory_space<vmem_shared>>
        tpu.enqueue_indirect_dma source(%arg13 : memref<80x128xf32, #tpu.memory_space<vmem>>) target(%dma_start3A_159 : memref<10000x128xf32, #tpu.memory_space<vmem_shared>>) offsets(%dma_start3A_156 : memref<80xi32, #tpu.memory_space<vmem>>) semaphore(%arg15 : memref<!tpu.dma_semaphore, #tpu.memory_space<semaphore_mem>>) {add = true}
        %gt3A_160 = arith.constant 0 : i32
        %gt3A_161 = arith.cmpi sgt, %scan3A_143, %gt3A_160 : i32
        %convert_element_type3A_162 = arith.extui %gt3A_161 : i1 to i32
        %cond3A_163 = arith.constant 0 : i32
        %cond3A_164 = arith.cmpi ne, %convert_element_type3A_162, %cond3A_163 : i32
        scf.if %cond3A_164 {
          %sub3A = arith.constant 2 : i32
          %sub3A_174 = arith.subi %add3A_147, %sub3A : i32
          %dma_wait3A_175 = arith.constant 0 : i32
          %dma_wait3A_176 = tpu.memref_slice %arg12[%sub3A_174, %dma_wait3A_175] : memref<125x80xi32, #tpu.memory_space<vmem>> -> memref<1x80xi32, #tpu.memory_space<vmem>>
          %dma_wait3A_177 = tpu.memref_squeeze %dma_wait3A_176 : memref<1x80xi32, #tpu.memory_space<vmem>> -> memref<80xi32, #tpu.memory_space<vmem>>
          %dma_wait3A_178 = arith.constant 0 : i32
          %dma_wait3A_179 = arith.constant 0 : i32
          %dma_wait3A_180 = tpu.memref_slice %arg11[%dma_wait3A_178, %dma_wait3A_179] : memref<10000x128xf32, #tpu.memory_space<vmem_shared>> -> memref<10000x128xf32, #tpu.memory_space<vmem_shared>>
          tpu.wait_indirect_dma semaphore(%arg16 : memref<!tpu.dma_semaphore, #tpu.memory_space<semaphore_mem>>) src(%arg14 : memref<80x128xf32, #tpu.memory_space<vmem>>) dst(%dma_wait3A_180 : memref<10000x128xf32, #tpu.memory_space<vmem_shared>>)
        } else {
        }
        %mul3A_165 = arith.constant 80 : i32
        %mul3A_166 = arith.muli %add3A_147, %mul3A_165 : i32
        %add3A_167 = arith.addi %mul3A_119, %mul3A_166 : i32
        "tpu.region"() ({
          %run_scoped3A_174 = tpu.sem_alloc : memref<!tpu.dma_semaphore, #tpu.memory_space<semaphore_mem>>
          %dma_start3A_175 = arith.constant 0 : i32
          %dma_start3A_176 = tpu.memref_slice %arg3[%add3A_167, %dma_start3A_175] : memref<320000x128xf32, #tpu.memory_space<hbm>> -> memref<80x128xf32, #tpu.memory_space<hbm>>
          %dma_start3A_177 = arith.constant 0 : i32
          %dma_start3A_178 = tpu.memref_slice %arg3[%add3A_167, %dma_start3A_177] : memref<320000x128xf32, #tpu.memory_space<hbm>> -> memref<80x128xf32, #tpu.memory_space<hbm>>
          tpu.enqueue_dma source(%dma_start3A_178 : memref<80x128xf32, #tpu.memory_space<hbm>>) target(%arg14 : memref<80x128xf32, #tpu.memory_space<vmem>>) target_semaphore(%run_scoped3A_174 : memref<!tpu.dma_semaphore, #tpu.memory_space<semaphore_mem>>)
          %dma_wait3A_179 = arith.constant 0 : i32
          %dma_wait3A_180 = tpu.memref_slice %arg3[%add3A_167, %dma_wait3A_179] : memref<320000x128xf32, #tpu.memory_space<hbm>> -> memref<80x128xf32, #tpu.memory_space<hbm>>
          %dma_wait3A_181 = arith.constant 0 : i32
          %dma_wait3A_182 = tpu.memref_slice %arg3[%add3A_167, %dma_wait3A_181] : memref<320000x128xf32, #tpu.memory_space<hbm>> -> memref<80x128xf32, #tpu.memory_space<hbm>>
          tpu.wait_dma2 semaphore(%run_scoped3A_174 : memref<!tpu.dma_semaphore, #tpu.memory_space<semaphore_mem>>) src(%dma_wait3A_182 : memref<80x128xf32, #tpu.memory_space<hbm>>) dst(%arg14 : memref<80x128xf32, #tpu.memory_space<vmem>>)
          tpu.yield
        }) : () -> ()
        %dma_start3A_168 = arith.constant 0 : i32
        %dma_start3A_169 = tpu.memref_slice %arg12[%add3A_147, %dma_start3A_168] : memref<125x80xi32, #tpu.memory_space<vmem>> -> memref<1x80xi32, #tpu.memory_space<vmem>>
        %dma_start3A_170 = tpu.memref_squeeze %dma_start3A_169 : memref<1x80xi32, #tpu.memory_space<vmem>> -> memref<80xi32, #tpu.memory_space<vmem>>
        %dma_start3A_171 = arith.constant 0 : i32
        %dma_start3A_172 = arith.constant 0 : i32
        %dma_start3A_173 = tpu.memref_slice %arg11[%dma_start3A_171, %dma_start3A_172] : memref<10000x128xf32, #tpu.memory_space<vmem_shared>> -> memref<10000x128xf32, #tpu.memory_space<vmem_shared>>
        tpu.enqueue_indirect_dma source(%arg14 : memref<80x128xf32, #tpu.memory_space<vmem>>) target(%dma_start3A_173 : memref<10000x128xf32, #tpu.memory_space<vmem_shared>>) offsets(%dma_start3A_170 : memref<80xi32, #tpu.memory_space<vmem>>) semaphore(%arg16 : memref<!tpu.dma_semaphore, #tpu.memory_space<semaphore_mem>>) {add = true}
      }
      %scan3A_125 = arith.constant 62 : i32
      %dma_wait3A_126 = arith.constant 122 : i32
      %dma_wait3A_127 = arith.constant 0 : i32
      %dma_wait3A_128 = tpu.memref_slice %arg12[%dma_wait3A_126, %dma_wait3A_127] : memref<125x80xi32, #tpu.memory_space<vmem>> -> memref<1x80xi32, #tpu.memory_space<vmem>>
      %dma_wait3A_129 = tpu.memref_squeeze %dma_wait3A_128 : memref<1x80xi32, #tpu.memory_space<vmem>> -> memref<80xi32, #tpu.memory_space<vmem>>
      %dma_wait3A_130 = arith.constant 0 : i32
      %dma_wait3A_131 = arith.constant 0 : i32
      %dma_wait3A_132 = tpu.memref_slice %arg11[%dma_wait3A_130, %dma_wait3A_131] : memref<10000x128xf32, #tpu.memory_space<vmem_shared>> -> memref<10000x128xf32, #tpu.memory_space<vmem_shared>>
      tpu.wait_indirect_dma semaphore(%arg15 : memref<!tpu.dma_semaphore, #tpu.memory_space<semaphore_mem>>) src(%arg13 : memref<80x128xf32, #tpu.memory_space<vmem>>) dst(%dma_wait3A_132 : memref<10000x128xf32, #tpu.memory_space<vmem_shared>>)
      %dma_wait3A_133 = arith.constant 123 : i32
      %dma_wait3A_134 = arith.constant 0 : i32
      %dma_wait3A_135 = tpu.memref_slice %arg12[%dma_wait3A_133, %dma_wait3A_134] : memref<125x80xi32, #tpu.memory_space<vmem>> -> memref<1x80xi32, #tpu.memory_space<vmem>>
      %dma_wait3A_136 = tpu.memref_squeeze %dma_wait3A_135 : memref<1x80xi32, #tpu.memory_space<vmem>> -> memref<80xi32, #tpu.memory_space<vmem>>
      %dma_wait3A_137 = arith.constant 0 : i32
      %dma_wait3A_138 = arith.constant 0 : i32
      %dma_wait3A_139 = tpu.memref_slice %arg11[%dma_wait3A_137, %dma_wait3A_138] : memref<10000x128xf32, #tpu.memory_space<vmem_shared>> -> memref<10000x128xf32, #tpu.memory_space<vmem_shared>>
      tpu.wait_indirect_dma semaphore(%arg16 : memref<!tpu.dma_semaphore, #tpu.memory_space<semaphore_mem>>) src(%arg14 : memref<80x128xf32, #tpu.memory_space<vmem>>) dst(%dma_wait3A_139 : memref<10000x128xf32, #tpu.memory_space<vmem_shared>>)
      %add3A_140 = arith.constant 9920 : i32
      %add3A_141 = arith.addi %mul3A_119, %add3A_140 : i32
      "tpu.region"() ({
        %run_scoped3A_143 = tpu.sem_alloc : memref<!tpu.dma_semaphore, #tpu.memory_space<semaphore_mem>>
        %dma_start3A = arith.constant 0 : i32
        %dma_start3A_144 = tpu.memref_slice %arg3[%add3A_141, %dma_start3A] : memref<320000x128xf32, #tpu.memory_space<hbm>> -> memref<80x128xf32, #tpu.memory_space<hbm>>
        %dma_start3A_145 = arith.constant 0 : i32
        %dma_start3A_146 = tpu.memref_slice %arg3[%add3A_141, %dma_start3A_145] : memref<320000x128xf32, #tpu.memory_space<hbm>> -> memref<80x128xf32, #tpu.memory_space<hbm>>
        tpu.enqueue_dma source(%dma_start3A_146 : memref<80x128xf32, #tpu.memory_space<hbm>>) target(%arg13 : memref<80x128xf32, #tpu.memory_space<vmem>>) target_semaphore(%run_scoped3A_143 : memref<!tpu.dma_semaphore, #tpu.memory_space<semaphore_mem>>)
        %dma_wait3A_147 = arith.constant 0 : i32
        %dma_wait3A_148 = tpu.memref_slice %arg3[%add3A_141, %dma_wait3A_147] : memref<320000x128xf32, #tpu.memory_space<hbm>> -> memref<80x128xf32, #tpu.memory_space<hbm>>
        %dma_wait3A_149 = arith.constant 0 : i32
        %dma_wait3A_150 = tpu.memref_slice %arg3[%add3A_141, %dma_wait3A_149] : memref<320000x128xf32, #tpu.memory_space<hbm>> -> memref<80x128xf32, #tpu.memory_space<hbm>>
        tpu.wait_dma2 semaphore(%run_scoped3A_143 : memref<!tpu.dma_semaphore, #tpu.memory_space<semaphore_mem>>) src(%dma_wait3A_150 : memref<80x128xf32, #tpu.memory_space<hbm>>) dst(%arg13 : memref<80x128xf32, #tpu.memory_space<vmem>>)
        tpu.yield
      }) : () -> ()
      %run_scoped3A_142 = arith.constant 124 : i32
      "tpu.region"() ({
        %run_scoped3A_143 = tpu.sem_alloc : memref<!tpu.dma_semaphore, #tpu.memory_space<semaphore_mem>>
        %dma_start3A = arith.constant 0 : i32
        %dma_start3A_144 = tpu.memref_slice %arg12[%run_scoped3A_142, %dma_start3A] : memref<125x80xi32, #tpu.memory_space<vmem>> -> memref<1x80xi32, #tpu.memory_space<vmem>>
        %dma_start3A_145 = tpu.memref_squeeze %dma_start3A_144 : memref<1x80xi32, #tpu.memory_space<vmem>> -> memref<80xi32, #tpu.memory_space<vmem>>
        %dma_start3A_146 = arith.constant 0 : i32
        %dma_start3A_147 = arith.constant 0 : i32
        %dma_start3A_148 = tpu.memref_slice %arg11[%dma_start3A_146, %dma_start3A_147] : memref<10000x128xf32, #tpu.memory_space<vmem_shared>> -> memref<10000x128xf32, #tpu.memory_space<vmem_shared>>
        tpu.enqueue_indirect_dma source(%arg13 : memref<80x128xf32, #tpu.memory_space<vmem>>) target(%dma_start3A_148 : memref<10000x128xf32, #tpu.memory_space<vmem_shared>>) offsets(%dma_start3A_145 : memref<80xi32, #tpu.memory_space<vmem>>) semaphore(%run_scoped3A_143 : memref<!tpu.dma_semaphore, #tpu.memory_space<semaphore_mem>>) {add = true}
        %dma_wait3A_149 = arith.constant 0 : i32
        %dma_wait3A_150 = tpu.memref_slice %arg12[%run_scoped3A_142, %dma_wait3A_149] : memref<125x80xi32, #tpu.memory_space<vmem>> -> memref<1x80xi32, #tpu.memory_space<vmem>>
        %dma_wait3A_151 = tpu.memref_squeeze %dma_wait3A_150 : memref<1x80xi32, #tpu.memory_space<vmem>> -> memref<80xi32, #tpu.memory_space<vmem>>
        %dma_wait3A_152 = arith.constant 0 : i32
        %dma_wait3A_153 = arith.constant 0 : i32
        %dma_wait3A_154 = tpu.memref_slice %arg11[%dma_wait3A_152, %dma_wait3A_153] : memref<10000x128xf32, #tpu.memory_space<vmem_shared>> -> memref<10000x128xf32, #tpu.memory_space<vmem_shared>>
        tpu.wait_indirect_dma semaphore(%run_scoped3A_143 : memref<!tpu.dma_semaphore, #tpu.memory_space<semaphore_mem>>) src(%arg13 : memref<80x128xf32, #tpu.memory_space<vmem>>) dst(%dma_wait3A_154 : memref<10000x128xf32, #tpu.memory_space<vmem_shared>>)
        tpu.yield
      }) : () -> ()
    } else {
    }
    %barrier3A_18 = arith.constant 0 : index
    tpu.barrier barrier_id(%barrier3A_18)
    %eq3A_19 = arith.constant 0 : i32
    %eq3A_20 = arith.cmpi eq, %arg0, %eq3A_19 : i32
    %convert_element_type3A_21 = arith.extui %eq3A_20 : i1 to i32
    %cond3A_22 = arith.constant 0 : i32
    %cond3A_23 = arith.cmpi ne, %convert_element_type3A_21, %cond3A_22 : i32
    scf.if %cond3A_23 {
      %scan3A_77 = arith.constant 0 : i32
      %scan3A_78 = arith.constant 0 : i32
      %scan3A_79 = arith.constant 13 : i32
      %scan3A_80 = arith.addi %scan3A_78, %scan3A_79 : i32
      %scan3A_81 = arith.constant 1 : i32
      scf.for %scan3A_86 = %scan3A_78 to %scan3A_80 step %scan3A_81  : i32 {
        %mul3A_87 = arith.constant 48 : i32
        %mul3A_88 = arith.muli %scan3A_86, %mul3A_87 : i32
        %add3A_89 = arith.addi %mul3A_0, %mul3A_88 : i32
        "tpu.region"() ({
          %run_scoped3A_90 = tpu.sem_alloc : memref<!tpu.dma_semaphore, #tpu.memory_space<semaphore_mem>>
          %dma_start3A = arith.constant 0 : i32
          %dma_start3A_91 = arith.constant 0 : i32
          %dma_start3A_92 = tpu.memref_slice %arg13[%dma_start3A, %dma_start3A_91] : memref<80x128xf32, #tpu.memory_space<vmem>> -> memref<48x128xf32, #tpu.memory_space<vmem>>
          %dma_start3A_93 = arith.constant 0 : i32
          %dma_start3A_94 = tpu.memref_slice %arg11[%add3A_89, %dma_start3A_93] : memref<10000x128xf32, #tpu.memory_space<vmem_shared>> -> memref<48x128xf32, #tpu.memory_space<vmem_shared>>
          %dma_start3A_95 = arith.constant 0 : i32
          %dma_start3A_96 = arith.constant 0 : i32
          %dma_start3A_97 = tpu.memref_slice %arg13[%dma_start3A_95, %dma_start3A_96] : memref<80x128xf32, #tpu.memory_space<vmem>> -> memref<48x128xf32, #tpu.memory_space<vmem>>
          %dma_start3A_98 = arith.constant 0 : i32
          %dma_start3A_99 = tpu.memref_slice %arg11[%add3A_89, %dma_start3A_98] : memref<10000x128xf32, #tpu.memory_space<vmem_shared>> -> memref<48x128xf32, #tpu.memory_space<vmem_shared>>
          tpu.enqueue_dma source(%dma_start3A_99 : memref<48x128xf32, #tpu.memory_space<vmem_shared>>) target(%dma_start3A_97 : memref<48x128xf32, #tpu.memory_space<vmem>>) target_semaphore(%run_scoped3A_90 : memref<!tpu.dma_semaphore, #tpu.memory_space<semaphore_mem>>)
          %dma_wait3A_100 = arith.constant 0 : i32
          %dma_wait3A_101 = arith.constant 0 : i32
          %dma_wait3A_102 = tpu.memref_slice %arg13[%dma_wait3A_100, %dma_wait3A_101] : memref<80x128xf32, #tpu.memory_space<vmem>> -> memref<48x128xf32, #tpu.memory_space<vmem>>
          %dma_wait3A_103 = arith.constant 0 : i32
          %dma_wait3A_104 = tpu.memref_slice %arg11[%add3A_89, %dma_wait3A_103] : memref<10000x128xf32, #tpu.memory_space<vmem_shared>> -> memref<48x128xf32, #tpu.memory_space<vmem_shared>>
          %dma_wait3A_105 = arith.constant 0 : i32
          %dma_wait3A_106 = arith.constant 0 : i32
          %dma_wait3A_107 = tpu.memref_slice %arg13[%dma_wait3A_105, %dma_wait3A_106] : memref<80x128xf32, #tpu.memory_space<vmem>> -> memref<48x128xf32, #tpu.memory_space<vmem>>
          %dma_wait3A_108 = arith.constant 0 : i32
          %dma_wait3A_109 = tpu.memref_slice %arg11[%add3A_89, %dma_wait3A_108] : memref<10000x128xf32, #tpu.memory_space<vmem_shared>> -> memref<48x128xf32, #tpu.memory_space<vmem_shared>>
          tpu.wait_dma2 semaphore(%run_scoped3A_90 : memref<!tpu.dma_semaphore, #tpu.memory_space<semaphore_mem>>) src(%dma_wait3A_109 : memref<48x128xf32, #tpu.memory_space<vmem_shared>>) dst(%dma_wait3A_107 : memref<48x128xf32, #tpu.memory_space<vmem>>)
          tpu.yield
        }) : () -> ()
        "tpu.region"() ({
          %run_scoped3A_90 = tpu.sem_alloc : memref<!tpu.dma_semaphore, #tpu.memory_space<semaphore_mem>>
          %dma_start3A = arith.constant 0 : i32
          %dma_start3A_91 = arith.constant 0 : i32
          %dma_start3A_92 = tpu.memref_slice %arg13[%dma_start3A, %dma_start3A_91] : memref<80x128xf32, #tpu.memory_space<vmem>> -> memref<48x128xf32, #tpu.memory_space<vmem>>
          %dma_start3A_93 = arith.constant 0 : i32
          %dma_start3A_94 = tpu.memref_slice %arg7[%add3A_89, %dma_start3A_93] : memref<10000x128xf32, #tpu.memory_space<hbm>> -> memref<48x128xf32, #tpu.memory_space<hbm>>
          %dma_start3A_95 = arith.constant 0 : i32
          %dma_start3A_96 = tpu.memref_slice %arg7[%add3A_89, %dma_start3A_95] : memref<10000x128xf32, #tpu.memory_space<hbm>> -> memref<48x128xf32, #tpu.memory_space<hbm>>
          %dma_start3A_97 = arith.constant 0 : i32
          %dma_start3A_98 = arith.constant 0 : i32
          %dma_start3A_99 = tpu.memref_slice %arg13[%dma_start3A_97, %dma_start3A_98] : memref<80x128xf32, #tpu.memory_space<vmem>> -> memref<48x128xf32, #tpu.memory_space<vmem>>
          tpu.enqueue_dma source(%dma_start3A_99 : memref<48x128xf32, #tpu.memory_space<vmem>>) target(%dma_start3A_96 : memref<48x128xf32, #tpu.memory_space<hbm>>) target_semaphore(%run_scoped3A_90 : memref<!tpu.dma_semaphore, #tpu.memory_space<semaphore_mem>>)
          %dma_wait3A_100 = arith.constant 0 : i32
          %dma_wait3A_101 = arith.constant 0 : i32
          %dma_wait3A_102 = tpu.memref_slice %arg13[%dma_wait3A_100, %dma_wait3A_101] : memref<80x128xf32, #tpu.memory_space<vmem>> -> memref<48x128xf32, #tpu.memory_space<vmem>>
          %dma_wait3A_103 = arith.constant 0 : i32
          %dma_wait3A_104 = tpu.memref_slice %arg7[%add3A_89, %dma_wait3A_103] : memref<10000x128xf32, #tpu.memory_space<hbm>> -> memref<48x128xf32, #tpu.memory_space<hbm>>
          %dma_wait3A_105 = arith.constant 0 : i32
          %dma_wait3A_106 = tpu.memref_slice %arg7[%add3A_89, %dma_wait3A_105] : memref<10000x128xf32, #tpu.memory_space<hbm>> -> memref<48x128xf32, #tpu.memory_space<hbm>>
          %dma_wait3A_107 = arith.constant 0 : i32
          %dma_wait3A_108 = arith.constant 0 : i32
          %dma_wait3A_109 = tpu.memref_slice %arg13[%dma_wait3A_107, %dma_wait3A_108] : memref<80x128xf32, #tpu.memory_space<vmem>> -> memref<48x128xf32, #tpu.memory_space<vmem>>
          tpu.wait_dma2 semaphore(%run_scoped3A_90 : memref<!tpu.dma_semaphore, #tpu.memory_space<semaphore_mem>>) src(%dma_wait3A_109 : memref<48x128xf32, #tpu.memory_space<vmem>>) dst(%dma_wait3A_106 : memref<48x128xf32, #tpu.memory_space<hbm>>)
          tpu.yield
        }) : () -> ()
      }
      %scan3A_82 = arith.constant 13 : i32
      %convert_element_type3A_83 = arith.extui %eq3A_1 : i1 to i32
      %cond3A_84 = arith.constant 0 : i32
      %cond3A_85 = arith.cmpi ne, %convert_element_type3A_83, %cond3A_84 : i32
      scf.if %cond3A_85 {
        "tpu.region"() ({
          %run_scoped3A_86 = tpu.sem_alloc : memref<!tpu.dma_semaphore, #tpu.memory_space<semaphore_mem>>
          %dma_start3A = arith.constant 0 : i32
          %dma_start3A_87 = arith.constant 0 : i32
          %dma_start3A_88 = tpu.memref_slice %arg13[%dma_start3A, %dma_start3A_87] : memref<80x128xf32, #tpu.memory_space<vmem>> -> memref<16x128xf32, #tpu.memory_space<vmem>>
          %dma_start3A_89 = arith.constant 9984 : i32
          %dma_start3A_90 = arith.constant 0 : i32
          %dma_start3A_91 = tpu.memref_slice %arg11[%dma_start3A_89, %dma_start3A_90] : memref<10000x128xf32, #tpu.memory_space<vmem_shared>> -> memref<16x128xf32, #tpu.memory_space<vmem_shared>>
          %dma_start3A_92 = arith.constant 0 : i32
          %dma_start3A_93 = arith.constant 0 : i32
          %dma_start3A_94 = tpu.memref_slice %arg13[%dma_start3A_92, %dma_start3A_93] : memref<80x128xf32, #tpu.memory_space<vmem>> -> memref<16x128xf32, #tpu.memory_space<vmem>>
          %dma_start3A_95 = arith.constant 9984 : i32
          %dma_start3A_96 = arith.constant 0 : i32
          %dma_start3A_97 = tpu.memref_slice %arg11[%dma_start3A_95, %dma_start3A_96] : memref<10000x128xf32, #tpu.memory_space<vmem_shared>> -> memref<16x128xf32, #tpu.memory_space<vmem_shared>>
          tpu.enqueue_dma source(%dma_start3A_97 : memref<16x128xf32, #tpu.memory_space<vmem_shared>>) target(%dma_start3A_94 : memref<16x128xf32, #tpu.memory_space<vmem>>) target_semaphore(%run_scoped3A_86 : memref<!tpu.dma_semaphore, #tpu.memory_space<semaphore_mem>>)
          %dma_wait3A_98 = arith.constant 0 : i32
          %dma_wait3A_99 = arith.constant 0 : i32
          %dma_wait3A_100 = tpu.memref_slice %arg13[%dma_wait3A_98, %dma_wait3A_99] : memref<80x128xf32, #tpu.memory_space<vmem>> -> memref<16x128xf32, #tpu.memory_space<vmem>>
          %dma_wait3A_101 = arith.constant 9984 : i32
          %dma_wait3A_102 = arith.constant 0 : i32
          %dma_wait3A_103 = tpu.memref_slice %arg11[%dma_wait3A_101, %dma_wait3A_102] : memref<10000x128xf32, #tpu.memory_space<vmem_shared>> -> memref<16x128xf32, #tpu.memory_space<vmem_shared>>
          %dma_wait3A_104 = arith.constant 0 : i32
          %dma_wait3A_105 = arith.constant 0 : i32
          %dma_wait3A_106 = tpu.memref_slice %arg13[%dma_wait3A_104, %dma_wait3A_105] : memref<80x128xf32, #tpu.memory_space<vmem>> -> memref<16x128xf32, #tpu.memory_space<vmem>>
          %dma_wait3A_107 = arith.constant 9984 : i32
          %dma_wait3A_108 = arith.constant 0 : i32
          %dma_wait3A_109 = tpu.memref_slice %arg11[%dma_wait3A_107, %dma_wait3A_108] : memref<10000x128xf32, #tpu.memory_space<vmem_shared>> -> memref<16x128xf32, #tpu.memory_space<vmem_shared>>
          tpu.wait_dma2 semaphore(%run_scoped3A_86 : memref<!tpu.dma_semaphore, #tpu.memory_space<semaphore_mem>>) src(%dma_wait3A_109 : memref<16x128xf32, #tpu.memory_space<vmem_shared>>) dst(%dma_wait3A_106 : memref<16x128xf32, #tpu.memory_space<vmem>>)
          tpu.yield
        }) : () -> ()
        "tpu.region"() ({
          %run_scoped3A_86 = tpu.sem_alloc : memref<!tpu.dma_semaphore, #tpu.memory_space<semaphore_mem>>
          %dma_start3A = arith.constant 0 : i32
          %dma_start3A_87 = arith.constant 0 : i32
          %dma_start3A_88 = tpu.memref_slice %arg13[%dma_start3A, %dma_start3A_87] : memref<80x128xf32, #tpu.memory_space<vmem>> -> memref<16x128xf32, #tpu.memory_space<vmem>>
          %dma_start3A_89 = arith.constant 9984 : i32
          %dma_start3A_90 = arith.constant 0 : i32
          %dma_start3A_91 = tpu.memref_slice %arg7[%dma_start3A_89, %dma_start3A_90] : memref<10000x128xf32, #tpu.memory_space<hbm>> -> memref<16x128xf32, #tpu.memory_space<hbm>>
          %dma_start3A_92 = arith.constant 9984 : i32
          %dma_start3A_93 = arith.constant 0 : i32
          %dma_start3A_94 = tpu.memref_slice %arg7[%dma_start3A_92, %dma_start3A_93] : memref<10000x128xf32, #tpu.memory_space<hbm>> -> memref<16x128xf32, #tpu.memory_space<hbm>>
          %dma_start3A_95 = arith.constant 0 : i32
          %dma_start3A_96 = arith.constant 0 : i32
          %dma_start3A_97 = tpu.memref_slice %arg13[%dma_start3A_95, %dma_start3A_96] : memref<80x128xf32, #tpu.memory_space<vmem>> -> memref<16x128xf32, #tpu.memory_space<vmem>>
          tpu.enqueue_dma source(%dma_start3A_97 : memref<16x128xf32, #tpu.memory_space<vmem>>) target(%dma_start3A_94 : memref<16x128xf32, #tpu.memory_space<hbm>>) target_semaphore(%run_scoped3A_86 : memref<!tpu.dma_semaphore, #tpu.memory_space<semaphore_mem>>)
          %dma_wait3A_98 = arith.constant 0 : i32
          %dma_wait3A_99 = arith.constant 0 : i32
          %dma_wait3A_100 = tpu.memref_slice %arg13[%dma_wait3A_98, %dma_wait3A_99] : memref<80x128xf32, #tpu.memory_space<vmem>> -> memref<16x128xf32, #tpu.memory_space<vmem>>
          %dma_wait3A_101 = arith.constant 9984 : i32
          %dma_wait3A_102 = arith.constant 0 : i32
          %dma_wait3A_103 = tpu.memref_slice %arg7[%dma_wait3A_101, %dma_wait3A_102] : memref<10000x128xf32, #tpu.memory_space<hbm>> -> memref<16x128xf32, #tpu.memory_space<hbm>>
          %dma_wait3A_104 = arith.constant 9984 : i32
          %dma_wait3A_105 = arith.constant 0 : i32
          %dma_wait3A_106 = tpu.memref_slice %arg7[%dma_wait3A_104, %dma_wait3A_105] : memref<10000x128xf32, #tpu.memory_space<hbm>> -> memref<16x128xf32, #tpu.memory_space<hbm>>
          %dma_wait3A_107 = arith.constant 0 : i32
          %dma_wait3A_108 = arith.constant 0 : i32
          %dma_wait3A_109 = tpu.memref_slice %arg13[%dma_wait3A_107, %dma_wait3A_108] : memref<80x128xf32, #tpu.memory_space<vmem>> -> memref<16x128xf32, #tpu.memory_space<vmem>>
          tpu.wait_dma2 semaphore(%run_scoped3A_86 : memref<!tpu.dma_semaphore, #tpu.memory_space<semaphore_mem>>) src(%dma_wait3A_109 : memref<16x128xf32, #tpu.memory_space<vmem>>) dst(%dma_wait3A_106 : memref<16x128xf32, #tpu.memory_space<hbm>>)
          tpu.yield
        }) : () -> ()
      } else {
      }
    } else {
    }
    %eq3A_24 = arith.constant 1 : i32
    %eq3A_25 = arith.cmpi eq, %arg0, %eq3A_24 : i32
    %convert_element_type3A_26 = arith.extui %eq3A_25 : i1 to i32
    %cond3A_27 = arith.constant 0 : i32
    %cond3A_28 = arith.cmpi ne, %convert_element_type3A_26, %cond3A_27 : i32
    scf.if %cond3A_28 {
      %scan3A_77 = arith.constant 0 : i32
      %scan3A_78 = arith.constant 0 : i32
      %scan3A_79 = arith.constant 13 : i32
      %scan3A_80 = arith.addi %scan3A_78, %scan3A_79 : i32
      %scan3A_81 = arith.constant 1 : i32
      scf.for %scan3A_86 = %scan3A_78 to %scan3A_80 step %scan3A_81  : i32 {
        %mul3A_87 = arith.constant 48 : i32
        %mul3A_88 = arith.muli %scan3A_86, %mul3A_87 : i32
        %add3A_89 = arith.addi %mul3A_0, %mul3A_88 : i32
        "tpu.region"() ({
          %run_scoped3A_90 = tpu.sem_alloc : memref<!tpu.dma_semaphore, #tpu.memory_space<semaphore_mem>>
          %dma_start3A = arith.constant 0 : i32
          %dma_start3A_91 = arith.constant 0 : i32
          %dma_start3A_92 = tpu.memref_slice %arg13[%dma_start3A, %dma_start3A_91] : memref<80x128xf32, #tpu.memory_space<vmem>> -> memref<48x128xf32, #tpu.memory_space<vmem>>
          %dma_start3A_93 = arith.constant 0 : i32
          %dma_start3A_94 = tpu.memref_slice %arg11[%add3A_89, %dma_start3A_93] : memref<10000x128xf32, #tpu.memory_space<vmem_shared>> -> memref<48x128xf32, #tpu.memory_space<vmem_shared>>
          %dma_start3A_95 = arith.constant 0 : i32
          %dma_start3A_96 = arith.constant 0 : i32
          %dma_start3A_97 = tpu.memref_slice %arg13[%dma_start3A_95, %dma_start3A_96] : memref<80x128xf32, #tpu.memory_space<vmem>> -> memref<48x128xf32, #tpu.memory_space<vmem>>
          %dma_start3A_98 = arith.constant 0 : i32
          %dma_start3A_99 = tpu.memref_slice %arg11[%add3A_89, %dma_start3A_98] : memref<10000x128xf32, #tpu.memory_space<vmem_shared>> -> memref<48x128xf32, #tpu.memory_space<vmem_shared>>
          tpu.enqueue_dma source(%dma_start3A_99 : memref<48x128xf32, #tpu.memory_space<vmem_shared>>) target(%dma_start3A_97 : memref<48x128xf32, #tpu.memory_space<vmem>>) target_semaphore(%run_scoped3A_90 : memref<!tpu.dma_semaphore, #tpu.memory_space<semaphore_mem>>)
          %dma_wait3A_100 = arith.constant 0 : i32
          %dma_wait3A_101 = arith.constant 0 : i32
          %dma_wait3A_102 = tpu.memref_slice %arg13[%dma_wait3A_100, %dma_wait3A_101] : memref<80x128xf32, #tpu.memory_space<vmem>> -> memref<48x128xf32, #tpu.memory_space<vmem>>
          %dma_wait3A_103 = arith.constant 0 : i32
          %dma_wait3A_104 = tpu.memref_slice %arg11[%add3A_89, %dma_wait3A_103] : memref<10000x128xf32, #tpu.memory_space<vmem_shared>> -> memref<48x128xf32, #tpu.memory_space<vmem_shared>>
          %dma_wait3A_105 = arith.constant 0 : i32
          %dma_wait3A_106 = arith.constant 0 : i32
          %dma_wait3A_107 = tpu.memref_slice %arg13[%dma_wait3A_105, %dma_wait3A_106] : memref<80x128xf32, #tpu.memory_space<vmem>> -> memref<48x128xf32, #tpu.memory_space<vmem>>
          %dma_wait3A_108 = arith.constant 0 : i32
          %dma_wait3A_109 = tpu.memref_slice %arg11[%add3A_89, %dma_wait3A_108] : memref<10000x128xf32, #tpu.memory_space<vmem_shared>> -> memref<48x128xf32, #tpu.memory_space<vmem_shared>>
          tpu.wait_dma2 semaphore(%run_scoped3A_90 : memref<!tpu.dma_semaphore, #tpu.memory_space<semaphore_mem>>) src(%dma_wait3A_109 : memref<48x128xf32, #tpu.memory_space<vmem_shared>>) dst(%dma_wait3A_107 : memref<48x128xf32, #tpu.memory_space<vmem>>)
          tpu.yield
        }) : () -> ()
        "tpu.region"() ({
          %run_scoped3A_90 = tpu.sem_alloc : memref<!tpu.dma_semaphore, #tpu.memory_space<semaphore_mem>>
          %dma_start3A = arith.constant 0 : i32
          %dma_start3A_91 = arith.constant 0 : i32
          %dma_start3A_92 = tpu.memref_slice %arg13[%dma_start3A, %dma_start3A_91] : memref<80x128xf32, #tpu.memory_space<vmem>> -> memref<48x128xf32, #tpu.memory_space<vmem>>
          %dma_start3A_93 = arith.constant 0 : i32
          %dma_start3A_94 = tpu.memref_slice %arg8[%add3A_89, %dma_start3A_93] : memref<10000x128xf32, #tpu.memory_space<hbm>> -> memref<48x128xf32, #tpu.memory_space<hbm>>
          %dma_start3A_95 = arith.constant 0 : i32
          %dma_start3A_96 = tpu.memref_slice %arg8[%add3A_89, %dma_start3A_95] : memref<10000x128xf32, #tpu.memory_space<hbm>> -> memref<48x128xf32, #tpu.memory_space<hbm>>
          %dma_start3A_97 = arith.constant 0 : i32
          %dma_start3A_98 = arith.constant 0 : i32
          %dma_start3A_99 = tpu.memref_slice %arg13[%dma_start3A_97, %dma_start3A_98] : memref<80x128xf32, #tpu.memory_space<vmem>> -> memref<48x128xf32, #tpu.memory_space<vmem>>
          tpu.enqueue_dma source(%dma_start3A_99 : memref<48x128xf32, #tpu.memory_space<vmem>>) target(%dma_start3A_96 : memref<48x128xf32, #tpu.memory_space<hbm>>) target_semaphore(%run_scoped3A_90 : memref<!tpu.dma_semaphore, #tpu.memory_space<semaphore_mem>>)
          %dma_wait3A_100 = arith.constant 0 : i32
          %dma_wait3A_101 = arith.constant 0 : i32
          %dma_wait3A_102 = tpu.memref_slice %arg13[%dma_wait3A_100, %dma_wait3A_101] : memref<80x128xf32, #tpu.memory_space<vmem>> -> memref<48x128xf32, #tpu.memory_space<vmem>>
          %dma_wait3A_103 = arith.constant 0 : i32
          %dma_wait3A_104 = tpu.memref_slice %arg8[%add3A_89, %dma_wait3A_103] : memref<10000x128xf32, #tpu.memory_space<hbm>> -> memref<48x128xf32, #tpu.memory_space<hbm>>
          %dma_wait3A_105 = arith.constant 0 : i32
          %dma_wait3A_106 = tpu.memref_slice %arg8[%add3A_89, %dma_wait3A_105] : memref<10000x128xf32, #tpu.memory_space<hbm>> -> memref<48x128xf32, #tpu.memory_space<hbm>>
          %dma_wait3A_107 = arith.constant 0 : i32
          %dma_wait3A_108 = arith.constant 0 : i32
          %dma_wait3A_109 = tpu.memref_slice %arg13[%dma_wait3A_107, %dma_wait3A_108] : memref<80x128xf32, #tpu.memory_space<vmem>> -> memref<48x128xf32, #tpu.memory_space<vmem>>
          tpu.wait_dma2 semaphore(%run_scoped3A_90 : memref<!tpu.dma_semaphore, #tpu.memory_space<semaphore_mem>>) src(%dma_wait3A_109 : memref<48x128xf32, #tpu.memory_space<vmem>>) dst(%dma_wait3A_106 : memref<48x128xf32, #tpu.memory_space<hbm>>)
          tpu.yield
        }) : () -> ()
      }
      %scan3A_82 = arith.constant 13 : i32
      %convert_element_type3A_83 = arith.extui %eq3A_1 : i1 to i32
      %cond3A_84 = arith.constant 0 : i32
      %cond3A_85 = arith.cmpi ne, %convert_element_type3A_83, %cond3A_84 : i32
      scf.if %cond3A_85 {
        "tpu.region"() ({
          %run_scoped3A_86 = tpu.sem_alloc : memref<!tpu.dma_semaphore, #tpu.memory_space<semaphore_mem>>
          %dma_start3A = arith.constant 0 : i32
          %dma_start3A_87 = arith.constant 0 : i32
          %dma_start3A_88 = tpu.memref_slice %arg13[%dma_start3A, %dma_start3A_87] : memref<80x128xf32, #tpu.memory_space<vmem>> -> memref<16x128xf32, #tpu.memory_space<vmem>>
          %dma_start3A_89 = arith.constant 9984 : i32
          %dma_start3A_90 = arith.constant 0 : i32
          %dma_start3A_91 = tpu.memref_slice %arg11[%dma_start3A_89, %dma_start3A_90] : memref<10000x128xf32, #tpu.memory_space<vmem_shared>> -> memref<16x128xf32, #tpu.memory_space<vmem_shared>>
          %dma_start3A_92 = arith.constant 0 : i32
          %dma_start3A_93 = arith.constant 0 : i32
          %dma_start3A_94 = tpu.memref_slice %arg13[%dma_start3A_92, %dma_start3A_93] : memref<80x128xf32, #tpu.memory_space<vmem>> -> memref<16x128xf32, #tpu.memory_space<vmem>>
          %dma_start3A_95 = arith.constant 9984 : i32
          %dma_start3A_96 = arith.constant 0 : i32
          %dma_start3A_97 = tpu.memref_slice %arg11[%dma_start3A_95, %dma_start3A_96] : memref<10000x128xf32, #tpu.memory_space<vmem_shared>> -> memref<16x128xf32, #tpu.memory_space<vmem_shared>>
          tpu.enqueue_dma source(%dma_start3A_97 : memref<16x128xf32, #tpu.memory_space<vmem_shared>>) target(%dma_start3A_94 : memref<16x128xf32, #tpu.memory_space<vmem>>) target_semaphore(%run_scoped3A_86 : memref<!tpu.dma_semaphore, #tpu.memory_space<semaphore_mem>>)
          %dma_wait3A_98 = arith.constant 0 : i32
          %dma_wait3A_99 = arith.constant 0 : i32
          %dma_wait3A_100 = tpu.memref_slice %arg13[%dma_wait3A_98, %dma_wait3A_99] : memref<80x128xf32, #tpu.memory_space<vmem>> -> memref<16x128xf32, #tpu.memory_space<vmem>>
          %dma_wait3A_101 = arith.constant 9984 : i32
          %dma_wait3A_102 = arith.constant 0 : i32
          %dma_wait3A_103 = tpu.memref_slice %arg11[%dma_wait3A_101, %dma_wait3A_102] : memref<10000x128xf32, #tpu.memory_space<vmem_shared>> -> memref<16x128xf32, #tpu.memory_space<vmem_shared>>
          %dma_wait3A_104 = arith.constant 0 : i32
          %dma_wait3A_105 = arith.constant 0 : i32
          %dma_wait3A_106 = tpu.memref_slice %arg13[%dma_wait3A_104, %dma_wait3A_105] : memref<80x128xf32, #tpu.memory_space<vmem>> -> memref<16x128xf32, #tpu.memory_space<vmem>>
          %dma_wait3A_107 = arith.constant 9984 : i32
          %dma_wait3A_108 = arith.constant 0 : i32
          %dma_wait3A_109 = tpu.memref_slice %arg11[%dma_wait3A_107, %dma_wait3A_108] : memref<10000x128xf32, #tpu.memory_space<vmem_shared>> -> memref<16x128xf32, #tpu.memory_space<vmem_shared>>
          tpu.wait_dma2 semaphore(%run_scoped3A_86 : memref<!tpu.dma_semaphore, #tpu.memory_space<semaphore_mem>>) src(%dma_wait3A_109 : memref<16x128xf32, #tpu.memory_space<vmem_shared>>) dst(%dma_wait3A_106 : memref<16x128xf32, #tpu.memory_space<vmem>>)
          tpu.yield
        }) : () -> ()
        "tpu.region"() ({
          %run_scoped3A_86 = tpu.sem_alloc : memref<!tpu.dma_semaphore, #tpu.memory_space<semaphore_mem>>
          %dma_start3A = arith.constant 0 : i32
          %dma_start3A_87 = arith.constant 0 : i32
          %dma_start3A_88 = tpu.memref_slice %arg13[%dma_start3A, %dma_start3A_87] : memref<80x128xf32, #tpu.memory_space<vmem>> -> memref<16x128xf32, #tpu.memory_space<vmem>>
          %dma_start3A_89 = arith.constant 9984 : i32
          %dma_start3A_90 = arith.constant 0 : i32
          %dma_start3A_91 = tpu.memref_slice %arg8[%dma_start3A_89, %dma_start3A_90] : memref<10000x128xf32, #tpu.memory_space<hbm>> -> memref<16x128xf32, #tpu.memory_space<hbm>>
          %dma_start3A_92 = arith.constant 9984 : i32
          %dma_start3A_93 = arith.constant 0 : i32
          %dma_start3A_94 = tpu.memref_slice %arg8[%dma_start3A_92, %dma_start3A_93] : memref<10000x128xf32, #tpu.memory_space<hbm>> -> memref<16x128xf32, #tpu.memory_space<hbm>>
          %dma_start3A_95 = arith.constant 0 : i32
          %dma_start3A_96 = arith.constant 0 : i32
          %dma_start3A_97 = tpu.memref_slice %arg13[%dma_start3A_95, %dma_start3A_96] : memref<80x128xf32, #tpu.memory_space<vmem>> -> memref<16x128xf32, #tpu.memory_space<vmem>>
          tpu.enqueue_dma source(%dma_start3A_97 : memref<16x128xf32, #tpu.memory_space<vmem>>) target(%dma_start3A_94 : memref<16x128xf32, #tpu.memory_space<hbm>>) target_semaphore(%run_scoped3A_86 : memref<!tpu.dma_semaphore, #tpu.memory_space<semaphore_mem>>)
          %dma_wait3A_98 = arith.constant 0 : i32
          %dma_wait3A_99 = arith.constant 0 : i32
          %dma_wait3A_100 = tpu.memref_slice %arg13[%dma_wait3A_98, %dma_wait3A_99] : memref<80x128xf32, #tpu.memory_space<vmem>> -> memref<16x128xf32, #tpu.memory_space<vmem>>
          %dma_wait3A_101 = arith.constant 9984 : i32
          %dma_wait3A_102 = arith.constant 0 : i32
          %dma_wait3A_103 = tpu.memref_slice %arg8[%dma_wait3A_101, %dma_wait3A_102] : memref<10000x128xf32, #tpu.memory_space<hbm>> -> memref<16x128xf32, #tpu.memory_space<hbm>>
          %dma_wait3A_104 = arith.constant 9984 : i32
          %dma_wait3A_105 = arith.constant 0 : i32
          %dma_wait3A_106 = tpu.memref_slice %arg8[%dma_wait3A_104, %dma_wait3A_105] : memref<10000x128xf32, #tpu.memory_space<hbm>> -> memref<16x128xf32, #tpu.memory_space<hbm>>
          %dma_wait3A_107 = arith.constant 0 : i32
          %dma_wait3A_108 = arith.constant 0 : i32
          %dma_wait3A_109 = tpu.memref_slice %arg13[%dma_wait3A_107, %dma_wait3A_108] : memref<80x128xf32, #tpu.memory_space<vmem>> -> memref<16x128xf32, #tpu.memory_space<vmem>>
          tpu.wait_dma2 semaphore(%run_scoped3A_86 : memref<!tpu.dma_semaphore, #tpu.memory_space<semaphore_mem>>) src(%dma_wait3A_109 : memref<16x128xf32, #tpu.memory_space<vmem>>) dst(%dma_wait3A_106 : memref<16x128xf32, #tpu.memory_space<hbm>>)
          tpu.yield
        }) : () -> ()
      } else {
      }
    } else {
    }
    "tpu.region"() ({
      %run_scoped3A_77 = tpu.sem_alloc : memref<!tpu.dma_semaphore, #tpu.memory_space<semaphore_mem>>
      tpu.enqueue_dma source(%arg6 : memref<80x128xf32, #tpu.memory_space<hbm>>) target(%arg13 : memref<80x128xf32, #tpu.memory_space<vmem>>) target_semaphore(%run_scoped3A_77 : memref<!tpu.dma_semaphore, #tpu.memory_space<semaphore_mem>>)
      tpu.wait_dma2 semaphore(%run_scoped3A_77 : memref<!tpu.dma_semaphore, #tpu.memory_space<semaphore_mem>>) src(%arg6 : memref<80x128xf32, #tpu.memory_space<hbm>>) dst(%arg13 : memref<80x128xf32, #tpu.memory_space<vmem>>)
      tpu.yield
    }) : () -> ()
    %scan3A_29 = arith.constant 0 : i32
    %scan3A_30 = arith.constant 0 : i32
    %scan3A_31 = arith.constant 13 : i32
    %scan3A_32 = arith.addi %scan3A_30, %scan3A_31 : i32
    %scan3A_33 = arith.constant 1 : i32
    scf.for %scan3A_77 = %scan3A_30 to %scan3A_32 step %scan3A_33  : i32 {
      %mul3A_78 = arith.constant 48 : i32
      %mul3A_79 = arith.muli %scan3A_77, %mul3A_78 : i32
      %add3A_80 = arith.addi %mul3A_0, %mul3A_79 : i32
      "tpu.region"() ({
        %run_scoped3A_81 = tpu.sem_alloc : memref<!tpu.dma_semaphore, #tpu.memory_space<semaphore_mem>>
        %dma_start3A = arith.constant 0 : i32
        %dma_start3A_82 = arith.constant 0 : i32
        %dma_start3A_83 = tpu.memref_slice %arg13[%dma_start3A, %dma_start3A_82] : memref<80x128xf32, #tpu.memory_space<vmem>> -> memref<48x128xf32, #tpu.memory_space<vmem>>
        %dma_start3A_84 = arith.constant 0 : i32
        %dma_start3A_85 = tpu.memref_slice %arg11[%add3A_80, %dma_start3A_84] : memref<10000x128xf32, #tpu.memory_space<vmem_shared>> -> memref<48x128xf32, #tpu.memory_space<vmem_shared>>
        %dma_start3A_86 = arith.constant 0 : i32
        %dma_start3A_87 = tpu.memref_slice %arg11[%add3A_80, %dma_start3A_86] : memref<10000x128xf32, #tpu.memory_space<vmem_shared>> -> memref<48x128xf32, #tpu.memory_space<vmem_shared>>
        %dma_start3A_88 = arith.constant 0 : i32
        %dma_start3A_89 = arith.constant 0 : i32
        %dma_start3A_90 = tpu.memref_slice %arg13[%dma_start3A_88, %dma_start3A_89] : memref<80x128xf32, #tpu.memory_space<vmem>> -> memref<48x128xf32, #tpu.memory_space<vmem>>
        tpu.enqueue_dma source(%dma_start3A_90 : memref<48x128xf32, #tpu.memory_space<vmem>>) target(%dma_start3A_87 : memref<48x128xf32, #tpu.memory_space<vmem_shared>>) target_semaphore(%run_scoped3A_81 : memref<!tpu.dma_semaphore, #tpu.memory_space<semaphore_mem>>)
        %dma_wait3A_91 = arith.constant 0 : i32
        %dma_wait3A_92 = arith.constant 0 : i32
        %dma_wait3A_93 = tpu.memref_slice %arg13[%dma_wait3A_91, %dma_wait3A_92] : memref<80x128xf32, #tpu.memory_space<vmem>> -> memref<48x128xf32, #tpu.memory_space<vmem>>
        %dma_wait3A_94 = arith.constant 0 : i32
        %dma_wait3A_95 = tpu.memref_slice %arg11[%add3A_80, %dma_wait3A_94] : memref<10000x128xf32, #tpu.memory_space<vmem_shared>> -> memref<48x128xf32, #tpu.memory_space<vmem_shared>>
        %dma_wait3A_96 = arith.constant 0 : i32
        %dma_wait3A_97 = tpu.memref_slice %arg11[%add3A_80, %dma_wait3A_96] : memref<10000x128xf32, #tpu.memory_space<vmem_shared>> -> memref<48x128xf32, #tpu.memory_space<vmem_shared>>
        %dma_wait3A_98 = arith.constant 0 : i32
        %dma_wait3A_99 = arith.constant 0 : i32
        %dma_wait3A_100 = tpu.memref_slice %arg13[%dma_wait3A_98, %dma_wait3A_99] : memref<80x128xf32, #tpu.memory_space<vmem>> -> memref<48x128xf32, #tpu.memory_space<vmem>>
        tpu.wait_dma2 semaphore(%run_scoped3A_81 : memref<!tpu.dma_semaphore, #tpu.memory_space<semaphore_mem>>) src(%dma_wait3A_100 : memref<48x128xf32, #tpu.memory_space<vmem>>) dst(%dma_wait3A_97 : memref<48x128xf32, #tpu.memory_space<vmem_shared>>)
        tpu.yield
      }) : () -> ()
    }
    %scan3A_34 = arith.constant 13 : i32
    %convert_element_type3A_35 = arith.extui %eq3A_1 : i1 to i32
    %cond3A_36 = arith.constant 0 : i32
    %cond3A_37 = arith.cmpi ne, %convert_element_type3A_35, %cond3A_36 : i32
    scf.if %cond3A_37 {
      "tpu.region"() ({
        %run_scoped3A_77 = tpu.sem_alloc : memref<!tpu.dma_semaphore, #tpu.memory_space<semaphore_mem>>
        %dma_start3A = arith.constant 0 : i32
        %dma_start3A_78 = arith.constant 0 : i32
        %dma_start3A_79 = tpu.memref_slice %arg13[%dma_start3A, %dma_start3A_78] : memref<80x128xf32, #tpu.memory_space<vmem>> -> memref<16x128xf32, #tpu.memory_space<vmem>>
        %dma_start3A_80 = arith.constant 9984 : i32
        %dma_start3A_81 = arith.constant 0 : i32
        %dma_start3A_82 = tpu.memref_slice %arg11[%dma_start3A_80, %dma_start3A_81] : memref<10000x128xf32, #tpu.memory_space<vmem_shared>> -> memref<16x128xf32, #tpu.memory_space<vmem_shared>>
        %dma_start3A_83 = arith.constant 9984 : i32
        %dma_start3A_84 = arith.constant 0 : i32
        %dma_start3A_85 = tpu.memref_slice %arg11[%dma_start3A_83, %dma_start3A_84] : memref<10000x128xf32, #tpu.memory_space<vmem_shared>> -> memref<16x128xf32, #tpu.memory_space<vmem_shared>>
        %dma_start3A_86 = arith.constant 0 : i32
        %dma_start3A_87 = arith.constant 0 : i32
        %dma_start3A_88 = tpu.memref_slice %arg13[%dma_start3A_86, %dma_start3A_87] : memref<80x128xf32, #tpu.memory_space<vmem>> -> memref<16x128xf32, #tpu.memory_space<vmem>>
        tpu.enqueue_dma source(%dma_start3A_88 : memref<16x128xf32, #tpu.memory_space<vmem>>) target(%dma_start3A_85 : memref<16x128xf32, #tpu.memory_space<vmem_shared>>) target_semaphore(%run_scoped3A_77 : memref<!tpu.dma_semaphore, #tpu.memory_space<semaphore_mem>>)
        %dma_wait3A_89 = arith.constant 0 : i32
        %dma_wait3A_90 = arith.constant 0 : i32
        %dma_wait3A_91 = tpu.memref_slice %arg13[%dma_wait3A_89, %dma_wait3A_90] : memref<80x128xf32, #tpu.memory_space<vmem>> -> memref<16x128xf32, #tpu.memory_space<vmem>>
        %dma_wait3A_92 = arith.constant 9984 : i32
        %dma_wait3A_93 = arith.constant 0 : i32
        %dma_wait3A_94 = tpu.memref_slice %arg11[%dma_wait3A_92, %dma_wait3A_93] : memref<10000x128xf32, #tpu.memory_space<vmem_shared>> -> memref<16x128xf32, #tpu.memory_space<vmem_shared>>
        %dma_wait3A_95 = arith.constant 9984 : i32
        %dma_wait3A_96 = arith.constant 0 : i32
        %dma_wait3A_97 = tpu.memref_slice %arg11[%dma_wait3A_95, %dma_wait3A_96] : memref<10000x128xf32, #tpu.memory_space<vmem_shared>> -> memref<16x128xf32, #tpu.memory_space<vmem_shared>>
        %dma_wait3A_98 = arith.constant 0 : i32
        %dma_wait3A_99 = arith.constant 0 : i32
        %dma_wait3A_100 = tpu.memref_slice %arg13[%dma_wait3A_98, %dma_wait3A_99] : memref<80x128xf32, #tpu.memory_space<vmem>> -> memref<16x128xf32, #tpu.memory_space<vmem>>
        tpu.wait_dma2 semaphore(%run_scoped3A_77 : memref<!tpu.dma_semaphore, #tpu.memory_space<semaphore_mem>>) src(%dma_wait3A_100 : memref<16x128xf32, #tpu.memory_space<vmem>>) dst(%dma_wait3A_97 : memref<16x128xf32, #tpu.memory_space<vmem_shared>>)
        tpu.yield
      }) : () -> ()
    } else {
    }
    %barrier3A_38 = arith.constant 0 : index
    tpu.barrier barrier_id(%barrier3A_38)
    %mul3A_39 = arith.constant 16 : i32
    %mul3A_40 = arith.muli %arg0, %mul3A_39 : i32
    %add3A = arith.addi %mul3A_40, %arg1 : i32
    %mul3A_41 = arith.constant 125 : i32
    %mul3A_42 = arith.muli %add3A, %mul3A_41 : i32
    %mul3A_43 = arith.constant 80 : i32
    %mul3A_44 = arith.muli %mul3A_42, %mul3A_43 : i32
    "tpu.region"() ({
      %run_scoped3A_77 = tpu.sem_alloc : memref<!tpu.dma_semaphore, #tpu.memory_space<semaphore_mem>>
      %dma_start3A = arith.constant 0 : i32
      %dma_start3A_78 = arith.constant 0 : i32
      %dma_start3A_79 = tpu.memref_slice %arg12[%dma_start3A, %dma_start3A_78] : memref<125x80xi32, #tpu.memory_space<vmem>> -> memref<125x80xi32, #tpu.memory_space<vmem>>
      %dma_start3A_80 = arith.constant 0 : i32
      %dma_start3A_81 = arith.constant 0 : i32
      %dma_start3A_82 = tpu.memref_slice %arg5[%add3A, %dma_start3A_80, %dma_start3A_81] : memref<32x125x80xi32, #tpu.memory_space<hbm>> -> memref<1x125x80xi32, #tpu.memory_space<hbm>>
      %dma_start3A_83 = tpu.memref_squeeze %dma_start3A_82 : memref<1x125x80xi32, #tpu.memory_space<hbm>> -> memref<125x80xi32, #tpu.memory_space<hbm>>
      %dma_start3A_84 = arith.constant 0 : i32
      %dma_start3A_85 = arith.constant 0 : i32
      %dma_start3A_86 = tpu.memref_slice %arg12[%dma_start3A_84, %dma_start3A_85] : memref<125x80xi32, #tpu.memory_space<vmem>> -> memref<125x80xi32, #tpu.memory_space<vmem>>
      %dma_start3A_87 = arith.constant 0 : i32
      %dma_start3A_88 = arith.constant 0 : i32
      %dma_start3A_89 = tpu.memref_slice %arg5[%add3A, %dma_start3A_87, %dma_start3A_88] : memref<32x125x80xi32, #tpu.memory_space<hbm>> -> memref<1x125x80xi32, #tpu.memory_space<hbm>>
      %dma_start3A_90 = tpu.memref_squeeze %dma_start3A_89 : memref<1x125x80xi32, #tpu.memory_space<hbm>> -> memref<125x80xi32, #tpu.memory_space<hbm>>
      tpu.enqueue_dma source(%dma_start3A_90 : memref<125x80xi32, #tpu.memory_space<hbm>>) target(%dma_start3A_86 : memref<125x80xi32, #tpu.memory_space<vmem>>) target_semaphore(%run_scoped3A_77 : memref<!tpu.dma_semaphore, #tpu.memory_space<semaphore_mem>>)
      %dma_wait3A_91 = arith.constant 0 : i32
      %dma_wait3A_92 = arith.constant 0 : i32
      %dma_wait3A_93 = tpu.memref_slice %arg12[%dma_wait3A_91, %dma_wait3A_92] : memref<125x80xi32, #tpu.memory_space<vmem>> -> memref<125x80xi32, #tpu.memory_space<vmem>>
      %dma_wait3A_94 = arith.constant 0 : i32
      %dma_wait3A_95 = arith.constant 0 : i32
      %dma_wait3A_96 = tpu.memref_slice %arg5[%add3A, %dma_wait3A_94, %dma_wait3A_95] : memref<32x125x80xi32, #tpu.memory_space<hbm>> -> memref<1x125x80xi32, #tpu.memory_space<hbm>>
      %dma_wait3A_97 = tpu.memref_squeeze %dma_wait3A_96 : memref<1x125x80xi32, #tpu.memory_space<hbm>> -> memref<125x80xi32, #tpu.memory_space<hbm>>
      %dma_wait3A_98 = arith.constant 0 : i32
      %dma_wait3A_99 = arith.constant 0 : i32
      %dma_wait3A_100 = tpu.memref_slice %arg12[%dma_wait3A_98, %dma_wait3A_99] : memref<125x80xi32, #tpu.memory_space<vmem>> -> memref<125x80xi32, #tpu.memory_space<vmem>>
      %dma_wait3A_101 = arith.constant 0 : i32
      %dma_wait3A_102 = arith.constant 0 : i32
      %dma_wait3A_103 = tpu.memref_slice %arg5[%add3A, %dma_wait3A_101, %dma_wait3A_102] : memref<32x125x80xi32, #tpu.memory_space<hbm>> -> memref<1x125x80xi32, #tpu.memory_space<hbm>>
      %dma_wait3A_104 = tpu.memref_squeeze %dma_wait3A_103 : memref<1x125x80xi32, #tpu.memory_space<hbm>> -> memref<125x80xi32, #tpu.memory_space<hbm>>
      tpu.wait_dma2 semaphore(%run_scoped3A_77 : memref<!tpu.dma_semaphore, #tpu.memory_space<semaphore_mem>>) src(%dma_wait3A_104 : memref<125x80xi32, #tpu.memory_space<hbm>>) dst(%dma_wait3A_100 : memref<125x80xi32, #tpu.memory_space<vmem>>)
      tpu.yield
    }) : () -> ()
    %scan3A_45 = arith.constant 0 : i32
    %scan3A_46 = arith.constant 0 : i32
    %scan3A_47 = arith.constant 62 : i32
    %scan3A_48 = arith.addi %scan3A_46, %scan3A_47 : i32
    %scan3A_49 = arith.constant 1 : i32
    scf.for %scan3A_77 = %scan3A_46 to %scan3A_48 step %scan3A_49  : i32 {
      %mul3A_78 = arith.constant 2 : i32
      %mul3A_79 = arith.muli %mul3A_78, %scan3A_77 : i32
      %add3A_80 = arith.constant 1 : i32
      %add3A_81 = arith.addi %mul3A_79, %add3A_80 : i32
      %gt3A = arith.constant 0 : i32
      %gt3A_82 = arith.cmpi sgt, %scan3A_77, %gt3A : i32
      %convert_element_type3A_83 = arith.extui %gt3A_82 : i1 to i32
      %cond3A_84 = arith.constant 0 : i32
      %cond3A_85 = arith.cmpi ne, %convert_element_type3A_83, %cond3A_84 : i32
      scf.if %cond3A_85 {
        %sub3A = arith.constant 2 : i32
        %sub3A_108 = arith.subi %mul3A_79, %sub3A : i32
        %dma_wait3A_109 = arith.constant 0 : i32
        %dma_wait3A_110 = tpu.memref_slice %arg12[%sub3A_108, %dma_wait3A_109] : memref<125x80xi32, #tpu.memory_space<vmem>> -> memref<1x80xi32, #tpu.memory_space<vmem>>
        %dma_wait3A_111 = tpu.memref_squeeze %dma_wait3A_110 : memref<1x80xi32, #tpu.memory_space<vmem>> -> memref<80xi32, #tpu.memory_space<vmem>>
        %dma_wait3A_112 = arith.constant 0 : i32
        %dma_wait3A_113 = arith.constant 0 : i32
        %dma_wait3A_114 = tpu.memref_slice %arg11[%dma_wait3A_112, %dma_wait3A_113] : memref<10000x128xf32, #tpu.memory_space<vmem_shared>> -> memref<10000x128xf32, #tpu.memory_space<vmem_shared>>
        tpu.wait_indirect_dma semaphore(%arg15 : memref<!tpu.dma_semaphore, #tpu.memory_space<semaphore_mem>>) src(%arg13 : memref<80x128xf32, #tpu.memory_space<vmem>>) dst(%dma_wait3A_114 : memref<10000x128xf32, #tpu.memory_space<vmem_shared>>)
      } else {
      }
      %mul3A_86 = arith.constant 80 : i32
      %mul3A_87 = arith.muli %mul3A_79, %mul3A_86 : i32
      %add3A_88 = arith.addi %mul3A_44, %mul3A_87 : i32
      "tpu.region"() ({
        %run_scoped3A_108 = tpu.sem_alloc : memref<!tpu.dma_semaphore, #tpu.memory_space<semaphore_mem>>
        %dma_start3A_109 = arith.constant 0 : i32
        %dma_start3A_110 = tpu.memref_slice %arg4[%add3A_88, %dma_start3A_109] : memref<320000x128xf32, #tpu.memory_space<hbm>> -> memref<80x128xf32, #tpu.memory_space<hbm>>
        %dma_start3A_111 = arith.constant 0 : i32
        %dma_start3A_112 = tpu.memref_slice %arg4[%add3A_88, %dma_start3A_111] : memref<320000x128xf32, #tpu.memory_space<hbm>> -> memref<80x128xf32, #tpu.memory_space<hbm>>
        tpu.enqueue_dma source(%dma_start3A_112 : memref<80x128xf32, #tpu.memory_space<hbm>>) target(%arg13 : memref<80x128xf32, #tpu.memory_space<vmem>>) target_semaphore(%run_scoped3A_108 : memref<!tpu.dma_semaphore, #tpu.memory_space<semaphore_mem>>)
        %dma_wait3A_113 = arith.constant 0 : i32
        %dma_wait3A_114 = tpu.memref_slice %arg4[%add3A_88, %dma_wait3A_113] : memref<320000x128xf32, #tpu.memory_space<hbm>> -> memref<80x128xf32, #tpu.memory_space<hbm>>
        %dma_wait3A_115 = arith.constant 0 : i32
        %dma_wait3A_116 = tpu.memref_slice %arg4[%add3A_88, %dma_wait3A_115] : memref<320000x128xf32, #tpu.memory_space<hbm>> -> memref<80x128xf32, #tpu.memory_space<hbm>>
        tpu.wait_dma2 semaphore(%run_scoped3A_108 : memref<!tpu.dma_semaphore, #tpu.memory_space<semaphore_mem>>) src(%dma_wait3A_116 : memref<80x128xf32, #tpu.memory_space<hbm>>) dst(%arg13 : memref<80x128xf32, #tpu.memory_space<vmem>>)
        tpu.yield
      }) : () -> ()
      %dma_start3A = arith.constant 0 : i32
      %dma_start3A_89 = tpu.memref_slice %arg12[%mul3A_79, %dma_start3A] : memref<125x80xi32, #tpu.memory_space<vmem>> -> memref<1x80xi32, #tpu.memory_space<vmem>>
      %dma_start3A_90 = tpu.memref_squeeze %dma_start3A_89 : memref<1x80xi32, #tpu.memory_space<vmem>> -> memref<80xi32, #tpu.memory_space<vmem>>
      %dma_start3A_91 = arith.constant 0 : i32
      %dma_start3A_92 = arith.constant 0 : i32
      %dma_start3A_93 = tpu.memref_slice %arg11[%dma_start3A_91, %dma_start3A_92] : memref<10000x128xf32, #tpu.memory_space<vmem_shared>> -> memref<10000x128xf32, #tpu.memory_space<vmem_shared>>
      tpu.enqueue_indirect_dma source(%arg13 : memref<80x128xf32, #tpu.memory_space<vmem>>) target(%dma_start3A_93 : memref<10000x128xf32, #tpu.memory_space<vmem_shared>>) offsets(%dma_start3A_90 : memref<80xi32, #tpu.memory_space<vmem>>) semaphore(%arg15 : memref<!tpu.dma_semaphore, #tpu.memory_space<semaphore_mem>>) {add = true}
      %gt3A_94 = arith.constant 0 : i32
      %gt3A_95 = arith.cmpi sgt, %scan3A_77, %gt3A_94 : i32
      %convert_element_type3A_96 = arith.extui %gt3A_95 : i1 to i32
      %cond3A_97 = arith.constant 0 : i32
      %cond3A_98 = arith.cmpi ne, %convert_element_type3A_96, %cond3A_97 : i32
      scf.if %cond3A_98 {
        %sub3A = arith.constant 2 : i32
        %sub3A_108 = arith.subi %add3A_81, %sub3A : i32
        %dma_wait3A_109 = arith.constant 0 : i32
        %dma_wait3A_110 = tpu.memref_slice %arg12[%sub3A_108, %dma_wait3A_109] : memref<125x80xi32, #tpu.memory_space<vmem>> -> memref<1x80xi32, #tpu.memory_space<vmem>>
        %dma_wait3A_111 = tpu.memref_squeeze %dma_wait3A_110 : memref<1x80xi32, #tpu.memory_space<vmem>> -> memref<80xi32, #tpu.memory_space<vmem>>
        %dma_wait3A_112 = arith.constant 0 : i32
        %dma_wait3A_113 = arith.constant 0 : i32
        %dma_wait3A_114 = tpu.memref_slice %arg11[%dma_wait3A_112, %dma_wait3A_113] : memref<10000x128xf32, #tpu.memory_space<vmem_shared>> -> memref<10000x128xf32, #tpu.memory_space<vmem_shared>>
        tpu.wait_indirect_dma semaphore(%arg16 : memref<!tpu.dma_semaphore, #tpu.memory_space<semaphore_mem>>) src(%arg14 : memref<80x128xf32, #tpu.memory_space<vmem>>) dst(%dma_wait3A_114 : memref<10000x128xf32, #tpu.memory_space<vmem_shared>>)
      } else {
      }
      %mul3A_99 = arith.constant 80 : i32
      %mul3A_100 = arith.muli %add3A_81, %mul3A_99 : i32
      %add3A_101 = arith.addi %mul3A_44, %mul3A_100 : i32
      "tpu.region"() ({
        %run_scoped3A_108 = tpu.sem_alloc : memref<!tpu.dma_semaphore, #tpu.memory_space<semaphore_mem>>
        %dma_start3A_109 = arith.constant 0 : i32
        %dma_start3A_110 = tpu.memref_slice %arg4[%add3A_101, %dma_start3A_109] : memref<320000x128xf32, #tpu.memory_space<hbm>> -> memref<80x128xf32, #tpu.memory_space<hbm>>
        %dma_start3A_111 = arith.constant 0 : i32
        %dma_start3A_112 = tpu.memref_slice %arg4[%add3A_101, %dma_start3A_111] : memref<320000x128xf32, #tpu.memory_space<hbm>> -> memref<80x128xf32, #tpu.memory_space<hbm>>
        tpu.enqueue_dma source(%dma_start3A_112 : memref<80x128xf32, #tpu.memory_space<hbm>>) target(%arg14 : memref<80x128xf32, #tpu.memory_space<vmem>>) target_semaphore(%run_scoped3A_108 : memref<!tpu.dma_semaphore, #tpu.memory_space<semaphore_mem>>)
        %dma_wait3A_113 = arith.constant 0 : i32
        %dma_wait3A_114 = tpu.memref_slice %arg4[%add3A_101, %dma_wait3A_113] : memref<320000x128xf32, #tpu.memory_space<hbm>> -> memref<80x128xf32, #tpu.memory_space<hbm>>
        %dma_wait3A_115 = arith.constant 0 : i32
        %dma_wait3A_116 = tpu.memref_slice %arg4[%add3A_101, %dma_wait3A_115] : memref<320000x128xf32, #tpu.memory_space<hbm>> -> memref<80x128xf32, #tpu.memory_space<hbm>>
        tpu.wait_dma2 semaphore(%run_scoped3A_108 : memref<!tpu.dma_semaphore, #tpu.memory_space<semaphore_mem>>) src(%dma_wait3A_116 : memref<80x128xf32, #tpu.memory_space<hbm>>) dst(%arg14 : memref<80x128xf32, #tpu.memory_space<vmem>>)
        tpu.yield
      }) : () -> ()
      %dma_start3A_102 = arith.constant 0 : i32
      %dma_start3A_103 = tpu.memref_slice %arg12[%add3A_81, %dma_start3A_102] : memref<125x80xi32, #tpu.memory_space<vmem>> -> memref<1x80xi32, #tpu.memory_space<vmem>>
      %dma_start3A_104 = tpu.memref_squeeze %dma_start3A_103 : memref<1x80xi32, #tpu.memory_space<vmem>> -> memref<80xi32, #tpu.memory_space<vmem>>
      %dma_start3A_105 = arith.constant 0 : i32
      %dma_start3A_106 = arith.constant 0 : i32
      %dma_start3A_107 = tpu.memref_slice %arg11[%dma_start3A_105, %dma_start3A_106] : memref<10000x128xf32, #tpu.memory_space<vmem_shared>> -> memref<10000x128xf32, #tpu.memory_space<vmem_shared>>
      tpu.enqueue_indirect_dma source(%arg14 : memref<80x128xf32, #tpu.memory_space<vmem>>) target(%dma_start3A_107 : memref<10000x128xf32, #tpu.memory_space<vmem_shared>>) offsets(%dma_start3A_104 : memref<80xi32, #tpu.memory_space<vmem>>) semaphore(%arg16 : memref<!tpu.dma_semaphore, #tpu.memory_space<semaphore_mem>>) {add = true}
    }
    %scan3A_50 = arith.constant 62 : i32
    %dma_wait3A = arith.constant 122 : i32
    %dma_wait3A_51 = arith.constant 0 : i32
    %dma_wait3A_52 = tpu.memref_slice %arg12[%dma_wait3A, %dma_wait3A_51] : memref<125x80xi32, #tpu.memory_space<vmem>> -> memref<1x80xi32, #tpu.memory_space<vmem>>
    %dma_wait3A_53 = tpu.memref_squeeze %dma_wait3A_52 : memref<1x80xi32, #tpu.memory_space<vmem>> -> memref<80xi32, #tpu.memory_space<vmem>>
    %dma_wait3A_54 = arith.constant 0 : i32
    %dma_wait3A_55 = arith.constant 0 : i32
    %dma_wait3A_56 = tpu.memref_slice %arg11[%dma_wait3A_54, %dma_wait3A_55] : memref<10000x128xf32, #tpu.memory_space<vmem_shared>> -> memref<10000x128xf32, #tpu.memory_space<vmem_shared>>
    tpu.wait_indirect_dma semaphore(%arg15 : memref<!tpu.dma_semaphore, #tpu.memory_space<semaphore_mem>>) src(%arg13 : memref<80x128xf32, #tpu.memory_space<vmem>>) dst(%dma_wait3A_56 : memref<10000x128xf32, #tpu.memory_space<vmem_shared>>)
    %dma_wait3A_57 = arith.constant 123 : i32
    %dma_wait3A_58 = arith.constant 0 : i32
    %dma_wait3A_59 = tpu.memref_slice %arg12[%dma_wait3A_57, %dma_wait3A_58] : memref<125x80xi32, #tpu.memory_space<vmem>> -> memref<1x80xi32, #tpu.memory_space<vmem>>
    %dma_wait3A_60 = tpu.memref_squeeze %dma_wait3A_59 : memref<1x80xi32, #tpu.memory_space<vmem>> -> memref<80xi32, #tpu.memory_space<vmem>>
    %dma_wait3A_61 = arith.constant 0 : i32
    %dma_wait3A_62 = arith.constant 0 : i32
    %dma_wait3A_63 = tpu.memref_slice %arg11[%dma_wait3A_61, %dma_wait3A_62] : memref<10000x128xf32, #tpu.memory_space<vmem_shared>> -> memref<10000x128xf32, #tpu.memory_space<vmem_shared>>
    tpu.wait_indirect_dma semaphore(%arg16 : memref<!tpu.dma_semaphore, #tpu.memory_space<semaphore_mem>>) src(%arg14 : memref<80x128xf32, #tpu.memory_space<vmem>>) dst(%dma_wait3A_63 : memref<10000x128xf32, #tpu.memory_space<vmem_shared>>)
    %add3A_64 = arith.constant 9920 : i32
    %add3A_65 = arith.addi %mul3A_44, %add3A_64 : i32
    "tpu.region"() ({
      %run_scoped3A_77 = tpu.sem_alloc : memref<!tpu.dma_semaphore, #tpu.memory_space<semaphore_mem>>
      %dma_start3A = arith.constant 0 : i32
      %dma_start3A_78 = tpu.memref_slice %arg4[%add3A_65, %dma_start3A] : memref<320000x128xf32, #tpu.memory_space<hbm>> -> memref<80x128xf32, #tpu.memory_space<hbm>>
      %dma_start3A_79 = arith.constant 0 : i32
      %dma_start3A_80 = tpu.memref_slice %arg4[%add3A_65, %dma_start3A_79] : memref<320000x128xf32, #tpu.memory_space<hbm>> -> memref<80x128xf32, #tpu.memory_space<hbm>>
      tpu.enqueue_dma source(%dma_start3A_80 : memref<80x128xf32, #tpu.memory_space<hbm>>) target(%arg13 : memref<80x128xf32, #tpu.memory_space<vmem>>) target_semaphore(%run_scoped3A_77 : memref<!tpu.dma_semaphore, #tpu.memory_space<semaphore_mem>>)
      %dma_wait3A_81 = arith.constant 0 : i32
      %dma_wait3A_82 = tpu.memref_slice %arg4[%add3A_65, %dma_wait3A_81] : memref<320000x128xf32, #tpu.memory_space<hbm>> -> memref<80x128xf32, #tpu.memory_space<hbm>>
      %dma_wait3A_83 = arith.constant 0 : i32
      %dma_wait3A_84 = tpu.memref_slice %arg4[%add3A_65, %dma_wait3A_83] : memref<320000x128xf32, #tpu.memory_space<hbm>> -> memref<80x128xf32, #tpu.memory_space<hbm>>
      tpu.wait_dma2 semaphore(%run_scoped3A_77 : memref<!tpu.dma_semaphore, #tpu.memory_space<semaphore_mem>>) src(%dma_wait3A_84 : memref<80x128xf32, #tpu.memory_space<hbm>>) dst(%arg13 : memref<80x128xf32, #tpu.memory_space<vmem>>)
      tpu.yield
    }) : () -> ()
    %run_scoped3A = arith.constant 124 : i32
    "tpu.region"() ({
      %run_scoped3A_77 = tpu.sem_alloc : memref<!tpu.dma_semaphore, #tpu.memory_space<semaphore_mem>>
      %dma_start3A = arith.constant 0 : i32
      %dma_start3A_78 = tpu.memref_slice %arg12[%run_scoped3A, %dma_start3A] : memref<125x80xi32, #tpu.memory_space<vmem>> -> memref<1x80xi32, #tpu.memory_space<vmem>>
      %dma_start3A_79 = tpu.memref_squeeze %dma_start3A_78 : memref<1x80xi32, #tpu.memory_space<vmem>> -> memref<80xi32, #tpu.memory_space<vmem>>
      %dma_start3A_80 = arith.constant 0 : i32
      %dma_start3A_81 = arith.constant 0 : i32
      %dma_start3A_82 = tpu.memref_slice %arg11[%dma_start3A_80, %dma_start3A_81] : memref<10000x128xf32, #tpu.memory_space<vmem_shared>> -> memref<10000x128xf32, #tpu.memory_space<vmem_shared>>
      tpu.enqueue_indirect_dma source(%arg13 : memref<80x128xf32, #tpu.memory_space<vmem>>) target(%dma_start3A_82 : memref<10000x128xf32, #tpu.memory_space<vmem_shared>>) offsets(%dma_start3A_79 : memref<80xi32, #tpu.memory_space<vmem>>) semaphore(%run_scoped3A_77 : memref<!tpu.dma_semaphore, #tpu.memory_space<semaphore_mem>>) {add = true}
      %dma_wait3A_83 = arith.constant 0 : i32
      %dma_wait3A_84 = tpu.memref_slice %arg12[%run_scoped3A, %dma_wait3A_83] : memref<125x80xi32, #tpu.memory_space<vmem>> -> memref<1x80xi32, #tpu.memory_space<vmem>>
      %dma_wait3A_85 = tpu.memref_squeeze %dma_wait3A_84 : memref<1x80xi32, #tpu.memory_space<vmem>> -> memref<80xi32, #tpu.memory_space<vmem>>
      %dma_wait3A_86 = arith.constant 0 : i32
      %dma_wait3A_87 = arith.constant 0 : i32
      %dma_wait3A_88 = tpu.memref_slice %arg11[%dma_wait3A_86, %dma_wait3A_87] : memref<10000x128xf32, #tpu.memory_space<vmem_shared>> -> memref<10000x128xf32, #tpu.memory_space<vmem_shared>>
      tpu.wait_indirect_dma semaphore(%run_scoped3A_77 : memref<!tpu.dma_semaphore, #tpu.memory_space<semaphore_mem>>) src(%arg13 : memref<80x128xf32, #tpu.memory_space<vmem>>) dst(%dma_wait3A_88 : memref<10000x128xf32, #tpu.memory_space<vmem_shared>>)
      tpu.yield
    }) : () -> ()
    %barrier3A_66 = arith.constant 0 : index
    tpu.barrier barrier_id(%barrier3A_66)
    %eq3A_67 = arith.constant 0 : i32
    %eq3A_68 = arith.cmpi eq, %arg0, %eq3A_67 : i32
    %convert_element_type3A_69 = arith.extui %eq3A_68 : i1 to i32
    %cond3A_70 = arith.constant 0 : i32
    %cond3A_71 = arith.cmpi ne, %convert_element_type3A_69, %cond3A_70 : i32
    scf.if %cond3A_71 {
      %scan3A_77 = arith.constant 0 : i32
      %scan3A_78 = arith.constant 0 : i32
      %scan3A_79 = arith.constant 13 : i32
      %scan3A_80 = arith.addi %scan3A_78, %scan3A_79 : i32
      %scan3A_81 = arith.constant 1 : i32
      scf.for %scan3A_86 = %scan3A_78 to %scan3A_80 step %scan3A_81  : i32 {
        %mul3A_87 = arith.constant 48 : i32
        %mul3A_88 = arith.muli %scan3A_86, %mul3A_87 : i32
        %add3A_89 = arith.addi %mul3A_0, %mul3A_88 : i32
        "tpu.region"() ({
          %run_scoped3A_90 = tpu.sem_alloc : memref<!tpu.dma_semaphore, #tpu.memory_space<semaphore_mem>>
          %dma_start3A = arith.constant 0 : i32
          %dma_start3A_91 = arith.constant 0 : i32
          %dma_start3A_92 = tpu.memref_slice %arg13[%dma_start3A, %dma_start3A_91] : memref<80x128xf32, #tpu.memory_space<vmem>> -> memref<48x128xf32, #tpu.memory_space<vmem>>
          %dma_start3A_93 = arith.constant 0 : i32
          %dma_start3A_94 = tpu.memref_slice %arg11[%add3A_89, %dma_start3A_93] : memref<10000x128xf32, #tpu.memory_space<vmem_shared>> -> memref<48x128xf32, #tpu.memory_space<vmem_shared>>
          %dma_start3A_95 = arith.constant 0 : i32
          %dma_start3A_96 = arith.constant 0 : i32
          %dma_start3A_97 = tpu.memref_slice %arg13[%dma_start3A_95, %dma_start3A_96] : memref<80x128xf32, #tpu.memory_space<vmem>> -> memref<48x128xf32, #tpu.memory_space<vmem>>
          %dma_start3A_98 = arith.constant 0 : i32
          %dma_start3A_99 = tpu.memref_slice %arg11[%add3A_89, %dma_start3A_98] : memref<10000x128xf32, #tpu.memory_space<vmem_shared>> -> memref<48x128xf32, #tpu.memory_space<vmem_shared>>
          tpu.enqueue_dma source(%dma_start3A_99 : memref<48x128xf32, #tpu.memory_space<vmem_shared>>) target(%dma_start3A_97 : memref<48x128xf32, #tpu.memory_space<vmem>>) target_semaphore(%run_scoped3A_90 : memref<!tpu.dma_semaphore, #tpu.memory_space<semaphore_mem>>)
          %dma_wait3A_100 = arith.constant 0 : i32
          %dma_wait3A_101 = arith.constant 0 : i32
          %dma_wait3A_102 = tpu.memref_slice %arg13[%dma_wait3A_100, %dma_wait3A_101] : memref<80x128xf32, #tpu.memory_space<vmem>> -> memref<48x128xf32, #tpu.memory_space<vmem>>
          %dma_wait3A_103 = arith.constant 0 : i32
          %dma_wait3A_104 = tpu.memref_slice %arg11[%add3A_89, %dma_wait3A_103] : memref<10000x128xf32, #tpu.memory_space<vmem_shared>> -> memref<48x128xf32, #tpu.memory_space<vmem_shared>>
          %dma_wait3A_105 = arith.constant 0 : i32
          %dma_wait3A_106 = arith.constant 0 : i32
          %dma_wait3A_107 = tpu.memref_slice %arg13[%dma_wait3A_105, %dma_wait3A_106] : memref<80x128xf32, #tpu.memory_space<vmem>> -> memref<48x128xf32, #tpu.memory_space<vmem>>
          %dma_wait3A_108 = arith.constant 0 : i32
          %dma_wait3A_109 = tpu.memref_slice %arg11[%add3A_89, %dma_wait3A_108] : memref<10000x128xf32, #tpu.memory_space<vmem_shared>> -> memref<48x128xf32, #tpu.memory_space<vmem_shared>>
          tpu.wait_dma2 semaphore(%run_scoped3A_90 : memref<!tpu.dma_semaphore, #tpu.memory_space<semaphore_mem>>) src(%dma_wait3A_109 : memref<48x128xf32, #tpu.memory_space<vmem_shared>>) dst(%dma_wait3A_107 : memref<48x128xf32, #tpu.memory_space<vmem>>)
          tpu.yield
        }) : () -> ()
        "tpu.region"() ({
          %run_scoped3A_90 = tpu.sem_alloc : memref<!tpu.dma_semaphore, #tpu.memory_space<semaphore_mem>>
          %dma_start3A = arith.constant 0 : i32
          %dma_start3A_91 = arith.constant 0 : i32
          %dma_start3A_92 = tpu.memref_slice %arg13[%dma_start3A, %dma_start3A_91] : memref<80x128xf32, #tpu.memory_space<vmem>> -> memref<48x128xf32, #tpu.memory_space<vmem>>
          %dma_start3A_93 = arith.constant 0 : i32
          %dma_start3A_94 = tpu.memref_slice %arg9[%add3A_89, %dma_start3A_93] : memref<10000x128xf32, #tpu.memory_space<hbm>> -> memref<48x128xf32, #tpu.memory_space<hbm>>
          %dma_start3A_95 = arith.constant 0 : i32
          %dma_start3A_96 = tpu.memref_slice %arg9[%add3A_89, %dma_start3A_95] : memref<10000x128xf32, #tpu.memory_space<hbm>> -> memref<48x128xf32, #tpu.memory_space<hbm>>
          %dma_start3A_97 = arith.constant 0 : i32
          %dma_start3A_98 = arith.constant 0 : i32
          %dma_start3A_99 = tpu.memref_slice %arg13[%dma_start3A_97, %dma_start3A_98] : memref<80x128xf32, #tpu.memory_space<vmem>> -> memref<48x128xf32, #tpu.memory_space<vmem>>
          tpu.enqueue_dma source(%dma_start3A_99 : memref<48x128xf32, #tpu.memory_space<vmem>>) target(%dma_start3A_96 : memref<48x128xf32, #tpu.memory_space<hbm>>) target_semaphore(%run_scoped3A_90 : memref<!tpu.dma_semaphore, #tpu.memory_space<semaphore_mem>>)
          %dma_wait3A_100 = arith.constant 0 : i32
          %dma_wait3A_101 = arith.constant 0 : i32
          %dma_wait3A_102 = tpu.memref_slice %arg13[%dma_wait3A_100, %dma_wait3A_101] : memref<80x128xf32, #tpu.memory_space<vmem>> -> memref<48x128xf32, #tpu.memory_space<vmem>>
          %dma_wait3A_103 = arith.constant 0 : i32
          %dma_wait3A_104 = tpu.memref_slice %arg9[%add3A_89, %dma_wait3A_103] : memref<10000x128xf32, #tpu.memory_space<hbm>> -> memref<48x128xf32, #tpu.memory_space<hbm>>
          %dma_wait3A_105 = arith.constant 0 : i32
          %dma_wait3A_106 = tpu.memref_slice %arg9[%add3A_89, %dma_wait3A_105] : memref<10000x128xf32, #tpu.memory_space<hbm>> -> memref<48x128xf32, #tpu.memory_space<hbm>>
          %dma_wait3A_107 = arith.constant 0 : i32
          %dma_wait3A_108 = arith.constant 0 : i32
          %dma_wait3A_109 = tpu.memref_slice %arg13[%dma_wait3A_107, %dma_wait3A_108] : memref<80x128xf32, #tpu.memory_space<vmem>> -> memref<48x128xf32, #tpu.memory_space<vmem>>
          tpu.wait_dma2 semaphore(%run_scoped3A_90 : memref<!tpu.dma_semaphore, #tpu.memory_space<semaphore_mem>>) src(%dma_wait3A_109 : memref<48x128xf32, #tpu.memory_space<vmem>>) dst(%dma_wait3A_106 : memref<48x128xf32, #tpu.memory_space<hbm>>)
          tpu.yield
        }) : () -> ()
      }
      %scan3A_82 = arith.constant 13 : i32
      %convert_element_type3A_83 = arith.extui %eq3A_1 : i1 to i32
      %cond3A_84 = arith.constant 0 : i32
      %cond3A_85 = arith.cmpi ne, %convert_element_type3A_83, %cond3A_84 : i32
      scf.if %cond3A_85 {
        "tpu.region"() ({
          %run_scoped3A_86 = tpu.sem_alloc : memref<!tpu.dma_semaphore, #tpu.memory_space<semaphore_mem>>
          %dma_start3A = arith.constant 0 : i32
          %dma_start3A_87 = arith.constant 0 : i32
          %dma_start3A_88 = tpu.memref_slice %arg13[%dma_start3A, %dma_start3A_87] : memref<80x128xf32, #tpu.memory_space<vmem>> -> memref<16x128xf32, #tpu.memory_space<vmem>>
          %dma_start3A_89 = arith.constant 9984 : i32
          %dma_start3A_90 = arith.constant 0 : i32
          %dma_start3A_91 = tpu.memref_slice %arg11[%dma_start3A_89, %dma_start3A_90] : memref<10000x128xf32, #tpu.memory_space<vmem_shared>> -> memref<16x128xf32, #tpu.memory_space<vmem_shared>>
          %dma_start3A_92 = arith.constant 0 : i32
          %dma_start3A_93 = arith.constant 0 : i32
          %dma_start3A_94 = tpu.memref_slice %arg13[%dma_start3A_92, %dma_start3A_93] : memref<80x128xf32, #tpu.memory_space<vmem>> -> memref<16x128xf32, #tpu.memory_space<vmem>>
          %dma_start3A_95 = arith.constant 9984 : i32
          %dma_start3A_96 = arith.constant 0 : i32
          %dma_start3A_97 = tpu.memref_slice %arg11[%dma_start3A_95, %dma_start3A_96] : memref<10000x128xf32, #tpu.memory_space<vmem_shared>> -> memref<16x128xf32, #tpu.memory_space<vmem_shared>>
          tpu.enqueue_dma source(%dma_start3A_97 : memref<16x128xf32, #tpu.memory_space<vmem_shared>>) target(%dma_start3A_94 : memref<16x128xf32, #tpu.memory_space<vmem>>) target_semaphore(%run_scoped3A_86 : memref<!tpu.dma_semaphore, #tpu.memory_space<semaphore_mem>>)
          %dma_wait3A_98 = arith.constant 0 : i32
          %dma_wait3A_99 = arith.constant 0 : i32
          %dma_wait3A_100 = tpu.memref_slice %arg13[%dma_wait3A_98, %dma_wait3A_99] : memref<80x128xf32, #tpu.memory_space<vmem>> -> memref<16x128xf32, #tpu.memory_space<vmem>>
          %dma_wait3A_101 = arith.constant 9984 : i32
          %dma_wait3A_102 = arith.constant 0 : i32
          %dma_wait3A_103 = tpu.memref_slice %arg11[%dma_wait3A_101, %dma_wait3A_102] : memref<10000x128xf32, #tpu.memory_space<vmem_shared>> -> memref<16x128xf32, #tpu.memory_space<vmem_shared>>
          %dma_wait3A_104 = arith.constant 0 : i32
          %dma_wait3A_105 = arith.constant 0 : i32
          %dma_wait3A_106 = tpu.memref_slice %arg13[%dma_wait3A_104, %dma_wait3A_105] : memref<80x128xf32, #tpu.memory_space<vmem>> -> memref<16x128xf32, #tpu.memory_space<vmem>>
          %dma_wait3A_107 = arith.constant 9984 : i32
          %dma_wait3A_108 = arith.constant 0 : i32
          %dma_wait3A_109 = tpu.memref_slice %arg11[%dma_wait3A_107, %dma_wait3A_108] : memref<10000x128xf32, #tpu.memory_space<vmem_shared>> -> memref<16x128xf32, #tpu.memory_space<vmem_shared>>
          tpu.wait_dma2 semaphore(%run_scoped3A_86 : memref<!tpu.dma_semaphore, #tpu.memory_space<semaphore_mem>>) src(%dma_wait3A_109 : memref<16x128xf32, #tpu.memory_space<vmem_shared>>) dst(%dma_wait3A_106 : memref<16x128xf32, #tpu.memory_space<vmem>>)
          tpu.yield
        }) : () -> ()
        "tpu.region"() ({
          %run_scoped3A_86 = tpu.sem_alloc : memref<!tpu.dma_semaphore, #tpu.memory_space<semaphore_mem>>
          %dma_start3A = arith.constant 0 : i32
          %dma_start3A_87 = arith.constant 0 : i32
          %dma_start3A_88 = tpu.memref_slice %arg13[%dma_start3A, %dma_start3A_87] : memref<80x128xf32, #tpu.memory_space<vmem>> -> memref<16x128xf32, #tpu.memory_space<vmem>>
          %dma_start3A_89 = arith.constant 9984 : i32
          %dma_start3A_90 = arith.constant 0 : i32
          %dma_start3A_91 = tpu.memref_slice %arg9[%dma_start3A_89, %dma_start3A_90] : memref<10000x128xf32, #tpu.memory_space<hbm>> -> memref<16x128xf32, #tpu.memory_space<hbm>>
          %dma_start3A_92 = arith.constant 9984 : i32
          %dma_start3A_93 = arith.constant 0 : i32
          %dma_start3A_94 = tpu.memref_slice %arg9[%dma_start3A_92, %dma_start3A_93] : memref<10000x128xf32, #tpu.memory_space<hbm>> -> memref<16x128xf32, #tpu.memory_space<hbm>>
          %dma_start3A_95 = arith.constant 0 : i32
          %dma_start3A_96 = arith.constant 0 : i32
          %dma_start3A_97 = tpu.memref_slice %arg13[%dma_start3A_95, %dma_start3A_96] : memref<80x128xf32, #tpu.memory_space<vmem>> -> memref<16x128xf32, #tpu.memory_space<vmem>>
          tpu.enqueue_dma source(%dma_start3A_97 : memref<16x128xf32, #tpu.memory_space<vmem>>) target(%dma_start3A_94 : memref<16x128xf32, #tpu.memory_space<hbm>>) target_semaphore(%run_scoped3A_86 : memref<!tpu.dma_semaphore, #tpu.memory_space<semaphore_mem>>)
          %dma_wait3A_98 = arith.constant 0 : i32
          %dma_wait3A_99 = arith.constant 0 : i32
          %dma_wait3A_100 = tpu.memref_slice %arg13[%dma_wait3A_98, %dma_wait3A_99] : memref<80x128xf32, #tpu.memory_space<vmem>> -> memref<16x128xf32, #tpu.memory_space<vmem>>
          %dma_wait3A_101 = arith.constant 9984 : i32
          %dma_wait3A_102 = arith.constant 0 : i32
          %dma_wait3A_103 = tpu.memref_slice %arg9[%dma_wait3A_101, %dma_wait3A_102] : memref<10000x128xf32, #tpu.memory_space<hbm>> -> memref<16x128xf32, #tpu.memory_space<hbm>>
          %dma_wait3A_104 = arith.constant 9984 : i32
          %dma_wait3A_105 = arith.constant 0 : i32
          %dma_wait3A_106 = tpu.memref_slice %arg9[%dma_wait3A_104, %dma_wait3A_105] : memref<10000x128xf32, #tpu.memory_space<hbm>> -> memref<16x128xf32, #tpu.memory_space<hbm>>
          %dma_wait3A_107 = arith.constant 0 : i32
          %dma_wait3A_108 = arith.constant 0 : i32
          %dma_wait3A_109 = tpu.memref_slice %arg13[%dma_wait3A_107, %dma_wait3A_108] : memref<80x128xf32, #tpu.memory_space<vmem>> -> memref<16x128xf32, #tpu.memory_space<vmem>>
          tpu.wait_dma2 semaphore(%run_scoped3A_86 : memref<!tpu.dma_semaphore, #tpu.memory_space<semaphore_mem>>) src(%dma_wait3A_109 : memref<16x128xf32, #tpu.memory_space<vmem>>) dst(%dma_wait3A_106 : memref<16x128xf32, #tpu.memory_space<hbm>>)
          tpu.yield
        }) : () -> ()
      } else {
      }
    } else {
    }
    %eq3A_72 = arith.constant 1 : i32
    %eq3A_73 = arith.cmpi eq, %arg0, %eq3A_72 : i32
    %convert_element_type3A_74 = arith.extui %eq3A_73 : i1 to i32
    %cond3A_75 = arith.constant 0 : i32
    %cond3A_76 = arith.cmpi ne, %convert_element_type3A_74, %cond3A_75 : i32
    scf.if %cond3A_76 {
      %scan3A_77 = arith.constant 0 : i32
      %scan3A_78 = arith.constant 0 : i32
      %scan3A_79 = arith.constant 13 : i32
      %scan3A_80 = arith.addi %scan3A_78, %scan3A_79 : i32
      %scan3A_81 = arith.constant 1 : i32
      scf.for %scan3A_86 = %scan3A_78 to %scan3A_80 step %scan3A_81  : i32 {
        %mul3A_87 = arith.constant 48 : i32
        %mul3A_88 = arith.muli %scan3A_86, %mul3A_87 : i32
        %add3A_89 = arith.addi %mul3A_0, %mul3A_88 : i32
        "tpu.region"() ({
          %run_scoped3A_90 = tpu.sem_alloc : memref<!tpu.dma_semaphore, #tpu.memory_space<semaphore_mem>>
          %dma_start3A = arith.constant 0 : i32
          %dma_start3A_91 = arith.constant 0 : i32
          %dma_start3A_92 = tpu.memref_slice %arg13[%dma_start3A, %dma_start3A_91] : memref<80x128xf32, #tpu.memory_space<vmem>> -> memref<48x128xf32, #tpu.memory_space<vmem>>
          %dma_start3A_93 = arith.constant 0 : i32
          %dma_start3A_94 = tpu.memref_slice %arg11[%add3A_89, %dma_start3A_93] : memref<10000x128xf32, #tpu.memory_space<vmem_shared>> -> memref<48x128xf32, #tpu.memory_space<vmem_shared>>
          %dma_start3A_95 = arith.constant 0 : i32
          %dma_start3A_96 = arith.constant 0 : i32
          %dma_start3A_97 = tpu.memref_slice %arg13[%dma_start3A_95, %dma_start3A_96] : memref<80x128xf32, #tpu.memory_space<vmem>> -> memref<48x128xf32, #tpu.memory_space<vmem>>
          %dma_start3A_98 = arith.constant 0 : i32
          %dma_start3A_99 = tpu.memref_slice %arg11[%add3A_89, %dma_start3A_98] : memref<10000x128xf32, #tpu.memory_space<vmem_shared>> -> memref<48x128xf32, #tpu.memory_space<vmem_shared>>
          tpu.enqueue_dma source(%dma_start3A_99 : memref<48x128xf32, #tpu.memory_space<vmem_shared>>) target(%dma_start3A_97 : memref<48x128xf32, #tpu.memory_space<vmem>>) target_semaphore(%run_scoped3A_90 : memref<!tpu.dma_semaphore, #tpu.memory_space<semaphore_mem>>)
          %dma_wait3A_100 = arith.constant 0 : i32
          %dma_wait3A_101 = arith.constant 0 : i32
          %dma_wait3A_102 = tpu.memref_slice %arg13[%dma_wait3A_100, %dma_wait3A_101] : memref<80x128xf32, #tpu.memory_space<vmem>> -> memref<48x128xf32, #tpu.memory_space<vmem>>
          %dma_wait3A_103 = arith.constant 0 : i32
          %dma_wait3A_104 = tpu.memref_slice %arg11[%add3A_89, %dma_wait3A_103] : memref<10000x128xf32, #tpu.memory_space<vmem_shared>> -> memref<48x128xf32, #tpu.memory_space<vmem_shared>>
          %dma_wait3A_105 = arith.constant 0 : i32
          %dma_wait3A_106 = arith.constant 0 : i32
          %dma_wait3A_107 = tpu.memref_slice %arg13[%dma_wait3A_105, %dma_wait3A_106] : memref<80x128xf32, #tpu.memory_space<vmem>> -> memref<48x128xf32, #tpu.memory_space<vmem>>
          %dma_wait3A_108 = arith.constant 0 : i32
          %dma_wait3A_109 = tpu.memref_slice %arg11[%add3A_89, %dma_wait3A_108] : memref<10000x128xf32, #tpu.memory_space<vmem_shared>> -> memref<48x128xf32, #tpu.memory_space<vmem_shared>>
          tpu.wait_dma2 semaphore(%run_scoped3A_90 : memref<!tpu.dma_semaphore, #tpu.memory_space<semaphore_mem>>) src(%dma_wait3A_109 : memref<48x128xf32, #tpu.memory_space<vmem_shared>>) dst(%dma_wait3A_107 : memref<48x128xf32, #tpu.memory_space<vmem>>)
          tpu.yield
        }) : () -> ()
        "tpu.region"() ({
          %run_scoped3A_90 = tpu.sem_alloc : memref<!tpu.dma_semaphore, #tpu.memory_space<semaphore_mem>>
          %dma_start3A = arith.constant 0 : i32
          %dma_start3A_91 = arith.constant 0 : i32
          %dma_start3A_92 = tpu.memref_slice %arg13[%dma_start3A, %dma_start3A_91] : memref<80x128xf32, #tpu.memory_space<vmem>> -> memref<48x128xf32, #tpu.memory_space<vmem>>
          %dma_start3A_93 = arith.constant 0 : i32
          %dma_start3A_94 = tpu.memref_slice %arg10[%add3A_89, %dma_start3A_93] : memref<10000x128xf32, #tpu.memory_space<hbm>> -> memref<48x128xf32, #tpu.memory_space<hbm>>
          %dma_start3A_95 = arith.constant 0 : i32
          %dma_start3A_96 = tpu.memref_slice %arg10[%add3A_89, %dma_start3A_95] : memref<10000x128xf32, #tpu.memory_space<hbm>> -> memref<48x128xf32, #tpu.memory_space<hbm>>
          %dma_start3A_97 = arith.constant 0 : i32
          %dma_start3A_98 = arith.constant 0 : i32
          %dma_start3A_99 = tpu.memref_slice %arg13[%dma_start3A_97, %dma_start3A_98] : memref<80x128xf32, #tpu.memory_space<vmem>> -> memref<48x128xf32, #tpu.memory_space<vmem>>
          tpu.enqueue_dma source(%dma_start3A_99 : memref<48x128xf32, #tpu.memory_space<vmem>>) target(%dma_start3A_96 : memref<48x128xf32, #tpu.memory_space<hbm>>) target_semaphore(%run_scoped3A_90 : memref<!tpu.dma_semaphore, #tpu.memory_space<semaphore_mem>>)
          %dma_wait3A_100 = arith.constant 0 : i32
          %dma_wait3A_101 = arith.constant 0 : i32
          %dma_wait3A_102 = tpu.memref_slice %arg13[%dma_wait3A_100, %dma_wait3A_101] : memref<80x128xf32, #tpu.memory_space<vmem>> -> memref<48x128xf32, #tpu.memory_space<vmem>>
          %dma_wait3A_103 = arith.constant 0 : i32
          %dma_wait3A_104 = tpu.memref_slice %arg10[%add3A_89, %dma_wait3A_103] : memref<10000x128xf32, #tpu.memory_space<hbm>> -> memref<48x128xf32, #tpu.memory_space<hbm>>
          %dma_wait3A_105 = arith.constant 0 : i32
          %dma_wait3A_106 = tpu.memref_slice %arg10[%add3A_89, %dma_wait3A_105] : memref<10000x128xf32, #tpu.memory_space<hbm>> -> memref<48x128xf32, #tpu.memory_space<hbm>>
          %dma_wait3A_107 = arith.constant 0 : i32
          %dma_wait3A_108 = arith.constant 0 : i32
          %dma_wait3A_109 = tpu.memref_slice %arg13[%dma_wait3A_107, %dma_wait3A_108] : memref<80x128xf32, #tpu.memory_space<vmem>> -> memref<48x128xf32, #tpu.memory_space<vmem>>
          tpu.wait_dma2 semaphore(%run_scoped3A_90 : memref<!tpu.dma_semaphore, #tpu.memory_space<semaphore_mem>>) src(%dma_wait3A_109 : memref<48x128xf32, #tpu.memory_space<vmem>>) dst(%dma_wait3A_106 : memref<48x128xf32, #tpu.memory_space<hbm>>)
          tpu.yield
        }) : () -> ()
      }
      %scan3A_82 = arith.constant 13 : i32
      %convert_element_type3A_83 = arith.extui %eq3A_1 : i1 to i32
      %cond3A_84 = arith.constant 0 : i32
      %cond3A_85 = arith.cmpi ne, %convert_element_type3A_83, %cond3A_84 : i32
      scf.if %cond3A_85 {
        "tpu.region"() ({
          %run_scoped3A_86 = tpu.sem_alloc : memref<!tpu.dma_semaphore, #tpu.memory_space<semaphore_mem>>
          %dma_start3A = arith.constant 0 : i32
          %dma_start3A_87 = arith.constant 0 : i32
          %dma_start3A_88 = tpu.memref_slice %arg13[%dma_start3A, %dma_start3A_87] : memref<80x128xf32, #tpu.memory_space<vmem>> -> memref<16x128xf32, #tpu.memory_space<vmem>>
          %dma_start3A_89 = arith.constant 9984 : i32
          %dma_start3A_90 = arith.constant 0 : i32
          %dma_start3A_91 = tpu.memref_slice %arg11[%dma_start3A_89, %dma_start3A_90] : memref<10000x128xf32, #tpu.memory_space<vmem_shared>> -> memref<16x128xf32, #tpu.memory_space<vmem_shared>>
          %dma_start3A_92 = arith.constant 0 : i32
          %dma_start3A_93 = arith.constant 0 : i32
          %dma_start3A_94 = tpu.memref_slice %arg13[%dma_start3A_92, %dma_start3A_93] : memref<80x128xf32, #tpu.memory_space<vmem>> -> memref<16x128xf32, #tpu.memory_space<vmem>>
          %dma_start3A_95 = arith.constant 9984 : i32
          %dma_start3A_96 = arith.constant 0 : i32
          %dma_start3A_97 = tpu.memref_slice %arg11[%dma_start3A_95, %dma_start3A_96] : memref<10000x128xf32, #tpu.memory_space<vmem_shared>> -> memref<16x128xf32, #tpu.memory_space<vmem_shared>>
          tpu.enqueue_dma source(%dma_start3A_97 : memref<16x128xf32, #tpu.memory_space<vmem_shared>>) target(%dma_start3A_94 : memref<16x128xf32, #tpu.memory_space<vmem>>) target_semaphore(%run_scoped3A_86 : memref<!tpu.dma_semaphore, #tpu.memory_space<semaphore_mem>>)
          %dma_wait3A_98 = arith.constant 0 : i32
          %dma_wait3A_99 = arith.constant 0 : i32
          %dma_wait3A_100 = tpu.memref_slice %arg13[%dma_wait3A_98, %dma_wait3A_99] : memref<80x128xf32, #tpu.memory_space<vmem>> -> memref<16x128xf32, #tpu.memory_space<vmem>>
          %dma_wait3A_101 = arith.constant 9984 : i32
          %dma_wait3A_102 = arith.constant 0 : i32
          %dma_wait3A_103 = tpu.memref_slice %arg11[%dma_wait3A_101, %dma_wait3A_102] : memref<10000x128xf32, #tpu.memory_space<vmem_shared>> -> memref<16x128xf32, #tpu.memory_space<vmem_shared>>
          %dma_wait3A_104 = arith.constant 0 : i32
          %dma_wait3A_105 = arith.constant 0 : i32
          %dma_wait3A_106 = tpu.memref_slice %arg13[%dma_wait3A_104, %dma_wait3A_105] : memref<80x128xf32, #tpu.memory_space<vmem>> -> memref<16x128xf32, #tpu.memory_space<vmem>>
          %dma_wait3A_107 = arith.constant 9984 : i32
          %dma_wait3A_108 = arith.constant 0 : i32
          %dma_wait3A_109 = tpu.memref_slice %arg11[%dma_wait3A_107, %dma_wait3A_108] : memref<10000x128xf32, #tpu.memory_space<vmem_shared>> -> memref<16x128xf32, #tpu.memory_space<vmem_shared>>
          tpu.wait_dma2 semaphore(%run_scoped3A_86 : memref<!tpu.dma_semaphore, #tpu.memory_space<semaphore_mem>>) src(%dma_wait3A_109 : memref<16x128xf32, #tpu.memory_space<vmem_shared>>) dst(%dma_wait3A_106 : memref<16x128xf32, #tpu.memory_space<vmem>>)
          tpu.yield
        }) : () -> ()
        "tpu.region"() ({
          %run_scoped3A_86 = tpu.sem_alloc : memref<!tpu.dma_semaphore, #tpu.memory_space<semaphore_mem>>
          %dma_start3A = arith.constant 0 : i32
          %dma_start3A_87 = arith.constant 0 : i32
          %dma_start3A_88 = tpu.memref_slice %arg13[%dma_start3A, %dma_start3A_87] : memref<80x128xf32, #tpu.memory_space<vmem>> -> memref<16x128xf32, #tpu.memory_space<vmem>>
          %dma_start3A_89 = arith.constant 9984 : i32
          %dma_start3A_90 = arith.constant 0 : i32
          %dma_start3A_91 = tpu.memref_slice %arg10[%dma_start3A_89, %dma_start3A_90] : memref<10000x128xf32, #tpu.memory_space<hbm>> -> memref<16x128xf32, #tpu.memory_space<hbm>>
          %dma_start3A_92 = arith.constant 9984 : i32
          %dma_start3A_93 = arith.constant 0 : i32
          %dma_start3A_94 = tpu.memref_slice %arg10[%dma_start3A_92, %dma_start3A_93] : memref<10000x128xf32, #tpu.memory_space<hbm>> -> memref<16x128xf32, #tpu.memory_space<hbm>>
          %dma_start3A_95 = arith.constant 0 : i32
          %dma_start3A_96 = arith.constant 0 : i32
          %dma_start3A_97 = tpu.memref_slice %arg13[%dma_start3A_95, %dma_start3A_96] : memref<80x128xf32, #tpu.memory_space<vmem>> -> memref<16x128xf32, #tpu.memory_space<vmem>>
          tpu.enqueue_dma source(%dma_start3A_97 : memref<16x128xf32, #tpu.memory_space<vmem>>) target(%dma_start3A_94 : memref<16x128xf32, #tpu.memory_space<hbm>>) target_semaphore(%run_scoped3A_86 : memref<!tpu.dma_semaphore, #tpu.memory_space<semaphore_mem>>)
          %dma_wait3A_98 = arith.constant 0 : i32
          %dma_wait3A_99 = arith.constant 0 : i32
          %dma_wait3A_100 = tpu.memref_slice %arg13[%dma_wait3A_98, %dma_wait3A_99] : memref<80x128xf32, #tpu.memory_space<vmem>> -> memref<16x128xf32, #tpu.memory_space<vmem>>
          %dma_wait3A_101 = arith.constant 9984 : i32
          %dma_wait3A_102 = arith.constant 0 : i32
          %dma_wait3A_103 = tpu.memref_slice %arg10[%dma_wait3A_101, %dma_wait3A_102] : memref<10000x128xf32, #tpu.memory_space<hbm>> -> memref<16x128xf32, #tpu.memory_space<hbm>>
          %dma_wait3A_104 = arith.constant 9984 : i32
          %dma_wait3A_105 = arith.constant 0 : i32
          %dma_wait3A_106 = tpu.memref_slice %arg10[%dma_wait3A_104, %dma_wait3A_105] : memref<10000x128xf32, #tpu.memory_space<hbm>> -> memref<16x128xf32, #tpu.memory_space<hbm>>
          %dma_wait3A_107 = arith.constant 0 : i32
          %dma_wait3A_108 = arith.constant 0 : i32
          %dma_wait3A_109 = tpu.memref_slice %arg13[%dma_wait3A_107, %dma_wait3A_108] : memref<80x128xf32, #tpu.memory_space<vmem>> -> memref<16x128xf32, #tpu.memory_space<vmem>>
          tpu.wait_dma2 semaphore(%run_scoped3A_86 : memref<!tpu.dma_semaphore, #tpu.memory_space<semaphore_mem>>) src(%dma_wait3A_109 : memref<16x128xf32, #tpu.memory_space<vmem>>) dst(%dma_wait3A_106 : memref<16x128xf32, #tpu.memory_space<hbm>>)
          tpu.yield
        }) : () -> ()
      } else {
      }
    } else {
    }
    return
  }
}

module attributes {stable_mosaic.version = 14 : i64} {
  func.func @_qkv_body(%arg0: i32, %arg1: memref<1000x128xf32, #tpu.memory_space<vmem>>, %arg2: memref<128x128xf32, #tpu.memory_space<vmem>>, %arg3: memref<128x128xf32, #tpu.memory_space<vmem>>, %arg4: memref<128x128xf32, #tpu.memory_space<vmem>>, %arg5: memref<1000x128xf32, #tpu.memory_space<vmem>>, %arg6: memref<1000x128xf32, #tpu.memory_space<vmem>>, %arg7: memref<1000x128xf32, #tpu.memory_space<vmem>>) attributes {dimension_semantics = [#tpu.dimension_semantics<arbitrary>], iteration_bounds = array<i64: 10>, scalar_prefetch = 0 : i64, scratch_operands = 0 : i64, tpu.core_type = #tpu.core_type<tc>, window_params = [{transform_indices = @transform_0, window_bounds = array<i64: 1000, 128>}, {pipeline_mode = #tpu.pipeline_mode<synchronous>, transform_indices = @transform_1, window_bounds = array<i64: 128, 128>}, {pipeline_mode = #tpu.pipeline_mode<synchronous>, transform_indices = @transform_2, window_bounds = array<i64: 128, 128>}, {pipeline_mode = #tpu.pipeline_mode<synchronous>, transform_indices = @transform_3, window_bounds = array<i64: 128, 128>}, {transform_indices = @transform_4, window_bounds = array<i64: 1000, 128>}, {transform_indices = @transform_5, window_bounds = array<i64: 1000, 128>}, {transform_indices = @transform_6, window_bounds = array<i64: 1000, 128>}]} {
    %get3A = arith.constant 0 : index
    %get3A_0 = arith.constant 0 : index
    %get3A_1 = vector.load %arg1[%get3A, %get3A_0] : memref<1000x128xf32, #tpu.memory_space<vmem>>, vector<1000x128xf32>
    %get3A_2 = arith.constant 0 : index
    %get3A_3 = arith.constant 0 : index
    %get3A_4 = vector.load %arg2[%get3A_2, %get3A_3] : memref<128x128xf32, #tpu.memory_space<vmem>>, vector<128x128xf32>
    %dot_general3A = arith.constant dense<0.000000e+00> : vector<1000x128xf32>
    %dot_general3A_5 = tpu.matmul %get3A_1, %get3A_4, %dot_general3A {dimension_numbers = #tpu.dot_dimension_numbers<[1], [0], [0], [1], [0, 0, 1, 1], [], []>, transpose_lhs_hint = false} : vector<1000x128xf32>, vector<128x128xf32>, vector<1000x128xf32> -> vector<1000x128xf32>
    %swap3A = arith.constant 0 : index
    %swap3A_6 = arith.constant 0 : index
    %swap3A_7 = vector.load %arg5[%swap3A, %swap3A_6] : memref<1000x128xf32, #tpu.memory_space<vmem>>, vector<1000x128xf32>
    tpu.vector_store %arg5[%swap3A, %swap3A_6], %dot_general3A_5 {strides = array<i32>} : memref<1000x128xf32, #tpu.memory_space<vmem>>, vector<1000x128xf32>,
    %get3A_8 = arith.constant 0 : index
    %get3A_9 = arith.constant 0 : index
    %get3A_10 = vector.load %arg3[%get3A_8, %get3A_9] : memref<128x128xf32, #tpu.memory_space<vmem>>, vector<128x128xf32>
    %dot_general3A_11 = arith.constant dense<0.000000e+00> : vector<1000x128xf32>
    %dot_general3A_12 = tpu.matmul %get3A_1, %get3A_10, %dot_general3A_11 {dimension_numbers = #tpu.dot_dimension_numbers<[1], [0], [0], [1], [0, 0, 1, 1], [], []>, transpose_lhs_hint = false} : vector<1000x128xf32>, vector<128x128xf32>, vector<1000x128xf32> -> vector<1000x128xf32>
    %swap3A_13 = arith.constant 0 : index
    %swap3A_14 = arith.constant 0 : index
    %swap3A_15 = vector.load %arg6[%swap3A_13, %swap3A_14] : memref<1000x128xf32, #tpu.memory_space<vmem>>, vector<1000x128xf32>
    tpu.vector_store %arg6[%swap3A_13, %swap3A_14], %dot_general3A_12 {strides = array<i32>} : memref<1000x128xf32, #tpu.memory_space<vmem>>, vector<1000x128xf32>,
    %get3A_16 = arith.constant 0 : index
    %get3A_17 = arith.constant 0 : index
    %get3A_18 = vector.load %arg4[%get3A_16, %get3A_17] : memref<128x128xf32, #tpu.memory_space<vmem>>, vector<128x128xf32>
    %dot_general3A_19 = arith.constant dense<0.000000e+00> : vector<1000x128xf32>
    %dot_general3A_20 = tpu.matmul %get3A_1, %get3A_18, %dot_general3A_19 {dimension_numbers = #tpu.dot_dimension_numbers<[1], [0], [0], [1], [0, 0, 1, 1], [], []>, transpose_lhs_hint = false} : vector<1000x128xf32>, vector<128x128xf32>, vector<1000x128xf32> -> vector<1000x128xf32>
    %swap3A_21 = arith.constant 0 : index
    %swap3A_22 = arith.constant 0 : index
    %swap3A_23 = vector.load %arg7[%swap3A_21, %swap3A_22] : memref<1000x128xf32, #tpu.memory_space<vmem>>, vector<1000x128xf32>
    tpu.vector_store %arg7[%swap3A_21, %swap3A_22], %dot_general3A_20 {strides = array<i32>} : memref<1000x128xf32, #tpu.memory_space<vmem>>, vector<1000x128xf32>,
    return
  }
  func.func @transform_0(%arg0: i32) -> (i32, i32) {
    %c0_i32 = arith.constant 0 : i32
    %c0_i32_0 = arith.constant 0 : i32
    return %arg0, %c0_i32 : i32, i32
  }
  func.func @transform_1(%arg0: i32) -> (i32, i32) {
    %c0_i32 = arith.constant 0 : i32
    %c0_i32_0 = arith.constant 0 : i32
    %c0_i32_1 = arith.constant 0 : i32
    return %c0_i32, %c0_i32_0 : i32, i32
  }
  func.func @transform_2(%arg0: i32) -> (i32, i32) {
    %c0_i32 = arith.constant 0 : i32
    %c0_i32_0 = arith.constant 0 : i32
    %c0_i32_1 = arith.constant 0 : i32
    return %c0_i32, %c0_i32_0 : i32, i32
  }
  func.func @transform_3(%arg0: i32) -> (i32, i32) {
    %c0_i32 = arith.constant 0 : i32
    %c0_i32_0 = arith.constant 0 : i32
    %c0_i32_1 = arith.constant 0 : i32
    return %c0_i32, %c0_i32_0 : i32, i32
  }
  func.func @transform_4(%arg0: i32) -> (i32, i32) {
    %c0_i32 = arith.constant 0 : i32
    %c0_i32_0 = arith.constant 0 : i32
    return %arg0, %c0_i32 : i32, i32
  }
  func.func @transform_5(%arg0: i32) -> (i32, i32) {
    %c0_i32 = arith.constant 0 : i32
    %c0_i32_0 = arith.constant 0 : i32
    return %arg0, %c0_i32 : i32, i32
  }
  func.func @transform_6(%arg0: i32) -> (i32, i32) {
    %c0_i32 = arith.constant 0 : i32
    %c0_i32_0 = arith.constant 0 : i32
    return %arg0, %c0_i32 : i32, i32
  }
}

module attributes {stable_mosaic.version = 14 : i64} {
  func.func @_edge_body(%arg0: i32, %arg1: memref<1280x128xf32, #tpu.memory_space<vmem>>, %arg2: memref<1280x128xf32, #tpu.memory_space<vmem>>, %arg3: memref<1280x128xf32, #tpu.memory_space<vmem>>, %arg4: memref<1280x128xf32, #tpu.memory_space<vmem>>, %arg5: memref<128x128xf32, #tpu.memory_space<vmem>>, %arg6: memref<128x128xf32, #tpu.memory_space<vmem>>, %arg7: memref<1x128xf32, #tpu.memory_space<vmem>>, %arg8: memref<128x128xf32, #tpu.memory_space<vmem>>, %arg9: memref<1x128xf32, #tpu.memory_space<vmem>>, %arg10: memref<128x128xf32, #tpu.memory_space<vmem>>, %arg11: memref<128x128xf32, #tpu.memory_space<vmem>>, %arg12: memref<1x128xf32, #tpu.memory_space<vmem>>, %arg13: memref<1x128xf32, #tpu.memory_space<vmem>>, %arg14: memref<1x128xf32, #tpu.memory_space<vmem>>, %arg15: memref<1280x128xf32, #tpu.memory_space<vmem>>, %arg16: memref<1280x128xf32, #tpu.memory_space<vmem>>, %arg17: memref<1280x128xf32, #tpu.memory_space<vmem>>, %arg18: memref<1280x128xf32, #tpu.memory_space<vmem>>) attributes {dimension_semantics = [#tpu.dimension_semantics<arbitrary>], iteration_bounds = array<i64: 250>, scalar_prefetch = 0 : i64, scratch_operands = 0 : i64, tpu.core_type = #tpu.core_type<tc>, window_params = [{transform_indices = @transform_0, window_bounds = array<i64: 1280, 128>}, {transform_indices = @transform_1, window_bounds = array<i64: 1280, 128>}, {transform_indices = @transform_2, window_bounds = array<i64: 1280, 128>}, {transform_indices = @transform_3, window_bounds = array<i64: 1280, 128>}, {pipeline_mode = #tpu.pipeline_mode<synchronous>, transform_indices = @transform_4, window_bounds = array<i64: 128, 128>}, {pipeline_mode = #tpu.pipeline_mode<synchronous>, transform_indices = @transform_5, window_bounds = array<i64: 128, 128>}, {pipeline_mode = #tpu.pipeline_mode<synchronous>, transform_indices = @transform_6, window_bounds = array<i64: 1, 128>}, {pipeline_mode = #tpu.pipeline_mode<synchronous>, transform_indices = @transform_7, window_bounds = array<i64: 128, 128>}, {pipeline_mode = #tpu.pipeline_mode<synchronous>, transform_indices = @transform_8, window_bounds = array<i64: 1, 128>}, {pipeline_mode = #tpu.pipeline_mode<synchronous>, transform_indices = @transform_9, window_bounds = array<i64: 128, 128>}, {pipeline_mode = #tpu.pipeline_mode<synchronous>, transform_indices = @transform_10, window_bounds = array<i64: 128, 128>}, {pipeline_mode = #tpu.pipeline_mode<synchronous>, transform_indices = @transform_11, window_bounds = array<i64: 1, 128>}, {pipeline_mode = #tpu.pipeline_mode<synchronous>, transform_indices = @transform_12, window_bounds = array<i64: 1, 128>}, {pipeline_mode = #tpu.pipeline_mode<synchronous>, transform_indices = @transform_13, window_bounds = array<i64: 1, 128>}, {transform_indices = @transform_14, window_bounds = array<i64: 1280, 128>}, {transform_indices = @transform_15, window_bounds = array<i64: 1280, 128>}, {transform_indices = @transform_16, window_bounds = array<i64: 1280, 128>}, {transform_indices = @transform_17, window_bounds = array<i64: 1280, 128>}]} {
    %get3A = arith.constant 0 : index
    %get3A_0 = arith.constant 0 : index
    %get3A_1 = vector.load %arg1[%get3A, %get3A_0] : memref<1280x128xf32, #tpu.memory_space<vmem>>, vector<1280x128xf32>
    %get3A_2 = arith.constant 0 : index
    %get3A_3 = arith.constant 0 : index
    %get3A_4 = vector.load %arg2[%get3A_2, %get3A_3] : memref<1280x128xf32, #tpu.memory_space<vmem>>, vector<1280x128xf32>
    %get3A_5 = arith.constant 0 : index
    %get3A_6 = arith.constant 0 : index
    %get3A_7 = vector.load %arg3[%get3A_5, %get3A_6] : memref<1280x128xf32, #tpu.memory_space<vmem>>, vector<1280x128xf32>
    %add3A = arith.addf %get3A_4, %get3A_7 : vector<1280x128xf32>
    %get3A_8 = arith.constant 0 : index
    %get3A_9 = arith.constant 0 : index
    %get3A_10 = vector.load %arg5[%get3A_8, %get3A_9] : memref<128x128xf32, #tpu.memory_space<vmem>>, vector<128x128xf32>
    %dot_general3A = arith.constant dense<0.000000e+00> : vector<1280x128xf32>
    %dot_general3A_11 = tpu.matmul %get3A_1, %get3A_10, %dot_general3A {dimension_numbers = #tpu.dot_dimension_numbers<[1], [0], [0], [1], [0, 0, 1, 1], [], []>, transpose_lhs_hint = false} : vector<1280x128xf32>, vector<128x128xf32>, vector<1280x128xf32> -> vector<1280x128xf32>
    %get3A_12 = arith.constant 0 : index
    %get3A_13 = arith.constant 0 : index
    %get3A_14 = vector.load %arg6[%get3A_12, %get3A_13] : memref<128x128xf32, #tpu.memory_space<vmem>>, vector<128x128xf32>
    %dot_general3A_15 = arith.constant dense<0.000000e+00> : vector<1280x128xf32>
    %dot_general3A_16 = tpu.matmul %get3A_1, %get3A_14, %dot_general3A_15 {dimension_numbers = #tpu.dot_dimension_numbers<[1], [0], [0], [1], [0, 0, 1, 1], [], []>, transpose_lhs_hint = false} : vector<1280x128xf32>, vector<128x128xf32>, vector<1280x128xf32> -> vector<1280x128xf32>
    %get3A_17 = arith.constant 0 : index
    %get3A_18 = arith.constant 0 : index
    %get3A_19 = vector.load %arg7[%get3A_17, %get3A_18] : memref<1x128xf32, #tpu.memory_space<vmem>>, vector<1x128xf32>
    %add3A_20 = vector.broadcast %get3A_19 : vector<1x128xf32> to vector<1280x128xf32>
    %add3A_21 = arith.addf %dot_general3A_16, %add3A_20 : vector<1280x128xf32>
    %mul3A = arith.mulf %add3A, %dot_general3A_11 : vector<1280x128xf32>
    %max3A = arith.constant 0.000000e+00 : f32
    %max3A_22 = vector.broadcast %max3A : f32 to vector<1280x128xf32>
    %max3A_23 = arith.maximumf %mul3A, %max3A_22 : vector<1280x128xf32>
    %sqrt3A = math.sqrt %max3A_23 : vector<1280x128xf32>
    %neg3A = arith.constant 0.000000e+00 : f32
    %neg3A_24 = vector.broadcast %neg3A : f32 to vector<1280x128xf32>
    %neg3A_25 = arith.subf %neg3A_24, %mul3A : vector<1280x128xf32>
    %max3A_26 = arith.constant 0.000000e+00 : f32
    %max3A_27 = vector.broadcast %max3A_26 : f32 to vector<1280x128xf32>
    %max3A_28 = arith.maximumf %neg3A_25, %max3A_27 : vector<1280x128xf32>
    %sqrt3A_29 = math.sqrt %max3A_28 : vector<1280x128xf32>
    %sub3A = arith.subf %sqrt3A, %sqrt3A_29 : vector<1280x128xf32>
    %add3A_30 = arith.addf %sub3A, %add3A_21 : vector<1280x128xf32>
    %max3A_31 = arith.constant 0.000000e+00 : f32
    %max3A_32 = vector.broadcast %max3A_31 : f32 to vector<1280x128xf32>
    %max3A_33 = arith.maximumf %add3A_30, %max3A_32 : vector<1280x128xf32>
    %get3A_34 = arith.constant 0 : index
    %get3A_35 = arith.constant 0 : index
    %get3A_36 = vector.load %arg8[%get3A_34, %get3A_35] : memref<128x128xf32, #tpu.memory_space<vmem>>, vector<128x128xf32>
    %dot_general3A_37 = arith.constant dense<0.000000e+00> : vector<1280x128xf32>
    %dot_general3A_38 = tpu.matmul %max3A_33, %get3A_36, %dot_general3A_37 {dimension_numbers = #tpu.dot_dimension_numbers<[1], [0], [0], [1], [0, 0, 1, 1], [], []>, transpose_lhs_hint = false} : vector<1280x128xf32>, vector<128x128xf32>, vector<1280x128xf32> -> vector<1280x128xf32>
    %get3A_39 = arith.constant 0 : index
    %get3A_40 = arith.constant 0 : index
    %get3A_41 = vector.load %arg9[%get3A_39, %get3A_40] : memref<1x128xf32, #tpu.memory_space<vmem>>, vector<1x128xf32>
    %add3A_42 = vector.broadcast %get3A_41 : vector<1x128xf32> to vector<1280x128xf32>
    %add3A_43 = arith.addf %dot_general3A_38, %add3A_42 : vector<1280x128xf32>
    %get3A_44 = arith.constant 0 : index
    %get3A_45 = arith.constant 0 : index
    %get3A_46 = vector.load %arg10[%get3A_44, %get3A_45] : memref<128x128xf32, #tpu.memory_space<vmem>>, vector<128x128xf32>
    %dot_general3A_47 = arith.constant dense<0.000000e+00> : vector<1280x128xf32>
    %dot_general3A_48 = tpu.matmul %add3A_43, %get3A_46, %dot_general3A_47 {dimension_numbers = #tpu.dot_dimension_numbers<[1], [0], [0], [1], [0, 0, 1, 1], [], []>, transpose_lhs_hint = false} : vector<1280x128xf32>, vector<128x128xf32>, vector<1280x128xf32> -> vector<1280x128xf32>
    %jit3A = arith.constant -5.000000e+00 : f32
    %jit3A_49 = arith.constant 5.000000e+00 : f32
    %max3A_50 = vector.broadcast %jit3A : f32 to vector<1280x128xf32>
    %max3A_51 = arith.maximumf %max3A_50, %dot_general3A_48 : vector<1280x128xf32>
    %min3A = vector.broadcast %jit3A_49 : f32 to vector<1280x128xf32>
    %min3A_52 = arith.minimumf %min3A, %max3A_51 : vector<1280x128xf32>
    %exp3A = math.exp %min3A_52 : vector<1280x128xf32>
    %get3A_53 = arith.constant 0 : index
    %get3A_54 = arith.constant 0 : index
    %get3A_55 = vector.load %arg4[%get3A_53, %get3A_54] : memref<1280x128xf32, #tpu.memory_space<vmem>>, vector<1280x128xf32>
    %mul3A_56 = arith.mulf %exp3A, %get3A_55 : vector<1280x128xf32>
    %swap3A = arith.constant 0 : index
    %swap3A_57 = arith.constant 0 : index
    %swap3A_58 = vector.load %arg16[%swap3A, %swap3A_57] : memref<1280x128xf32, #tpu.memory_space<vmem>>, vector<1280x128xf32>
    tpu.vector_store %arg16[%swap3A, %swap3A_57], %mul3A_56 {strides = array<i32>} : memref<1280x128xf32, #tpu.memory_space<vmem>>, vector<1280x128xf32>,
    %mul3A_59 = arith.mulf %exp3A, %add3A_43 : vector<1280x128xf32>
    %swap3A_60 = arith.constant 0 : index
    %swap3A_61 = arith.constant 0 : index
    %swap3A_62 = vector.load %arg17[%swap3A_60, %swap3A_61] : memref<1280x128xf32, #tpu.memory_space<vmem>>, vector<1280x128xf32>
    tpu.vector_store %arg17[%swap3A_60, %swap3A_61], %mul3A_59 {strides = array<i32>} : memref<1280x128xf32, #tpu.memory_space<vmem>>, vector<1280x128xf32>,
    %swap3A_63 = arith.constant 0 : index
    %swap3A_64 = arith.constant 0 : index
    %swap3A_65 = vector.load %arg18[%swap3A_63, %swap3A_64] : memref<1280x128xf32, #tpu.memory_space<vmem>>, vector<1280x128xf32>
    tpu.vector_store %arg18[%swap3A_63, %swap3A_64], %exp3A {strides = array<i32>} : memref<1280x128xf32, #tpu.memory_space<vmem>>, vector<1280x128xf32>,
    %get3A_66 = arith.constant 0 : index
    %get3A_67 = arith.constant 0 : index
    %get3A_68 = vector.load %arg11[%get3A_66, %get3A_67] : memref<128x128xf32, #tpu.memory_space<vmem>>, vector<128x128xf32>
    %dot_general3A_69 = arith.constant dense<0.000000e+00> : vector<1280x128xf32>
    %dot_general3A_70 = tpu.matmul %add3A_43, %get3A_68, %dot_general3A_69 {dimension_numbers = #tpu.dot_dimension_numbers<[1], [0], [0], [1], [0, 0, 1, 1], [], []>, transpose_lhs_hint = false} : vector<1280x128xf32>, vector<128x128xf32>, vector<1280x128xf32> -> vector<1280x128xf32>
    %add3A_71 = arith.addf %get3A_1, %dot_general3A_70 : vector<1280x128xf32>
    %get3A_72 = arith.constant 0 : index
    %get3A_73 = arith.constant 0 : index
    %get3A_74 = vector.load %arg12[%get3A_72, %get3A_73] : memref<1x128xf32, #tpu.memory_space<vmem>>, vector<1x128xf32>
    %add3A_75 = vector.broadcast %get3A_74 : vector<1x128xf32> to vector<1280x128xf32>
    %add3A_76 = arith.addf %add3A_71, %add3A_75 : vector<1280x128xf32>
    %get3A_77 = arith.constant 0 : index
    %get3A_78 = arith.constant 0 : index
    %get3A_79 = vector.load %arg13[%get3A_77, %get3A_78] : memref<1x128xf32, #tpu.memory_space<vmem>>, vector<1x128xf32>
    %get3A_80 = arith.constant 0 : index
    %get3A_81 = arith.constant 0 : index
    %get3A_82 = vector.load %arg14[%get3A_80, %get3A_81] : memref<1x128xf32, #tpu.memory_space<vmem>>, vector<1x128xf32>
    %reduce_sum3A = arith.constant dense<0.000000e+00> : vector<1280xf32>
    %reduce_sum3A_83 = vector.multi_reduction <add>, %add3A_76, %reduce_sum3A [1] : vector<1280x128xf32> to vector<1280xf32>
    %broadcast_in_dim3A = vector.shape_cast %reduce_sum3A_83 : vector<1280xf32> to vector<1280x1xf32>
    %div3A = arith.constant 1.280000e+02 : f32
    %div3A_84 = vector.broadcast %div3A : f32 to vector<1280x1xf32>
    %div3A_85 = arith.divf %broadcast_in_dim3A, %div3A_84 : vector<1280x1xf32>
    %sub3A_86 = vector.broadcast %div3A_85 : vector<1280x1xf32> to vector<1280x128xf32>
    %sub3A_87 = arith.subf %add3A_76, %sub3A_86 : vector<1280x128xf32>
    %integer_pow3A = arith.mulf %sub3A_87, %sub3A_87 : vector<1280x128xf32>
    %reduce_sum3A_88 = arith.constant dense<0.000000e+00> : vector<1280xf32>
    %reduce_sum3A_89 = vector.multi_reduction <add>, %integer_pow3A, %reduce_sum3A_88 [1] : vector<1280x128xf32> to vector<1280xf32>
    %broadcast_in_dim3A_90 = vector.shape_cast %reduce_sum3A_89 : vector<1280xf32> to vector<1280x1xf32>
    %div3A_91 = arith.constant 1.280000e+02 : f32
    %div3A_92 = vector.broadcast %div3A_91 : f32 to vector<1280x1xf32>
    %div3A_93 = arith.divf %broadcast_in_dim3A_90, %div3A_92 : vector<1280x1xf32>
    %sub3A_94 = vector.broadcast %div3A_85 : vector<1280x1xf32> to vector<1280x128xf32>
    %sub3A_95 = arith.subf %add3A_76, %sub3A_94 : vector<1280x128xf32>
    %add3A_96 = arith.constant 9.99999974E-6 : f32
    %add3A_97 = vector.broadcast %add3A_96 : f32 to vector<1280x1xf32>
    %add3A_98 = arith.addf %div3A_93, %add3A_97 : vector<1280x1xf32>
    %rsqrt3A = math.rsqrt %add3A_98 : vector<1280x1xf32>
    %mul3A_99 = vector.broadcast %rsqrt3A : vector<1280x1xf32> to vector<1280x128xf32>
    %mul3A_100 = arith.mulf %sub3A_95, %mul3A_99 : vector<1280x128xf32>
    %mul3A_101 = vector.broadcast %get3A_79 : vector<1x128xf32> to vector<1280x128xf32>
    %mul3A_102 = arith.mulf %mul3A_100, %mul3A_101 : vector<1280x128xf32>
    %add3A_103 = vector.broadcast %get3A_82 : vector<1x128xf32> to vector<1280x128xf32>
    %add3A_104 = arith.addf %mul3A_102, %add3A_103 : vector<1280x128xf32>
    %swap3A_105 = arith.constant 0 : index
    %swap3A_106 = arith.constant 0 : index
    %swap3A_107 = vector.load %arg15[%swap3A_105, %swap3A_106] : memref<1280x128xf32, #tpu.memory_space<vmem>>, vector<1280x128xf32>
    tpu.vector_store %arg15[%swap3A_105, %swap3A_106], %add3A_104 {strides = array<i32>} : memref<1280x128xf32, #tpu.memory_space<vmem>>, vector<1280x128xf32>,
    return
  }
  func.func @transform_0(%arg0: i32) -> (i32, i32) {
    %c0_i32 = arith.constant 0 : i32
    %c0_i32_0 = arith.constant 0 : i32
    return %arg0, %c0_i32 : i32, i32
  }
  func.func @transform_1(%arg0: i32) -> (i32, i32) {
    %c0_i32 = arith.constant 0 : i32
    %c0_i32_0 = arith.constant 0 : i32
    return %arg0, %c0_i32 : i32, i32
  }
  func.func @transform_2(%arg0: i32) -> (i32, i32) {
    %c0_i32 = arith.constant 0 : i32
    %c0_i32_0 = arith.constant 0 : i32
    return %arg0, %c0_i32 : i32, i32
  }
  func.func @transform_3(%arg0: i32) -> (i32, i32) {
    %c0_i32 = arith.constant 0 : i32
    %c0_i32_0 = arith.constant 0 : i32
    return %arg0, %c0_i32 : i32, i32
  }
  func.func @transform_4(%arg0: i32) -> (i32, i32) {
    %c0_i32 = arith.constant 0 : i32
    %c0_i32_0 = arith.constant 0 : i32
    %c0_i32_1 = arith.constant 0 : i32
    return %c0_i32, %c0_i32_0 : i32, i32
  }
  func.func @transform_5(%arg0: i32) -> (i32, i32) {
    %c0_i32 = arith.constant 0 : i32
    %c0_i32_0 = arith.constant 0 : i32
    %c0_i32_1 = arith.constant 0 : i32
    return %c0_i32, %c0_i32_0 : i32, i32
  }
  func.func @transform_6(%arg0: i32) -> (i32, i32) {
    %c0_i32 = arith.constant 0 : i32
    %c0_i32_0 = arith.constant 0 : i32
    %c0_i32_1 = arith.constant 0 : i32
    return %c0_i32, %c0_i32_0 : i32, i32
  }
  func.func @transform_7(%arg0: i32) -> (i32, i32) {
    %c0_i32 = arith.constant 0 : i32
    %c0_i32_0 = arith.constant 0 : i32
    %c0_i32_1 = arith.constant 0 : i32
    return %c0_i32, %c0_i32_0 : i32, i32
  }
  func.func @transform_8(%arg0: i32) -> (i32, i32) {
    %c0_i32 = arith.constant 0 : i32
    %c0_i32_0 = arith.constant 0 : i32
    %c0_i32_1 = arith.constant 0 : i32
    return %c0_i32, %c0_i32_0 : i32, i32
  }
  func.func @transform_9(%arg0: i32) -> (i32, i32) {
    %c0_i32 = arith.constant 0 : i32
    %c0_i32_0 = arith.constant 0 : i32
    %c0_i32_1 = arith.constant 0 : i32
    return %c0_i32, %c0_i32_0 : i32, i32
  }
  func.func @transform_10(%arg0: i32) -> (i32, i32) {
    %c0_i32 = arith.constant 0 : i32
    %c0_i32_0 = arith.constant 0 : i32
    %c0_i32_1 = arith.constant 0 : i32
    return %c0_i32, %c0_i32_0 : i32, i32
  }
  func.func @transform_11(%arg0: i32) -> (i32, i32) {
    %c0_i32 = arith.constant 0 : i32
    %c0_i32_0 = arith.constant 0 : i32
    %c0_i32_1 = arith.constant 0 : i32
    return %c0_i32, %c0_i32_0 : i32, i32
  }
  func.func @transform_12(%arg0: i32) -> (i32, i32) {
    %c0_i32 = arith.constant 0 : i32
    %c0_i32_0 = arith.constant 0 : i32
    %c0_i32_1 = arith.constant 0 : i32
    return %c0_i32, %c0_i32_0 : i32, i32
  }
  func.func @transform_13(%arg0: i32) -> (i32, i32) {
    %c0_i32 = arith.constant 0 : i32
    %c0_i32_0 = arith.constant 0 : i32
    %c0_i32_1 = arith.constant 0 : i32
    return %c0_i32, %c0_i32_0 : i32, i32
  }
  func.func @transform_14(%arg0: i32) -> (i32, i32) {
    %c0_i32 = arith.constant 0 : i32
    %c0_i32_0 = arith.constant 0 : i32
    return %arg0, %c0_i32 : i32, i32
  }
  func.func @transform_15(%arg0: i32) -> (i32, i32) {
    %c0_i32 = arith.constant 0 : i32
    %c0_i32_0 = arith.constant 0 : i32
    return %arg0, %c0_i32 : i32, i32
  }
  func.func @transform_16(%arg0: i32) -> (i32, i32) {
    %c0_i32 = arith.constant 0 : i32
    %c0_i32_0 = arith.constant 0 : i32
    return %arg0, %c0_i32 : i32, i32
  }
  func.func @transform_17(%arg0: i32) -> (i32, i32) {
    %c0_i32 = arith.constant 0 : i32
    %c0_i32_0 = arith.constant 0 : i32
    return %arg0, %c0_i32 : i32, i32
  }
}

module attributes {stable_mosaic.version = 14 : i64} {
  func.func @_node_body(%arg0: i32, %arg1: memref<1000x128xf32, #tpu.memory_space<vmem>>, %arg2: memref<1000x128xf32, #tpu.memory_space<vmem>>, %arg3: memref<1000x128xf32, #tpu.memory_space<vmem>>, %arg4: memref<1000x128xf32, #tpu.memory_space<vmem>>, %arg5: memref<1000x128xf32, #tpu.memory_space<vmem>>, %arg6: memref<128x128xf32, #tpu.memory_space<vmem>>, %arg7: memref<128x128xf32, #tpu.memory_space<vmem>>, %arg8: memref<1x128xf32, #tpu.memory_space<vmem>>, %arg9: memref<1x128xf32, #tpu.memory_space<vmem>>, %arg10: memref<1x128xf32, #tpu.memory_space<vmem>>, %arg11: memref<128x256xf32, #tpu.memory_space<vmem>>, %arg12: memref<1x256xf32, #tpu.memory_space<vmem>>, %arg13: memref<256x128xf32, #tpu.memory_space<vmem>>, %arg14: memref<1x128xf32, #tpu.memory_space<vmem>>, %arg15: memref<1x128xf32, #tpu.memory_space<vmem>>, %arg16: memref<1x128xf32, #tpu.memory_space<vmem>>, %arg17: memref<1000x128xf32, #tpu.memory_space<vmem>>) attributes {dimension_semantics = [#tpu.dimension_semantics<arbitrary>], iteration_bounds = array<i64: 10>, scalar_prefetch = 0 : i64, scratch_operands = 0 : i64, tpu.core_type = #tpu.core_type<tc>, window_params = [{transform_indices = @transform_0, window_bounds = array<i64: 1000, 128>}, {transform_indices = @transform_1, window_bounds = array<i64: 1000, 128>}, {transform_indices = @transform_2, window_bounds = array<i64: 1000, 128>}, {transform_indices = @transform_3, window_bounds = array<i64: 1000, 128>}, {transform_indices = @transform_4, window_bounds = array<i64: 1000, 128>}, {pipeline_mode = #tpu.pipeline_mode<synchronous>, transform_indices = @transform_5, window_bounds = array<i64: 128, 128>}, {pipeline_mode = #tpu.pipeline_mode<synchronous>, transform_indices = @transform_6, window_bounds = array<i64: 128, 128>}, {pipeline_mode = #tpu.pipeline_mode<synchronous>, transform_indices = @transform_7, window_bounds = array<i64: 1, 128>}, {pipeline_mode = #tpu.pipeline_mode<synchronous>, transform_indices = @transform_8, window_bounds = array<i64: 1, 128>}, {pipeline_mode = #tpu.pipeline_mode<synchronous>, transform_indices = @transform_9, window_bounds = array<i64: 1, 128>}, {pipeline_mode = #tpu.pipeline_mode<synchronous>, transform_indices = @transform_10, window_bounds = array<i64: 128, 256>}, {pipeline_mode = #tpu.pipeline_mode<synchronous>, transform_indices = @transform_11, window_bounds = array<i64: 1, 256>}, {pipeline_mode = #tpu.pipeline_mode<synchronous>, transform_indices = @transform_12, window_bounds = array<i64: 256, 128>}, {pipeline_mode = #tpu.pipeline_mode<synchronous>, transform_indices = @transform_13, window_bounds = array<i64: 1, 128>}, {pipeline_mode = #tpu.pipeline_mode<synchronous>, transform_indices = @transform_14, window_bounds = array<i64: 1, 128>}, {pipeline_mode = #tpu.pipeline_mode<synchronous>, transform_indices = @transform_15, window_bounds = array<i64: 1, 128>}, {transform_indices = @transform_16, window_bounds = array<i64: 1000, 128>}]} {
    %get3A = arith.constant 0 : index
    %get3A_0 = arith.constant 0 : index
    %get3A_1 = vector.load %arg4[%get3A, %get3A_0] : memref<1000x128xf32, #tpu.memory_space<vmem>>, vector<1000x128xf32>
    %get3A_2 = arith.constant 0 : index
    %get3A_3 = arith.constant 0 : index
    %get3A_4 = vector.load %arg5[%get3A_2, %get3A_3] : memref<1000x128xf32, #tpu.memory_space<vmem>>, vector<1000x128xf32>
    %add3A = arith.addf %get3A_1, %get3A_4 : vector<1000x128xf32>
    %add3A_5 = arith.constant 1.000000e-16 : f32
    %add3A_6 = vector.broadcast %add3A_5 : f32 to vector<1000x128xf32>
    %add3A_7 = arith.addf %add3A, %add3A_6 : vector<1000x128xf32>
    %div3A = arith.constant 1.000000e+00 : f32
    %div3A_8 = vector.broadcast %div3A : f32 to vector<1000x128xf32>
    %div3A_9 = arith.divf %div3A_8, %add3A_7 : vector<1000x128xf32>
    %get3A_10 = arith.constant 0 : index
    %get3A_11 = arith.constant 0 : index
    %get3A_12 = vector.load %arg2[%get3A_10, %get3A_11] : memref<1000x128xf32, #tpu.memory_space<vmem>>, vector<1000x128xf32>
    %mul3A = arith.mulf %get3A_12, %div3A_9 : vector<1000x128xf32>
    %get3A_13 = arith.constant 0 : index
    %get3A_14 = arith.constant 0 : index
    %get3A_15 = vector.load %arg3[%get3A_13, %get3A_14] : memref<1000x128xf32, #tpu.memory_space<vmem>>, vector<1000x128xf32>
    %mul3A_16 = arith.mulf %get3A_15, %div3A_9 : vector<1000x128xf32>
    %get3A_17 = arith.constant 0 : index
    %get3A_18 = arith.constant 0 : index
    %get3A_19 = vector.load %arg6[%get3A_17, %get3A_18] : memref<128x128xf32, #tpu.memory_space<vmem>>, vector<128x128xf32>
    %dot_general3A = arith.constant dense<0.000000e+00> : vector<1000x128xf32>
    %dot_general3A_20 = tpu.matmul %mul3A_16, %get3A_19, %dot_general3A {dimension_numbers = #tpu.dot_dimension_numbers<[1], [0], [0], [1], [0, 0, 1, 1], [], []>, transpose_lhs_hint = false} : vector<1000x128xf32>, vector<128x128xf32>, vector<1000x128xf32> -> vector<1000x128xf32>
    %add3A_21 = arith.addf %mul3A, %dot_general3A_20 : vector<1000x128xf32>
    %get3A_22 = arith.constant 0 : index
    %get3A_23 = arith.constant 0 : index
    %get3A_24 = vector.load %arg1[%get3A_22, %get3A_23] : memref<1000x128xf32, #tpu.memory_space<vmem>>, vector<1000x128xf32>
    %get3A_25 = arith.constant 0 : index
    %get3A_26 = arith.constant 0 : index
    %get3A_27 = vector.load %arg7[%get3A_25, %get3A_26] : memref<128x128xf32, #tpu.memory_space<vmem>>, vector<128x128xf32>
    %dot_general3A_28 = arith.constant dense<0.000000e+00> : vector<1000x128xf32>
    %dot_general3A_29 = tpu.matmul %add3A_21, %get3A_27, %dot_general3A_28 {dimension_numbers = #tpu.dot_dimension_numbers<[1], [0], [0], [1], [0, 0, 1, 1], [], []>, transpose_lhs_hint = false} : vector<1000x128xf32>, vector<128x128xf32>, vector<1000x128xf32> -> vector<1000x128xf32>
    %add3A_30 = arith.addf %get3A_24, %dot_general3A_29 : vector<1000x128xf32>
    %get3A_31 = arith.constant 0 : index
    %get3A_32 = arith.constant 0 : index
    %get3A_33 = vector.load %arg8[%get3A_31, %get3A_32] : memref<1x128xf32, #tpu.memory_space<vmem>>, vector<1x128xf32>
    %add3A_34 = vector.broadcast %get3A_33 : vector<1x128xf32> to vector<1000x128xf32>
    %add3A_35 = arith.addf %add3A_30, %add3A_34 : vector<1000x128xf32>
    %get3A_36 = arith.constant 0 : index
    %get3A_37 = arith.constant 0 : index
    %get3A_38 = vector.load %arg9[%get3A_36, %get3A_37] : memref<1x128xf32, #tpu.memory_space<vmem>>, vector<1x128xf32>
    %get3A_39 = arith.constant 0 : index
    %get3A_40 = arith.constant 0 : index
    %get3A_41 = vector.load %arg10[%get3A_39, %get3A_40] : memref<1x128xf32, #tpu.memory_space<vmem>>, vector<1x128xf32>
    %reduce_sum3A = arith.constant dense<0.000000e+00> : vector<1000xf32>
    %reduce_sum3A_42 = vector.multi_reduction <add>, %add3A_35, %reduce_sum3A [1] : vector<1000x128xf32> to vector<1000xf32>
    %broadcast_in_dim3A = vector.shape_cast %reduce_sum3A_42 : vector<1000xf32> to vector<1000x1xf32>
    %div3A_43 = arith.constant 1.280000e+02 : f32
    %div3A_44 = vector.broadcast %div3A_43 : f32 to vector<1000x1xf32>
    %div3A_45 = arith.divf %broadcast_in_dim3A, %div3A_44 : vector<1000x1xf32>
    %sub3A = vector.broadcast %div3A_45 : vector<1000x1xf32> to vector<1000x128xf32>
    %sub3A_46 = arith.subf %add3A_35, %sub3A : vector<1000x128xf32>
    %integer_pow3A = arith.mulf %sub3A_46, %sub3A_46 : vector<1000x128xf32>
    %reduce_sum3A_47 = arith.constant dense<0.000000e+00> : vector<1000xf32>
    %reduce_sum3A_48 = vector.multi_reduction <add>, %integer_pow3A, %reduce_sum3A_47 [1] : vector<1000x128xf32> to vector<1000xf32>
    %broadcast_in_dim3A_49 = vector.shape_cast %reduce_sum3A_48 : vector<1000xf32> to vector<1000x1xf32>
    %div3A_50 = arith.constant 1.280000e+02 : f32
    %div3A_51 = vector.broadcast %div3A_50 : f32 to vector<1000x1xf32>
    %div3A_52 = arith.divf %broadcast_in_dim3A_49, %div3A_51 : vector<1000x1xf32>
    %sub3A_53 = vector.broadcast %div3A_45 : vector<1000x1xf32> to vector<1000x128xf32>
    %sub3A_54 = arith.subf %add3A_35, %sub3A_53 : vector<1000x128xf32>
    %add3A_55 = arith.constant 9.99999974E-6 : f32
    %add3A_56 = vector.broadcast %add3A_55 : f32 to vector<1000x1xf32>
    %add3A_57 = arith.addf %div3A_52, %add3A_56 : vector<1000x1xf32>
    %rsqrt3A = math.rsqrt %add3A_57 : vector<1000x1xf32>
    %mul3A_58 = vector.broadcast %rsqrt3A : vector<1000x1xf32> to vector<1000x128xf32>
    %mul3A_59 = arith.mulf %sub3A_54, %mul3A_58 : vector<1000x128xf32>
    %mul3A_60 = vector.broadcast %get3A_38 : vector<1x128xf32> to vector<1000x128xf32>
    %mul3A_61 = arith.mulf %mul3A_59, %mul3A_60 : vector<1000x128xf32>
    %add3A_62 = vector.broadcast %get3A_41 : vector<1x128xf32> to vector<1000x128xf32>
    %add3A_63 = arith.addf %mul3A_61, %add3A_62 : vector<1000x128xf32>
    %get3A_64 = arith.constant 0 : index
    %get3A_65 = arith.constant 0 : index
    %get3A_66 = vector.load %arg11[%get3A_64, %get3A_65] : memref<128x256xf32, #tpu.memory_space<vmem>>, vector<128x256xf32>
    %dot_general3A_67 = arith.constant dense<0.000000e+00> : vector<1000x256xf32>
    %dot_general3A_68 = tpu.matmul %add3A_63, %get3A_66, %dot_general3A_67 {dimension_numbers = #tpu.dot_dimension_numbers<[1], [0], [0], [1], [0, 0, 1, 1], [], []>, transpose_lhs_hint = false} : vector<1000x128xf32>, vector<128x256xf32>, vector<1000x256xf32> -> vector<1000x256xf32>
    %get3A_69 = arith.constant 0 : index
    %get3A_70 = arith.constant 0 : index
    %get3A_71 = vector.load %arg12[%get3A_69, %get3A_70] : memref<1x256xf32, #tpu.memory_space<vmem>>, vector<1x256xf32>
    %add3A_72 = vector.broadcast %get3A_71 : vector<1x256xf32> to vector<1000x256xf32>
    %add3A_73 = arith.addf %dot_general3A_68, %add3A_72 : vector<1000x256xf32>
    %max3A = arith.constant 0.000000e+00 : f32
    %max3A_74 = vector.broadcast %max3A : f32 to vector<1000x256xf32>
    %max3A_75 = arith.maximumf %add3A_73, %max3A_74 : vector<1000x256xf32>
    %get3A_76 = arith.constant 0 : index
    %get3A_77 = arith.constant 0 : index
    %get3A_78 = vector.load %arg13[%get3A_76, %get3A_77] : memref<256x128xf32, #tpu.memory_space<vmem>>, vector<256x128xf32>
    %dot_general3A_79 = arith.constant dense<0.000000e+00> : vector<1000x128xf32>
    %dot_general3A_80 = tpu.matmul %max3A_75, %get3A_78, %dot_general3A_79 {dimension_numbers = #tpu.dot_dimension_numbers<[1], [0], [0], [1], [0, 0, 1, 1], [], []>, transpose_lhs_hint = false} : vector<1000x256xf32>, vector<256x128xf32>, vector<1000x128xf32> -> vector<1000x128xf32>
    %get3A_81 = arith.constant 0 : index
    %get3A_82 = arith.constant 0 : index
    %get3A_83 = vector.load %arg14[%get3A_81, %get3A_82] : memref<1x128xf32, #tpu.memory_space<vmem>>, vector<1x128xf32>
    %add3A_84 = vector.broadcast %get3A_83 : vector<1x128xf32> to vector<1000x128xf32>
    %add3A_85 = arith.addf %dot_general3A_80, %add3A_84 : vector<1000x128xf32>
    %add3A_86 = arith.addf %add3A_63, %add3A_85 : vector<1000x128xf32>
    %get3A_87 = arith.constant 0 : index
    %get3A_88 = arith.constant 0 : index
    %get3A_89 = vector.load %arg15[%get3A_87, %get3A_88] : memref<1x128xf32, #tpu.memory_space<vmem>>, vector<1x128xf32>
    %get3A_90 = arith.constant 0 : index
    %get3A_91 = arith.constant 0 : index
    %get3A_92 = vector.load %arg16[%get3A_90, %get3A_91] : memref<1x128xf32, #tpu.memory_space<vmem>>, vector<1x128xf32>
    %reduce_sum3A_93 = arith.constant dense<0.000000e+00> : vector<1000xf32>
    %reduce_sum3A_94 = vector.multi_reduction <add>, %add3A_86, %reduce_sum3A_93 [1] : vector<1000x128xf32> to vector<1000xf32>
    %broadcast_in_dim3A_95 = vector.shape_cast %reduce_sum3A_94 : vector<1000xf32> to vector<1000x1xf32>
    %div3A_96 = arith.constant 1.280000e+02 : f32
    %div3A_97 = vector.broadcast %div3A_96 : f32 to vector<1000x1xf32>
    %div3A_98 = arith.divf %broadcast_in_dim3A_95, %div3A_97 : vector<1000x1xf32>
    %sub3A_99 = vector.broadcast %div3A_98 : vector<1000x1xf32> to vector<1000x128xf32>
    %sub3A_100 = arith.subf %add3A_86, %sub3A_99 : vector<1000x128xf32>
    %integer_pow3A_101 = arith.mulf %sub3A_100, %sub3A_100 : vector<1000x128xf32>
    %reduce_sum3A_102 = arith.constant dense<0.000000e+00> : vector<1000xf32>
    %reduce_sum3A_103 = vector.multi_reduction <add>, %integer_pow3A_101, %reduce_sum3A_102 [1] : vector<1000x128xf32> to vector<1000xf32>
    %broadcast_in_dim3A_104 = vector.shape_cast %reduce_sum3A_103 : vector<1000xf32> to vector<1000x1xf32>
    %div3A_105 = arith.constant 1.280000e+02 : f32
    %div3A_106 = vector.broadcast %div3A_105 : f32 to vector<1000x1xf32>
    %div3A_107 = arith.divf %broadcast_in_dim3A_104, %div3A_106 : vector<1000x1xf32>
    %sub3A_108 = vector.broadcast %div3A_98 : vector<1000x1xf32> to vector<1000x128xf32>
    %sub3A_109 = arith.subf %add3A_86, %sub3A_108 : vector<1000x128xf32>
    %add3A_110 = arith.constant 9.99999974E-6 : f32
    %add3A_111 = vector.broadcast %add3A_110 : f32 to vector<1000x1xf32>
    %add3A_112 = arith.addf %div3A_107, %add3A_111 : vector<1000x1xf32>
    %rsqrt3A_113 = math.rsqrt %add3A_112 : vector<1000x1xf32>
    %mul3A_114 = vector.broadcast %rsqrt3A_113 : vector<1000x1xf32> to vector<1000x128xf32>
    %mul3A_115 = arith.mulf %sub3A_109, %mul3A_114 : vector<1000x128xf32>
    %mul3A_116 = vector.broadcast %get3A_89 : vector<1x128xf32> to vector<1000x128xf32>
    %mul3A_117 = arith.mulf %mul3A_115, %mul3A_116 : vector<1000x128xf32>
    %add3A_118 = vector.broadcast %get3A_92 : vector<1x128xf32> to vector<1000x128xf32>
    %add3A_119 = arith.addf %mul3A_117, %add3A_118 : vector<1000x128xf32>
    %swap3A = arith.constant 0 : index
    %swap3A_120 = arith.constant 0 : index
    %swap3A_121 = vector.load %arg17[%swap3A, %swap3A_120] : memref<1000x128xf32, #tpu.memory_space<vmem>>, vector<1000x128xf32>
    tpu.vector_store %arg17[%swap3A, %swap3A_120], %add3A_119 {strides = array<i32>} : memref<1000x128xf32, #tpu.memory_space<vmem>>, vector<1000x128xf32>,
    return
  }
  func.func @transform_0(%arg0: i32) -> (i32, i32) {
    %c0_i32 = arith.constant 0 : i32
    %c0_i32_0 = arith.constant 0 : i32
    return %arg0, %c0_i32 : i32, i32
  }
  func.func @transform_1(%arg0: i32) -> (i32, i32) {
    %c0_i32 = arith.constant 0 : i32
    %c0_i32_0 = arith.constant 0 : i32
    return %arg0, %c0_i32 : i32, i32
  }
  func.func @transform_2(%arg0: i32) -> (i32, i32) {
    %c0_i32 = arith.constant 0 : i32
    %c0_i32_0 = arith.constant 0 : i32
    return %arg0, %c0_i32 : i32, i32
  }
  func.func @transform_3(%arg0: i32) -> (i32, i32) {
    %c0_i32 = arith.constant 0 : i32
    %c0_i32_0 = arith.constant 0 : i32
    return %arg0, %c0_i32 : i32, i32
  }
  func.func @transform_4(%arg0: i32) -> (i32, i32) {
    %c0_i32 = arith.constant 0 : i32
    %c0_i32_0 = arith.constant 0 : i32
    return %arg0, %c0_i32 : i32, i32
  }
  func.func @transform_5(%arg0: i32) -> (i32, i32) {
    %c0_i32 = arith.constant 0 : i32
    %c0_i32_0 = arith.constant 0 : i32
    %c0_i32_1 = arith.constant 0 : i32
    return %c0_i32, %c0_i32_0 : i32, i32
  }
  func.func @transform_6(%arg0: i32) -> (i32, i32) {
    %c0_i32 = arith.constant 0 : i32
    %c0_i32_0 = arith.constant 0 : i32
    %c0_i32_1 = arith.constant 0 : i32
    return %c0_i32, %c0_i32_0 : i32, i32
  }
  func.func @transform_7(%arg0: i32) -> (i32, i32) {
    %c0_i32 = arith.constant 0 : i32
    %c0_i32_0 = arith.constant 0 : i32
    %c0_i32_1 = arith.constant 0 : i32
    return %c0_i32, %c0_i32_0 : i32, i32
  }
  func.func @transform_8(%arg0: i32) -> (i32, i32) {
    %c0_i32 = arith.constant 0 : i32
    %c0_i32_0 = arith.constant 0 : i32
    %c0_i32_1 = arith.constant 0 : i32
    return %c0_i32, %c0_i32_0 : i32, i32
  }
  func.func @transform_9(%arg0: i32) -> (i32, i32) {
    %c0_i32 = arith.constant 0 : i32
    %c0_i32_0 = arith.constant 0 : i32
    %c0_i32_1 = arith.constant 0 : i32
    return %c0_i32, %c0_i32_0 : i32, i32
  }
  func.func @transform_10(%arg0: i32) -> (i32, i32) {
    %c0_i32 = arith.constant 0 : i32
    %c0_i32_0 = arith.constant 0 : i32
    %c0_i32_1 = arith.constant 0 : i32
    return %c0_i32, %c0_i32_0 : i32, i32
  }
  func.func @transform_11(%arg0: i32) -> (i32, i32) {
    %c0_i32 = arith.constant 0 : i32
    %c0_i32_0 = arith.constant 0 : i32
    %c0_i32_1 = arith.constant 0 : i32
    return %c0_i32, %c0_i32_0 : i32, i32
  }
  func.func @transform_12(%arg0: i32) -> (i32, i32) {
    %c0_i32 = arith.constant 0 : i32
    %c0_i32_0 = arith.constant 0 : i32
    %c0_i32_1 = arith.constant 0 : i32
    return %c0_i32, %c0_i32_0 : i32, i32
  }
  func.func @transform_13(%arg0: i32) -> (i32, i32) {
    %c0_i32 = arith.constant 0 : i32
    %c0_i32_0 = arith.constant 0 : i32
    %c0_i32_1 = arith.constant 0 : i32
    return %c0_i32, %c0_i32_0 : i32, i32
  }
  func.func @transform_14(%arg0: i32) -> (i32, i32) {
    %c0_i32 = arith.constant 0 : i32
    %c0_i32_0 = arith.constant 0 : i32
    %c0_i32_1 = arith.constant 0 : i32
    return %c0_i32, %c0_i32_0 : i32, i32
  }
  func.func @transform_15(%arg0: i32) -> (i32, i32) {
    %c0_i32 = arith.constant 0 : i32
    %c0_i32_0 = arith.constant 0 : i32
    %c0_i32_1 = arith.constant 0 : i32
    return %c0_i32, %c0_i32_0 : i32, i32
  }
  func.func @transform_16(%arg0: i32) -> (i32, i32) {
    %c0_i32 = arith.constant 0 : i32
    %c0_i32_0 = arith.constant 0 : i32
    return %arg0, %c0_i32 : i32, i32
  }
}

</mosaic_0001>

<sc_bundles>
// kernel: kernel.10.cloned.1.call-start
scs
__scs_entry_jumppad:
0x0: {  	(pc) =	sbr.rel $0x88, $3  }
0x1: {  	(tag) =	ssettag $0x0;
	lr =	simm.s32 $0x1  }
0x2: {  	[smem:$0x3F86] =	sst lr;
	_ =	strace $0xD0000000  }
0x3: {  	_ = 	snop  }
0x4: {  	_ = 	snop  }
0x5: {  	_ = 	snop  }
0x6: {  	_ = 	snop  }
0x7: {  	_ = 	snop  }
__scs_overlays_trampoline_lowered:
0x8: {  	[smem:$0x3F95] =	sst s0  }
0x9: {  	[smem:$0x3F96] =	sst s1  }
0xa: {  	[smem:$0x3F97] =	sst s2  }
0xb: {  	[smem:$0x3F98] =	sst s3  }
0xc: {  	[smem:$0x3F99] =	sst s4  }
0xd: {  	[smem:$0x3F9A] =	sst s5  }
0xe: {  	[smem:$0x3F9B] =	sst s6  }
0xf: {  	[smem:$0x3F9C] =	sst s7  }
0x10: {  	[smem:$0x3F9D] =	sst s8  }
0x11: {  	[smem:$0x3F9E] =	sst s9;
	s0 =	simm.s32 @!p0 $0x0  }
0x12: {  	s1 =	sld [smem:$0x3F84];
	s0 =	simm.s32 @p0 $0x1  }
0x13: {  	[smem:$0x3F9F] =	sst s0;
	s0 =	simm.s32 @!p1 $0x0  }
0x14: {  	s2 =	sld [smem:$0x3F83];
	s0 =	simm.s32 @p1 $0x1  }
0x15: {  	[smem:$0x3FA0] =	sst s0;
	s0 =	simm.s32 @!p2 $0x0  }
0x16: {  	s3 =	sld [smem:$0x3FDB];
	s0 =	simm.s32 @p2 $0x1  }
0x17: {  	s4 =	simm.s32 $0x1BF5;
	[smem:$0x3FA2] =	sst s0  }
0x18: {  	s0 =	sld [smem:$0x3F85];
	_ =	swait.ge [sflag:s4], $0x0  }
0x19: {  	s7 =	sld [smem:$0x3F86]  }
0x1a: {  	s8 =	sadd.s32 $0xFFFFE003, lr  }
0x1b: {  	s9 =	sadd.s32 $0xFFFFFEF7, lr;
	s5 =	simm.s32 $0xFFFFFFFF;
	p2 =	slt.u32 s8, $0xFFFFF086  }
0x1c: {  	p1 =	slt.u32 s9, $0xF7A;
	s5 =	simm.s32 @!p2 $0x0  }
0x1d: {  	s5 =	simm.s32 @p1 $0x1;
	p0 =	seq.s32 s7, s2  }
0x1e: {  	s7 =	smul.u32 @!p0 $0xF7A, s2;
	p2 =	seq.s32 @!p0 s5, $0x0  }
0x1f: {  	s9 =	smul.u32 $0xF7A, s1;
	s8 =	simm.s32 @!p0 $0x1BF5;
	p2 =	por !p2, p0  }
0x20: {  	[sflag:s8] =	ssyncset.s32 @!p0 $0xFFFFF086;
	s6 =	sadd.s32 @!p0 s3, s7;
	s7 =	simm.s32 @!p0 $0x108  }
0x21: {  	s3 =	sadd.s32 s3, s9;
	s6 =	sadd.s32 @!p0 $0x88, s6;
	s7 =	simm.s32 @p2 $0x1082  }
0x22: {  	[simem:s7], [sflag:s8] =	dma.local @!p0 [hbm:s6], $0xF7A  }
0x23: {  	s9 =	sor.u32 $0xD0000000, s2;
	s6 =	simm.s32 $0x108;
	_ =	swait.ge @!p0 [sflag:s8], $0x0  }
0x24: {  	s3 =	sadd.s32 $0x88, s3;
	s6 =	simm.s32 @!p1 $0x1082;
	[sflag:s4] =	ssyncset.s32 $0xFFFFF086  }
0x25: {  	[simem:s6], [sflag:s4] =	dma.local [hbm:s3], $0xF7A  }
0x26: {  	[smem:$0x3F86] =	sst s1;
	(tag) =	ssettag s2;
	_ =	strace s9  }
0x27: {  	s1 =	sld [smem:$0x3F96]  }
0x28: {  	s2 =	sld [smem:$0x3F97]  }
0x29: {  	s4 =	sld [smem:$0x3F99]  }
0x2a: {  	p0 =	seq.s32 s5, $0x0;
	s5 =	sld [smem:$0x3F9A]  }
0x2b: {  	s6 =	sld [smem:$0x3F9B]  }
0x2c: {  	s7 =	sld [smem:$0x3F9C]  }
0x2d: {  	s3 =	simm.s32 $0x108;
	s8 =	sld [smem:$0x3F9D]  }
0x2e: {  	s3 =	simm.s32 @!p0 $0x1082;
	s9 =	sld [smem:$0x3F9E]  }
0x2f: {  	lr =	sadd.s32 s0, s3;
	s0 =	sld [smem:$0x3F95]  }
0x30: {  	s3 =	sld [smem:$0x3F98]  }
0x31: {  	[smem:$0x3FA1] =	sst s10  }
0x32: {  	s10 =	sld [smem:$0x3F9F];
	_ =	sdelay $0x3  }
0x33: {  	p0 =	seq.s32 s10, $0x1;
	s10 =	sld [smem:$0x3FA1];
	_ =	sdelay $0x3  }
0x34: {  	[smem:$0x3FA1] =	sst s10  }
0x35: {  	s10 =	sld [smem:$0x3FA0];
	_ =	sdelay $0x3  }
0x36: {  	p1 =	seq.s32 s10, $0x1;
	s10 =	sld [smem:$0x3FA1];
	_ =	sdelay $0x3  }
0x37: {  	[smem:$0x3FA1] =	sst s10  }
0x38: {  	s10 =	sld [smem:$0x3FA2]  }
0x39: {  	_ = 	snop;
	(pc) =	sbr.ind lr, $3  }
0x3a: {  	_ = 	snop  }
0x3b: {  	_ = 	snop  }
0x3c: {  	p2 =	seq.s32 s10, $0x1;
	s10 =	sld [smem:$0x3FA1]  }
0x3d: {  	_ =	shalt  }
0x3e: {  	_ =	shalt  }
0x3f: {  	_ =	shalt  }
0x40: {  	_ =	shalt  }
0x41: {  	_ =	shalt  }
0x42: {  	_ =	shalt  }
0x43: {  	_ =	shalt  }
0x44: {  	_ =	shalt  }
0x45: {  	_ =	shalt  }
0x46: {  	_ =	shalt  }
0x47: {  	_ =	shalt  }
0x48: {  	_ =	shalt  }
0x49: {  	_ =	shalt  }
0x4a: {  	_ =	shalt  }
0x4b: {  	_ =	shalt  }
0x4c: {  	_ =	shalt  }
0x4d: {  	_ =	shalt  }
0x4e: {  	_ =	shalt  }
0x4f: {  	_ =	shalt  }
0x50: {  	_ =	shalt  }
0x51: {  	_ =	shalt  }
0x52: {  	_ =	shalt  }
0x53: {  	_ =	shalt  }
0x54: {  	_ =	shalt  }
0x55: {  	_ =	shalt  }
0x56: {  	_ =	shalt  }
0x57: {  	_ =	shalt  }
0x58: {  	_ =	shalt  }
0x59: {  	_ =	shalt  }
0x5a: {  	_ =	shalt  }
0x5b: {  	_ =	shalt  }
0x5c: {  	_ =	shalt  }
0x5d: {  	_ =	shalt  }
0x5e: {  	_ =	shalt  }
0x5f: {  	_ =	shalt  }
0x60: {  	_ =	shalt  }
0x61: {  	_ =	shalt  }
0x62: {  	_ =	shalt  }
0x63: {  	_ =	shalt  }
0x64: {  	_ =	shalt  }
0x65: {  	_ =	shalt  }
0x66: {  	_ =	shalt  }
0x67: {  	_ =	shalt  }
0x68: {  	_ =	shalt  }
0x69: {  	_ =	shalt  }
0x6a: {  	_ =	shalt  }
0x6b: {  	_ =	shalt  }
0x6c: {  	_ =	shalt  }
0x6d: {  	_ =	shalt  }
0x6e: {  	_ =	shalt  }
0x6f: {  	_ =	shalt  }
0x70: {  	_ =	shalt  }
0x71: {  	_ =	shalt  }
0x72: {  	_ =	shalt  }
0x73: {  	_ =	shalt  }
0x74: {  	_ =	shalt  }
0x75: {  	_ =	shalt  }
0x76: {  	_ =	shalt  }
0x77: {  	_ =	shalt  }
0x78: {  	_ =	shalt  }
0x79: {  	_ =	shalt  }
0x7a: {  	_ =	shalt  }
0x7b: {  	_ =	shalt  }
0x7c: {  	_ =	shalt  }
0x7d: {  	_ =	shalt  }
0x7e: {  	_ =	shalt  }
0x7f: {  	_ =	shalt  }
0x80: {  	_ =	shalt  }
0x81: {  	_ =	shalt  }
0x82: {  	_ =	shalt  }
0x83: {  	_ =	shalt  }
0x84: {  	_ =	shalt  }
0x85: {  	_ =	shalt  }
0x86: {  	_ =	shalt  }
0x87: {  	_ =	shalt  }
.Lfunc_end0:
.L_simem_size_0:
called_computation.1_lowered:
.L_overlay_start_0:
0x88: {  	s2 =	sld [smem:$0x3FD9]  }
0x89: {  	s3 =	sld [smem:$0x3FFE];
	_ =	sdelay $0x1  }
0x8a: {  	s1 =	srdreg.scid  }
0x8b: {  	s0 =	sand.u32 $0x1, s1  }
0x8c: {  	s14 =	sshll.u32 s0, $0xA;
	s2 =	sadd.s32 s3, s2  }
0x8d: {  	s2 =	sadd.s32 s2, s14  }
0x8e: {  	[smem:$0x3FAD] =	sst s2  }
0x8f: {  	_ = 	snop  }
0x90: {  	s2 =	sld [smem:$0x3FD0];
	_ =	sdelay $0x2  }
0x91: {  	s15 =	simm.s32 $0xA;
	s4 =	simm.s32 $0x10  }
0x92: {  	[smem:s4], [sflag:s15] =	dma.local [hbm:s2], $0x1  }
0x93: {  	_ =	swait.eq [sflag:s15], $0x1  }
0x94: {  	[sflag:s15] =	ssyncset.done $0x0  }
0x95: {  	[sflag:s15] =	ssyncadd.s32 $0xFFFFFFFF  }
0x96: {  	s16 =	sld [smem:$0x10];
	(tm) =	ssettm $0x1  }
0x97: {  	s17 =	sld [smem:$0x3FFB];
	_ =	sdelay $0x3  }
0x98: {  	_ =	strace s17  }
0x99: {  	s3 =	sld [smem:$0x3FFC];
	_ =	sdelay $0x3  }
0x9a: {  	_ =	strace s3  }
0x9b: {  	s3 =	sld [smem:$0x3FFD];
	_ =	sdelay $0x3  }
0x9c: {  	_ =	strace s3  }
0x9d: {  	_ =	strace $0x8FFFFFFF  }
0x9e: {  	s18 =	sld [smem:$0x3FDB];
	_ =	sdelay $0x1  }
0x9f: {  	s19 =	simm.s32 $_scs_section_size  }
0xa0: {  	s5 =	simm.s32 $_size__tile_overlayer_lowered;
	s6 =	simm.s32 $_tile_overlayer_lowered  }
0xa1: {  	s22 =	simm.s32 $0x1BFF;
	s21 =	sshll.u32 s6, $0x1;
	s3 =	sadd.s32 s19, s18  }
0xa2: {  	s7 =	simm.s32 $0x0;
	s20 =	sshll.u32 s5, $0x1;
	s5 =	sadd.s32 s21, s3  }
0xa3: {  	[timem:s7], [sflag:s22] =	dma.local [hbm:s5], s20  }
0xa4: {  	_ =	swait.ge [sflag:s22], s20  }
0xa5: {  	s4 =	ssub.s32 $0x0, s20;
	[sflag:s22] =	ssyncset.done $0x0  }
0xa6: {  	[sflag:s22] =	ssyncadd.s32 s4;
	_ =	sdelay $0x1  }
0xa7: {  	s23 =	simm.s32 $0x1B8B  }
0xa8: {  	_ =	swait.ge [sflag:s23], $0x1  }
0xa9: {  	[sflag:s23] =	ssyncset.done $0x0  }
0xaa: {  	s25 =	simm.s32 $0x1B8E;
	s24 =	sld [smem:$0x3FFE];
	[sflag:s23] =	ssyncadd.s32 $0xFFFFFFFF  }
0xab: {  	s26 =	simm.s32 $execute0_lowered;
	[smem:$0x3FD2] =	sst s25  }
0xac: {  	s5 =	sshll.u32 s26, $0x1;
	_ =	strace $0x80000049;
	[dreg:$0x1] =	wrdreg $0xFFFFFFFF  }
0xad: {  	s28 =	simm.s32 $_size_execute0_lowered;
	s3 =	sadd.s32 s3, s5;
	[dreg:$0x0] =	wrdreg $0x0  }
0xae: {  	s5 =	sshll.u32 s28, $0x1;
	[dreg:$0x2] =	wrdreg s3  }
0xaf: {  	[dreg:$0x3] =	wrdreg s5  }
0xb0: {  	[dreg:$0x4] =	wrdreg $0xC0  }
0xb1: {  	_ =	task [dreg:s7], $0x5FFFF  }
0xb2: {  	[dreg:$0x1] =	wrdreg $0xFFFFFFFF  }
0xb3: {  	[dreg:$0x0] =	wrdreg $0x60  }
0xb4: {  	[dreg:$0x2] =	wrdreg s24  }
0xb5: {  	[dreg:$0x3] =	wrdreg s16  }
0xb6: {  	[dreg:$0x4] =	wrdreg $0x0  }
0xb7: {  	[dreg:$0x5] =	wrdreg $0x9  }
0xb8: {  	_ =	task.clear_ibuf [dreg:s7], $0x6FFFF;
	_ =	strace $0x90000049  }
0xb9: {  	s29 =	simm.s32 $0x9;
	_ =	strace $0x8000004B  }
0xba: {  	_ =	swait.ge [sflag:s29], $0x1  }
0xbb: {  	[sflag:s29] =	ssyncadd.s32 $0xFFFFFFFF  }
0xbc: {  	_ =	strace $0x9000004B  }
0xbd: {  	_ =	sfence  }
0xbe: {  	s30 =	sld [smem:$0x0];
	_ =	sdelay $0x2  }
0xbf: {  	s31 =	sshll.u32 s1, $0xD;
	s1 =	sshrl.u32 s1, $0x2  }
0xc0: {  	s3 =	sand.u32 $0x4000, s31;
	s1 =	sadd.s32 s1, s30  }
0xc1: {  	s0 =	sor.u32 s3, s0;
	s1 =	sshll.u32 s1, $0x11  }
0xc2: {  	s0 =	sor.u32 s1, s0  }
0xc3: {  	s0 =	sadd.s32 $0x8F2B, s0  }
0xc4: {  	[sflag:s0] =	ssyncadd.remote.s32 $0x1  }
0xc5: {  	_ =	sfence.sel $0xFFFF  }
0xc6: {  	[dreg:$0x0] =	wrdreg $0xFFFFFFFF;
	(pc) =	sbr.abs _section_cstart, $3  }
0xc7: {  	[dreg:$0x1] =	wrdreg $0xFFFFFFFF  }
0xc8: {  	_ =	task.clear_ibuf [dreg:s7], $0x2FFFF;
	_ =	strace $0x9FFFFFFF  }
0xc9: {  	(tm) =	ssettm $0x7FFFFFFF  }
tec
execute0_lowered:
.L_overlay_start_1:
0x0: {  	(tag) =	ssettag $0x1  }
0x1: {  	s0 =	rddreg [dreg:$0x0]  }
0x2: {  	s15 =	rddreg [dreg:$0x1]  }
0x3: {  	s1 =	rddreg [dreg:$0x2];
	s2 =	srdreg.scid  }
0x4: {  	s3 =	simm.s32 $0x0;
	s16 =	stileid.u32;
	s4 =	sadd.s32 $0xEF2200, s0  }
0x5: {  	s2 =	sand.u32 $0x1, s2;
	s5 =	sadd.s32 $0x13D4200, s0;
	s7 =	sadd.s32 $0x18B6200, s0  }
0x6: {  	s9 =	smul.u32 $0x271000, s16;
	s10 =	sadd.s32 $0x5000, s0;
	s26 =	sshllo.u32 s16, $0x1  }
0x7: {  	s11 =	sshll.u32 s16, $0xC;
	s19 =	smul.u32 $0x4E200, s16;
	[smem:$0x7FF] =	sst s3  }
0x8: {  	p1 =	sne.s32 s16, $0xF;
	p2 =	seq.s32 s16, $0xF;
	s6 =	ssub.s32 $0x2, s2  }
0x9: {  	s12 =	smul.u32 $0x138800, s26;
	s11 =	sadd.s32 s10, s11;
	s14 =	sshll.u32 s2, $0x4  }
0xa: {  	s17 =	sshll.u32 s26, $0xB;
	p0 =	sne.s32 s2, $0x0;
	s8 =	sshrl.u32 s6, $0x1  }
0xb: {  	s9 =	sshrl.u32 s9, $0x3;
	[dreg:$0x4] =	wrdreg s11;
	s11 =	sor.u32 s16, s14  }
0xc: {  	s20 =	sadd.s32 s5, s19;
	s23 =	sadd.s32 $0x500, s19;
	s6 =	ssub.s32 s6, s8  }
0xd: {  	s9 =	sadd.s32 $0x26C00, s9;
	s12 =	sshrl.u32 s12, $0x3;
	s14 =	smul.u32 $0x138800, s11  }
0xe: {  	s21 =	sshll.u32 s11, $0xB;
	s8 =	smul.u32 $0x27100, s26;
	s25 =	sadd.s32 s5, s23  }
0xf: {  	s13 =	sadd.s32 s5, s9;
	s12 =	sadd.s32 $0x26C00, s12;
	[dreg:$0xc] =	wrdreg s25  }
0x10: {  	s9 =	sadd.s32 s4, s9;
	s25 =	sadd.s32 $0x63A00, s0;
	[dreg:$0x5] =	wrdreg s13  }
0x11: {  	s6 =	smax.u32 s6, $0x1;
	s13 =	sadd.s32 s10, s17;
	[dreg:$0x8] =	wrdreg s9  }
0x12: {  	s18 =	sadd.s32 s5, s12;
	s12 =	sadd.s32 s4, s12;
	[dreg:$0x6] =	wrdreg s13  }
0x13: {  	s9 =	sadd.s32 s10, s21;
	s22 =	sshrl.u32 s14, $0x3;
	[dreg:$0x7] =	wrdreg s18  }
0x14: {  	s24 =	sadd.s32 $0x500, s8;
	s26 =	sadd.s32 s5, s8;
	[dreg:$0x9] =	wrdreg s12  }
0x15: {  	s21 =	sadd.s32 s4, s19;
	s10 =	sadd.s32 s4, s23;
	[dreg:$0xa] =	wrdreg s9  }
0x16: {  	s8 =	sadd.s32 s4, s8;
	s14 =	smul.u32 $0x271000, s2;
	[dreg:$0xd] =	wrdreg s26  }
0x17: {  	s19 =	sadd.s32 $0x15000, s0;
	s23 =	smul.u32 $0x4E000, s16;
	[dreg:$0x10] =	wrdreg s10  }
0x18: {  	s5 =	sadd.s32 s5, s24;
	s13 =	smul.u32 $0x27100, s11;
	[dreg:$0x11] =	wrdreg s8  }
0x19: {  	s4 =	sadd.s32 s4, s24;
	s17 =	sadd.s32 s7, s22;
	s18 =	smul.u32 $0x27100, s16  }
0x1a: {  	s22 =	sadd.s32 $0x15600, s0;
	s24 =	sadd.s32 $0x3C800, s0;
	[dreg:$0xe] =	wrdreg s5  }
0x1b: {  	s26 =	smul.u32 $0x2700, s16;
	s0 =	sadd.s32 $0x138000, s1;
	[dreg:$0x12] =	wrdreg s4  }
0x1c: {  	s8 =	sadd.s32 $0x26C00, s17;
	_ =	strace $0x8000004A;
	[dreg:$0x14] =	wrdreg s19  }
0x1d: {  	s4 =	sadd.s32 s14, s7;
	s2 =	sshrl.u32 s23, $0x2;
	[dreg:$0x18] =	wrdreg s8  }
0x1e: {  	s5 =	sadd.s32 s7, s13;
	s4 =	sadd.s32 s18, s4;
	[dreg:$0x19] =	wrdreg s6  }
0x1f: {  	s28 =	sadd.s32 s2, s1;
	[dreg:$0x15] =	wrdreg s22;
	s30 =	sadd.s32 s26, s22  }
0x20: {  	s31 =	sadd.s32 s26, s15;
	[dreg:$0x17] =	wrdreg s25;
	s19 =	sadd.s32 s26, s25  }
0x21: {  	[dreg:$0x16] =	wrdreg s24;
	s2 =	sadd.s32 s26, s24;
	s15 =	sadd.s32 $0xA00, s20  }
0x22: {  	[dreg:$0xb] =	wrdreg s20;
	s24 =	sadd.s32 $0x27B00, s20;
	s25 =	sadd.s32 $0xA00, s21  }
0x23: {  	[dreg:$0xf] =	wrdreg s21;
	s26 =	sadd.s32 $0x27B00, s21;
	s20 =	simm.s32 $0x50  }
0x24: {  	s6 =	simm.s32 $0x0;
	s29 =	sadd.s32 $0xA00, s4;
	s9 =	sadd.s32 $0x1800, s28  }
0x25: {  	s10 =	sadd.s32 $0x3000, s28;
	s8 =	sadd.s32 $0x4800, s28;
	s12 =	sadd.s32 $0x7800, s28  }
0x26: {  	s13 =	sadd.s32 $0x9000, s28;
	s14 =	sadd.s32 $0xA800, s28;
	[dreg:$0x13] =	wrdreg s5  }
0x27: {  	s16 =	sadd.s32 $0xC000, s28;
	s17 =	sadd.s32 $0xD800, s28;
	[dreg:$0x1d] =	wrdreg s15  }
0x28: {  	s18 =	sadd.s32 $0xF000, s28;
	s22 =	sadd.s32 $0x10800, s28;
	[dreg:$0x1e] =	wrdreg s24  }
.Ltmp0:
0x29: {  	s23 =	sadd.s32 $0x12000, s28;
	[dreg:$0x1f] =	wrdreg s25;
	(pc) =	sbr.rel .LBB2_1-.Ltmp0, $4  }
0x2a: {  	s11 =	sadd.s32 $0x500, s5;
	[smem:$0x7FD] =	sst s26;
	s25 =	simm.s32 $0x3  }
0x2b: {  	s26 =	simm.s32 $0x13880;
	s24 =	simm.s32 $0x1A080;
	[dreg:$0x1a] =	wrdreg s9  }
0x2c: {  	s15 =	simm.s32 $0x2;
	[dreg:$0x1b] =	wrdreg s10;
	s9 =	sadd.s32 $0x6000, s28  }
0x2d: {  	[dreg:$0x1c] =	wrdreg s11;
	s10 =	simm.s32 $0x17880;
	s11 =	simm.s32 $0x1  }
.LBB2_26:
0x2e: {  	[tilespmem:s10], [sflag:$0x3] =	stream.linear.gather [spmem:s0], $0x800, $0x38;
	[tilespmem:$0x1C880] =	vst v63  }
0x2f: {  	_ =	swait.ge [sflag:s25], $0x800  }
0x30: {  	[sflag:s25] =	ssyncset.done $0x0  }
0x31: {  	s4 =	sadd.s32 $0x27000, s4;
	[sflag:s25] =	ssyncadd.s32 $0xFFFFF800  }
0x32: {  	[hbm4b:s4+s3] =	stream.linear.scatter [tilespmem:s10], [sflag:$0x3], $0x800, $0x38;
	[tilespmem:$0x1C880] =	vst v63  }
0x33: {  	_ =	swait.ge [sflag:s25], $0x800  }
0x34: {  	[sflag:s25] =	ssyncset.done $0x0  }
0x35: {  	[sflag:s25] =	ssyncadd.s32 $0xFFFFF800  }
.LBB2_27:
0x36: {  	s6 =	sadd.s32 $0x1, s6;
	s4 =	rddreg [dreg:$0x19]  }
0x37: {  	p3 =	sne.s32 s6, s4  }
.Ltmp1:
0x38: {  	_ = 	snop;
	(pc) =	sbr.rel @!p3 .LBB2_28-.Ltmp1, $1  }
0x39: {  	_ =	sdelay $0x3  }
.LBB2_1:
0x3a: {  	s4 =	rddreg [dreg:$0x14]  }
0x3b: {  	[tilespmem:s10], [sflag:$0x3] =	stream.linear.gather [hbm4b:s4+s3], $0x2800, $0x38;
	[tilespmem:$0x1C880] =	vst v63  }
0x3c: {  	_ =	swait.ge [sflag:s25], $0x2800  }
0x3d: {  	[sflag:s25] =	ssyncset.done $0x0  }
0x3e: {  	[sflag:s25] =	ssyncadd.s32 $0xFFFFD800  }
0x3f: {  	[spmem:s28] =	stream.linear.scatter [tilespmem:s10], [sflag:$0x3], $0x1800, $0x38;
	[tilespmem:$0x1C880] =	vst v63  }
0x40: {  	_ =	swait.ge [sflag:s25], $0x1800  }
0x41: {  	[sflag:s25] =	ssyncset.done $0x0  }
0x42: {  	s5 =	rddreg [dreg:$0x1a];
	[sflag:s25] =	ssyncadd.s32 $0xFFFFE800  }
0x43: {  	[spmem:s5] =	stream.linear.scatter [tilespmem:s10], [sflag:$0x3], $0x1800, $0x38;
	[tilespmem:$0x1C880] =	vst v63  }
0x44: {  	_ =	swait.ge [sflag:s25], $0x1800  }
0x45: {  	[sflag:s25] =	ssyncset.done $0x0  }
0x46: {  	s7 =	rddreg [dreg:$0x1b];
	[sflag:s25] =	ssyncadd.s32 $0xFFFFE800  }
0x47: {  	[spmem:s7] =	stream.linear.scatter [tilespmem:s10], [sflag:$0x3], $0x1800, $0x38;
	[tilespmem:$0x1C880] =	vst v63  }
0x48: {  	_ =	swait.ge [sflag:s25], $0x1800  }
0x49: {  	[sflag:s25] =	ssyncset.done $0x0  }
0x4a: {  	[sflag:s25] =	ssyncadd.s32 $0xFFFFE800  }
0x4b: {  	[spmem:s8] =	stream.linear.scatter [tilespmem:s10], [sflag:$0x3], $0x1800, $0x38;
	[tilespmem:$0x1C880] =	vst v63  }
0x4c: {  	_ =	swait.ge [sflag:s25], $0x1800  }
0x4d: {  	[sflag:s25] =	ssyncset.done $0x0  }
0x4e: {  	[sflag:s25] =	ssyncadd.s32 $0xFFFFE800  }
0x4f: {  	[spmem:s9] =	stream.linear.scatter [tilespmem:s10], [sflag:$0x3], $0x1800, $0x38;
	[tilespmem:$0x1C880] =	vst v63  }
0x50: {  	_ =	swait.ge [sflag:s25], $0x1800  }
0x51: {  	[sflag:s25] =	ssyncset.done $0x0  }
0x52: {  	[sflag:s25] =	ssyncadd.s32 $0xFFFFE800  }
0x53: {  	[spmem:s12] =	stream.linear.scatter [tilespmem:s10], [sflag:$0x3], $0x1800, $0x38;
	[tilespmem:$0x1C880] =	vst v63  }
0x54: {  	_ =	swait.ge [sflag:s25], $0x1800  }
0x55: {  	[sflag:s25] =	ssyncset.done $0x0  }
0x56: {  	[sflag:s25] =	ssyncadd.s32 $0xFFFFE800  }
0x57: {  	[spmem:s13] =	stream.linear.scatter [tilespmem:s10], [sflag:$0x3], $0x1800, $0x38;
	[tilespmem:$0x1C880] =	vst v63  }
0x58: {  	_ =	swait.ge [sflag:s25], $0x1800  }
0x59: {  	[sflag:s25] =	ssyncset.done $0x0  }
0x5a: {  	[sflag:s25] =	ssyncadd.s32 $0xFFFFE800  }
0x5b: {  	[spmem:s14] =	stream.linear.scatter [tilespmem:s10], [sflag:$0x3], $0x1800, $0x38;
	[tilespmem:$0x1C880] =	vst v63  }
0x5c: {  	_ =	swait.ge [sflag:s25], $0x1800  }
0x5d: {  	[sflag:s25] =	ssyncset.done $0x0  }
0x5e: {  	[sflag:s25] =	ssyncadd.s32 $0xFFFFE800  }
0x5f: {  	[spmem:s16] =	stream.linear.scatter [tilespmem:s10], [sflag:$0x3], $0x1800, $0x38;
	[tilespmem:$0x1C880] =	vst v63  }
0x60: {  	_ =	swait.ge [sflag:s25], $0x1800  }
0x61: {  	[sflag:s25] =	ssyncset.done $0x0  }
0x62: {  	[sflag:s25] =	ssyncadd.s32 $0xFFFFE800  }
0x63: {  	[spmem:s17] =	stream.linear.scatter [tilespmem:s10], [sflag:$0x3], $0x1800, $0x38;
	[tilespmem:$0x1C880] =	vst v63  }
0x64: {  	_ =	swait.ge [sflag:s25], $0x1800  }
0x65: {  	[sflag:s25] =	ssyncset.done $0x0  }
0x66: {  	[sflag:s25] =	ssyncadd.s32 $0xFFFFE800  }
0x67: {  	[spmem:s18] =	stream.linear.scatter [tilespmem:s10], [sflag:$0x3], $0x1800, $0x38;
	[tilespmem:$0x1C880] =	vst v63  }
0x68: {  	_ =	swait.ge [sflag:s25], $0x1800  }
0x69: {  	[sflag:s25] =	ssyncset.done $0x0  }
0x6a: {  	[sflag:s25] =	ssyncadd.s32 $0xFFFFE800  }
0x6b: {  	[spmem:s22] =	stream.linear.scatter [tilespmem:s10], [sflag:$0x3], $0x1800, $0x38;
	[tilespmem:$0x1C880] =	vst v63  }
0x6c: {  	_ =	swait.ge [sflag:s25], $0x1800  }
0x6d: {  	[sflag:s25] =	ssyncset.done $0x0  }
0x6e: {  	[sflag:s25] =	ssyncadd.s32 $0xFFFFE800  }
0x6f: {  	[spmem:s23] =	stream.linear.scatter [tilespmem:s10], [sflag:$0x3], $0x1800, $0x38;
	[tilespmem:$0x1C880] =	vst v63  }
0x70: {  	_ =	swait.ge [sflag:s25], $0x1800  }
0x71: {  	[sflag:s25] =	ssyncset.done $0x0  }
0x72: {  	s4 =	simm.s32 @!p1 $0x17880;
	[sflag:s25] =	ssyncadd.s32 $0xFFFFE800  }
0x73: {  	[spmem:s0] =	stream.linear.scatter @!p1 [tilespmem:s4], [sflag:$0x3], $0x800, $0x38;
	[tilespmem:$0x1C880] =	vst v63  }
0x74: {  	s4 =	simm.s32 @!p1 $0x3  }
0x75: {  	_ =	swait.ge @!p1 [sflag:s4], $0x800  }
0x76: {  	[sflag:s4] =	ssyncset.done @!p1 $0x0  }
0x77: {  	[sflag:s4] =	ssyncadd.s32 @!p1 $0xFFFFF800  }
0x78: {  	[bflag:$0x0] =	sbarrier.arrive $0xFFFF  }
.Ltmp2:
0x79: {  	s21 =	rddreg [dreg:$0x4];
	(pc) =	sbr.rel @p0 .LBB2_9-.Ltmp2, $4  }
0x7a: {  	[tilespmem:s26], [sflag:$0x3] =	stream.linear.gather [hbm4b:s21+s3], $0x3E80, $0x38;
	[tilespmem:$0x1C880] =	vst v63  }
0x7b: {  	_ =	swait.ge [sflag:s25], $0x3E80  }
0x7c: {  	[sflag:s25] =	ssyncset.done $0x0  }
0x7d: {  	[sflag:s25] =	ssyncadd.s32 $0xFFFFC180  }
0x7e: {  	s4 =	rddreg [dreg:$0xf]  }
0x7f: {  	[tilespmem:s10], [sflag:$0x3] =	stream.linear.gather [hbm4b:s4+s3], $0x2800, $0x38;
	[tilespmem:$0x1C880] =	vst v63  }
0x80: {  	_ =	swait.ge [sflag:s25], $0x2800  }
0x81: {  	[sflag:s25] =	ssyncset.done $0x0  }
0x82: {  	[sflag:s25] =	ssyncadd.s32 $0xFFFFD800  }
0x83: {  	[spmem:s1] =	stream.indirect.scatter.add.f32 [tilespmem:s10], [sflag:$0x1], $0x80, s26, s20, $0xb8;
	[tilespmem:$0x1C880] =	vst v63  }
0x84: {  	s7 =	rddreg [dreg:$0x10]  }
0x85: {  	[tilespmem:s24], [sflag:$0x3] =	stream.linear.gather [hbm4b:s7+s3], $0x2800, $0x38;
	[tilespmem:$0x1C880] =	vst v63  }
0x86: {  	_ =	swait.ge [sflag:s25], $0x2800  }
0x87: {  	[sflag:s25] =	ssyncset.done $0x0  }
0x88: {  	s21 =	simm.s32 $0x13900;
	[sflag:s25] =	ssyncadd.s32 $0xFFFFD800  }
0x89: {  	[spmem:s1] =	stream.indirect.scatter.add.f32 [tilespmem:s24], [sflag:$0x2], $0x80, s21, s20, $0xb8;
	[tilespmem:$0x1C880] =	vst v63  }
0x8a: {  	_ =	swait.ge [sflag:s11], $0x2800  }
0x8b: {  	[sflag:s11] =	ssyncset.done $0x0  }
0x8c: {  	s7 =	rddreg [dreg:$0x1f];
	[sflag:s11] =	ssyncadd.s32 $0xFFFFD800  }
0x8d: {  	[tilespmem:s10], [sflag:$0x3] =	stream.linear.gather [hbm4b:s7+s3], $0x2800, $0x38;
	[tilespmem:$0x1C880] =	vst v63  }
0x8e: {  	_ =	swait.ge [sflag:s25], $0x2800  }
0x8f: {  	[sflag:s25] =	ssyncset.done $0x0  }
0x90: {  	s5 =	simm.s32 $0x13980;
	[sflag:s25] =	ssyncadd.s32 $0xFFFFD800  }
0x91: {  	[spmem:s1] =	stream.indirect.scatter.add.f32 [tilespmem:s10], [sflag:$0x1], $0x80, s5, s20, $0xb8;
	[tilespmem:$0x1C880] =	vst v63  }
0x92: {  	_ =	swait.ge [sflag:s15], $0x2800  }
0x93: {  	[sflag:s15] =	ssyncset.done $0x0  }
0x94: {  	s21 =	sadd.s32 $0x500, s7;
	[sflag:s15] =	ssyncadd.s32 $0xFFFFD800  }
0x95: {  	[tilespmem:s24], [sflag:$0x3] =	stream.linear.gather [hbm4b:s21+s3], $0x2800, $0x38;
	[tilespmem:$0x1C880] =	vst v63  }
0x96: {  	_ =	swait.ge [sflag:s25], $0x2800  }
0x97: {  	s4 =	simm.s32 $0xFFFF1000;
	[sflag:s25] =	ssyncset.done $0x0  }
0x98: {  	s5 =	simm.s32 $0x13A00;
	s21 =	sadd.s32 $0xA00, s7;
	[sflag:s25] =	ssyncadd.s32 $0xFFFFD800  }
.LBB2_3:
0x99: {  	[spmem:s1] =	stream.indirect.scatter.add.f32 [tilespmem:s24], [sflag:$0x2], $0x80, s5, s20, $0xb8;
	[tilespmem:$0x1C880] =	vst v63  }
0x9a: {  	s5 =	smov.u32 s4  }
0x9b: {  	p3 =	sne.s32 s4, $0xFFFFFC00;
	s4 =	sadd.s32 $0x400, s4;
	_ =	swait.ge [sflag:s11], $0x2800  }
0x9c: {  	[sflag:s11] =	ssyncset.done $0x0  }
0x9d: {  	[sflag:s11] =	ssyncadd.s32 $0xFFFFD800  }
0x9e: {  	[tilespmem:s10], [sflag:$0x3] =	stream.linear.gather [hbm4b:s21+s3], $0x2800, $0x38;
	[tilespmem:$0x1C880] =	vst v63  }
0x9f: {  	_ =	swait.ge [sflag:s25], $0x2800  }
0xa0: {  	s5 =	sshra.s32 s5, $0x2;
	[sflag:s25] =	ssyncset.done $0x0  }
0xa1: {  	s7 =	sadd.s32 $0x17680, s5;
	[sflag:s25] =	ssyncadd.s32 $0xFFFFD800  }
0xa2: {  	[spmem:s1] =	stream.indirect.scatter.add.f32 [tilespmem:s10], [sflag:$0x1], $0x80, s7, s20, $0xb8;
	[tilespmem:$0x1C880] =	vst v63  }
0xa3: {  	_ =	swait.ge [sflag:s15], $0x2800  }
0xa4: {  	[sflag:s15] =	ssyncset.done $0x0  }
.Ltmp3:
0xa5: {  	s7 =	sadd.s32 $0x500, s21;
	[sflag:s15] =	ssyncadd.s32 $0xFFFFD800;
	(pc) =	sbr.rel @p3 .LBB2_3-.Ltmp3, $4  }
0xa6: {  	[tilespmem:s24], [sflag:$0x3] =	stream.linear.gather [hbm4b:s7+s3], $0x2800, $0x38;
	[tilespmem:$0x1C880] =	vst v63  }
0xa7: {  	_ =	swait.ge [sflag:s25], $0x2800  }
0xa8: {  	[sflag:s25] =	ssyncset.done $0x0  }
0xa9: {  	s5 =	sadd.s32 $0x17700, s5;
	s21 =	sadd.s32 $0xA00, s21;
	[sflag:s25] =	ssyncadd.s32 $0xFFFFD800  }
0xaa: {  	[spmem:s1] =	stream.indirect.scatter.add.f32 [tilespmem:s24], [sflag:$0x2], $0x80, s5, s20, $0xb8;
	[tilespmem:$0x1C880] =	vst v63  }
0xab: {  	_ =	swait.ge [sflag:s11], $0x2800  }
0xac: {  	[sflag:s11] =	ssyncset.done $0x0  }
0xad: {  	[sflag:s11] =	ssyncadd.s32 $0xFFFFD800  }
0xae: {  	_ =	swait.ge [sflag:s15], $0x2800  }
0xaf: {  	[sflag:s15] =	ssyncset.done $0x0  }
0xb0: {  	s4 =	rddreg [dreg:$0x8];
	[sflag:s15] =	ssyncadd.s32 $0xFFFFD800  }
0xb1: {  	[tilespmem:s10], [sflag:$0x3] =	stream.linear.gather [hbm4b:s4+s3], $0x2800, $0x38;
	[tilespmem:$0x1C880] =	vst v63  }
0xb2: {  	_ =	swait.ge [sflag:s25], $0x2800  }
0xb3: {  	[sflag:s25] =	ssyncset.done $0x0  }
0xb4: {  	s7 =	simm.s32 $0x17680;
	[sflag:s25] =	ssyncadd.s32 $0xFFFFD800  }
0xb5: {  	[spmem:s1] =	stream.indirect.scatter.add.f32 [tilespmem:s10], [sflag:$0x3], $0x80, s7, s20, $0xb8;
	[tilespmem:$0x1C880] =	vst v63  }
0xb6: {  	_ =	swait.ge [sflag:s25], $0x2800  }
0xb7: {  	[sflag:s25] =	ssyncset.done $0x0  }
0xb8: {  	s21 =	rddreg [dreg:$0x6];
	[sflag:s25] =	ssyncadd.s32 $0xFFFFD800  }
0xb9: {  	[tilespmem:s26], [sflag:$0x3] =	stream.linear.gather [hbm4b:s21+s3], $0x3E80, $0x38;
	[tilespmem:$0x1C880] =	vst v63  }
0xba: {  	_ =	swait.ge [sflag:s25], $0x3E80  }
0xbb: {  	[sflag:s25] =	ssyncset.done $0x0  }
0xbc: {  	s5 =	rddreg [dreg:$0x11];
	[sflag:s25] =	ssyncadd.s32 $0xFFFFC180  }
0xbd: {  	[tilespmem:s10], [sflag:$0x3] =	stream.linear.gather [hbm4b:s5+s3], $0x2800, $0x38;
	[tilespmem:$0x1C880] =	vst v63  }
0xbe: {  	_ =	swait.ge [sflag:s25], $0x2800  }
0xbf: {  	[sflag:s25] =	ssyncset.done $0x0  }
0xc0: {  	[sflag:s25] =	ssyncadd.s32 $0xFFFFD800  }
0xc1: {  	[spmem:s1] =	stream.indirect.scatter.add.f32 [tilespmem:s10], [sflag:$0x1], $0x80, s26, s20, $0xb8;
	[tilespmem:$0x1C880] =	vst v63  }
0xc2: {  	s7 =	rddreg [dreg:$0x12]  }
0xc3: {  	[tilespmem:s24], [sflag:$0x3] =	stream.linear.gather [hbm4b:s7+s3], $0x2800, $0x38;
	[tilespmem:$0x1C880] =	vst v63  }
0xc4: {  	_ =	swait.ge [sflag:s25], $0x2800  }
0xc5: {  	[sflag:s25] =	ssyncset.done $0x0  }
0xc6: {  	s21 =	simm.s32 $0x13900;
	[sflag:s25] =	ssyncadd.s32 $0xFFFFD800  }
0xc7: {  	[spmem:s1] =	stream.indirect.scatter.add.f32 [tilespmem:s24], [sflag:$0x2], $0x80, s21, s20, $0xb8;
	[tilespmem:$0x1C880] =	vst v63  }
0xc8: {  	_ =	swait.ge [sflag:s11], $0x2800  }
0xc9: {  	s7 =	sld [smem:$0x7FD]  }
0xca: {  	[sflag:s11] =	ssyncset.done $0x0  }
0xcb: {  	[sflag:s11] =	ssyncadd.s32 $0xFFFFD800  }
0xcc: {  	[tilespmem:s10], [sflag:$0x3] =	stream.linear.gather [hbm4b:s7+s3], $0x2800, $0x38;
	[tilespmem:$0x1C880] =	vst v63  }
0xcd: {  	_ =	swait.ge [sflag:s25], $0x2800  }
0xce: {  	[sflag:s25] =	ssyncset.done $0x0  }
0xcf: {  	s5 =	simm.s32 $0x13980;
	[sflag:s25] =	ssyncadd.s32 $0xFFFFD800  }
0xd0: {  	[spmem:s1] =	stream.indirect.scatter.add.f32 [tilespmem:s10], [sflag:$0x1], $0x80, s5, s20, $0xb8;
	[tilespmem:$0x1C880] =	vst v63  }
0xd1: {  	_ =	swait.ge [sflag:s15], $0x2800  }
0xd2: {  	[sflag:s15] =	ssyncset.done $0x0  }
0xd3: {  	s21 =	sadd.s32 $0x500, s7;
	[sflag:s15] =	ssyncadd.s32 $0xFFFFD800  }
0xd4: {  	[tilespmem:s24], [sflag:$0x3] =	stream.linear.gather [hbm4b:s21+s3], $0x2800, $0x38;
	[tilespmem:$0x1C880] =	vst v63  }
0xd5: {  	_ =	swait.ge [sflag:s25], $0x2800  }
0xd6: {  	s4 =	simm.s32 $0xFFFF1000;
	[sflag:s25] =	ssyncset.done $0x0  }
0xd7: {  	s5 =	simm.s32 $0x13A00;
	s21 =	sadd.s32 $0xA00, s7;
	[sflag:s25] =	ssyncadd.s32 $0xFFFFD800  }
.LBB2_5:
0xd8: {  	[spmem:s1] =	stream.indirect.scatter.add.f32 [tilespmem:s24], [sflag:$0x2], $0x80, s5, s20, $0xb8;
	[tilespmem:$0x1C880] =	vst v63  }
0xd9: {  	s5 =	smov.u32 s4  }
0xda: {  	p3 =	sne.s32 s4, $0xFFFFFC00;
	s4 =	sadd.s32 $0x400, s4;
	_ =	swait.ge [sflag:s11], $0x2800  }
0xdb: {  	[sflag:s11] =	ssyncset.done $0x0  }
0xdc: {  	[sflag:s11] =	ssyncadd.s32 $0xFFFFD800  }
0xdd: {  	[tilespmem:s10], [sflag:$0x3] =	stream.linear.gather [hbm4b:s21+s3], $0x2800, $0x38;
	[tilespmem:$0x1C880] =	vst v63  }
0xde: {  	_ =	swait.ge [sflag:s25], $0x2800  }
0xdf: {  	s5 =	sshra.s32 s5, $0x2;
	[sflag:s25] =	ssyncset.done $0x0  }
0xe0: {  	s7 =	sadd.s32 $0x17680, s5;
	[sflag:s25] =	ssyncadd.s32 $0xFFFFD800  }
0xe1: {  	[spmem:s1] =	stream.indirect.scatter.add.f32 [tilespmem:s10], [sflag:$0x1], $0x80, s7, s20, $0xb8;
	[tilespmem:$0x1C880] =	vst v63  }
0xe2: {  	_ =	swait.ge [sflag:s15], $0x2800  }
0xe3: {  	[sflag:s15] =	ssyncset.done $0x0  }
.Ltmp4:
0xe4: {  	s7 =	sadd.s32 $0x500, s21;
	[sflag:s15] =	ssyncadd.s32 $0xFFFFD800;
	(pc) =	sbr.rel @p3 .LBB2_5-.Ltmp4, $4  }
0xe5: {  	[tilespmem:s24], [sflag:$0x3] =	stream.linear.gather [hbm4b:s7+s3], $0x2800, $0x38;
	[tilespmem:$0x1C880] =	vst v63  }
0xe6: {  	_ =	swait.ge [sflag:s25], $0x2800  }
0xe7: {  	[sflag:s25] =	ssyncset.done $0x0  }
0xe8: {  	s5 =	sadd.s32 $0x17700, s5;
	s21 =	sadd.s32 $0xA00, s21;
	[sflag:s25] =	ssyncadd.s32 $0xFFFFD800  }
0xe9: {  	[spmem:s1] =	stream.indirect.scatter.add.f32 [tilespmem:s24], [sflag:$0x2], $0x80, s5, s20, $0xb8;
	[tilespmem:$0x1C880] =	vst v63  }
0xea: {  	_ =	swait.ge [sflag:s11], $0x2800  }
0xeb: {  	[sflag:s11] =	ssyncset.done $0x0  }
0xec: {  	[sflag:s11] =	ssyncadd.s32 $0xFFFFD800  }
0xed: {  	_ =	swait.ge [sflag:s15], $0x2800  }
0xee: {  	[sflag:s15] =	ssyncset.done $0x0  }
0xef: {  	s4 =	simm.s32 $0x0;
	s21 =	rddreg [dreg:$0x9];
	[sflag:s15] =	ssyncadd.s32 $0xFFFFD800  }
0xf0: {  	[tilespmem:s10], [sflag:$0x3] =	stream.linear.gather [hbm4b:s21+s4], $0x2800, $0x38;
	[tilespmem:$0x1C880] =	vst v63  }
0xf1: {  	_ =	swait.ge [sflag:s25], $0x2800  }
0xf2: {  	[sflag:s25] =	ssyncset.done $0x0  }
0xf3: {  	s7 =	simm.s32 $0x17680;
	[sflag:s25] =	ssyncadd.s32 $0xFFFFD800  }
0xf4: {  	[spmem:s1] =	stream.indirect.scatter.add.f32 [tilespmem:s10], [sflag:$0x3], $0x80, s7, s20, $0xb8;
	[tilespmem:$0x1C880] =	vst v63  }
0xf5: {  	_ =	swait.ge [sflag:s25], $0x2800  }
0xf6: {  	[sflag:s25] =	ssyncset.done $0x0  }
0xf7: {  	[sflag:s25] =	ssyncadd.s32 $0xFFFFD800  }
0xf8: {  	[bflag:$0x0] =	sbarrier.arrive $0xFFFF  }
0xf9: {  	[tilespmem:s10], [sflag:$0x3] =	stream.linear.gather [spmem:s28], $0x1800, $0x38;
	[tilespmem:$0x1C880] =	vst v63  }
0xfa: {  	_ =	swait.ge [sflag:s25], $0x1800  }
0xfb: {  	[sflag:s25] =	ssyncset.done $0x0  }
0xfc: {  	s21 =	sadd.s32 $0x0, s31;
	[sflag:s25] =	ssyncadd.s32 $0xFFFFE800  }
0xfd: {  	[hbm4b:s21+s3] =	stream.linear.scatter [tilespmem:s10], [sflag:$0x3], $0x1800, $0x38;
	[tilespmem:$0x1C880] =	vst v63  }
0xfe: {  	_ =	swait.ge [sflag:s25], $0x1800  }
0xff: {  	s4 =	simm.s32 $0x300;
	s21 =	smov.u32 s28;
	[sflag:s25] =	ssyncset.done $0x0  }
.LBB2_7:
0x100: {  	p3 =	sne.s32 s4, $0x2400;
	[sflag:s25] =	ssyncadd.s32 $0xFFFFE800;
	s21 =	sadd.s32 $0x1800, s21  }
0x101: {  	[tilespmem:s10], [sflag:$0x3] =	stream.linear.gather [spmem:s21], $0x1800, $0x38;
	[tilespmem:$0x1C880] =	vst v63  }
0x102: {  	s5 =	smov.u32 s4;
	s4 =	sadd.s32 $0x300, s4;
	_ =	swait.ge [sflag:s25], $0x1800  }
.Ltmp5:
0x103: {  	[sflag:s25] =	ssyncset.done $0x0;
	(pc) =	sbr.rel @p3 .LBB2_7-.Ltmp5, $4  }
0x104: {  	s5 =	sadd.s32 s5, s31;
	[sflag:s25] =	ssyncadd.s32 $0xFFFFE800  }
0x105: {  	[hbm4b:s5+s3] =	stream.linear.scatter [tilespmem:s10], [sflag:$0x3], $0x1800, $0x38;
	[tilespmem:$0x1C880] =	vst v63  }
0x106: {  	_ =	swait.ge [sflag:s25], $0x1800  }
0x107: {  	[sflag:s25] =	ssyncset.done $0x0  }
.Ltmp6:
0x108: {  	(pc) =	sbr.rel @!p2 .LBB2_17-.Ltmp6, $3  }
0x109: {  	_ =	sdelay $0x1  }
0x10a: {  	[sflag:s25] =	ssyncadd.s32 $0xFFFFE800  }
0x10b: {  	s4 =	rddreg [dreg:$0x1]  }
.LBB2_16:
0x10c: {  	[tilespmem:s10], [sflag:$0x3] =	stream.linear.gather [spmem:s0], $0x800, $0x38;
	[tilespmem:$0x1C880] =	vst v63  }
0x10d: {  	_ =	swait.ge [sflag:s25], $0x800  }
0x10e: {  	[sflag:s25] =	ssyncset.done $0x0  }
0x10f: {  	s4 =	sadd.s32 $0x27000, s4;
	[sflag:s25] =	ssyncadd.s32 $0xFFFFF800  }
0x110: {  	[hbm4b:s4+s3] =	stream.linear.scatter [tilespmem:s10], [sflag:$0x3], $0x800, $0x38;
	[tilespmem:$0x1C880] =	vst v63  }
0x111: {  	_ =	swait.ge [sflag:s25], $0x800  }
0x112: {  	[sflag:s25] =	ssyncset.done $0x0  }
0x113: {  	[sflag:s25] =	ssyncadd.s32 $0xFFFFF800  }
.LBB2_17:
0x114: {  	s4 =	rddreg [dreg:$0x14]  }
0x115: {  	[tilespmem:s10], [sflag:$0x3] =	stream.linear.gather [hbm4b:s4+s3], $0x2800, $0x38;
	[tilespmem:$0x1C880] =	vst v63  }
0x116: {  	_ =	swait.ge [sflag:s25], $0x2800  }
0x117: {  	[sflag:s25] =	ssyncset.done $0x0  }
0x118: {  	[sflag:s25] =	ssyncadd.s32 $0xFFFFD800  }
0x119: {  	[spmem:s28] =	stream.linear.scatter [tilespmem:s10], [sflag:$0x3], $0x1800, $0x38;
	[tilespmem:$0x1C880] =	vst v63  }
0x11a: {  	_ =	swait.ge [sflag:s25], $0x1800  }
0x11b: {  	[sflag:s25] =	ssyncset.done $0x0  }
0x11c: {  	s21 =	rddreg [dreg:$0x1a];
	[sflag:s25] =	ssyncadd.s32 $0xFFFFE800  }
0x11d: {  	[spmem:s21] =	stream.linear.scatter [tilespmem:s10], [sflag:$0x3], $0x1800, $0x38;
	[tilespmem:$0x1C880] =	vst v63  }
0x11e: {  	_ =	swait.ge [sflag:s25], $0x1800  }
0x11f: {  	[sflag:s25] =	ssyncset.done $0x0  }
0x120: {  	s5 =	rddreg [dreg:$0x1b];
	[sflag:s25] =	ssyncadd.s32 $0xFFFFE800  }
0x121: {  	[spmem:s5] =	stream.linear.scatter [tilespmem:s10], [sflag:$0x3], $0x1800, $0x38;
	[tilespmem:$0x1C880] =	vst v63  }
0x122: {  	_ =	swait.ge [sflag:s25], $0x1800  }
0x123: {  	[sflag:s25] =	ssyncset.done $0x0  }
0x124: {  	[sflag:s25] =	ssyncadd.s32 $0xFFFFE800  }
0x125: {  	[spmem:s8] =	stream.linear.scatter [tilespmem:s10], [sflag:$0x3], $0x1800, $0x38;
	[tilespmem:$0x1C880] =	vst v63  }
0x126: {  	_ =	swait.ge [sflag:s25], $0x1800  }
0x127: {  	[sflag:s25] =	ssyncset.done $0x0  }
0x128: {  	[sflag:s25] =	ssyncadd.s32 $0xFFFFE800  }
0x129: {  	[spmem:s9] =	stream.linear.scatter [tilespmem:s10], [sflag:$0x3], $0x1800, $0x38;
	[tilespmem:$0x1C880] =	vst v63  }
0x12a: {  	_ =	swait.ge [sflag:s25], $0x1800  }
0x12b: {  	[sflag:s25] =	ssyncset.done $0x0  }
0x12c: {  	[sflag:s25] =	ssyncadd.s32 $0xFFFFE800  }
0x12d: {  	[spmem:s12] =	stream.linear.scatter [tilespmem:s10], [sflag:$0x3], $0x1800, $0x38;
	[tilespmem:$0x1C880] =	vst v63  }
0x12e: {  	_ =	swait.ge [sflag:s25], $0x1800  }
0x12f: {  	[sflag:s25] =	ssyncset.done $0x0  }
0x130: {  	[sflag:s25] =	ssyncadd.s32 $0xFFFFE800  }
0x131: {  	[spmem:s13] =	stream.linear.scatter [tilespmem:s10], [sflag:$0x3], $0x1800, $0x38;
	[tilespmem:$0x1C880] =	vst v63  }
0x132: {  	_ =	swait.ge [sflag:s25], $0x1800  }
0x133: {  	[sflag:s25] =	ssyncset.done $0x0  }
0x134: {  	[sflag:s25] =	ssyncadd.s32 $0xFFFFE800  }
0x135: {  	[spmem:s14] =	stream.linear.scatter [tilespmem:s10], [sflag:$0x3], $0x1800, $0x38;
	[tilespmem:$0x1C880] =	vst v63  }
0x136: {  	_ =	swait.ge [sflag:s25], $0x1800  }
0x137: {  	[sflag:s25] =	ssyncset.done $0x0  }
0x138: {  	[sflag:s25] =	ssyncadd.s32 $0xFFFFE800  }
0x139: {  	[spmem:s16] =	stream.linear.scatter [tilespmem:s10], [sflag:$0x3], $0x1800, $0x38;
	[tilespmem:$0x1C880] =	vst v63  }
0x13a: {  	_ =	swait.ge [sflag:s25], $0x1800  }
0x13b: {  	[sflag:s25] =	ssyncset.done $0x0  }
0x13c: {  	[sflag:s25] =	ssyncadd.s32 $0xFFFFE800  }
0x13d: {  	[spmem:s17] =	stream.linear.scatter [tilespmem:s10], [sflag:$0x3], $0x1800, $0x38;
	[tilespmem:$0x1C880] =	vst v63  }
0x13e: {  	_ =	swait.ge [sflag:s25], $0x1800  }
0x13f: {  	[sflag:s25] =	ssyncset.done $0x0  }
0x140: {  	[sflag:s25] =	ssyncadd.s32 $0xFFFFE800  }
0x141: {  	[spmem:s18] =	stream.linear.scatter [tilespmem:s10], [sflag:$0x3], $0x1800, $0x38;
	[tilespmem:$0x1C880] =	vst v63  }
0x142: {  	_ =	swait.ge [sflag:s25], $0x1800  }
0x143: {  	[sflag:s25] =	ssyncset.done $0x0  }
0x144: {  	[sflag:s25] =	ssyncadd.s32 $0xFFFFE800  }
0x145: {  	[spmem:s22] =	stream.linear.scatter [tilespmem:s10], [sflag:$0x3], $0x1800, $0x38;
	[tilespmem:$0x1C880] =	vst v63  }
0x146: {  	_ =	swait.ge [sflag:s25], $0x1800  }
0x147: {  	[sflag:s25] =	ssyncset.done $0x0  }
0x148: {  	[sflag:s25] =	ssyncadd.s32 $0xFFFFE800  }
0x149: {  	[spmem:s23] =	stream.linear.scatter [tilespmem:s10], [sflag:$0x3], $0x1800, $0x38;
	[tilespmem:$0x1C880] =	vst v63  }
0x14a: {  	_ =	swait.ge [sflag:s25], $0x1800  }
0x14b: {  	[sflag:s25] =	ssyncset.done $0x0  }
0x14c: {  	s4 =	simm.s32 @!p1 $0x17880;
	[sflag:s25] =	ssyncadd.s32 $0xFFFFE800  }
0x14d: {  	[spmem:s0] =	stream.linear.scatter @!p1 [tilespmem:s4], [sflag:$0x3], $0x800, $0x38;
	[tilespmem:$0x1C880] =	vst v63  }
0x14e: {  	s4 =	simm.s32 @!p1 $0x3  }
0x14f: {  	_ =	swait.ge @!p1 [sflag:s4], $0x800  }
0x150: {  	[sflag:s4] =	ssyncset.done @!p1 $0x0  }
0x151: {  	[sflag:s4] =	ssyncadd.s32 @!p1 $0xFFFFF800  }
0x152: {  	[bflag:$0x0] =	sbarrier.arrive $0xFFFF  }
0x153: {  	s4 =	simm.s32 $0x0;
	s5 =	rddreg [dreg:$0xa]  }
0x154: {  	[tilespmem:s26], [sflag:$0x3] =	stream.linear.gather [hbm4b:s5+s4], $0x3E80, $0x38;
	[tilespmem:$0x1C880] =	vst v63  }
0x155: {  	_ =	swait.ge [sflag:s25], $0x3E80  }
0x156: {  	[sflag:s25] =	ssyncset.done $0x0  }
0x157: {  	s7 =	rddreg [dreg:$0x13];
	[sflag:s25] =	ssyncadd.s32 $0xFFFFC180  }
0x158: {  	[tilespmem:s10], [sflag:$0x3] =	stream.linear.gather [hbm4b:s7+s4], $0x2800, $0x38;
	[tilespmem:$0x1C880] =	vst v63  }
0x159: {  	_ =	swait.ge [sflag:s25], $0x2800  }
0x15a: {  	[sflag:s25] =	ssyncset.done $0x0  }
0x15b: {  	[sflag:s25] =	ssyncadd.s32 $0xFFFFD800  }
0x15c: {  	[spmem:s1] =	stream.indirect.scatter.add.f32 [tilespmem:s10], [sflag:$0x1], $0x80, s26, s20, $0xb8;
	[tilespmem:$0x1C880] =	vst v63  }
0x15d: {  	s21 =	rddreg [dreg:$0x1c]  }
0x15e: {  	[tilespmem:s24], [sflag:$0x3] =	stream.linear.gather [hbm4b:s21+s4], $0x2800, $0x38;
	[tilespmem:$0x1C880] =	vst v63  }
0x15f: {  	_ =	swait.ge [sflag:s25], $0x2800  }
0x160: {  	[sflag:s25] =	ssyncset.done $0x0  }
0x161: {  	s5 =	simm.s32 $0x13900;
	[sflag:s25] =	ssyncadd.s32 $0xFFFFD800  }
0x162: {  	[spmem:s1] =	stream.indirect.scatter.add.f32 [tilespmem:s24], [sflag:$0x2], $0x80, s5, s20, $0xb8;
	[tilespmem:$0x1C880] =	vst v63  }
0x163: {  	_ =	swait.ge [sflag:s11], $0x2800  }
0x164: {  	[sflag:s11] =	ssyncset.done $0x0  }
0x165: {  	[sflag:s11] =	ssyncadd.s32 $0xFFFFD800  }
0x166: {  	[tilespmem:s10], [sflag:$0x3] =	stream.linear.gather [hbm4b:s29+s3], $0x2800, $0x38;
	[tilespmem:$0x1C880] =	vst v63  }
0x167: {  	_ =	swait.ge [sflag:s25], $0x2800  }
0x168: {  	[sflag:s25] =	ssyncset.done $0x0  }
0x169: {  	s7 =	simm.s32 $0x13980;
	[sflag:s25] =	ssyncadd.s32 $0xFFFFD800  }
0x16a: {  	[spmem:s1] =	stream.indirect.scatter.add.f32 [tilespmem:s10], [sflag:$0x1], $0x80, s7, s20, $0xb8;
	[tilespmem:$0x1C880] =	vst v63  }
0x16b: {  	_ =	swait.ge [sflag:s15], $0x2800  }
0x16c: {  	[sflag:s15] =	ssyncset.done $0x0  }
0x16d: {  	s21 =	sadd.s32 $0x500, s29;
	[sflag:s15] =	ssyncadd.s32 $0xFFFFD800  }
0x16e: {  	[tilespmem:s24], [sflag:$0x3] =	stream.linear.gather [hbm4b:s21+s3], $0x2800, $0x38;
	[tilespmem:$0x1C880] =	vst v63  }
0x16f: {  	_ =	swait.ge [sflag:s25], $0x2800  }
0x170: {  	s4 =	simm.s32 $0x400;
	[sflag:s25] =	ssyncset.done $0x0  }
0x171: {  	s5 =	simm.s32 $0x13A00;
	s21 =	sadd.s32 $0xA00, s29;
	[sflag:s25] =	ssyncadd.s32 $0xFFFFD800  }
.LBB2_18:
0x172: {  	[spmem:s1] =	stream.indirect.scatter.add.f32 [tilespmem:s24], [sflag:$0x2], $0x80, s5, s20, $0xb8;
	[tilespmem:$0x1C880] =	vst v63  }
0x173: {  	s5 =	smov.u32 s4  }
0x174: {  	p3 =	sne.s32 s4, $0xF000;
	s4 =	sadd.s32 $0x400, s4;
	_ =	swait.ge [sflag:s11], $0x2800  }
0x175: {  	[sflag:s11] =	ssyncset.done $0x0  }
0x176: {  	[sflag:s11] =	ssyncadd.s32 $0xFFFFD800  }
0x177: {  	[tilespmem:s10], [sflag:$0x3] =	stream.linear.gather [hbm4b:s21+s3], $0x2800, $0x38;
	[tilespmem:$0x1C880] =	vst v63  }
0x178: {  	_ =	swait.ge [sflag:s25], $0x2800  }
0x179: {  	s5 =	sshra.s32 s5, $0x2;
	[sflag:s25] =	ssyncset.done $0x0  }
0x17a: {  	s7 =	sadd.s32 $0x13980, s5;
	[sflag:s25] =	ssyncadd.s32 $0xFFFFD800  }
0x17b: {  	[spmem:s1] =	stream.indirect.scatter.add.f32 [tilespmem:s10], [sflag:$0x1], $0x80, s7, s20, $0xb8;
	[tilespmem:$0x1C880] =	vst v63  }
0x17c: {  	_ =	swait.ge [sflag:s15], $0x2800  }
0x17d: {  	[sflag:s15] =	ssyncset.done $0x0  }
.Ltmp7:
0x17e: {  	s7 =	sadd.s32 $0x500, s21;
	[sflag:s15] =	ssyncadd.s32 $0xFFFFD800;
	(pc) =	sbr.rel @p3 .LBB2_18-.Ltmp7, $4  }
0x17f: {  	[tilespmem:s24], [sflag:$0x3] =	stream.linear.gather [hbm4b:s7+s3], $0x2800, $0x38;
	[tilespmem:$0x1C880] =	vst v63  }
0x180: {  	_ =	swait.ge [sflag:s25], $0x2800  }
0x181: {  	[sflag:s25] =	ssyncset.done $0x0  }
0x182: {  	s5 =	sadd.s32 $0x13A00, s5;
	s21 =	sadd.s32 $0xA00, s21;
	[sflag:s25] =	ssyncadd.s32 $0xFFFFD800  }
0x183: {  	[spmem:s1] =	stream.indirect.scatter.add.f32 [tilespmem:s24], [sflag:$0x2], $0x80, s5, s20, $0xb8;
	[tilespmem:$0x1C880] =	vst v63  }
0x184: {  	_ =	swait.ge [sflag:s11], $0x2800  }
0x185: {  	[sflag:s11] =	ssyncset.done $0x0  }
0x186: {  	[sflag:s11] =	ssyncadd.s32 $0xFFFFD800  }
0x187: {  	_ =	swait.ge [sflag:s15], $0x2800  }
0x188: {  	[sflag:s15] =	ssyncset.done $0x0  }
0x189: {  	s4 =	simm.s32 $0x0;
	s7 =	rddreg [dreg:$0x18];
	[sflag:s15] =	ssyncadd.s32 $0xFFFFD800  }
0x18a: {  	[tilespmem:s10], [sflag:$0x3] =	stream.linear.gather [hbm4b:s7+s4], $0x2800, $0x38;
	[tilespmem:$0x1C880] =	vst v63  }
0x18b: {  	_ =	swait.ge [sflag:s25], $0x2800  }
0x18c: {  	[sflag:s25] =	ssyncset.done $0x0  }
0x18d: {  	s21 =	simm.s32 $0x17680;
	[sflag:s25] =	ssyncadd.s32 $0xFFFFD800  }
0x18e: {  	[spmem:s1] =	stream.indirect.scatter.add.f32 [tilespmem:s10], [sflag:$0x3], $0x80, s21, s20, $0xb8;
	[tilespmem:$0x1C880] =	vst v63  }
.Ltmp8:
0x18f: {  	_ =	swait.ge [sflag:s25], $0x2800;
	(pc) =	sbr.rel @p0 .LBB2_23-.Ltmp8, $3  }
0x190: {  	[sflag:s25] =	ssyncset.done $0x0  }
0x191: {  	[sflag:s25] =	ssyncadd.s32 $0xFFFFD800  }
0x192: {  	[bflag:$0x0] =	sbarrier.arrive $0xFFFF;
	_ =	sdelay $0x1  }
0x193: {  	[tilespmem:s10], [sflag:$0x3] =	stream.linear.gather [spmem:s28], $0x1800, $0x38;
	[tilespmem:$0x1C880] =	vst v63  }
0x194: {  	_ =	swait.ge [sflag:s25], $0x1800  }
0x195: {  	[sflag:s25] =	ssyncset.done $0x0  }
0x196: {  	s4 =	sadd.s32 $0x0, s2;
	[sflag:s25] =	ssyncadd.s32 $0xFFFFE800  }
0x197: {  	[hbm4b:s4+s3] =	stream.linear.scatter [tilespmem:s10], [sflag:$0x3], $0x1800, $0x38;
	[tilespmem:$0x1C880] =	vst v63  }
0x198: {  	_ =	swait.ge [sflag:s25], $0x1800  }
0x199: {  	s21 =	smov.u32 s28;
	s4 =	simm.s32 $0x300;
	[sflag:s25] =	ssyncset.done $0x0  }
.LBB2_21:
0x19a: {  	p3 =	sne.s32 s4, $0x2400;
	[sflag:s25] =	ssyncadd.s32 $0xFFFFE800;
	s21 =	sadd.s32 $0x1800, s21  }
0x19b: {  	[tilespmem:s10], [sflag:$0x3] =	stream.linear.gather [spmem:s21], $0x1800, $0x38;
	[tilespmem:$0x1C880] =	vst v63  }
0x19c: {  	s5 =	smov.u32 s4;
	s4 =	sadd.s32 $0x300, s4;
	_ =	swait.ge [sflag:s25], $0x1800  }
.Ltmp9:
0x19d: {  	[sflag:s25] =	ssyncset.done $0x0;
	(pc) =	sbr.rel @p3 .LBB2_21-.Ltmp9, $4  }
0x19e: {  	s5 =	sadd.s32 s5, s2;
	[sflag:s25] =	ssyncadd.s32 $0xFFFFE800  }
0x19f: {  	[hbm4b:s5+s3] =	stream.linear.scatter [tilespmem:s10], [sflag:$0x3], $0x1800, $0x38;
	[tilespmem:$0x1C880] =	vst v63  }
0x1a0: {  	_ =	swait.ge [sflag:s25], $0x1800  }
0x1a1: {  	[sflag:s25] =	ssyncset.done $0x0  }
.Ltmp10:
0x1a2: {  	(pc) =	sbr.rel @p2 .LBB2_26-.Ltmp10, $4  }
.Ltmp11:
0x1a3: {  	(pc) =	sbr.rel @!p2 .LBB2_27-.Ltmp11, $4  }
0x1a4: {  	_ = 	snop  }
0x1a5: {  	_ = 	snop  }
0x1a6: {  	[sflag:s25] =	ssyncadd.s32 $0xFFFFE800;
	s4 =	rddreg [dreg:$0x16]  }
0x1a7: {  	_ = 	snop  }
.LBB2_9:
0x1a8: {  	s4 =	rddreg [dreg:$0xb]  }
0x1a9: {  	[tilespmem:s10], [sflag:$0x3] =	stream.linear.gather [hbm4b:s4+s3], $0x2800, $0x38;
	[tilespmem:$0x1C880] =	vst v63  }
0x1aa: {  	_ =	swait.ge [sflag:s25], $0x2800  }
0x1ab: {  	[sflag:s25] =	ssyncset.done $0x0  }
0x1ac: {  	[sflag:s25] =	ssyncadd.s32 $0xFFFFD800  }
0x1ad: {  	[spmem:s1] =	stream.indirect.scatter.add.f32 [tilespmem:s10], [sflag:$0x1], $0x80, s26, s20, $0xb8;
	[tilespmem:$0x1C880] =	vst v63  }
0x1ae: {  	s7 =	rddreg [dreg:$0xc]  }
0x1af: {  	[tilespmem:s24], [sflag:$0x3] =	stream.linear.gather [hbm4b:s7+s3], $0x2800, $0x38;
	[tilespmem:$0x1C880] =	vst v63  }
0x1b0: {  	_ =	swait.ge [sflag:s25], $0x2800  }
0x1b1: {  	[sflag:s25] =	ssyncset.done $0x0  }
0x1b2: {  	s21 =	simm.s32 $0x13900;
	[sflag:s25] =	ssyncadd.s32 $0xFFFFD800  }
0x1b3: {  	[spmem:s1] =	stream.indirect.scatter.add.f32 [tilespmem:s24], [sflag:$0x2], $0x80, s21, s20, $0xb8;
	[tilespmem:$0x1C880] =	vst v63  }
0x1b4: {  	_ =	swait.ge [sflag:s11], $0x2800  }
0x1b5: {  	[sflag:s11] =	ssyncset.done $0x0  }
0x1b6: {  	s7 =	rddreg [dreg:$0x1d];
	[sflag:s11] =	ssyncadd.s32 $0xFFFFD800  }
0x1b7: {  	[tilespmem:s10], [sflag:$0x3] =	stream.linear.gather [hbm4b:s7+s3], $0x2800, $0x38;
	[tilespmem:$0x1C880] =	vst v63  }
0x1b8: {  	_ =	swait.ge [sflag:s25], $0x2800  }
0x1b9: {  	[sflag:s25] =	ssyncset.done $0x0  }
0x1ba: {  	s5 =	simm.s32 $0x13980;
	[sflag:s25] =	ssyncadd.s32 $0xFFFFD800  }
0x1bb: {  	[spmem:s1] =	stream.indirect.scatter.add.f32 [tilespmem:s10], [sflag:$0x1], $0x80, s5, s20, $0xb8;
	[tilespmem:$0x1C880] =	vst v63  }
0x1bc: {  	_ =	swait.ge [sflag:s15], $0x2800  }
0x1bd: {  	[sflag:s15] =	ssyncset.done $0x0  }
0x1be: {  	s21 =	sadd.s32 $0x500, s7;
	[sflag:s15] =	ssyncadd.s32 $0xFFFFD800  }
0x1bf: {  	[tilespmem:s24], [sflag:$0x3] =	stream.linear.gather [hbm4b:s21+s3], $0x2800, $0x38;
	[tilespmem:$0x1C880] =	vst v63  }
0x1c0: {  	_ =	swait.ge [sflag:s25], $0x2800  }
0x1c1: {  	s4 =	simm.s32 $0xFFFF1000;
	[sflag:s25] =	ssyncset.done $0x0  }
0x1c2: {  	s5 =	simm.s32 $0x13A00;
	s21 =	sadd.s32 $0xA00, s7;
	[sflag:s25] =	ssyncadd.s32 $0xFFFFD800  }
.LBB2_10:
0x1c3: {  	[spmem:s1] =	stream.indirect.scatter.add.f32 [tilespmem:s24], [sflag:$0x2], $0x80, s5, s20, $0xb8;
	[tilespmem:$0x1C880] =	vst v63  }
0x1c4: {  	s5 =	smov.u32 s4  }
0x1c5: {  	p3 =	sne.s32 s4, $0xFFFFFC00;
	s4 =	sadd.s32 $0x400, s4;
	_ =	swait.ge [sflag:s11], $0x2800  }
0x1c6: {  	[sflag:s11] =	ssyncset.done $0x0  }
0x1c7: {  	[sflag:s11] =	ssyncadd.s32 $0xFFFFD800  }
0x1c8: {  	[tilespmem:s10], [sflag:$0x3] =	stream.linear.gather [hbm4b:s21+s3], $0x2800, $0x38;
	[tilespmem:$0x1C880] =	vst v63  }
0x1c9: {  	_ =	swait.ge [sflag:s25], $0x2800  }
0x1ca: {  	s5 =	sshra.s32 s5, $0x2;
	[sflag:s25] =	ssyncset.done $0x0  }
0x1cb: {  	s7 =	sadd.s32 $0x17680, s5;
	[sflag:s25] =	ssyncadd.s32 $0xFFFFD800  }
0x1cc: {  	[spmem:s1] =	stream.indirect.scatter.add.f32 [tilespmem:s10], [sflag:$0x1], $0x80, s7, s20, $0xb8;
	[tilespmem:$0x1C880] =	vst v63  }
0x1cd: {  	_ =	swait.ge [sflag:s15], $0x2800  }
0x1ce: {  	[sflag:s15] =	ssyncset.done $0x0  }
.Ltmp12:
0x1cf: {  	s7 =	sadd.s32 $0x500, s21;
	[sflag:s15] =	ssyncadd.s32 $0xFFFFD800;
	(pc) =	sbr.rel @p3 .LBB2_10-.Ltmp12, $4  }
0x1d0: {  	[tilespmem:s24], [sflag:$0x3] =	stream.linear.gather [hbm4b:s7+s3], $0x2800, $0x38;
	[tilespmem:$0x1C880] =	vst v63  }
0x1d1: {  	_ =	swait.ge [sflag:s25], $0x2800  }
0x1d2: {  	[sflag:s25] =	ssyncset.done $0x0  }
0x1d3: {  	s5 =	sadd.s32 $0x17700, s5;
	s21 =	sadd.s32 $0xA00, s21;
	[sflag:s25] =	ssyncadd.s32 $0xFFFFD800  }
0x1d4: {  	[spmem:s1] =	stream.indirect.scatter.add.f32 [tilespmem:s24], [sflag:$0x2], $0x80, s5, s20, $0xb8;
	[tilespmem:$0x1C880] =	vst v63  }
0x1d5: {  	_ =	swait.ge [sflag:s11], $0x2800  }
0x1d6: {  	[sflag:s11] =	ssyncset.done $0x0  }
0x1d7: {  	[sflag:s11] =	ssyncadd.s32 $0xFFFFD800  }
0x1d8: {  	_ =	swait.ge [sflag:s15], $0x2800  }
0x1d9: {  	[sflag:s15] =	ssyncset.done $0x0  }
0x1da: {  	s4 =	rddreg [dreg:$0x5];
	[sflag:s15] =	ssyncadd.s32 $0xFFFFD800  }
0x1db: {  	[tilespmem:s10], [sflag:$0x3] =	stream.linear.gather [hbm4b:s4+s3], $0x2800, $0x38;
	[tilespmem:$0x1C880] =	vst v63  }
0x1dc: {  	_ =	swait.ge [sflag:s25], $0x2800  }
0x1dd: {  	[sflag:s25] =	ssyncset.done $0x0  }
0x1de: {  	s7 =	simm.s32 $0x17680;
	[sflag:s25] =	ssyncadd.s32 $0xFFFFD800  }
0x1df: {  	[spmem:s1] =	stream.indirect.scatter.add.f32 [tilespmem:s10], [sflag:$0x3], $0x80, s7, s20, $0xb8;
	[tilespmem:$0x1C880] =	vst v63  }
0x1e0: {  	_ =	swait.ge [sflag:s25], $0x2800  }
0x1e1: {  	[sflag:s25] =	ssyncset.done $0x0  }
0x1e2: {  	s21 =	rddreg [dreg:$0x6];
	[sflag:s25] =	ssyncadd.s32 $0xFFFFD800  }
0x1e3: {  	[tilespmem:s26], [sflag:$0x3] =	stream.linear.gather [hbm4b:s21+s3], $0x3E80, $0x38;
	[tilespmem:$0x1C880] =	vst v63  }
0x1e4: {  	_ =	swait.ge [sflag:s25], $0x3E80  }
0x1e5: {  	[sflag:s25] =	ssyncset.done $0x0  }
0x1e6: {  	s5 =	rddreg [dreg:$0xd];
	[sflag:s25] =	ssyncadd.s32 $0xFFFFC180  }
0x1e7: {  	[tilespmem:s10], [sflag:$0x3] =	stream.linear.gather [hbm4b:s5+s3], $0x2800, $0x38;
	[tilespmem:$0x1C880] =	vst v63  }
0x1e8: {  	_ =	swait.ge [sflag:s25], $0x2800  }
0x1e9: {  	[sflag:s25] =	ssyncset.done $0x0  }
0x1ea: {  	[sflag:s25] =	ssyncadd.s32 $0xFFFFD800  }
0x1eb: {  	[spmem:s1] =	stream.indirect.scatter.add.f32 [tilespmem:s10], [sflag:$0x1], $0x80, s26, s20, $0xb8;
	[tilespmem:$0x1C880] =	vst v63  }
0x1ec: {  	s7 =	rddreg [dreg:$0xe]  }
0x1ed: {  	[tilespmem:s24], [sflag:$0x3] =	stream.linear.gather [hbm4b:s7+s3], $0x2800, $0x38;
	[tilespmem:$0x1C880] =	vst v63  }
0x1ee: {  	_ =	swait.ge [sflag:s25], $0x2800  }
0x1ef: {  	[sflag:s25] =	ssyncset.done $0x0  }
0x1f0: {  	s21 =	simm.s32 $0x13900;
	[sflag:s25] =	ssyncadd.s32 $0xFFFFD800  }
0x1f1: {  	[spmem:s1] =	stream.indirect.scatter.add.f32 [tilespmem:s24], [sflag:$0x2], $0x80, s21, s20, $0xb8;
	[tilespmem:$0x1C880] =	vst v63  }
0x1f2: {  	_ =	swait.ge [sflag:s11], $0x2800  }
0x1f3: {  	[sflag:s11] =	ssyncset.done $0x0  }
0x1f4: {  	s7 =	rddreg [dreg:$0x1e];
	[sflag:s11] =	ssyncadd.s32 $0xFFFFD800  }
0x1f5: {  	[tilespmem:s10], [sflag:$0x3] =	stream.linear.gather [hbm4b:s7+s3], $0x2800, $0x38;
	[tilespmem:$0x1C880] =	vst v63  }
0x1f6: {  	_ =	swait.ge [sflag:s25], $0x2800  }
0x1f7: {  	[sflag:s25] =	ssyncset.done $0x0  }
0x1f8: {  	s5 =	simm.s32 $0x13980;
	[sflag:s25] =	ssyncadd.s32 $0xFFFFD800  }
0x1f9: {  	[spmem:s1] =	stream.indirect.scatter.add.f32 [tilespmem:s10], [sflag:$0x1], $0x80, s5, s20, $0xb8;
	[tilespmem:$0x1C880] =	vst v63  }
0x1fa: {  	_ =	swait.ge [sflag:s15], $0x2800  }
0x1fb: {  	[sflag:s15] =	ssyncset.done $0x0  }
0x1fc: {  	s21 =	sadd.s32 $0x500, s7;
	[sflag:s15] =	ssyncadd.s32 $0xFFFFD800  }
0x1fd: {  	[tilespmem:s24], [sflag:$0x3] =	stream.linear.gather [hbm4b:s21+s3], $0x2800, $0x38;
	[tilespmem:$0x1C880] =	vst v63  }
0x1fe: {  	_ =	swait.ge [sflag:s25], $0x2800  }
0x1ff: {  	s4 =	simm.s32 $0xFFFF1000;
	[sflag:s25] =	ssyncset.done $0x0  }
0x200: {  	s5 =	simm.s32 $0x13A00;
	s21 =	sadd.s32 $0xA00, s7;
	[sflag:s25] =	ssyncadd.s32 $0xFFFFD800  }
.LBB2_12:
0x201: {  	[spmem:s1] =	stream.indirect.scatter.add.f32 [tilespmem:s24], [sflag:$0x2], $0x80, s5, s20, $0xb8;
	[tilespmem:$0x1C880] =	vst v63  }
0x202: {  	s5 =	smov.u32 s4  }
0x203: {  	p3 =	seq.s32 s4, $0xFFFFFC00;
	s4 =	sadd.s32 $0x400, s4;
	_ =	swait.ge [sflag:s11], $0x2800  }
0x204: {  	[sflag:s11] =	ssyncset.done $0x0  }
0x205: {  	[sflag:s11] =	ssyncadd.s32 $0xFFFFD800  }
0x206: {  	[tilespmem:s10], [sflag:$0x3] =	stream.linear.gather [hbm4b:s21+s3], $0x2800, $0x38;
	[tilespmem:$0x1C880] =	vst v63  }
0x207: {  	_ =	swait.ge [sflag:s25], $0x2800  }
0x208: {  	s5 =	sshra.s32 s5, $0x2;
	[sflag:s25] =	ssyncset.done $0x0  }
0x209: {  	s7 =	sadd.s32 $0x17680, s5;
	[sflag:s25] =	ssyncadd.s32 $0xFFFFD800  }
0x20a: {  	[spmem:s1] =	stream.indirect.scatter.add.f32 [tilespmem:s10], [sflag:$0x1], $0x80, s7, s20, $0xb8;
	[tilespmem:$0x1C880] =	vst v63  }
0x20b: {  	_ =	swait.ge [sflag:s15], $0x2800  }
0x20c: {  	[sflag:s15] =	ssyncset.done $0x0  }
.Ltmp13:
0x20d: {  	s7 =	sadd.s32 $0x500, s21;
	[sflag:s15] =	ssyncadd.s32 $0xFFFFD800;
	(pc) =	sbr.rel @!p3 .LBB2_12-.Ltmp13, $4  }
0x20e: {  	[tilespmem:s24], [sflag:$0x3] =	stream.linear.gather [hbm4b:s7+s3], $0x2800, $0x38;
	[tilespmem:$0x1C880] =	vst v63  }
0x20f: {  	_ =	swait.ge [sflag:s25], $0x2800  }
0x210: {  	[sflag:s25] =	ssyncset.done $0x0  }
0x211: {  	s5 =	sadd.s32 $0x17700, s5;
	s21 =	sadd.s32 $0xA00, s21;
	[sflag:s25] =	ssyncadd.s32 $0xFFFFD800  }
0x212: {  	[spmem:s1] =	stream.indirect.scatter.add.f32 [tilespmem:s24], [sflag:$0x2], $0x80, s5, s20, $0xb8;
	[tilespmem:$0x1C880] =	vst v63  }
0x213: {  	_ =	swait.ge [sflag:s11], $0x2800  }
0x214: {  	[sflag:s11] =	ssyncset.done $0x0  }
0x215: {  	[sflag:s11] =	ssyncadd.s32 $0xFFFFD800  }
0x216: {  	_ =	swait.ge [sflag:s15], $0x2800  }
0x217: {  	[sflag:s15] =	ssyncset.done $0x0  }
0x218: {  	s4 =	simm.s32 $0x0;
	s21 =	rddreg [dreg:$0x7];
	[sflag:s15] =	ssyncadd.s32 $0xFFFFD800  }
0x219: {  	[tilespmem:s10], [sflag:$0x3] =	stream.linear.gather [hbm4b:s21+s4], $0x2800, $0x38;
	[tilespmem:$0x1C880] =	vst v63  }
0x21a: {  	_ =	swait.ge [sflag:s25], $0x2800  }
0x21b: {  	[sflag:s25] =	ssyncset.done $0x0  }
0x21c: {  	s7 =	simm.s32 $0x17680;
	[sflag:s25] =	ssyncadd.s32 $0xFFFFD800  }
0x21d: {  	[spmem:s1] =	stream.indirect.scatter.add.f32 [tilespmem:s10], [sflag:$0x3], $0x80, s7, s20, $0xb8;
	[tilespmem:$0x1C880] =	vst v63  }
0x21e: {  	_ =	swait.ge [sflag:s25], $0x2800  }
0x21f: {  	[sflag:s25] =	ssyncset.done $0x0  }
0x220: {  	[sflag:s25] =	ssyncadd.s32 $0xFFFFD800  }
0x221: {  	[bflag:$0x0] =	sbarrier.arrive $0xFFFF  }
0x222: {  	[tilespmem:s10], [sflag:$0x3] =	stream.linear.gather [spmem:s28], $0x1800, $0x38;
	[tilespmem:$0x1C880] =	vst v63  }
0x223: {  	_ =	swait.ge [sflag:s25], $0x1800  }
0x224: {  	[sflag:s25] =	ssyncset.done $0x0  }
0x225: {  	s21 =	sadd.s32 $0x0, s30;
	[sflag:s25] =	ssyncadd.s32 $0xFFFFE800  }
0x226: {  	[hbm4b:s21+s3] =	stream.linear.scatter [tilespmem:s10], [sflag:$0x3], $0x1800, $0x38;
	[tilespmem:$0x1C880] =	vst v63  }
0x227: {  	_ =	swait.ge [sflag:s25], $0x1800  }
0x228: {  	s4 =	simm.s32 $0x300;
	s21 =	smov.u32 s28;
	[sflag:s25] =	ssyncset.done $0x0  }
.LBB2_14:
0x229: {  	p3 =	sne.s32 s4, $0x2400;
	[sflag:s25] =	ssyncadd.s32 $0xFFFFE800;
	s21 =	sadd.s32 $0x1800, s21  }
0x22a: {  	[tilespmem:s10], [sflag:$0x3] =	stream.linear.gather [spmem:s21], $0x1800, $0x38;
	[tilespmem:$0x1C880] =	vst v63  }
0x22b: {  	s5 =	smov.u32 s4;
	s4 =	sadd.s32 $0x300, s4;
	_ =	swait.ge [sflag:s25], $0x1800  }
.Ltmp14:
0x22c: {  	[sflag:s25] =	ssyncset.done $0x0;
	(pc) =	sbr.rel @p3 .LBB2_14-.Ltmp14, $4  }
0x22d: {  	s5 =	sadd.s32 s5, s30;
	[sflag:s25] =	ssyncadd.s32 $0xFFFFE800  }
0x22e: {  	[hbm4b:s5+s3] =	stream.linear.scatter [tilespmem:s10], [sflag:$0x3], $0x1800, $0x38;
	[tilespmem:$0x1C880] =	vst v63  }
0x22f: {  	_ =	swait.ge [sflag:s25], $0x1800  }
0x230: {  	[sflag:s25] =	ssyncset.done $0x0  }
.Ltmp15:
0x231: {  	(pc) =	sbr.rel @p1 .LBB2_17-.Ltmp15, $4  }
.Ltmp16:
0x232: {  	(pc) =	sbr.rel @!p1 .LBB2_16-.Ltmp16, $4  }
0x233: {  	_ = 	snop  }
0x234: {  	_ = 	snop  }
0x235: {  	[sflag:s25] =	ssyncadd.s32 $0xFFFFE800;
	s4 =	rddreg [dreg:$0x15]  }
0x236: {  	_ = 	snop  }
.LBB2_23:
0x237: {  	[tilespmem:s10], [sflag:$0x3] =	stream.linear.gather [spmem:s28], $0x1800, $0x38;
	[tilespmem:$0x1C880] =	vst v63  }
0x238: {  	_ =	swait.ge [sflag:s25], $0x1800  }
0x239: {  	[sflag:s25] =	ssyncset.done $0x0  }
0x23a: {  	s4 =	sadd.s32 $0x0, s19;
	[sflag:s25] =	ssyncadd.s32 $0xFFFFE800  }
0x23b: {  	[hbm4b:s4+s3] =	stream.linear.scatter [tilespmem:s10], [sflag:$0x3], $0x1800, $0x38;
	[tilespmem:$0x1C880] =	vst v63  }
0x23c: {  	_ =	swait.ge [sflag:s25], $0x1800  }
0x23d: {  	s21 =	smov.u32 s28;
	s4 =	simm.s32 $0x300;
	[sflag:s25] =	ssyncset.done $0x0  }
.LBB2_24:
0x23e: {  	p3 =	sne.s32 s4, $0x2400;
	[sflag:s25] =	ssyncadd.s32 $0xFFFFE800;
	s21 =	sadd.s32 $0x1800, s21  }
0x23f: {  	[tilespmem:s10], [sflag:$0x3] =	stream.linear.gather [spmem:s21], $0x1800, $0x38;
	[tilespmem:$0x1C880] =	vst v63  }
0x240: {  	s5 =	smov.u32 s4;
	s4 =	sadd.s32 $0x300, s4;
	_ =	swait.ge [sflag:s25], $0x1800  }
.Ltmp17:
0x241: {  	[sflag:s25] =	ssyncset.done $0x0;
	(pc) =	sbr.rel @p3 .LBB2_24-.Ltmp17, $4  }
0x242: {  	s5 =	sadd.s32 s5, s19;
	[sflag:s25] =	ssyncadd.s32 $0xFFFFE800  }
0x243: {  	[hbm4b:s5+s3] =	stream.linear.scatter [tilespmem:s10], [sflag:$0x3], $0x1800, $0x38;
	[tilespmem:$0x1C880] =	vst v63  }
0x244: {  	_ =	swait.ge [sflag:s25], $0x1800  }
0x245: {  	[sflag:s25] =	ssyncset.done $0x0  }
.Ltmp18:
0x246: {  	(pc) =	sbr.rel @p1 .LBB2_27-.Ltmp18, $4  }
.Ltmp19:
0x247: {  	(pc) =	sbr.rel @!p1 .LBB2_26-.Ltmp19, $4  }
0x248: {  	_ = 	snop  }
0x249: {  	_ = 	snop  }
0x24a: {  	[sflag:s25] =	ssyncadd.s32 $0xFFFFE800;
	s4 =	rddreg [dreg:$0x17]  }
0x24b: {  	_ = 	snop  }
.LBB2_28:
0x24c: {  	_ =	sfence.sel $0x180000  }
0x24d: {  	[bflag:$0x0] =	sbarrier.arrive $0xFFFF  }
0x24e: {  	_ =	strace $0x9000004A  }
0x24f: {  	s0 =	stileid.u32;
	[bflag:$0x2] =	sbarrier.arrive $0xFFFF  }
0x250: {  	p0 =	sne.s32 s0, $0x0;
	s0 =	rddreg [dreg:$0x3]  }
0x251: {  	s0 =	sadd.s32 @!p0 $0x100000, s0  }
0x252: {  	[sflag:s0] =	ssyncadd.tile.s32 @!p0 $0x1;
	_ =	shalt  }
.Lfunc_end2:
_tile_overlayer_lowered:
.L_overlay_start_2:
0x253: {  	(tag) =	ssettag $0x2  }
0x254: {  	s0 =	rddreg [dreg:$0x0];
	s2 =	stileid.u32  }
0x255: {  	s1 =	rddreg [dreg:$0x1];
	p0 =	sne.s32 s2, $0x0  }
0x256: {  	s3 =	rddreg [dreg:$0x2];
	[bflag:$0x3] =	sbarrier.arrive $0xFFFF;
	s2 =	simm.s32 @!p0 $0x1C03  }
0x257: {  	[timem:s3], [sflag:s2] =	dma.local @!p0 [hbm:s0], s1  }
0x258: {  	s0 =	simm.s32 @!p0 $0x3  }
0x259: {  	_ =	swait.ge @!p0 [sflag:s0], s1  }
0x25a: {  	s1 =	ssub.s32 @!p0 $0x0, s1;
	[sflag:s0] =	ssyncset.done @!p0 $0x0  }
0x25b: {  	[sflag:s0] =	ssyncadd.s32 @!p0 s1  }
0x25c: {  	[bflag:$0x3] =	sbarrier.arrive $0xFFFF  }
0x25d: {  	_ =	shalt  }

// kernel: kernel.7.cloned.1.call-start
scs
__scs_entry_jumppad:
0x0: {  	(pc) =	sbr.rel $0x88, $3  }
0x1: {  	(tag) =	ssettag $0x0;
	lr =	simm.s32 $0x1  }
0x2: {  	[smem:$0x3F86] =	sst lr;
	_ =	strace $0xD0000000  }
0x3: {  	_ = 	snop  }
0x4: {  	_ = 	snop  }
0x5: {  	_ = 	snop  }
0x6: {  	_ = 	snop  }
0x7: {  	_ = 	snop  }
__scs_overlays_trampoline_lowered:
0x8: {  	[smem:$0x3F95] =	sst s0  }
0x9: {  	[smem:$0x3F96] =	sst s1  }
0xa: {  	[smem:$0x3F97] =	sst s2  }
0xb: {  	[smem:$0x3F98] =	sst s3  }
0xc: {  	[smem:$0x3F99] =	sst s4  }
0xd: {  	[smem:$0x3F9A] =	sst s5  }
0xe: {  	[smem:$0x3F9B] =	sst s6  }
0xf: {  	[smem:$0x3F9C] =	sst s7  }
0x10: {  	[smem:$0x3F9D] =	sst s8  }
0x11: {  	[smem:$0x3F9E] =	sst s9;
	s0 =	simm.s32 @!p0 $0x0  }
0x12: {  	s1 =	sld [smem:$0x3F84];
	s0 =	simm.s32 @p0 $0x1  }
0x13: {  	[smem:$0x3F9F] =	sst s0;
	s0 =	simm.s32 @!p1 $0x0  }
0x14: {  	s2 =	sld [smem:$0x3F83];
	s0 =	simm.s32 @p1 $0x1  }
0x15: {  	[smem:$0x3FA0] =	sst s0;
	s0 =	simm.s32 @!p2 $0x0  }
0x16: {  	s3 =	sld [smem:$0x3FDB];
	s0 =	simm.s32 @p2 $0x1  }
0x17: {  	s4 =	simm.s32 $0x1BF5;
	[smem:$0x3FA2] =	sst s0  }
0x18: {  	s0 =	sld [smem:$0x3F85];
	_ =	swait.ge [sflag:s4], $0x0  }
0x19: {  	s7 =	sld [smem:$0x3F86]  }
0x1a: {  	s8 =	sadd.s32 $0xFFFFE003, lr  }
0x1b: {  	s9 =	sadd.s32 $0xFFFFFEF7, lr;
	s5 =	simm.s32 $0xFFFFFFFF;
	p2 =	slt.u32 s8, $0xFFFFF086  }
0x1c: {  	p1 =	slt.u32 s9, $0xF7A;
	s5 =	simm.s32 @!p2 $0x0  }
0x1d: {  	s5 =	simm.s32 @p1 $0x1;
	p0 =	seq.s32 s7, s2  }
0x1e: {  	s7 =	smul.u32 @!p0 $0xF7A, s2;
	p2 =	seq.s32 @!p0 s5, $0x0  }
0x1f: {  	s9 =	smul.u32 $0xF7A, s1;
	s8 =	simm.s32 @!p0 $0x1BF5;
	p2 =	por !p2, p0  }
0x20: {  	[sflag:s8] =	ssyncset.s32 @!p0 $0xFFFFF086;
	s6 =	sadd.s32 @!p0 s3, s7;
	s7 =	simm.s32 @!p0 $0x108  }
0x21: {  	s3 =	sadd.s32 s3, s9;
	s6 =	sadd.s32 @!p0 $0x88, s6;
	s7 =	simm.s32 @p2 $0x1082  }
0x22: {  	[simem:s7], [sflag:s8] =	dma.local @!p0 [hbm:s6], $0xF7A  }
0x23: {  	s9 =	sor.u32 $0xD0000000, s2;
	s6 =	simm.s32 $0x108;
	_ =	swait.ge @!p0 [sflag:s8], $0x0  }
0x24: {  	s3 =	sadd.s32 $0x88, s3;
	s6 =	simm.s32 @!p1 $0x1082;
	[sflag:s4] =	ssyncset.s32 $0xFFFFF086  }
0x25: {  	[simem:s6], [sflag:s4] =	dma.local [hbm:s3], $0xF7A  }
0x26: {  	[smem:$0x3F86] =	sst s1;
	(tag) =	ssettag s2;
	_ =	strace s9  }
0x27: {  	s1 =	sld [smem:$0x3F96]  }
0x28: {  	s2 =	sld [smem:$0x3F97]  }
0x29: {  	s4 =	sld [smem:$0x3F99]  }
0x2a: {  	p0 =	seq.s32 s5, $0x0;
	s5 =	sld [smem:$0x3F9A]  }
0x2b: {  	s6 =	sld [smem:$0x3F9B]  }
0x2c: {  	s7 =	sld [smem:$0x3F9C]  }
0x2d: {  	s3 =	simm.s32 $0x108;
	s8 =	sld [smem:$0x3F9D]  }
0x2e: {  	s3 =	simm.s32 @!p0 $0x1082;
	s9 =	sld [smem:$0x3F9E]  }
0x2f: {  	lr =	sadd.s32 s0, s3;
	s0 =	sld [smem:$0x3F95]  }
0x30: {  	s3 =	sld [smem:$0x3F98]  }
0x31: {  	[smem:$0x3FA1] =	sst s10  }
0x32: {  	s10 =	sld [smem:$0x3F9F];
	_ =	sdelay $0x3  }
0x33: {  	p0 =	seq.s32 s10, $0x1;
	s10 =	sld [smem:$0x3FA1];
	_ =	sdelay $0x3  }
0x34: {  	[smem:$0x3FA1] =	sst s10  }
0x35: {  	s10 =	sld [smem:$0x3FA0];
	_ =	sdelay $0x3  }
0x36: {  	p1 =	seq.s32 s10, $0x1;
	s10 =	sld [smem:$0x3FA1];
	_ =	sdelay $0x3  }
0x37: {  	[smem:$0x3FA1] =	sst s10  }
0x38: {  	s10 =	sld [smem:$0x3FA2]  }
0x39: {  	_ = 	snop;
	(pc) =	sbr.ind lr, $3  }
0x3a: {  	_ = 	snop  }
0x3b: {  	_ = 	snop  }
0x3c: {  	p2 =	seq.s32 s10, $0x1;
	s10 =	sld [smem:$0x3FA1]  }
0x3d: {  	_ =	shalt  }
0x3e: {  	_ =	shalt  }
0x3f: {  	_ =	shalt  }
0x40: {  	_ =	shalt  }
0x41: {  	_ =	shalt  }
0x42: {  	_ =	shalt  }
0x43: {  	_ =	shalt  }
0x44: {  	_ =	shalt  }
0x45: {  	_ =	shalt  }
0x46: {  	_ =	shalt  }
0x47: {  	_ =	shalt  }
0x48: {  	_ =	shalt  }
0x49: {  	_ =	shalt  }
0x4a: {  	_ =	shalt  }
0x4b: {  	_ =	shalt  }
0x4c: {  	_ =	shalt  }
0x4d: {  	_ =	shalt  }
0x4e: {  	_ =	shalt  }
0x4f: {  	_ =	shalt  }
0x50: {  	_ =	shalt  }
0x51: {  	_ =	shalt  }
0x52: {  	_ =	shalt  }
0x53: {  	_ =	shalt  }
0x54: {  	_ =	shalt  }
0x55: {  	_ =	shalt  }
0x56: {  	_ =	shalt  }
0x57: {  	_ =	shalt  }
0x58: {  	_ =	shalt  }
0x59: {  	_ =	shalt  }
0x5a: {  	_ =	shalt  }
0x5b: {  	_ =	shalt  }
0x5c: {  	_ =	shalt  }
0x5d: {  	_ =	shalt  }
0x5e: {  	_ =	shalt  }
0x5f: {  	_ =	shalt  }
0x60: {  	_ =	shalt  }
0x61: {  	_ =	shalt  }
0x62: {  	_ =	shalt  }
0x63: {  	_ =	shalt  }
0x64: {  	_ =	shalt  }
0x65: {  	_ =	shalt  }
0x66: {  	_ =	shalt  }
0x67: {  	_ =	shalt  }
0x68: {  	_ =	shalt  }
0x69: {  	_ =	shalt  }
0x6a: {  	_ =	shalt  }
0x6b: {  	_ =	shalt  }
0x6c: {  	_ =	shalt  }
0x6d: {  	_ =	shalt  }
0x6e: {  	_ =	shalt  }
0x6f: {  	_ =	shalt  }
0x70: {  	_ =	shalt  }
0x71: {  	_ =	shalt  }
0x72: {  	_ =	shalt  }
0x73: {  	_ =	shalt  }
0x74: {  	_ =	shalt  }
0x75: {  	_ =	shalt  }
0x76: {  	_ =	shalt  }
0x77: {  	_ =	shalt  }
0x78: {  	_ =	shalt  }
0x79: {  	_ =	shalt  }
0x7a: {  	_ =	shalt  }
0x7b: {  	_ =	shalt  }
0x7c: {  	_ =	shalt  }
0x7d: {  	_ =	shalt  }
0x7e: {  	_ =	shalt  }
0x7f: {  	_ =	shalt  }
0x80: {  	_ =	shalt  }
0x81: {  	_ =	shalt  }
0x82: {  	_ =	shalt  }
0x83: {  	_ =	shalt  }
0x84: {  	_ =	shalt  }
0x85: {  	_ =	shalt  }
0x86: {  	_ =	shalt  }
0x87: {  	_ =	shalt  }
.Lfunc_end0:
.L_simem_size_0:
called_computation_lowered:
.L_overlay_start_0:
0x88: {  	s2 =	sld [smem:$0x3FD9]  }
0x89: {  	s3 =	sld [smem:$0x3FFE];
	_ =	sdelay $0x1  }
0x8a: {  	s1 =	srdreg.scid  }
0x8b: {  	s0 =	sand.u32 $0x1, s1  }
0x8c: {  	s14 =	sshll.u32 s0, $0xA;
	s2 =	sadd.s32 s3, s2  }
0x8d: {  	s2 =	sadd.s32 s2, s14  }
0x8e: {  	[smem:$0x3FAD] =	sst s2  }
0x8f: {  	_ = 	snop  }
0x90: {  	s2 =	sld [smem:$0x3FD0];
	_ =	sdelay $0x2  }
0x91: {  	s15 =	simm.s32 $0xA;
	s4 =	simm.s32 $0x10  }
0x92: {  	[smem:s4], [sflag:s15] =	dma.local [hbm:s2], $0x1  }
0x93: {  	_ =	swait.eq [sflag:s15], $0x1  }
0x94: {  	[sflag:s15] =	ssyncset.done $0x0  }
0x95: {  	s16 =	sld [smem:$0x10];
	[sflag:s15] =	ssyncadd.s32 $0xFFFFFFFF  }
0x96: {  	s17 =	sld [smem:$0x11];
	(tm) =	ssettm $0x1  }
0x97: {  	s18 =	sld [smem:$0x3FFB];
	_ =	sdelay $0x3  }
0x98: {  	_ =	strace s18  }
0x99: {  	s4 =	sld [smem:$0x3FFC];
	_ =	sdelay $0x3  }
0x9a: {  	_ =	strace s4  }
0x9b: {  	s4 =	sld [smem:$0x3FFD];
	_ =	sdelay $0x3  }
0x9c: {  	_ =	strace s4  }
0x9d: {  	_ =	strace $0x8FFFFFFF  }
0x9e: {  	s19 =	sld [smem:$0x3FDB];
	_ =	sdelay $0x1  }
0x9f: {  	s5 =	simm.s32 $_scs_section_size  }
0xa0: {  	s6 =	simm.s32 $_size__tile_overlayer_lowered;
	s7 =	simm.s32 $_tile_overlayer_lowered  }
0xa1: {  	s22 =	simm.s32 $0x1BFF;
	s21 =	sshll.u32 s7, $0x1;
	s4 =	sadd.s32 s5, s19  }
0xa2: {  	s8 =	simm.s32 $0x0;
	s20 =	sshll.u32 s6, $0x1;
	s6 =	sadd.s32 s21, s4  }
0xa3: {  	[timem:s8], [sflag:s22] =	dma.local [hbm:s6], s20  }
0xa4: {  	_ =	swait.ge [sflag:s22], s20  }
0xa5: {  	s5 =	ssub.s32 $0x0, s20;
	[sflag:s22] =	ssyncset.done $0x0  }
0xa6: {  	[sflag:s22] =	ssyncadd.s32 s5;
	_ =	sdelay $0x1  }
0xa7: {  	s23 =	simm.s32 $0x1B8B  }
0xa8: {  	_ =	swait.ge [sflag:s23], $0x1  }
0xa9: {  	[sflag:s23] =	ssyncset.done $0x0  }
0xaa: {  	s25 =	simm.s32 $0x1B8E;
	s24 =	sld [smem:$0x3FFE];
	[sflag:s23] =	ssyncadd.s32 $0xFFFFFFFF  }
0xab: {  	s26 =	simm.s32 $execute0_lowered;
	[smem:$0x3FD2] =	sst s25  }
0xac: {  	s6 =	sshll.u32 s26, $0x1;
	_ =	strace $0x80000046;
	[dreg:$0x1] =	wrdreg $0xFFFFFFFF  }
0xad: {  	s28 =	simm.s32 $_size_execute0_lowered;
	s4 =	sadd.s32 s4, s6;
	[dreg:$0x0] =	wrdreg $0x0  }
0xae: {  	s6 =	sshll.u32 s28, $0x1;
	[dreg:$0x2] =	wrdreg s4  }
0xaf: {  	[dreg:$0x3] =	wrdreg s6  }
0xb0: {  	[dreg:$0x4] =	wrdreg $0xC0  }
0xb1: {  	_ =	task [dreg:s8], $0x5FFFF  }
0xb2: {  	[dreg:$0x1] =	wrdreg $0xFFFFFFFF  }
0xb3: {  	[dreg:$0x0] =	wrdreg $0x60  }
0xb4: {  	[dreg:$0x2] =	wrdreg s16  }
0xb5: {  	[dreg:$0x3] =	wrdreg s17  }
0xb6: {  	[dreg:$0x4] =	wrdreg s24  }
0xb7: {  	[dreg:$0x5] =	wrdreg $0x9  }
0xb8: {  	_ =	task.clear_ibuf [dreg:s8], $0x6FFFF;
	_ =	strace $0x90000046  }
0xb9: {  	s29 =	simm.s32 $0x9;
	_ =	strace $0x80000048  }
0xba: {  	_ =	swait.ge [sflag:s29], $0x1  }
0xbb: {  	[sflag:s29] =	ssyncadd.s32 $0xFFFFFFFF  }
0xbc: {  	_ =	strace $0x90000048  }
0xbd: {  	_ =	sfence  }
0xbe: {  	s30 =	sld [smem:$0x0];
	_ =	sdelay $0x2  }
0xbf: {  	s31 =	sshll.u32 s1, $0xD;
	s1 =	sshrl.u32 s1, $0x2  }
0xc0: {  	s3 =	sand.u32 $0x4000, s31;
	s1 =	sadd.s32 s1, s30  }
0xc1: {  	s0 =	sor.u32 s3, s0;
	s1 =	sshll.u32 s1, $0x11  }
0xc2: {  	s0 =	sor.u32 s1, s0  }
0xc3: {  	s0 =	sadd.s32 $0x8F2B, s0  }
0xc4: {  	[sflag:s0] =	ssyncadd.remote.s32 $0x1  }
0xc5: {  	_ =	sfence.sel $0xFFFF  }
0xc6: {  	[dreg:$0x0] =	wrdreg $0xFFFFFFFF;
	(pc) =	sbr.abs _section_cstart, $3  }
0xc7: {  	[dreg:$0x1] =	wrdreg $0xFFFFFFFF  }
0xc8: {  	_ =	task.clear_ibuf [dreg:s8], $0x2FFFF;
	_ =	strace $0x9FFFFFFF  }
0xc9: {  	(tm) =	ssettm $0x7FFFFFFF  }
tec
execute0_lowered:
.L_overlay_start_1:
0x0: {  	(tag) =	ssettag $0x1  }
0x1: {  	s1 =	rddreg [dreg:$0x0]  }
0x2: {  	s3 =	rddreg [dreg:$0x1]  }
0x3: {  	s2 =	srdreg.scid;
	s0 =	stileid.u32  }
0x4: {  	s6 =	rddreg [dreg:$0x2];
	s4 =	simm.s32 $0x0;
	s16 =	simm.s32 $0x8000  }
0x5: {  	s17 =	simm.s32 $0xA800;
	s18 =	simm.s32 $0xD000;
	s20 =	simm.s32 $0xF800  }
0x6: {  	s21 =	simm.s32 $0x4080;
	s22 =	simm.s32 $0x12000;
	s23 =	simm.s32 $0x14800  }
0x7: {  	s24 =	simm.s32 $0x1;
	s25 =	simm.s32 $0x2;
	s26 =	simm.s32 $0x0  }
0x8: {  	s2 =	sand.u32 $0x1, s2;
	[smem:$0x7FF] =	sst s4;
	s9 =	sadd.s32 $0x4C200, s6  }
0x9: {  	s5 =	sshll.u32 s0, $0x1;
	s11 =	sadd.s32 $0x52E200, s6;
	s12 =	sadd.s32 $0xA10200, s6  }
0xa: {  	s14 =	smul.u32 $0x4E200, s0;
	s7 =	sor.u32 s2, s5;
	_ =	strace $0x80000047  }
0xb: {  	s5 =	sadd.s32 $0x25000, s6;
	s10 =	ssub.s32 $0x2, s2;
	s2 =	smul.u32 $0x27100, s2  }
0xc: {  	s8 =	sshll.u32 s7, $0xB;
	s7 =	smul.u32 $0x138800, s7;
	s29 =	sshrl.u32 s10, $0x1  }
0xd: {  	s15 =	sadd.s32 s14, s9;
	s8 =	sadd.s32 s8, s6;
	s13 =	ssub.s32 s10, s29  }
0xe: {  	s15 =	sadd.s32 s2, s15;
	s7 =	sshrl.u32 s7, $0x3;
	s6 =	sadd.s32 $0x5000, s8  }
0xf: {  	[dreg:$0x4] =	wrdreg s15;
	s15 =	simm.s32 $0x50;
	s30 =	sadd.s32 $0x26C00, s7  }
0x10: {  	s7 =	sadd.s32 $0x15000, s8;
	s8 =	sadd.s32 s9, s30;
	s9 =	sadd.s32 s11, s30  }
0x11: {  	s11 =	sadd.s32 s14, s11;
	s10 =	sadd.s32 s12, s30;
	s12 =	sadd.s32 s14, s12  }
0x12: {  	s14 =	simm.s32 $0x4000;
	s31 =	sadd.s32 s2, s11;
	s11 =	smax.u32 s13, $0x1  }
0x13: {  	s12 =	sadd.s32 s2, s12;
	s13 =	simm.s32 $0x3;
	[dreg:$0x5] =	wrdreg s31  }
.LBB2_1:
0x14: {  	[tilespmem:s4], [sflag:$0x3] =	stream.linear.gather [hbm4b:s6+s4], $0x3E80, $0x38;
	[tilespmem:$0x17000] =	vst v63  }
0x15: {  	_ =	swait.ge [sflag:s13], $0x3E80  }
0x16: {  	[sflag:s13] =	ssyncset.done $0x0  }
0x17: {  	[sflag:s13] =	ssyncadd.s32 $0xFFFFC180  }
0x18: {  	[tilespmem:s14], [sflag:$0x3] =	stream.linear.gather [hbm4b:s7+s4], $0x3E80, $0x38;
	[tilespmem:$0x17000] =	vst v63  }
0x19: {  	_ =	swait.ge [sflag:s13], $0x3E80  }
0x1a: {  	[sflag:s13] =	ssyncset.done $0x0  }
0x1b: {  	[sflag:s13] =	ssyncadd.s32 $0xFFFFC180  }
0x1c: {  	[tilespmem:s16], [sflag:$0x1] =	stream.indirect.gather [hbm4b:s1+s15], $0x80, s4, s15, $0xb8;
	[tilespmem:$0x17000] =	vst v63  }
0x1d: {  	_ = 	snop  }
0x1e: {  	[tilespmem:s17], [sflag:$0x1] =	stream.indirect.gather [hbm4b:s3+s15], $0x80, s14, s15, $0xb8;
	[tilespmem:$0x17000] =	vst v63  }
0x1f: {  	_ = 	snop  }
0x20: {  	[tilespmem:s18], [sflag:$0x1] =	stream.indirect.gather [hbm4b:s5+s15], $0x80, s14, s15, $0xb8;
	[tilespmem:$0x17000] =	vst v63  }
0x21: {  	s0 =	simm.s32 $0x80  }
0x22: {  	[tilespmem:s20], [sflag:$0x2] =	stream.indirect.gather [hbm4b:s1+s15], $0x80, s0, s15, $0xb8;
	[tilespmem:$0x17000] =	vst v63  }
0x23: {  	_ = 	snop  }
0x24: {  	[tilespmem:s22], [sflag:$0x2] =	stream.indirect.gather [hbm4b:s3+s15], $0x80, s21, s15, $0xb8;
	[tilespmem:$0x17000] =	vst v63  }
0x25: {  	_ = 	snop  }
0x26: {  	[tilespmem:s23], [sflag:$0x2] =	stream.indirect.gather [hbm4b:s5+s15], $0x80, s21, s15, $0xb8;
	[tilespmem:$0x17000] =	vst v63  }
0x27: {  	_ =	swait.ge [sflag:s24], $0x2800  }
0x28: {  	[sflag:s24] =	ssyncset.done $0x0  }
0x29: {  	[sflag:s24] =	ssyncadd.s32 $0xFFFFD800  }
0x2a: {  	_ =	swait.ge [sflag:s24], $0x2800  }
0x2b: {  	[sflag:s24] =	ssyncset.done $0x0  }
0x2c: {  	[sflag:s24] =	ssyncadd.s32 $0xFFFFD800  }
0x2d: {  	_ =	swait.ge [sflag:s24], $0x2800  }
0x2e: {  	s2 =	rddreg [dreg:$0x4];
	[sflag:s24] =	ssyncset.done $0x0  }
0x2f: {  	[sflag:s24] =	ssyncadd.s32 $0xFFFFD800;
	s2 =	sadd.s32 $0x0, s2  }
0x30: {  	[hbm4b:s2+s4] =	stream.linear.scatter [tilespmem:s16], [sflag:$0x3], $0x2800, $0x38;
	[tilespmem:$0x17000] =	vst v63  }
0x31: {  	_ =	swait.ge [sflag:s13], $0x2800  }
0x32: {  	s28 =	rddreg [dreg:$0x5];
	[sflag:s13] =	ssyncset.done $0x0  }
0x33: {  	[sflag:s13] =	ssyncadd.s32 $0xFFFFD800;
	s28 =	sadd.s32 $0x0, s28  }
0x34: {  	[hbm4b:s28+s4] =	stream.linear.scatter [tilespmem:s17], [sflag:$0x3], $0x2800, $0x38;
	[tilespmem:$0x17000] =	vst v63  }
0x35: {  	_ =	swait.ge [sflag:s13], $0x2800  }
0x36: {  	[sflag:s13] =	ssyncset.done $0x0  }
0x37: {  	s29 =	sadd.s32 $0x0, s12;
	[sflag:s13] =	ssyncadd.s32 $0xFFFFD800  }
0x38: {  	[hbm4b:s29+s4] =	stream.linear.scatter [tilespmem:s18], [sflag:$0x3], $0x2800, $0x38;
	[tilespmem:$0x17000] =	vst v63  }
0x39: {  	_ =	swait.ge [sflag:s13], $0x2800  }
0x3a: {  	[sflag:s13] =	ssyncset.done $0x0  }
0x3b: {  	s30 =	simm.s32 $0x100;
	[sflag:s13] =	ssyncadd.s32 $0xFFFFD800  }
0x3c: {  	[tilespmem:s16], [sflag:$0x1] =	stream.indirect.gather [hbm4b:s1+s15], $0x80, s30, s15, $0xb8;
	[tilespmem:$0x17000] =	vst v63  }
0x3d: {  	s30 =	simm.s32 $0x4100  }
0x3e: {  	[tilespmem:s17], [sflag:$0x1] =	stream.indirect.gather [hbm4b:s3+s15], $0x80, s30, s15, $0xb8;
	[tilespmem:$0x17000] =	vst v63  }
0x3f: {  	_ = 	snop  }
0x40: {  	[tilespmem:s18], [sflag:$0x1] =	stream.indirect.gather [hbm4b:s5+s15], $0x80, s30, s15, $0xb8;
	[tilespmem:$0x17000] =	vst v63  }
0x41: {  	_ =	swait.ge [sflag:s25], $0x2800  }
0x42: {  	[sflag:s25] =	ssyncset.done $0x0  }
0x43: {  	[sflag:s25] =	ssyncadd.s32 $0xFFFFD800  }
0x44: {  	_ =	swait.ge [sflag:s25], $0x2800  }
0x45: {  	[sflag:s25] =	ssyncset.done $0x0  }
0x46: {  	[sflag:s25] =	ssyncadd.s32 $0xFFFFD800  }
0x47: {  	_ =	swait.ge [sflag:s25], $0x2800  }
0x48: {  	[sflag:s25] =	ssyncset.done $0x0  }
0x49: {  	s2 =	sadd.s32 $0x500, s2;
	[sflag:s25] =	ssyncadd.s32 $0xFFFFD800  }
0x4a: {  	[hbm4b:s2+s4] =	stream.linear.scatter [tilespmem:s20], [sflag:$0x3], $0x2800, $0x38;
	[tilespmem:$0x17000] =	vst v63  }
0x4b: {  	_ =	swait.ge [sflag:s13], $0x2800  }
0x4c: {  	[sflag:s13] =	ssyncset.done $0x0  }
0x4d: {  	s19 =	sadd.s32 $0x500, s28;
	[sflag:s13] =	ssyncadd.s32 $0xFFFFD800  }
0x4e: {  	[hbm4b:s19+s4] =	stream.linear.scatter [tilespmem:s22], [sflag:$0x3], $0x2800, $0x38;
	[tilespmem:$0x17000] =	vst v63  }
0x4f: {  	_ =	swait.ge [sflag:s13], $0x2800  }
0x50: {  	[sflag:s13] =	ssyncset.done $0x0  }
0x51: {  	s0 =	sadd.s32 $0x500, s29;
	[sflag:s13] =	ssyncadd.s32 $0xFFFFD800  }
0x52: {  	[hbm4b:s0+s4] =	stream.linear.scatter [tilespmem:s23], [sflag:$0x3], $0x2800, $0x38;
	[tilespmem:$0x17000] =	vst v63  }
0x53: {  	s19 =	smin.u32 s4, $0x79;
	_ =	swait.ge [sflag:s13], $0x2800  }
0x54: {  	s31 =	simm.s32 $0x200;
	s2 =	sshll.u32 s19, $0x7;
	[sflag:s13] =	ssyncset.done $0x0  }
0x55: {  	s29 =	simm.s32 $0x2;
	s28 =	sadd.s32 $0x180, s2;
	[sflag:s13] =	ssyncadd.s32 $0xFFFFD800  }
0x56: {  	[tilespmem:s20], [sflag:$0x2] =	stream.indirect.gather [hbm4b:s1+s15], $0x80, s28, s15, $0xb8;
	[tilespmem:$0x17000] =	vst v63  }
0x57: {  	s30 =	simm.s32 $0x4200;
	s2 =	sadd.s32 $0x4180, s2;
	s28 =	simm.s32 $0xA00  }
0x58: {  	[tilespmem:s22], [sflag:$0x2] =	stream.indirect.gather [hbm4b:s3+s15], $0x80, s2, s15, $0xb8;
	[tilespmem:$0x17000] =	vst v63  }
.LBB2_2:
0x59: {  	[tilespmem:s23], [sflag:$0x2] =	stream.indirect.gather [hbm4b:s5+s15], $0x80, s2, s15, $0xb8;
	[tilespmem:$0x17000] =	vst v63  }
0x5a: {  	_ =	swait.ge [sflag:s24], $0x2800  }
0x5b: {  	[sflag:s24] =	ssyncset.done $0x0  }
0x5c: {  	[sflag:s24] =	ssyncadd.s32 $0xFFFFD800  }
0x5d: {  	_ =	swait.ge [sflag:s24], $0x2800  }
0x5e: {  	[sflag:s24] =	ssyncset.done $0x0  }
0x5f: {  	[sflag:s24] =	ssyncadd.s32 $0xFFFFD800  }
0x60: {  	_ =	swait.ge [sflag:s24], $0x2800  }
0x61: {  	s2 =	smov.u32 s28;
	s0 =	rddreg [dreg:$0x4];
	[sflag:s24] =	ssyncset.done $0x0  }
0x62: {  	[sflag:s24] =	ssyncadd.s32 $0xFFFFD800;
	s0 =	sadd.s32 s2, s0  }
0x63: {  	[hbm4b:s0+s4] =	stream.linear.scatter [tilespmem:s16], [sflag:$0x3], $0x2800, $0x38;
	[tilespmem:$0x17000] =	vst v63  }
0x64: {  	_ =	swait.ge [sflag:s13], $0x2800  }
0x65: {  	s19 =	rddreg [dreg:$0x5];
	[sflag:s13] =	ssyncset.done $0x0  }
0x66: {  	[sflag:s13] =	ssyncadd.s32 $0xFFFFD800;
	s19 =	sadd.s32 s2, s19  }
0x67: {  	[hbm4b:s19+s4] =	stream.linear.scatter [tilespmem:s17], [sflag:$0x3], $0x2800, $0x38;
	[tilespmem:$0x17000] =	vst v63  }
0x68: {  	_ =	swait.ge [sflag:s13], $0x2800  }
0x69: {  	[sflag:s13] =	ssyncset.done $0x0  }
0x6a: {  	s2 =	sadd.s32 s2, s12;
	[sflag:s13] =	ssyncadd.s32 $0xFFFFD800  }
0x6b: {  	[hbm4b:s2+s4] =	stream.linear.scatter [tilespmem:s18], [sflag:$0x3], $0x2800, $0x38;
	[tilespmem:$0x17000] =	vst v63  }
0x6c: {  	_ =	swait.ge [sflag:s13], $0x2800  }
0x6d: {  	[sflag:s13] =	ssyncset.done $0x0  }
0x6e: {  	[sflag:s13] =	ssyncadd.s32 $0xFFFFD800  }
0x6f: {  	[tilespmem:s16], [sflag:$0x1] =	stream.indirect.gather [hbm4b:s1+s15], $0x80, s31, s15, $0xb8;
	[tilespmem:$0x17000] =	vst v63  }
0x70: {  	_ = 	snop  }
0x71: {  	[tilespmem:s17], [sflag:$0x1] =	stream.indirect.gather [hbm4b:s3+s15], $0x80, s30, s15, $0xb8;
	[tilespmem:$0x17000] =	vst v63  }
0x72: {  	_ = 	snop  }
0x73: {  	[tilespmem:s18], [sflag:$0x1] =	stream.indirect.gather [hbm4b:s5+s15], $0x80, s30, s15, $0xb8;
	[tilespmem:$0x17000] =	vst v63  }
0x74: {  	_ =	swait.ge [sflag:s25], $0x2800  }
0x75: {  	[sflag:s25] =	ssyncset.done $0x0  }
0x76: {  	[sflag:s25] =	ssyncadd.s32 $0xFFFFD800  }
0x77: {  	_ =	swait.ge [sflag:s25], $0x2800  }
0x78: {  	[sflag:s25] =	ssyncset.done $0x0  }
0x79: {  	[sflag:s25] =	ssyncadd.s32 $0xFFFFD800  }
0x7a: {  	_ =	swait.ge [sflag:s25], $0x2800  }
0x7b: {  	[sflag:s25] =	ssyncset.done $0x0  }
0x7c: {  	s0 =	sadd.s32 $0x500, s0;
	[sflag:s25] =	ssyncadd.s32 $0xFFFFD800  }
0x7d: {  	[hbm4b:s0+s4] =	stream.linear.scatter [tilespmem:s20], [sflag:$0x3], $0x2800, $0x38;
	[tilespmem:$0x17000] =	vst v63  }
0x7e: {  	_ =	swait.ge [sflag:s13], $0x2800  }
0x7f: {  	[sflag:s13] =	ssyncset.done $0x0  }
0x80: {  	s19 =	sadd.s32 $0x500, s19;
	[sflag:s13] =	ssyncadd.s32 $0xFFFFD800  }
0x81: {  	[hbm4b:s19+s4] =	stream.linear.scatter [tilespmem:s22], [sflag:$0x3], $0x2800, $0x38;
	[tilespmem:$0x17000] =	vst v63  }
0x82: {  	_ =	swait.ge [sflag:s13], $0x2800  }
0x83: {  	[sflag:s13] =	ssyncset.done $0x0  }
0x84: {  	p0 =	sne.s32 s28, $0x26200;
	s19 =	sadd.s32 $0x500, s2;
	[sflag:s13] =	ssyncadd.s32 $0xFFFFD800  }
0x85: {  	[hbm4b:s19+s4] =	stream.linear.scatter [tilespmem:s23], [sflag:$0x3], $0x2800, $0x38;
	[tilespmem:$0x17000] =	vst v63  }
0x86: {  	s28 =	sadd.s32 $0xA00, s28;
	s2 =	smin.u32 s29, $0x79;
	_ =	swait.ge [sflag:s13], $0x2800  }
.Ltmp0:
0x87: {  	s0 =	sshll.u32 s2, $0x7;
	[sflag:s13] =	ssyncset.done $0x0;
	(pc) =	sbr.rel @p0 .LBB2_2-.Ltmp0, $4  }
0x88: {  	s31 =	sadd.s32 $0x100, s31;
	s19 =	sadd.s32 $0x180, s0;
	[sflag:s13] =	ssyncadd.s32 $0xFFFFD800  }
0x89: {  	[tilespmem:s20], [sflag:$0x2] =	stream.indirect.gather [hbm4b:s1+s15], $0x80, s19, s15, $0xb8;
	[tilespmem:$0x17000] =	vst v63  }
0x8a: {  	s30 =	sadd.s32 $0x100, s30;
	s29 =	sadd.s32 $0x2, s29;
	s2 =	sadd.s32 $0x4180, s0  }
0x8b: {  	[tilespmem:s22], [sflag:$0x2] =	stream.indirect.gather [hbm4b:s3+s15], $0x80, s2, s15, $0xb8;
	[tilespmem:$0x17000] =	vst v63  }
0x8c: {  	[tilespmem:s23], [sflag:$0x2] =	stream.indirect.gather [hbm4b:s5+s15], $0x80, s2, s15, $0xb8;
	[tilespmem:$0x17000] =	vst v63  }
0x8d: {  	_ =	swait.ge [sflag:s24], $0x2800  }
0x8e: {  	[sflag:s24] =	ssyncset.done $0x0  }
0x8f: {  	[sflag:s24] =	ssyncadd.s32 $0xFFFFD800  }
0x90: {  	_ =	swait.ge [sflag:s24], $0x2800  }
0x91: {  	[sflag:s24] =	ssyncset.done $0x0  }
0x92: {  	[sflag:s24] =	ssyncadd.s32 $0xFFFFD800  }
0x93: {  	_ =	swait.ge [sflag:s24], $0x2800  }
0x94: {  	[sflag:s24] =	ssyncset.done $0x0  }
0x95: {  	[sflag:s24] =	ssyncadd.s32 $0xFFFFD800  }
0x96: {  	[hbm4b:s8+s4] =	stream.linear.scatter [tilespmem:s16], [sflag:$0x3], $0x2800, $0x38;
	[tilespmem:$0x17000] =	vst v63  }
0x97: {  	_ =	swait.ge [sflag:s13], $0x2800  }
0x98: {  	[sflag:s13] =	ssyncset.done $0x0  }
0x99: {  	[sflag:s13] =	ssyncadd.s32 $0xFFFFD800  }
0x9a: {  	[hbm4b:s9+s4] =	stream.linear.scatter [tilespmem:s17], [sflag:$0x3], $0x2800, $0x38;
	[tilespmem:$0x17000] =	vst v63  }
0x9b: {  	_ =	swait.ge [sflag:s13], $0x2800  }
0x9c: {  	[sflag:s13] =	ssyncset.done $0x0  }
0x9d: {  	[sflag:s13] =	ssyncadd.s32 $0xFFFFD800  }
0x9e: {  	[hbm4b:s10+s4] =	stream.linear.scatter [tilespmem:s18], [sflag:$0x3], $0x2800, $0x38;
	[tilespmem:$0x17000] =	vst v63  }
0x9f: {  	_ =	swait.ge [sflag:s13], $0x2800  }
0xa0: {  	[sflag:s13] =	ssyncset.done $0x0  }
0xa1: {  	[sflag:s13] =	ssyncadd.s32 $0xFFFFD800  }
0xa2: {  	_ =	swait.ge [sflag:s25], $0x2800  }
0xa3: {  	[sflag:s25] =	ssyncset.done $0x0  }
0xa4: {  	s26 =	sadd.s32 $0x1, s26;
	[sflag:s25] =	ssyncadd.s32 $0xFFFFD800  }
0xa5: {  	p0 =	sne.s32 s26, s11;
	_ =	swait.ge [sflag:s25], $0x2800  }
.Ltmp1:
0xa6: {  	[sflag:s25] =	ssyncset.done $0x0;
	(pc) =	sbr.rel @p0 .LBB2_1-.Ltmp1, $4  }
0xa7: {  	[sflag:s25] =	ssyncadd.s32 $0xFFFFD800  }
0xa8: {  	_ =	swait.ge [sflag:s25], $0x2800  }
0xa9: {  	[sflag:s25] =	ssyncset.done $0x0  }
0xaa: {  	[sflag:s25] =	ssyncadd.s32 $0xFFFFD800  }
0xab: {  	_ =	sfence.sel $0x180000  }
0xac: {  	[bflag:$0x0] =	sbarrier.arrive $0xFFFF  }
0xad: {  	_ =	strace $0x90000047  }
0xae: {  	s0 =	stileid.u32;
	[bflag:$0x2] =	sbarrier.arrive $0xFFFF  }
0xaf: {  	p0 =	sne.s32 s0, $0x0;
	s0 =	rddreg [dreg:$0x3]  }
0xb0: {  	s0 =	sadd.s32 @!p0 $0x100000, s0  }
0xb1: {  	[sflag:s0] =	ssyncadd.tile.s32 @!p0 $0x1;
	_ =	shalt  }
.Lfunc_end2:
_tile_overlayer_lowered:
.L_overlay_start_2:
0xb2: {  	(tag) =	ssettag $0x2  }
0xb3: {  	s0 =	rddreg [dreg:$0x0];
	s2 =	stileid.u32  }
0xb4: {  	s1 =	rddreg [dreg:$0x1];
	p0 =	sne.s32 s2, $0x0  }
0xb5: {  	s3 =	rddreg [dreg:$0x2];
	[bflag:$0x3] =	sbarrier.arrive $0xFFFF;
	s2 =	simm.s32 @!p0 $0x1C03  }
0xb6: {  	[timem:s3], [sflag:s2] =	dma.local @!p0 [hbm:s0], s1  }
0xb7: {  	s0 =	simm.s32 @!p0 $0x3  }
0xb8: {  	_ =	swait.ge @!p0 [sflag:s0], s1  }
0xb9: {  	s1 =	ssub.s32 @!p0 $0x0, s1;
	[sflag:s0] =	ssyncset.done @!p0 $0x0  }
0xba: {  	[sflag:s0] =	ssyncadd.s32 @!p0 s1  }
0xbb: {  	[bflag:$0x3] =	sbarrier.arrive $0xFFFF  }
0xbc: {  	_ =	shalt  }

</sc_bundles>
